<compile_context>
chip_gen: v7x
topology: tpu7x:2x2x1
jax: 0.10.2.dev20260603
libtpu: 0.0.44.dev20260713+nightly
codegen_flags: <defaults>
</compile_context>

<pallas_src>
import functools

import jax
import jax.numpy as jnp
from jax import lax
from jax.experimental import pallas as pl
from jax.experimental.pallas import tpu as pltpu
from jax.experimental.pallas import tpu_sc as plsc

N_EDGES = 320000
D = 128
DW = D // 2
NUM_WORKERS = 32
EDGES_PER_WORKER = N_EDGES // NUM_WORKERS
CHUNK = 200
IDXC = 208
NUM_CHUNKS = EDGES_PER_WORKER // CHUNK
PAIRS = NUM_CHUNKS // 2
GROUP = 40


def _sc_kernel(comb_hbm, tidx_hbm, eidx_hbm, out_hbm,
               ti_a, ei_a, ti_b, ei_b, t_a, e_a, t_b, e_b, out_p,
               si_a, si_b, s_ta, s_ea, s_tb, s_eb, s_o):
    wid = lax.axis_index("s") * 2 + lax.axis_index("c")
    wbase = wid * EDGES_PER_WORKER

    def idx_start(c, ti_v, ei_v, s_i):
        base = wbase + c * CHUNK
        pltpu.async_copy(tidx_hbm.at[pl.ds(base, IDXC)], ti_v, s_i)
        pltpu.async_copy(eidx_hbm.at[pl.ds(base, IDXC)], ei_v, s_i)

    def idx_wait(c, ti_v, ei_v, s_i):
        base = wbase + c * CHUNK
        pltpu.make_async_copy(tidx_hbm.at[pl.ds(base, IDXC)], ti_v, s_i).wait()
        pltpu.make_async_copy(eidx_hbm.at[pl.ds(base, IDXC)], ei_v, s_i).wait()

    def rows_start(ti_v, ei_v, t_buf, e_buf, s_t, s_e):
        pltpu.async_copy(comb_hbm.at[ti_v.at[pl.ds(0, CHUNK)]], t_buf, s_t)
        pltpu.async_copy(comb_hbm.at[ei_v.at[pl.ds(0, CHUNK)]], e_buf, s_e)

    def rows_wait(ti_v, t_buf, e_buf, s_t, s_e):
        pltpu.make_async_copy(
            comb_hbm.at[ti_v.at[pl.ds(0, CHUNK)]], t_buf, s_t).wait()
        pltpu.make_async_copy(
            comb_hbm.at[ti_v.at[pl.ds(0, CHUNK)]], e_buf, s_e).wait()

    lane0 = jnp.arange(16, dtype=jnp.int32) == 0

    def compute(t_buf, e_buf, o_off):
        def group_body(g, _):
            for l in range(GROUP):
                e = g * GROUP + l
                acc = None
                for j in range(DW // 16):
                    tw = plsc.bitcast(t_buf[e, pl.ds(j * 16, 16)],
                                      jnp.bfloat16)
                    ew = plsc.bitcast(e_buf[e, pl.ds(DW + j * 16, 16)],
                                      jnp.bfloat16)
                    p = tw * ew
                    acc = p if acc is None else acc + p
                a0, a1 = plsc.unpack(acc, format=plsc.PackFormat.INTERLEAVED)
                s = jnp.sum(a0 + a1)
                plsc.store_scatter(
                    out_p, [jnp.full((16,), o_off + e, jnp.int32)],
                    jnp.full((16,), s, jnp.float32), mask=lane0)
            return 0

        lax.fori_loop(0, CHUNK // GROUP, group_body, 0)

    idx_start(0, ti_a, ei_a, si_a)
    idx_start(1, ti_b, ei_b, si_b)
    idx_wait(0, ti_a, ei_a, si_a)
    rows_start(ti_a, ei_a, t_a, e_a, s_ta, s_ea)
    idx_wait(1, ti_b, ei_b, si_b)
    rows_start(ti_b, ei_b, t_b, e_b, s_tb, s_eb)

    def out_copy(i):
        return pltpu.make_async_copy(
            out_p, out_hbm.at[pl.ds(wbase + 2 * i * CHUNK, 2 * CHUNK)], s_o)

    def pair_body(i, _):
        c_a = 2 * i

        rows_wait(ti_a, t_a, e_a, s_ta, s_ea)

        @pl.when(c_a + 2 < NUM_CHUNKS)
        def _():
            idx_start(c_a + 2, ti_a, ei_a, si_a)

        @pl.when(i > 0)
        def _():
            out_copy(i - 1).wait()

        compute(t_a, e_a, 0)

        rows_wait(ti_b, t_b, e_b, s_tb, s_eb)

        @pl.when(c_a + 2 < NUM_CHUNKS)
        def _():
            idx_wait(c_a + 2, ti_a, ei_a, si_a)
            rows_start(ti_a, ei_a, t_a, e_a, s_ta, s_ea)
            idx_start(c_a + 3, ti_b, ei_b, si_b)

        compute(t_b, e_b, CHUNK)

        @pl.when(c_a + 3 < NUM_CHUNKS)
        def _():
            idx_wait(c_a + 3, ti_b, ei_b, si_b)
            rows_start(ti_b, ei_b, t_b, e_b, s_tb, s_eb)

        pltpu.async_copy(
            out_p, out_hbm.at[pl.ds(wbase + c_a * CHUNK, 2 * CHUNK)], s_o)
        return 0

    lax.fori_loop(0, PAIRS, pair_body, 0)
    out_copy(PAIRS - 1).wait()


def kernel(expert_emb_table, team_emb_table, node_id_expert, node_id_team,
           edge_label_index_team_experts):
    del node_id_expert, node_id_team
    pad = jnp.zeros((2, IDXC - CHUNK), jnp.int32)
    eli = jnp.concatenate([edge_label_index_team_experts, pad], axis=1)
    tidx = eli[0]
    eidx = eli[1]

    n_team = team_emb_table.shape[0]
    n_expert = expert_emb_table.shape[0]
    t32 = lax.bitcast_convert_type(
        team_emb_table.astype(jnp.bfloat16).reshape(n_team, DW, 2),
        jnp.int32)
    e32 = lax.bitcast_convert_type(
        expert_emb_table.astype(jnp.bfloat16).reshape(n_expert, DW, 2),
        jnp.int32)
    comb = jnp.concatenate([t32, e32], axis=1)

    mesh = plsc.VectorSubcoreMesh(core_axis_name="c", subcore_axis_name="s")
    run = functools.partial(
        pl.kernel,
        mesh=mesh,
        compiler_params=pltpu.CompilerParams(needs_layout_passes=False),
        out_type=jax.ShapeDtypeStruct((N_EDGES,), jnp.float32),
        scratch_types=[
            pltpu.VMEM((IDXC,), jnp.int32),
            pltpu.VMEM((IDXC,), jnp.int32),
            pltpu.VMEM((IDXC,), jnp.int32),
            pltpu.VMEM((IDXC,), jnp.int32),
            pltpu.VMEM((CHUNK, D), jnp.int32),
            pltpu.VMEM((CHUNK, D), jnp.int32),
            pltpu.VMEM((CHUNK, D), jnp.int32),
            pltpu.VMEM((CHUNK, D), jnp.int32),
            pltpu.VMEM((2 * CHUNK,), jnp.float32),
            pltpu.SemaphoreType.DMA,
            pltpu.SemaphoreType.DMA,
            pltpu.SemaphoreType.DMA,
            pltpu.SemaphoreType.DMA,
            pltpu.SemaphoreType.DMA,
            pltpu.SemaphoreType.DMA,
            pltpu.SemaphoreType.DMA,
        ],
    )(_sc_kernel)
    return run(comb, tidx, eidx)

# --- scband reference (transcript-rebuilt; emitter-appended) ---
"""Pipeline reference for scband-model-53876069761097 (READ-ONLY COPY).

The authoritative reference and input builder live on the scoring server;
editing this copy changes nothing except your own understanding.
"""

import jax, jax.numpy as jnp
import numpy as np

N_EXPERT = 10000
N_TEAM = 10000
N_EDGES = 320000
D = 128


def setup_inputs(seed: int = 0) -> dict:
    key = jax.random.key(seed)
    k1, k2, k3 = jax.random.split(key, 3)
    expert_emb_table = jax.random.normal(k1, (N_EXPERT, D), dtype=jnp.float32)
    team_emb_table = jax.random.normal(k2, (N_TEAM, D), dtype=jnp.float32)
    node_id_expert = jnp.arange(N_EXPERT, dtype=jnp.int32)
    node_id_team = jnp.arange(N_TEAM, dtype=jnp.int32)
    edge_label_index_team_experts = jax.random.randint(
        k3, (2, N_EDGES), 0, min(N_TEAM, N_EXPERT), dtype=jnp.int32
    )
    return {
        "expert_emb_table": expert_emb_table,
        "team_emb_table": team_emb_table,
        "node_id_expert": node_id_expert,
        "node_id_team": node_id_team,
        "edge_label_index_team_experts": edge_label_index_team_experts,
    }


def reference(expert_emb_table, team_emb_table, node_id_expert, node_id_team,
              edge_label_index_team_experts):
    # Embedding lookups (torch.nn.Embedding -> table gather)
    x_expert = jnp.take(expert_emb_table, node_id_expert, axis=0)
    x_team = jnp.take(team_emb_table, node_id_team, axis=0)
    # Classifier.forward: gather node features for each labeled edge, dot product
    edge_feat_team = x_team[edge_label_index_team_experts[0]]
    edge_feat_expert = x_expert[edge_label_index_team_experts[1]]
    pred = (edge_feat_expert * edge_feat_team).sum(axis=-1)
    return pred

if __name__ == "__main__":
    import jax
    _d = setup_inputs()
    print(jax.jit(kernel)(*tuple(_d.values())))

</pallas_src>

<mosaic_0001>
#map = affine_map<(d0, d1) -> (0, 0)>
#map1 = affine_map<(d0, d1) -> (0)>
module attributes {stable_mosaic.version = 14 : i64} {
  func.func @_sc_kernel(%arg0: i32, %arg1: i32, %arg2: memref<10000x128xi32, #tpu.memory_space<hbm>>, %arg3: memref<320008xi32, #tpu.memory_space<hbm>>, %arg4: memref<320008xi32, #tpu.memory_space<hbm>>, %arg5: memref<320000xf32, #tpu.memory_space<hbm>>, %arg6: memref<208xi32, #tpu.memory_space<vmem>>, %arg7: memref<208xi32, #tpu.memory_space<vmem>>, %arg8: memref<208xi32, #tpu.memory_space<vmem>>, %arg9: memref<208xi32, #tpu.memory_space<vmem>>, %arg10: memref<200x128xi32, #tpu.memory_space<vmem>>, %arg11: memref<200x128xi32, #tpu.memory_space<vmem>>, %arg12: memref<200x128xi32, #tpu.memory_space<vmem>>, %arg13: memref<200x128xi32, #tpu.memory_space<vmem>>, %arg14: memref<400xf32, #tpu.memory_space<vmem>>, %arg15: memref<!tpu.dma_semaphore, #tpu.memory_space<semaphore_mem>>, %arg16: memref<!tpu.dma_semaphore, #tpu.memory_space<semaphore_mem>>, %arg17: memref<!tpu.dma_semaphore, #tpu.memory_space<semaphore_mem>>, %arg18: memref<!tpu.dma_semaphore, #tpu.memory_space<semaphore_mem>>, %arg19: memref<!tpu.dma_semaphore, #tpu.memory_space<semaphore_mem>>, %arg20: memref<!tpu.dma_semaphore, #tpu.memory_space<semaphore_mem>>, %arg21: memref<!tpu.dma_semaphore, #tpu.memory_space<semaphore_mem>>) attributes {dimension_semantics = [#tpu.dimension_semantics<core_parallel>, #tpu.dimension_semantics<subcore_parallel>], iteration_bounds = array<i64: 2, 16>, scalar_prefetch = 0 : i64, scratch_operands = 16 : i64, tpu.core_type = #tpu.core_type<sc_vector_subcore>, window_params = [{transform_indices = #map}, {transform_indices = #map1}, {transform_indices = #map1}, {transform_indices = #map1}]} {
    %mul3A = arith.constant 2 : i32
    %mul3A_0 = arith.muli %arg1, %mul3A : i32
    %add3A = arith.addi %mul3A_0, %arg0 : i32
    %mul3A_1 = arith.constant 10000 : i32
    %mul3A_2 = arith.muli %add3A, %mul3A_1 : i32
    %iota3A = tpu.iota {dimensions = array<i32: 0>} : vector<16xi32>
    %eq3A = arith.constant 0 : i32
    %eq3A_3 = vector.broadcast %eq3A : i32 to vector<16xi32>
    %eq3A_4 = arith.cmpi eq, %iota3A, %eq3A_3 : vector<16xi32>
    %add3A_5 = arith.constant 0 : i32
    %add3A_6 = arith.addi %mul3A_2, %add3A_5 : i32
    %dma_start3A = tpu.memref_slice %arg3[%add3A_6] : memref<320008xi32, #tpu.memory_space<hbm>> -> memref<208xi32, #tpu.memory_space<hbm>>
    %dma_start3A_7 = tpu.memref_slice %arg3[%add3A_6] : memref<320008xi32, #tpu.memory_space<hbm>> -> memref<208xi32, #tpu.memory_space<hbm>>
    tpu.enqueue_dma source(%dma_start3A_7 : memref<208xi32, #tpu.memory_space<hbm>>) target(%arg6 : memref<208xi32, #tpu.memory_space<vmem>>) target_semaphore(%arg15 : memref<!tpu.dma_semaphore, #tpu.memory_space<semaphore_mem>>)
    %dma_start3A_8 = tpu.memref_slice %arg4[%add3A_6] : memref<320008xi32, #tpu.memory_space<hbm>> -> memref<208xi32, #tpu.memory_space<hbm>>
    %dma_start3A_9 = tpu.memref_slice %arg4[%add3A_6] : memref<320008xi32, #tpu.memory_space<hbm>> -> memref<208xi32, #tpu.memory_space<hbm>>
    tpu.enqueue_dma source(%dma_start3A_9 : memref<208xi32, #tpu.memory_space<hbm>>) target(%arg7 : memref<208xi32, #tpu.memory_space<vmem>>) target_semaphore(%arg15 : memref<!tpu.dma_semaphore, #tpu.memory_space<semaphore_mem>>)
    %add3A_10 = arith.constant 200 : i32
    %add3A_11 = arith.addi %mul3A_2, %add3A_10 : i32
    %dma_start3A_12 = tpu.memref_slice %arg3[%add3A_11] : memref<320008xi32, #tpu.memory_space<hbm>> -> memref<208xi32, #tpu.memory_space<hbm>>
    %dma_start3A_13 = tpu.memref_slice %arg3[%add3A_11] : memref<320008xi32, #tpu.memory_space<hbm>> -> memref<208xi32, #tpu.memory_space<hbm>>
    tpu.enqueue_dma source(%dma_start3A_13 : memref<208xi32, #tpu.memory_space<hbm>>) target(%arg8 : memref<208xi32, #tpu.memory_space<vmem>>) target_semaphore(%arg16 : memref<!tpu.dma_semaphore, #tpu.memory_space<semaphore_mem>>)
    %dma_start3A_14 = tpu.memref_slice %arg4[%add3A_11] : memref<320008xi32, #tpu.memory_space<hbm>> -> memref<208xi32, #tpu.memory_space<hbm>>
    %dma_start3A_15 = tpu.memref_slice %arg4[%add3A_11] : memref<320008xi32, #tpu.memory_space<hbm>> -> memref<208xi32, #tpu.memory_space<hbm>>
    tpu.enqueue_dma source(%dma_start3A_15 : memref<208xi32, #tpu.memory_space<hbm>>) target(%arg9 : memref<208xi32, #tpu.memory_space<vmem>>) target_semaphore(%arg16 : memref<!tpu.dma_semaphore, #tpu.memory_space<semaphore_mem>>)
    %add3A_16 = arith.constant 0 : i32
    %add3A_17 = arith.addi %mul3A_2, %add3A_16 : i32
    %dma_wait3A = tpu.memref_slice %arg3[%add3A_17] : memref<320008xi32, #tpu.memory_space<hbm>> -> memref<208xi32, #tpu.memory_space<hbm>>
    %dma_wait3A_18 = tpu.memref_slice %arg3[%add3A_17] : memref<320008xi32, #tpu.memory_space<hbm>> -> memref<208xi32, #tpu.memory_space<hbm>>
    tpu.wait_dma2 semaphore(%arg15 : memref<!tpu.dma_semaphore, #tpu.memory_space<semaphore_mem>>) src(%dma_wait3A_18 : memref<208xi32, #tpu.memory_space<hbm>>) dst(%arg6 : memref<208xi32, #tpu.memory_space<vmem>>)
    %dma_wait3A_19 = tpu.memref_slice %arg4[%add3A_17] : memref<320008xi32, #tpu.memory_space<hbm>> -> memref<208xi32, #tpu.memory_space<hbm>>
    %dma_wait3A_20 = tpu.memref_slice %arg4[%add3A_17] : memref<320008xi32, #tpu.memory_space<hbm>> -> memref<208xi32, #tpu.memory_space<hbm>>
    tpu.wait_dma2 semaphore(%arg15 : memref<!tpu.dma_semaphore, #tpu.memory_space<semaphore_mem>>) src(%dma_wait3A_20 : memref<208xi32, #tpu.memory_space<hbm>>) dst(%arg7 : memref<208xi32, #tpu.memory_space<vmem>>)
    %dma_start3A_21 = arith.constant 0 : i32
    %dma_start3A_22 = tpu.memref_slice %arg6[%dma_start3A_21] : memref<208xi32, #tpu.memory_space<vmem>> -> memref<200xi32, #tpu.memory_space<vmem>>
    %dma_start3A_23 = arith.constant 0 : i32
    %dma_start3A_24 = arith.constant 0 : i32
    %dma_start3A_25 = tpu.memref_slice %arg2[%dma_start3A_23, %dma_start3A_24] : memref<10000x128xi32, #tpu.memory_space<hbm>> -> memref<10000x128xi32, #tpu.memory_space<hbm>>
    tpu.enqueue_indirect_dma source(%dma_start3A_25 : memref<10000x128xi32, #tpu.memory_space<hbm>>) target(%arg10 : memref<200x128xi32, #tpu.memory_space<vmem>>) offsets(%dma_start3A_22 : memref<200xi32, #tpu.memory_space<vmem>>) semaphore(%arg17 : memref<!tpu.dma_semaphore, #tpu.memory_space<semaphore_mem>>)
    %dma_start3A_26 = arith.constant 0 : i32
    %dma_start3A_27 = tpu.memref_slice %arg7[%dma_start3A_26] : memref<208xi32, #tpu.memory_space<vmem>> -> memref<200xi32, #tpu.memory_space<vmem>>
    %dma_start3A_28 = arith.constant 0 : i32
    %dma_start3A_29 = arith.constant 0 : i32
    %dma_start3A_30 = tpu.memref_slice %arg2[%dma_start3A_28, %dma_start3A_29] : memref<10000x128xi32, #tpu.memory_space<hbm>> -> memref<10000x128xi32, #tpu.memory_space<hbm>>
    tpu.enqueue_indirect_dma source(%dma_start3A_30 : memref<10000x128xi32, #tpu.memory_space<hbm>>) target(%arg11 : memref<200x128xi32, #tpu.memory_space<vmem>>) offsets(%dma_start3A_27 : memref<200xi32, #tpu.memory_space<vmem>>) semaphore(%arg18 : memref<!tpu.dma_semaphore, #tpu.memory_space<semaphore_mem>>)
    %add3A_31 = arith.constant 200 : i32
    %add3A_32 = arith.addi %mul3A_2, %add3A_31 : i32
    %dma_wait3A_33 = tpu.memref_slice %arg3[%add3A_32] : memref<320008xi32, #tpu.memory_space<hbm>> -> memref<208xi32, #tpu.memory_space<hbm>>
    %dma_wait3A_34 = tpu.memref_slice %arg3[%add3A_32] : memref<320008xi32, #tpu.memory_space<hbm>> -> memref<208xi32, #tpu.memory_space<hbm>>
    tpu.wait_dma2 semaphore(%arg16 : memref<!tpu.dma_semaphore, #tpu.memory_space<semaphore_mem>>) src(%dma_wait3A_34 : memref<208xi32, #tpu.memory_space<hbm>>) dst(%arg8 : memref<208xi32, #tpu.memory_space<vmem>>)
    %dma_wait3A_35 = tpu.memref_slice %arg4[%add3A_32] : memref<320008xi32, #tpu.memory_space<hbm>> -> memref<208xi32, #tpu.memory_space<hbm>>
    %dma_wait3A_36 = tpu.memref_slice %arg4[%add3A_32] : memref<320008xi32, #tpu.memory_space<hbm>> -> memref<208xi32, #tpu.memory_space<hbm>>
    tpu.wait_dma2 semaphore(%arg16 : memref<!tpu.dma_semaphore, #tpu.memory_space<semaphore_mem>>) src(%dma_wait3A_36 : memref<208xi32, #tpu.memory_space<hbm>>) dst(%arg9 : memref<208xi32, #tpu.memory_space<vmem>>)
    %dma_start3A_37 = arith.constant 0 : i32
    %dma_start3A_38 = tpu.memref_slice %arg8[%dma_start3A_37] : memref<208xi32, #tpu.memory_space<vmem>> -> memref<200xi32, #tpu.memory_space<vmem>>
    %dma_start3A_39 = arith.constant 0 : i32
    %dma_start3A_40 = arith.constant 0 : i32
    %dma_start3A_41 = tpu.memref_slice %arg2[%dma_start3A_39, %dma_start3A_40] : memref<10000x128xi32, #tpu.memory_space<hbm>> -> memref<10000x128xi32, #tpu.memory_space<hbm>>
    tpu.enqueue_indirect_dma source(%dma_start3A_41 : memref<10000x128xi32, #tpu.memory_space<hbm>>) target(%arg12 : memref<200x128xi32, #tpu.memory_space<vmem>>) offsets(%dma_start3A_38 : memref<200xi32, #tpu.memory_space<vmem>>) semaphore(%arg19 : memref<!tpu.dma_semaphore, #tpu.memory_space<semaphore_mem>>)
    %dma_start3A_42 = arith.constant 0 : i32
    %dma_start3A_43 = tpu.memref_slice %arg9[%dma_start3A_42] : memref<208xi32, #tpu.memory_space<vmem>> -> memref<200xi32, #tpu.memory_space<vmem>>
    %dma_start3A_44 = arith.constant 0 : i32
    %dma_start3A_45 = arith.constant 0 : i32
    %dma_start3A_46 = tpu.memref_slice %arg2[%dma_start3A_44, %dma_start3A_45] : memref<10000x128xi32, #tpu.memory_space<hbm>> -> memref<10000x128xi32, #tpu.memory_space<hbm>>
    tpu.enqueue_indirect_dma source(%dma_start3A_46 : memref<10000x128xi32, #tpu.memory_space<hbm>>) target(%arg13 : memref<200x128xi32, #tpu.memory_space<vmem>>) offsets(%dma_start3A_43 : memref<200xi32, #tpu.memory_space<vmem>>) semaphore(%arg20 : memref<!tpu.dma_semaphore, #tpu.memory_space<semaphore_mem>>)
    %scan3A = arith.constant 0 : i32
    %scan3A_47 = arith.constant 0 : i32
    %scan3A_48 = arith.constant 25 : i32
    %scan3A_49 = arith.addi %scan3A_47, %scan3A_48 : i32
    %scan3A_50 = arith.constant 1 : i32
    %scan3A_51 = scf.for %scan3A_57 = %scan3A_47 to %scan3A_49 step %scan3A_50 iter_args(%scan3A_58 = %scan3A) -> (i32)  : i32 {
      %mul3A_59 = arith.constant 2 : i32
      %mul3A_60 = arith.muli %mul3A_59, %scan3A_57 : i32
      %dma_wait3A_61 = arith.constant 0 : i32
      %dma_wait3A_62 = tpu.memref_slice %arg6[%dma_wait3A_61] : memref<208xi32, #tpu.memory_space<vmem>> -> memref<200xi32, #tpu.memory_space<vmem>>
      %dma_wait3A_63 = arith.constant 0 : i32
      %dma_wait3A_64 = arith.constant 0 : i32
      %dma_wait3A_65 = tpu.memref_slice %arg2[%dma_wait3A_63, %dma_wait3A_64] : memref<10000x128xi32, #tpu.memory_space<hbm>> -> memref<10000x128xi32, #tpu.memory_space<hbm>>
      tpu.wait_indirect_dma semaphore(%arg17 : memref<!tpu.dma_semaphore, #tpu.memory_space<semaphore_mem>>) src(%dma_wait3A_65 : memref<10000x128xi32, #tpu.memory_space<hbm>>) dst(%arg10 : memref<200x128xi32, #tpu.memory_space<vmem>>)
      %dma_wait3A_66 = arith.constant 0 : i32
      %dma_wait3A_67 = tpu.memref_slice %arg6[%dma_wait3A_66] : memref<208xi32, #tpu.memory_space<vmem>> -> memref<200xi32, #tpu.memory_space<vmem>>
      %dma_wait3A_68 = arith.constant 0 : i32
      %dma_wait3A_69 = arith.constant 0 : i32
      %dma_wait3A_70 = tpu.memref_slice %arg2[%dma_wait3A_68, %dma_wait3A_69] : memref<10000x128xi32, #tpu.memory_space<hbm>> -> memref<10000x128xi32, #tpu.memory_space<hbm>>
      tpu.wait_indirect_dma semaphore(%arg18 : memref<!tpu.dma_semaphore, #tpu.memory_space<semaphore_mem>>) src(%dma_wait3A_70 : memref<10000x128xi32, #tpu.memory_space<hbm>>) dst(%arg11 : memref<200x128xi32, #tpu.memory_space<vmem>>)
      %add3A_71 = arith.constant 2 : i32
      %add3A_72 = arith.addi %mul3A_60, %add3A_71 : i32
      %lt3A = arith.constant 50 : i32
      %lt3A_73 = arith.cmpi slt, %add3A_72, %lt3A : i32
      %convert_element_type3A = arith.extui %lt3A_73 : i1 to i32
      %cond3A = arith.constant 0 : i32
      %cond3A_74 = arith.cmpi ne, %convert_element_type3A, %cond3A : i32
      scf.if %cond3A_74 {
        %add3A_123 = arith.constant 2 : i32
        %add3A_124 = arith.addi %mul3A_60, %add3A_123 : i32
        %mul3A_125 = arith.constant 200 : i32
        %mul3A_126 = arith.muli %add3A_124, %mul3A_125 : i32
        %add3A_127 = arith.addi %mul3A_2, %mul3A_126 : i32
        %dma_start3A_128 = tpu.memref_slice %arg3[%add3A_127] : memref<320008xi32, #tpu.memory_space<hbm>> -> memref<208xi32, #tpu.memory_space<hbm>>
        %dma_start3A_129 = tpu.memref_slice %arg3[%add3A_127] : memref<320008xi32, #tpu.memory_space<hbm>> -> memref<208xi32, #tpu.memory_space<hbm>>
        tpu.enqueue_dma source(%dma_start3A_129 : memref<208xi32, #tpu.memory_space<hbm>>) target(%arg6 : memref<208xi32, #tpu.memory_space<vmem>>) target_semaphore(%arg15 : memref<!tpu.dma_semaphore, #tpu.memory_space<semaphore_mem>>)
        %dma_start3A_130 = tpu.memref_slice %arg4[%add3A_127] : memref<320008xi32, #tpu.memory_space<hbm>> -> memref<208xi32, #tpu.memory_space<hbm>>
        %dma_start3A_131 = tpu.memref_slice %arg4[%add3A_127] : memref<320008xi32, #tpu.memory_space<hbm>> -> memref<208xi32, #tpu.memory_space<hbm>>
        tpu.enqueue_dma source(%dma_start3A_131 : memref<208xi32, #tpu.memory_space<hbm>>) target(%arg7 : memref<208xi32, #tpu.memory_space<vmem>>) target_semaphore(%arg15 : memref<!tpu.dma_semaphore, #tpu.memory_space<semaphore_mem>>)
      } else {
      }
      %gt3A = arith.constant 0 : i32
      %gt3A_75 = arith.cmpi sgt, %scan3A_57, %gt3A : i32
      %convert_element_type3A_76 = arith.extui %gt3A_75 : i1 to i32
      %cond3A_77 = arith.constant 0 : i32
      %cond3A_78 = arith.cmpi ne, %convert_element_type3A_76, %cond3A_77 : i32
      scf.if %cond3A_78 {
        %sub3A = arith.constant 1 : i32
        %sub3A_123 = arith.subi %scan3A_57, %sub3A : i32
        %mul3A_124 = arith.constant 2 : i32
        %mul3A_125 = arith.muli %mul3A_124, %sub3A_123 : i32
        %mul3A_126 = arith.constant 200 : i32
        %mul3A_127 = arith.muli %mul3A_125, %mul3A_126 : i32
        %add3A_128 = arith.addi %mul3A_2, %mul3A_127 : i32
        %dma_wait3A_129 = tpu.memref_slice %arg5[%add3A_128] : memref<320000xf32, #tpu.memory_space<hbm>> -> memref<400xf32, #tpu.memory_space<hbm>>
        %dma_wait3A_130 = tpu.memref_slice %arg5[%add3A_128] : memref<320000xf32, #tpu.memory_space<hbm>> -> memref<400xf32, #tpu.memory_space<hbm>>
        tpu.wait_dma2 semaphore(%arg21 : memref<!tpu.dma_semaphore, #tpu.memory_space<semaphore_mem>>) src(%arg14 : memref<400xf32, #tpu.memory_space<vmem>>) dst(%dma_wait3A_130 : memref<400xf32, #tpu.memory_space<hbm>>)
      } else {
      }
      %scan3A_79 = arith.constant 0 : i32
      %scan3A_80 = arith.constant 0 : i32
      %scan3A_81 = arith.constant 5 : i32
      %scan3A_82 = arith.addi %scan3A_80, %scan3A_81 : i32
      %scan3A_83 = arith.constant 1 : i32
      %scan3A_84 = scf.for %scan3A_123 = %scan3A_80 to %scan3A_82 step %scan3A_83 iter_args(%scan3A_124 = %scan3A_79) -> (i32)  : i32 {
        %mul3A_125 = arith.constant 40 : i32
        %mul3A_126 = arith.muli %scan3A_123, %mul3A_125 : i32
        %add3A_127 = arith.constant 0 : i32
        %add3A_128 = arith.addi %mul3A_126, %add3A_127 : i32
        %get3A = arith.index_cast %add3A_128 : i32 to index
        %get3A_129 = arith.constant 0 : index
        %get3A_130 = tpu.vector_load %arg10[%get3A, %get3A_129] {strides = array<i32>} : memref<200x128xi32, #tpu.memory_space<vmem>>, vector<16xi32>,
        %bitcast3A = vector.bitcast %get3A_130 : vector<16xi32> to vector<32xbf16>
        %get3A_131 = arith.index_cast %add3A_128 : i32 to index
        %get3A_132 = arith.constant 64 : index
        %get3A_133 = tpu.vector_load %arg11[%get3A_131, %get3A_132] {strides = array<i32>} : memref<200x128xi32, #tpu.memory_space<vmem>>, vector<16xi32>,
        %bitcast3A_134 = vector.bitcast %get3A_133 : vector<16xi32> to vector<32xbf16>
        %mul3A_135 = arith.mulf %bitcast3A, %bitcast3A_134 : vector<32xbf16>
        %get3A_136 = arith.index_cast %add3A_128 : i32 to index
        %get3A_137 = arith.constant 16 : index
        %get3A_138 = tpu.vector_load %arg10[%get3A_136, %get3A_137] {strides = array<i32>} : memref<200x128xi32, #tpu.memory_space<vmem>>, vector<16xi32>,
        %bitcast3A_139 = vector.bitcast %get3A_138 : vector<16xi32> to vector<32xbf16>
        %get3A_140 = arith.index_cast %add3A_128 : i32 to index
        %get3A_141 = arith.constant 80 : index
        %get3A_142 = tpu.vector_load %arg11[%get3A_140, %get3A_141] {strides = array<i32>} : memref<200x128xi32, #tpu.memory_space<vmem>>, vector<16xi32>,
        %bitcast3A_143 = vector.bitcast %get3A_142 : vector<16xi32> to vector<32xbf16>
        %mul3A_144 = arith.mulf %bitcast3A_139, %bitcast3A_143 : vector<32xbf16>
        %add3A_145 = arith.addf %mul3A_135, %mul3A_144 : vector<32xbf16>
        %get3A_146 = arith.index_cast %add3A_128 : i32 to index
        %get3A_147 = arith.constant 32 : index
        %get3A_148 = tpu.vector_load %arg10[%get3A_146, %get3A_147] {strides = array<i32>} : memref<200x128xi32, #tpu.memory_space<vmem>>, vector<16xi32>,
        %bitcast3A_149 = vector.bitcast %get3A_148 : vector<16xi32> to vector<32xbf16>
        %get3A_150 = arith.index_cast %add3A_128 : i32 to index
        %get3A_151 = arith.constant 96 : index
        %get3A_152 = tpu.vector_load %arg11[%get3A_150, %get3A_151] {strides = array<i32>} : memref<200x128xi32, #tpu.memory_space<vmem>>, vector<16xi32>,
        %bitcast3A_153 = vector.bitcast %get3A_152 : vector<16xi32> to vector<32xbf16>
        %mul3A_154 = arith.mulf %bitcast3A_149, %bitcast3A_153 : vector<32xbf16>
        %add3A_155 = arith.addf %add3A_145, %mul3A_154 : vector<32xbf16>
        %get3A_156 = arith.index_cast %add3A_128 : i32 to index
        %get3A_157 = arith.constant 48 : index
        %get3A_158 = tpu.vector_load %arg10[%get3A_156, %get3A_157] {strides = array<i32>} : memref<200x128xi32, #tpu.memory_space<vmem>>, vector<16xi32>,
        %bitcast3A_159 = vector.bitcast %get3A_158 : vector<16xi32> to vector<32xbf16>
        %get3A_160 = arith.index_cast %add3A_128 : i32 to index
        %get3A_161 = arith.constant 112 : index
        %get3A_162 = tpu.vector_load %arg11[%get3A_160, %get3A_161] {strides = array<i32>} : memref<200x128xi32, #tpu.memory_space<vmem>>, vector<16xi32>,
        %bitcast3A_163 = vector.bitcast %get3A_162 : vector<16xi32> to vector<32xbf16>
        %mul3A_164 = arith.mulf %bitcast3A_159, %bitcast3A_163 : vector<32xbf16>
        %add3A_165 = arith.addf %add3A_155, %mul3A_164 : vector<32xbf16>
        %unpack3A = tpu.unpack_subelements %add3A_165, 0 {pack_format = #tpu.pack_format<interleaved>} : vector<32xbf16> -> vector<16xf32>
        %unpack3A_166 = tpu.unpack_subelements %add3A_165, 1 {pack_format = #tpu.pack_format<interleaved>} : vector<32xbf16> -> vector<16xf32>
        %add3A_167 = arith.addf %unpack3A, %unpack3A_166 : vector<16xf32>
        %reduce_sum3A = arith.constant true
        %reduce_sum3A_168 = vector.broadcast %reduce_sum3A : i1 to vector<16xi1>
        %reduce_sum3A_169 = tpu.scan <sum>, %add3A_167 masked %reduce_sum3A_168 : vector<16xf32>, vector<16xi1> -> vector<16xf32>
        %reduce_sum3A_170 = vector.extract %reduce_sum3A_169[15] : f32 from vector<16xf32>
        %add3A_171 = arith.constant 0 : i32
        %add3A_172 = arith.addi %add3A_171, %add3A_128 : i32
        %broadcast_in_dim3A = vector.broadcast %add3A_172 : i32 to vector<16xi32>
        %broadcast_in_dim3A_173 = vector.broadcast %reduce_sum3A_170 : f32 to vector<16xf32>
        tpu.vector_store_idx %arg14[%broadcast_in_dim3A], %broadcast_in_dim3A_173 masked %eq3A_4 : memref<400xf32, #tpu.memory_space<vmem>>[vector<16xi32>], vector<16xf32>, vector<16xi1>
        %mul3A_174 = arith.constant 40 : i32
        %mul3A_175 = arith.muli %scan3A_123, %mul3A_174 : i32
        %add3A_176 = arith.constant 1 : i32
        %add3A_177 = arith.addi %mul3A_175, %add3A_176 : i32
        %get3A_178 = arith.index_cast %add3A_177 : i32 to index
        %get3A_179 = arith.constant 0 : index
        %get3A_180 = tpu.vector_load %arg10[%get3A_178, %get3A_179] {strides = array<i32>} : memref<200x128xi32, #tpu.memory_space<vmem>>, vector<16xi32>,
        %bitcast3A_181 = vector.bitcast %get3A_180 : vector<16xi32> to vector<32xbf16>
        %get3A_182 = arith.index_cast %add3A_177 : i32 to index
        %get3A_183 = arith.constant 64 : index
        %get3A_184 = tpu.vector_load %arg11[%get3A_182, %get3A_183] {strides = array<i32>} : memref<200x128xi32, #tpu.memory_space<vmem>>, vector<16xi32>,
        %bitcast3A_185 = vector.bitcast %get3A_184 : vector<16xi32> to vector<32xbf16>
        %mul3A_186 = arith.mulf %bitcast3A_181, %bitcast3A_185 : vector<32xbf16>
        %get3A_187 = arith.index_cast %add3A_177 : i32 to index
        %get3A_188 = arith.constant 16 : index
        %get3A_189 = tpu.vector_load %arg10[%get3A_187, %get3A_188] {strides = array<i32>} : memref<200x128xi32, #tpu.memory_space<vmem>>, vector<16xi32>,
        %bitcast3A_190 = vector.bitcast %get3A_189 : vector<16xi32> to vector<32xbf16>
        %get3A_191 = arith.index_cast %add3A_177 : i32 to index
        %get3A_192 = arith.constant 80 : index
        %get3A_193 = tpu.vector_load %arg11[%get3A_191, %get3A_192] {strides = array<i32>} : memref<200x128xi32, #tpu.memory_space<vmem>>, vector<16xi32>,
        %bitcast3A_194 = vector.bitcast %get3A_193 : vector<16xi32> to vector<32xbf16>
        %mul3A_195 = arith.mulf %bitcast3A_190, %bitcast3A_194 : vector<32xbf16>
        %add3A_196 = arith.addf %mul3A_186, %mul3A_195 : vector<32xbf16>
        %get3A_197 = arith.index_cast %add3A_177 : i32 to index
        %get3A_198 = arith.constant 32 : index
        %get3A_199 = tpu.vector_load %arg10[%get3A_197, %get3A_198] {strides = array<i32>} : memref<200x128xi32, #tpu.memory_space<vmem>>, vector<16xi32>,
        %bitcast3A_200 = vector.bitcast %get3A_199 : vector<16xi32> to vector<32xbf16>
        %get3A_201 = arith.index_cast %add3A_177 : i32 to index
        %get3A_202 = arith.constant 96 : index
        %get3A_203 = tpu.vector_load %arg11[%get3A_201, %get3A_202] {strides = array<i32>} : memref<200x128xi32, #tpu.memory_space<vmem>>, vector<16xi32>,
        %bitcast3A_204 = vector.bitcast %get3A_203 : vector<16xi32> to vector<32xbf16>
        %mul3A_205 = arith.mulf %bitcast3A_200, %bitcast3A_204 : vector<32xbf16>
        %add3A_206 = arith.addf %add3A_196, %mul3A_205 : vector<32xbf16>
        %get3A_207 = arith.index_cast %add3A_177 : i32 to index
        %get3A_208 = arith.constant 48 : index
        %get3A_209 = tpu.vector_load %arg10[%get3A_207, %get3A_208] {strides = array<i32>} : memref<200x128xi32, #tpu.memory_space<vmem>>, vector<16xi32>,
        %bitcast3A_210 = vector.bitcast %get3A_209 : vector<16xi32> to vector<32xbf16>
        %get3A_211 = arith.index_cast %add3A_177 : i32 to index
        %get3A_212 = arith.constant 112 : index
        %get3A_213 = tpu.vector_load %arg11[%get3A_211, %get3A_212] {strides = array<i32>} : memref<200x128xi32, #tpu.memory_space<vmem>>, vector<16xi32>,
        %bitcast3A_214 = vector.bitcast %get3A_213 : vector<16xi32> to vector<32xbf16>
        %mul3A_215 = arith.mulf %bitcast3A_210, %bitcast3A_214 : vector<32xbf16>
        %add3A_216 = arith.addf %add3A_206, %mul3A_215 : vector<32xbf16>
        %unpack3A_217 = tpu.unpack_subelements %add3A_216, 0 {pack_format = #tpu.pack_format<interleaved>} : vector<32xbf16> -> vector<16xf32>
        %unpack3A_218 = tpu.unpack_subelements %add3A_216, 1 {pack_format = #tpu.pack_format<interleaved>} : vector<32xbf16> -> vector<16xf32>
        %add3A_219 = arith.addf %unpack3A_217, %unpack3A_218 : vector<16xf32>
        %reduce_sum3A_220 = arith.constant true
        %reduce_sum3A_221 = vector.broadcast %reduce_sum3A_220 : i1 to vector<16xi1>
        %reduce_sum3A_222 = tpu.scan <sum>, %add3A_219 masked %reduce_sum3A_221 : vector<16xf32>, vector<16xi1> -> vector<16xf32>
        %reduce_sum3A_223 = vector.extract %reduce_sum3A_222[15] : f32 from vector<16xf32>
        %add3A_224 = arith.constant 0 : i32
        %add3A_225 = arith.addi %add3A_224, %add3A_177 : i32
        %broadcast_in_dim3A_226 = vector.broadcast %add3A_225 : i32 to vector<16xi32>
        %broadcast_in_dim3A_227 = vector.broadcast %reduce_sum3A_223 : f32 to vector<16xf32>
        tpu.vector_store_idx %arg14[%broadcast_in_dim3A_226], %broadcast_in_dim3A_227 masked %eq3A_4 : memref<400xf32, #tpu.memory_space<vmem>>[vector<16xi32>], vector<16xf32>, vector<16xi1>
        %mul3A_228 = arith.constant 40 : i32
        %mul3A_229 = arith.muli %scan3A_123, %mul3A_228 : i32
        %add3A_230 = arith.constant 2 : i32
        %add3A_231 = arith.addi %mul3A_229, %add3A_230 : i32
        %get3A_232 = arith.index_cast %add3A_231 : i32 to index
        %get3A_233 = arith.constant 0 : index
        %get3A_234 = tpu.vector_load %arg10[%get3A_232, %get3A_233] {strides = array<i32>} : memref<200x128xi32, #tpu.memory_space<vmem>>, vector<16xi32>,
        %bitcast3A_235 = vector.bitcast %get3A_234 : vector<16xi32> to vector<32xbf16>
        %get3A_236 = arith.index_cast %add3A_231 : i32 to index
        %get3A_237 = arith.constant 64 : index
        %get3A_238 = tpu.vector_load %arg11[%get3A_236, %get3A_237] {strides = array<i32>} : memref<200x128xi32, #tpu.memory_space<vmem>>, vector<16xi32>,
        %bitcast3A_239 = vector.bitcast %get3A_238 : vector<16xi32> to vector<32xbf16>
        %mul3A_240 = arith.mulf %bitcast3A_235, %bitcast3A_239 : vector<32xbf16>
        %get3A_241 = arith.index_cast %add3A_231 : i32 to index
        %get3A_242 = arith.constant 16 : index
        %get3A_243 = tpu.vector_load %arg10[%get3A_241, %get3A_242] {strides = array<i32>} : memref<200x128xi32, #tpu.memory_space<vmem>>, vector<16xi32>,
        %bitcast3A_244 = vector.bitcast %get3A_243 : vector<16xi32> to vector<32xbf16>
        %get3A_245 = arith.index_cast %add3A_231 : i32 to index
        %get3A_246 = arith.constant 80 : index
        %get3A_247 = tpu.vector_load %arg11[%get3A_245, %get3A_246] {strides = array<i32>} : memref<200x128xi32, #tpu.memory_space<vmem>>, vector<16xi32>,
        %bitcast3A_248 = vector.bitcast %get3A_247 : vector<16xi32> to vector<32xbf16>
        %mul3A_249 = arith.mulf %bitcast3A_244, %bitcast3A_248 : vector<32xbf16>
        %add3A_250 = arith.addf %mul3A_240, %mul3A_249 : vector<32xbf16>
        %get3A_251 = arith.index_cast %add3A_231 : i32 to index
        %get3A_252 = arith.constant 32 : index
        %get3A_253 = tpu.vector_load %arg10[%get3A_251, %get3A_252] {strides = array<i32>} : memref<200x128xi32, #tpu.memory_space<vmem>>, vector<16xi32>,
        %bitcast3A_254 = vector.bitcast %get3A_253 : vector<16xi32> to vector<32xbf16>
        %get3A_255 = arith.index_cast %add3A_231 : i32 to index
        %get3A_256 = arith.constant 96 : index
        %get3A_257 = tpu.vector_load %arg11[%get3A_255, %get3A_256] {strides = array<i32>} : memref<200x128xi32, #tpu.memory_space<vmem>>, vector<16xi32>,
        %bitcast3A_258 = vector.bitcast %get3A_257 : vector<16xi32> to vector<32xbf16>
        %mul3A_259 = arith.mulf %bitcast3A_254, %bitcast3A_258 : vector<32xbf16>
        %add3A_260 = arith.addf %add3A_250, %mul3A_259 : vector<32xbf16>
        %get3A_261 = arith.index_cast %add3A_231 : i32 to index
        %get3A_262 = arith.constant 48 : index
        %get3A_263 = tpu.vector_load %arg10[%get3A_261, %get3A_262] {strides = array<i32>} : memref<200x128xi32, #tpu.memory_space<vmem>>, vector<16xi32>,
        %bitcast3A_264 = vector.bitcast %get3A_263 : vector<16xi32> to vector<32xbf16>
        %get3A_265 = arith.index_cast %add3A_231 : i32 to index
        %get3A_266 = arith.constant 112 : index
        %get3A_267 = tpu.vector_load %arg11[%get3A_265, %get3A_266] {strides = array<i32>} : memref<200x128xi32, #tpu.memory_space<vmem>>, vector<16xi32>,
        %bitcast3A_268 = vector.bitcast %get3A_267 : vector<16xi32> to vector<32xbf16>
        %mul3A_269 = arith.mulf %bitcast3A_264, %bitcast3A_268 : vector<32xbf16>
        %add3A_270 = arith.addf %add3A_260, %mul3A_269 : vector<32xbf16>
        %unpack3A_271 = tpu.unpack_subelements %add3A_270, 0 {pack_format = #tpu.pack_format<interleaved>} : vector<32xbf16> -> vector<16xf32>
        %unpack3A_272 = tpu.unpack_subelements %add3A_270, 1 {pack_format = #tpu.pack_format<interleaved>} : vector<32xbf16> -> vector<16xf32>
        %add3A_273 = arith.addf %unpack3A_271, %unpack3A_272 : vector<16xf32>
        %reduce_sum3A_274 = arith.constant true
        %reduce_sum3A_275 = vector.broadcast %reduce_sum3A_274 : i1 to vector<16xi1>
        %reduce_sum3A_276 = tpu.scan <sum>, %add3A_273 masked %reduce_sum3A_275 : vector<16xf32>, vector<16xi1> -> vector<16xf32>
        %reduce_sum3A_277 = vector.extract %reduce_sum3A_276[15] : f32 from vector<16xf32>
        %add3A_278 = arith.constant 0 : i32
        %add3A_279 = arith.addi %add3A_278, %add3A_231 : i32
        %broadcast_in_dim3A_280 = vector.broadcast %add3A_279 : i32 to vector<16xi32>
        %broadcast_in_dim3A_281 = vector.broadcast %reduce_sum3A_277 : f32 to vector<16xf32>
        tpu.vector_store_idx %arg14[%broadcast_in_dim3A_280], %broadcast_in_dim3A_281 masked %eq3A_4 : memref<400xf32, #tpu.memory_space<vmem>>[vector<16xi32>], vector<16xf32>, vector<16xi1>
        %mul3A_282 = arith.constant 40 : i32
        %mul3A_283 = arith.muli %scan3A_123, %mul3A_282 : i32
        %add3A_284 = arith.constant 3 : i32
        %add3A_285 = arith.addi %mul3A_283, %add3A_284 : i32
        %get3A_286 = arith.index_cast %add3A_285 : i32 to index
        %get3A_287 = arith.constant 0 : index
        %get3A_288 = tpu.vector_load %arg10[%get3A_286, %get3A_287] {strides = array<i32>} : memref<200x128xi32, #tpu.memory_space<vmem>>, vector<16xi32>,
        %bitcast3A_289 = vector.bitcast %get3A_288 : vector<16xi32> to vector<32xbf16>
        %get3A_290 = arith.index_cast %add3A_285 : i32 to index
        %get3A_291 = arith.constant 64 : index
        %get3A_292 = tpu.vector_load %arg11[%get3A_290, %get3A_291] {strides = array<i32>} : memref<200x128xi32, #tpu.memory_space<vmem>>, vector<16xi32>,
        %bitcast3A_293 = vector.bitcast %get3A_292 : vector<16xi32> to vector<32xbf16>
        %mul3A_294 = arith.mulf %bitcast3A_289, %bitcast3A_293 : vector<32xbf16>
        %get3A_295 = arith.index_cast %add3A_285 : i32 to index
        %get3A_296 = arith.constant 16 : index
        %get3A_297 = tpu.vector_load %arg10[%get3A_295, %get3A_296] {strides = array<i32>} : memref<200x128xi32, #tpu.memory_space<vmem>>, vector<16xi32>,
        %bitcast3A_298 = vector.bitcast %get3A_297 : vector<16xi32> to vector<32xbf16>
        %get3A_299 = arith.index_cast %add3A_285 : i32 to index
        %get3A_300 = arith.constant 80 : index
        %get3A_301 = tpu.vector_load %arg11[%get3A_299, %get3A_300] {strides = array<i32>} : memref<200x128xi32, #tpu.memory_space<vmem>>, vector<16xi32>,
        %bitcast3A_302 = vector.bitcast %get3A_301 : vector<16xi32> to vector<32xbf16>
        %mul3A_303 = arith.mulf %bitcast3A_298, %bitcast3A_302 : vector<32xbf16>
        %add3A_304 = arith.addf %mul3A_294, %mul3A_303 : vector<32xbf16>
        %get3A_305 = arith.index_cast %add3A_285 : i32 to index
        %get3A_306 = arith.constant 32 : index
        %get3A_307 = tpu.vector_load %arg10[%get3A_305, %get3A_306] {strides = array<i32>} : memref<200x128xi32, #tpu.memory_space<vmem>>, vector<16xi32>,
        %bitcast3A_308 = vector.bitcast %get3A_307 : vector<16xi32> to vector<32xbf16>
        %get3A_309 = arith.index_cast %add3A_285 : i32 to index
        %get3A_310 = arith.constant 96 : index
        %get3A_311 = tpu.vector_load %arg11[%get3A_309, %get3A_310] {strides = array<i32>} : memref<200x128xi32, #tpu.memory_space<vmem>>, vector<16xi32>,
        %bitcast3A_312 = vector.bitcast %get3A_311 : vector<16xi32> to vector<32xbf16>
        %mul3A_313 = arith.mulf %bitcast3A_308, %bitcast3A_312 : vector<32xbf16>
        %add3A_314 = arith.addf %add3A_304, %mul3A_313 : vector<32xbf16>
        %get3A_315 = arith.index_cast %add3A_285 : i32 to index
        %get3A_316 = arith.constant 48 : index
        %get3A_317 = tpu.vector_load %arg10[%get3A_315, %get3A_316] {strides = array<i32>} : memref<200x128xi32, #tpu.memory_space<vmem>>, vector<16xi32>,
        %bitcast3A_318 = vector.bitcast %get3A_317 : vector<16xi32> to vector<32xbf16>
        %get3A_319 = arith.index_cast %add3A_285 : i32 to index
        %get3A_320 = arith.constant 112 : index
        %get3A_321 = tpu.vector_load %arg11[%get3A_319, %get3A_320] {strides = array<i32>} : memref<200x128xi32, #tpu.memory_space<vmem>>, vector<16xi32>,
        %bitcast3A_322 = vector.bitcast %get3A_321 : vector<16xi32> to vector<32xbf16>
        %mul3A_323 = arith.mulf %bitcast3A_318, %bitcast3A_322 : vector<32xbf16>
        %add3A_324 = arith.addf %add3A_314, %mul3A_323 : vector<32xbf16>
        %unpack3A_325 = tpu.unpack_subelements %add3A_324, 0 {pack_format = #tpu.pack_format<interleaved>} : vector<32xbf16> -> vector<16xf32>
        %unpack3A_326 = tpu.unpack_subelements %add3A_324, 1 {pack_format = #tpu.pack_format<interleaved>} : vector<32xbf16> -> vector<16xf32>
        %add3A_327 = arith.addf %unpack3A_325, %unpack3A_326 : vector<16xf32>
        %reduce_sum3A_328 = arith.constant true
        %reduce_sum3A_329 = vector.broadcast %reduce_sum3A_328 : i1 to vector<16xi1>
        %reduce_sum3A_330 = tpu.scan <sum>, %add3A_327 masked %reduce_sum3A_329 : vector<16xf32>, vector<16xi1> -> vector<16xf32>
        %reduce_sum3A_331 = vector.extract %reduce_sum3A_330[15] : f32 from vector<16xf32>
        %add3A_332 = arith.constant 0 : i32
        %add3A_333 = arith.addi %add3A_332, %add3A_285 : i32
        %broadcast_in_dim3A_334 = vector.broadcast %add3A_333 : i32 to vector<16xi32>
        %broadcast_in_dim3A_335 = vector.broadcast %reduce_sum3A_331 : f32 to vector<16xf32>
        tpu.vector_store_idx %arg14[%broadcast_in_dim3A_334], %broadcast_in_dim3A_335 masked %eq3A_4 : memref<400xf32, #tpu.memory_space<vmem>>[vector<16xi32>], vector<16xf32>, vector<16xi1>
        %mul3A_336 = arith.constant 40 : i32
        %mul3A_337 = arith.muli %scan3A_123, %mul3A_336 : i32
        %add3A_338 = arith.constant 4 : i32
        %add3A_339 = arith.addi %mul3A_337, %add3A_338 : i32
        %get3A_340 = arith.index_cast %add3A_339 : i32 to index
        %get3A_341 = arith.constant 0 : index
        %get3A_342 = tpu.vector_load %arg10[%get3A_340, %get3A_341] {strides = array<i32>} : memref<200x128xi32, #tpu.memory_space<vmem>>, vector<16xi32>,
        %bitcast3A_343 = vector.bitcast %get3A_342 : vector<16xi32> to vector<32xbf16>
        %get3A_344 = arith.index_cast %add3A_339 : i32 to index
        %get3A_345 = arith.constant 64 : index
        %get3A_346 = tpu.vector_load %arg11[%get3A_344, %get3A_345] {strides = array<i32>} : memref<200x128xi32, #tpu.memory_space<vmem>>, vector<16xi32>,
        %bitcast3A_347 = vector.bitcast %get3A_346 : vector<16xi32> to vector<32xbf16>
        %mul3A_348 = arith.mulf %bitcast3A_343, %bitcast3A_347 : vector<32xbf16>
        %get3A_349 = arith.index_cast %add3A_339 : i32 to index
        %get3A_350 = arith.constant 16 : index
        %get3A_351 = tpu.vector_load %arg10[%get3A_349, %get3A_350] {strides = array<i32>} : memref<200x128xi32, #tpu.memory_space<vmem>>, vector<16xi32>,
        %bitcast3A_352 = vector.bitcast %get3A_351 : vector<16xi32> to vector<32xbf16>
        %get3A_353 = arith.index_cast %add3A_339 : i32 to index
        %get3A_354 = arith.constant 80 : index
        %get3A_355 = tpu.vector_load %arg11[%get3A_353, %get3A_354] {strides = array<i32>} : memref<200x128xi32, #tpu.memory_space<vmem>>, vector<16xi32>,
        %bitcast3A_356 = vector.bitcast %get3A_355 : vector<16xi32> to vector<32xbf16>
        %mul3A_357 = arith.mulf %bitcast3A_352, %bitcast3A_356 : vector<32xbf16>
        %add3A_358 = arith.addf %mul3A_348, %mul3A_357 : vector<32xbf16>
        %get3A_359 = arith.index_cast %add3A_339 : i32 to index
        %get3A_360 = arith.constant 32 : index
        %get3A_361 = tpu.vector_load %arg10[%get3A_359, %get3A_360] {strides = array<i32>} : memref<200x128xi32, #tpu.memory_space<vmem>>, vector<16xi32>,
        %bitcast3A_362 = vector.bitcast %get3A_361 : vector<16xi32> to vector<32xbf16>
        %get3A_363 = arith.index_cast %add3A_339 : i32 to index
        %get3A_364 = arith.constant 96 : index
        %get3A_365 = tpu.vector_load %arg11[%get3A_363, %get3A_364] {strides = array<i32>} : memref<200x128xi32, #tpu.memory_space<vmem>>, vector<16xi32>,
        %bitcast3A_366 = vector.bitcast %get3A_365 : vector<16xi32> to vector<32xbf16>
        %mul3A_367 = arith.mulf %bitcast3A_362, %bitcast3A_366 : vector<32xbf16>
        %add3A_368 = arith.addf %add3A_358, %mul3A_367 : vector<32xbf16>
        %get3A_369 = arith.index_cast %add3A_339 : i32 to index
        %get3A_370 = arith.constant 48 : index
        %get3A_371 = tpu.vector_load %arg10[%get3A_369, %get3A_370] {strides = array<i32>} : memref<200x128xi32, #tpu.memory_space<vmem>>, vector<16xi32>,
        %bitcast3A_372 = vector.bitcast %get3A_371 : vector<16xi32> to vector<32xbf16>
        %get3A_373 = arith.index_cast %add3A_339 : i32 to index
        %get3A_374 = arith.constant 112 : index
        %get3A_375 = tpu.vector_load %arg11[%get3A_373, %get3A_374] {strides = array<i32>} : memref<200x128xi32, #tpu.memory_space<vmem>>, vector<16xi32>,
        %bitcast3A_376 = vector.bitcast %get3A_375 : vector<16xi32> to vector<32xbf16>
        %mul3A_377 = arith.mulf %bitcast3A_372, %bitcast3A_376 : vector<32xbf16>
        %add3A_378 = arith.addf %add3A_368, %mul3A_377 : vector<32xbf16>
        %unpack3A_379 = tpu.unpack_subelements %add3A_378, 0 {pack_format = #tpu.pack_format<interleaved>} : vector<32xbf16> -> vector<16xf32>
        %unpack3A_380 = tpu.unpack_subelements %add3A_378, 1 {pack_format = #tpu.pack_format<interleaved>} : vector<32xbf16> -> vector<16xf32>
        %add3A_381 = arith.addf %unpack3A_379, %unpack3A_380 : vector<16xf32>
        %reduce_sum3A_382 = arith.constant true
        %reduce_sum3A_383 = vector.broadcast %reduce_sum3A_382 : i1 to vector<16xi1>
        %reduce_sum3A_384 = tpu.scan <sum>, %add3A_381 masked %reduce_sum3A_383 : vector<16xf32>, vector<16xi1> -> vector<16xf32>
        %reduce_sum3A_385 = vector.extract %reduce_sum3A_384[15] : f32 from vector<16xf32>
        %add3A_386 = arith.constant 0 : i32
        %add3A_387 = arith.addi %add3A_386, %add3A_339 : i32
        %broadcast_in_dim3A_388 = vector.broadcast %add3A_387 : i32 to vector<16xi32>
        %broadcast_in_dim3A_389 = vector.broadcast %reduce_sum3A_385 : f32 to vector<16xf32>
        tpu.vector_store_idx %arg14[%broadcast_in_dim3A_388], %broadcast_in_dim3A_389 masked %eq3A_4 : memref<400xf32, #tpu.memory_space<vmem>>[vector<16xi32>], vector<16xf32>, vector<16xi1>
        %mul3A_390 = arith.constant 40 : i32
        %mul3A_391 = arith.muli %scan3A_123, %mul3A_390 : i32
        %add3A_392 = arith.constant 5 : i32
        %add3A_393 = arith.addi %mul3A_391, %add3A_392 : i32
        %get3A_394 = arith.index_cast %add3A_393 : i32 to index
        %get3A_395 = arith.constant 0 : index
        %get3A_396 = tpu.vector_load %arg10[%get3A_394, %get3A_395] {strides = array<i32>} : memref<200x128xi32, #tpu.memory_space<vmem>>, vector<16xi32>,
        %bitcast3A_397 = vector.bitcast %get3A_396 : vector<16xi32> to vector<32xbf16>
        %get3A_398 = arith.index_cast %add3A_393 : i32 to index
        %get3A_399 = arith.constant 64 : index
        %get3A_400 = tpu.vector_load %arg11[%get3A_398, %get3A_399] {strides = array<i32>} : memref<200x128xi32, #tpu.memory_space<vmem>>, vector<16xi32>,
        %bitcast3A_401 = vector.bitcast %get3A_400 : vector<16xi32> to vector<32xbf16>
        %mul3A_402 = arith.mulf %bitcast3A_397, %bitcast3A_401 : vector<32xbf16>
        %get3A_403 = arith.index_cast %add3A_393 : i32 to index
        %get3A_404 = arith.constant 16 : index
        %get3A_405 = tpu.vector_load %arg10[%get3A_403, %get3A_404] {strides = array<i32>} : memref<200x128xi32, #tpu.memory_space<vmem>>, vector<16xi32>,
        %bitcast3A_406 = vector.bitcast %get3A_405 : vector<16xi32> to vector<32xbf16>
        %get3A_407 = arith.index_cast %add3A_393 : i32 to index
        %get3A_408 = arith.constant 80 : index
        %get3A_409 = tpu.vector_load %arg11[%get3A_407, %get3A_408] {strides = array<i32>} : memref<200x128xi32, #tpu.memory_space<vmem>>, vector<16xi32>,
        %bitcast3A_410 = vector.bitcast %get3A_409 : vector<16xi32> to vector<32xbf16>
        %mul3A_411 = arith.mulf %bitcast3A_406, %bitcast3A_410 : vector<32xbf16>
        %add3A_412 = arith.addf %mul3A_402, %mul3A_411 : vector<32xbf16>
        %get3A_413 = arith.index_cast %add3A_393 : i32 to index
        %get3A_414 = arith.constant 32 : index
        %get3A_415 = tpu.vector_load %arg10[%get3A_413, %get3A_414] {strides = array<i32>} : memref<200x128xi32, #tpu.memory_space<vmem>>, vector<16xi32>,
        %bitcast3A_416 = vector.bitcast %get3A_415 : vector<16xi32> to vector<32xbf16>
        %get3A_417 = arith.index_cast %add3A_393 : i32 to index
        %get3A_418 = arith.constant 96 : index
        %get3A_419 = tpu.vector_load %arg11[%get3A_417, %get3A_418] {strides = array<i32>} : memref<200x128xi32, #tpu.memory_space<vmem>>, vector<16xi32>,
        %bitcast3A_420 = vector.bitcast %get3A_419 : vector<16xi32> to vector<32xbf16>
        %mul3A_421 = arith.mulf %bitcast3A_416, %bitcast3A_420 : vector<32xbf16>
        %add3A_422 = arith.addf %add3A_412, %mul3A_421 : vector<32xbf16>
        %get3A_423 = arith.index_cast %add3A_393 : i32 to index
        %get3A_424 = arith.constant 48 : index
        %get3A_425 = tpu.vector_load %arg10[%get3A_423, %get3A_424] {strides = array<i32>} : memref<200x128xi32, #tpu.memory_space<vmem>>, vector<16xi32>,
        %bitcast3A_426 = vector.bitcast %get3A_425 : vector<16xi32> to vector<32xbf16>
        %get3A_427 = arith.index_cast %add3A_393 : i32 to index
        %get3A_428 = arith.constant 112 : index
        %get3A_429 = tpu.vector_load %arg11[%get3A_427, %get3A_428] {strides = array<i32>} : memref<200x128xi32, #tpu.memory_space<vmem>>, vector<16xi32>,
        %bitcast3A_430 = vector.bitcast %get3A_429 : vector<16xi32> to vector<32xbf16>
        %mul3A_431 = arith.mulf %bitcast3A_426, %bitcast3A_430 : vector<32xbf16>
        %add3A_432 = arith.addf %add3A_422, %mul3A_431 : vector<32xbf16>
        %unpack3A_433 = tpu.unpack_subelements %add3A_432, 0 {pack_format = #tpu.pack_format<interleaved>} : vector<32xbf16> -> vector<16xf32>
        %unpack3A_434 = tpu.unpack_subelements %add3A_432, 1 {pack_format = #tpu.pack_format<interleaved>} : vector<32xbf16> -> vector<16xf32>
        %add3A_435 = arith.addf %unpack3A_433, %unpack3A_434 : vector<16xf32>
        %reduce_sum3A_436 = arith.constant true
        %reduce_sum3A_437 = vector.broadcast %reduce_sum3A_436 : i1 to vector<16xi1>
        %reduce_sum3A_438 = tpu.scan <sum>, %add3A_435 masked %reduce_sum3A_437 : vector<16xf32>, vector<16xi1> -> vector<16xf32>
        %reduce_sum3A_439 = vector.extract %reduce_sum3A_438[15] : f32 from vector<16xf32>
        %add3A_440 = arith.constant 0 : i32
        %add3A_441 = arith.addi %add3A_440, %add3A_393 : i32
        %broadcast_in_dim3A_442 = vector.broadcast %add3A_441 : i32 to vector<16xi32>
        %broadcast_in_dim3A_443 = vector.broadcast %reduce_sum3A_439 : f32 to vector<16xf32>
        tpu.vector_store_idx %arg14[%broadcast_in_dim3A_442], %broadcast_in_dim3A_443 masked %eq3A_4 : memref<400xf32, #tpu.memory_space<vmem>>[vector<16xi32>], vector<16xf32>, vector<16xi1>
        %mul3A_444 = arith.constant 40 : i32
        %mul3A_445 = arith.muli %scan3A_123, %mul3A_444 : i32
        %add3A_446 = arith.constant 6 : i32
        %add3A_447 = arith.addi %mul3A_445, %add3A_446 : i32
        %get3A_448 = arith.index_cast %add3A_447 : i32 to index
        %get3A_449 = arith.constant 0 : index
        %get3A_450 = tpu.vector_load %arg10[%get3A_448, %get3A_449] {strides = array<i32>} : memref<200x128xi32, #tpu.memory_space<vmem>>, vector<16xi32>,
        %bitcast3A_451 = vector.bitcast %get3A_450 : vector<16xi32> to vector<32xbf16>
        %get3A_452 = arith.index_cast %add3A_447 : i32 to index
        %get3A_453 = arith.constant 64 : index
        %get3A_454 = tpu.vector_load %arg11[%get3A_452, %get3A_453] {strides = array<i32>} : memref<200x128xi32, #tpu.memory_space<vmem>>, vector<16xi32>,
        %bitcast3A_455 = vector.bitcast %get3A_454 : vector<16xi32> to vector<32xbf16>
        %mul3A_456 = arith.mulf %bitcast3A_451, %bitcast3A_455 : vector<32xbf16>
        %get3A_457 = arith.index_cast %add3A_447 : i32 to index
        %get3A_458 = arith.constant 16 : index
        %get3A_459 = tpu.vector_load %arg10[%get3A_457, %get3A_458] {strides = array<i32>} : memref<200x128xi32, #tpu.memory_space<vmem>>, vector<16xi32>,
        %bitcast3A_460 = vector.bitcast %get3A_459 : vector<16xi32> to vector<32xbf16>
        %get3A_461 = arith.index_cast %add3A_447 : i32 to index
        %get3A_462 = arith.constant 80 : index
        %get3A_463 = tpu.vector_load %arg11[%get3A_461, %get3A_462] {strides = array<i32>} : memref<200x128xi32, #tpu.memory_space<vmem>>, vector<16xi32>,
        %bitcast3A_464 = vector.bitcast %get3A_463 : vector<16xi32> to vector<32xbf16>
        %mul3A_465 = arith.mulf %bitcast3A_460, %bitcast3A_464 : vector<32xbf16>
        %add3A_466 = arith.addf %mul3A_456, %mul3A_465 : vector<32xbf16>
        %get3A_467 = arith.index_cast %add3A_447 : i32 to index
        %get3A_468 = arith.constant 32 : index
        %get3A_469 = tpu.vector_load %arg10[%get3A_467, %get3A_468] {strides = array<i32>} : memref<200x128xi32, #tpu.memory_space<vmem>>, vector<16xi32>,
        %bitcast3A_470 = vector.bitcast %get3A_469 : vector<16xi32> to vector<32xbf16>
        %get3A_471 = arith.index_cast %add3A_447 : i32 to index
        %get3A_472 = arith.constant 96 : index
        %get3A_473 = tpu.vector_load %arg11[%get3A_471, %get3A_472] {strides = array<i32>} : memref<200x128xi32, #tpu.memory_space<vmem>>, vector<16xi32>,
        %bitcast3A_474 = vector.bitcast %get3A_473 : vector<16xi32> to vector<32xbf16>
        %mul3A_475 = arith.mulf %bitcast3A_470, %bitcast3A_474 : vector<32xbf16>
        %add3A_476 = arith.addf %add3A_466, %mul3A_475 : vector<32xbf16>
        %get3A_477 = arith.index_cast %add3A_447 : i32 to index
        %get3A_478 = arith.constant 48 : index
        %get3A_479 = tpu.vector_load %arg10[%get3A_477, %get3A_478] {strides = array<i32>} : memref<200x128xi32, #tpu.memory_space<vmem>>, vector<16xi32>,
        %bitcast3A_480 = vector.bitcast %get3A_479 : vector<16xi32> to vector<32xbf16>
        %get3A_481 = arith.index_cast %add3A_447 : i32 to index
        %get3A_482 = arith.constant 112 : index
        %get3A_483 = tpu.vector_load %arg11[%get3A_481, %get3A_482] {strides = array<i32>} : memref<200x128xi32, #tpu.memory_space<vmem>>, vector<16xi32>,
        %bitcast3A_484 = vector.bitcast %get3A_483 : vector<16xi32> to vector<32xbf16>
        %mul3A_485 = arith.mulf %bitcast3A_480, %bitcast3A_484 : vector<32xbf16>
        %add3A_486 = arith.addf %add3A_476, %mul3A_485 : vector<32xbf16>
        %unpack3A_487 = tpu.unpack_subelements %add3A_486, 0 {pack_format = #tpu.pack_format<interleaved>} : vector<32xbf16> -> vector<16xf32>
        %unpack3A_488 = tpu.unpack_subelements %add3A_486, 1 {pack_format = #tpu.pack_format<interleaved>} : vector<32xbf16> -> vector<16xf32>
        %add3A_489 = arith.addf %unpack3A_487, %unpack3A_488 : vector<16xf32>
        %reduce_sum3A_490 = arith.constant true
        %reduce_sum3A_491 = vector.broadcast %reduce_sum3A_490 : i1 to vector<16xi1>
        %reduce_sum3A_492 = tpu.scan <sum>, %add3A_489 masked %reduce_sum3A_491 : vector<16xf32>, vector<16xi1> -> vector<16xf32>
        %reduce_sum3A_493 = vector.extract %reduce_sum3A_492[15] : f32 from vector<16xf32>
        %add3A_494 = arith.constant 0 : i32
        %add3A_495 = arith.addi %add3A_494, %add3A_447 : i32
        %broadcast_in_dim3A_496 = vector.broadcast %add3A_495 : i32 to vector<16xi32>
        %broadcast_in_dim3A_497 = vector.broadcast %reduce_sum3A_493 : f32 to vector<16xf32>
        tpu.vector_store_idx %arg14[%broadcast_in_dim3A_496], %broadcast_in_dim3A_497 masked %eq3A_4 : memref<400xf32, #tpu.memory_space<vmem>>[vector<16xi32>], vector<16xf32>, vector<16xi1>
        %mul3A_498 = arith.constant 40 : i32
        %mul3A_499 = arith.muli %scan3A_123, %mul3A_498 : i32
        %add3A_500 = arith.constant 7 : i32
        %add3A_501 = arith.addi %mul3A_499, %add3A_500 : i32
        %get3A_502 = arith.index_cast %add3A_501 : i32 to index
        %get3A_503 = arith.constant 0 : index
        %get3A_504 = tpu.vector_load %arg10[%get3A_502, %get3A_503] {strides = array<i32>} : memref<200x128xi32, #tpu.memory_space<vmem>>, vector<16xi32>,
        %bitcast3A_505 = vector.bitcast %get3A_504 : vector<16xi32> to vector<32xbf16>
        %get3A_506 = arith.index_cast %add3A_501 : i32 to index
        %get3A_507 = arith.constant 64 : index
        %get3A_508 = tpu.vector_load %arg11[%get3A_506, %get3A_507] {strides = array<i32>} : memref<200x128xi32, #tpu.memory_space<vmem>>, vector<16xi32>,
        %bitcast3A_509 = vector.bitcast %get3A_508 : vector<16xi32> to vector<32xbf16>
        %mul3A_510 = arith.mulf %bitcast3A_505, %bitcast3A_509 : vector<32xbf16>
        %get3A_511 = arith.index_cast %add3A_501 : i32 to index
        %get3A_512 = arith.constant 16 : index
        %get3A_513 = tpu.vector_load %arg10[%get3A_511, %get3A_512] {strides = array<i32>} : memref<200x128xi32, #tpu.memory_space<vmem>>, vector<16xi32>,
        %bitcast3A_514 = vector.bitcast %get3A_513 : vector<16xi32> to vector<32xbf16>
        %get3A_515 = arith.index_cast %add3A_501 : i32 to index
        %get3A_516 = arith.constant 80 : index
        %get3A_517 = tpu.vector_load %arg11[%get3A_515, %get3A_516] {strides = array<i32>} : memref<200x128xi32, #tpu.memory_space<vmem>>, vector<16xi32>,
        %bitcast3A_518 = vector.bitcast %get3A_517 : vector<16xi32> to vector<32xbf16>
        %mul3A_519 = arith.mulf %bitcast3A_514, %bitcast3A_518 : vector<32xbf16>
        %add3A_520 = arith.addf %mul3A_510, %mul3A_519 : vector<32xbf16>
        %get3A_521 = arith.index_cast %add3A_501 : i32 to index
        %get3A_522 = arith.constant 32 : index
        %get3A_523 = tpu.vector_load %arg10[%get3A_521, %get3A_522] {strides = array<i32>} : memref<200x128xi32, #tpu.memory_space<vmem>>, vector<16xi32>,
        %bitcast3A_524 = vector.bitcast %get3A_523 : vector<16xi32> to vector<32xbf16>
        %get3A_525 = arith.index_cast %add3A_501 : i32 to index
        %get3A_526 = arith.constant 96 : index
        %get3A_527 = tpu.vector_load %arg11[%get3A_525, %get3A_526] {strides = array<i32>} : memref<200x128xi32, #tpu.memory_space<vmem>>, vector<16xi32>,
        %bitcast3A_528 = vector.bitcast %get3A_527 : vector<16xi32> to vector<32xbf16>
        %mul3A_529 = arith.mulf %bitcast3A_524, %bitcast3A_528 : vector<32xbf16>
        %add3A_530 = arith.addf %add3A_520, %mul3A_529 : vector<32xbf16>
        %get3A_531 = arith.index_cast %add3A_501 : i32 to index
        %get3A_532 = arith.constant 48 : index
        %get3A_533 = tpu.vector_load %arg10[%get3A_531, %get3A_532] {strides = array<i32>} : memref<200x128xi32, #tpu.memory_space<vmem>>, vector<16xi32>,
        %bitcast3A_534 = vector.bitcast %get3A_533 : vector<16xi32> to vector<32xbf16>
        %get3A_535 = arith.index_cast %add3A_501 : i32 to index
        %get3A_536 = arith.constant 112 : index
        %get3A_537 = tpu.vector_load %arg11[%get3A_535, %get3A_536] {strides = array<i32>} : memref<200x128xi32, #tpu.memory_space<vmem>>, vector<16xi32>,
        %bitcast3A_538 = vector.bitcast %get3A_537 : vector<16xi32> to vector<32xbf16>
        %mul3A_539 = arith.mulf %bitcast3A_534, %bitcast3A_538 : vector<32xbf16>
        %add3A_540 = arith.addf %add3A_530, %mul3A_539 : vector<32xbf16>
        %unpack3A_541 = tpu.unpack_subelements %add3A_540, 0 {pack_format = #tpu.pack_format<interleaved>} : vector<32xbf16> -> vector<16xf32>
        %unpack3A_542 = tpu.unpack_subelements %add3A_540, 1 {pack_format = #tpu.pack_format<interleaved>} : vector<32xbf16> -> vector<16xf32>
        %add3A_543 = arith.addf %unpack3A_541, %unpack3A_542 : vector<16xf32>
        %reduce_sum3A_544 = arith.constant true
        %reduce_sum3A_545 = vector.broadcast %reduce_sum3A_544 : i1 to vector<16xi1>
        %reduce_sum3A_546 = tpu.scan <sum>, %add3A_543 masked %reduce_sum3A_545 : vector<16xf32>, vector<16xi1> -> vector<16xf32>
        %reduce_sum3A_547 = vector.extract %reduce_sum3A_546[15] : f32 from vector<16xf32>
        %add3A_548 = arith.constant 0 : i32
        %add3A_549 = arith.addi %add3A_548, %add3A_501 : i32
        %broadcast_in_dim3A_550 = vector.broadcast %add3A_549 : i32 to vector<16xi32>
        %broadcast_in_dim3A_551 = vector.broadcast %reduce_sum3A_547 : f32 to vector<16xf32>
        tpu.vector_store_idx %arg14[%broadcast_in_dim3A_550], %broadcast_in_dim3A_551 masked %eq3A_4 : memref<400xf32, #tpu.memory_space<vmem>>[vector<16xi32>], vector<16xf32>, vector<16xi1>
        %mul3A_552 = arith.constant 40 : i32
        %mul3A_553 = arith.muli %scan3A_123, %mul3A_552 : i32
        %add3A_554 = arith.constant 8 : i32
        %add3A_555 = arith.addi %mul3A_553, %add3A_554 : i32
        %get3A_556 = arith.index_cast %add3A_555 : i32 to index
        %get3A_557 = arith.constant 0 : index
        %get3A_558 = tpu.vector_load %arg10[%get3A_556, %get3A_557] {strides = array<i32>} : memref<200x128xi32, #tpu.memory_space<vmem>>, vector<16xi32>,
        %bitcast3A_559 = vector.bitcast %get3A_558 : vector<16xi32> to vector<32xbf16>
        %get3A_560 = arith.index_cast %add3A_555 : i32 to index
        %get3A_561 = arith.constant 64 : index
        %get3A_562 = tpu.vector_load %arg11[%get3A_560, %get3A_561] {strides = array<i32>} : memref<200x128xi32, #tpu.memory_space<vmem>>, vector<16xi32>,
        %bitcast3A_563 = vector.bitcast %get3A_562 : vector<16xi32> to vector<32xbf16>
        %mul3A_564 = arith.mulf %bitcast3A_559, %bitcast3A_563 : vector<32xbf16>
        %get3A_565 = arith.index_cast %add3A_555 : i32 to index
        %get3A_566 = arith.constant 16 : index
        %get3A_567 = tpu.vector_load %arg10[%get3A_565, %get3A_566] {strides = array<i32>} : memref<200x128xi32, #tpu.memory_space<vmem>>, vector<16xi32>,
        %bitcast3A_568 = vector.bitcast %get3A_567 : vector<16xi32> to vector<32xbf16>
        %get3A_569 = arith.index_cast %add3A_555 : i32 to index
        %get3A_570 = arith.constant 80 : index
        %get3A_571 = tpu.vector_load %arg11[%get3A_569, %get3A_570] {strides = array<i32>} : memref<200x128xi32, #tpu.memory_space<vmem>>, vector<16xi32>,
        %bitcast3A_572 = vector.bitcast %get3A_571 : vector<16xi32> to vector<32xbf16>
        %mul3A_573 = arith.mulf %bitcast3A_568, %bitcast3A_572 : vector<32xbf16>
        %add3A_574 = arith.addf %mul3A_564, %mul3A_573 : vector<32xbf16>
        %get3A_575 = arith.index_cast %add3A_555 : i32 to index
        %get3A_576 = arith.constant 32 : index
        %get3A_577 = tpu.vector_load %arg10[%get3A_575, %get3A_576] {strides = array<i32>} : memref<200x128xi32, #tpu.memory_space<vmem>>, vector<16xi32>,
        %bitcast3A_578 = vector.bitcast %get3A_577 : vector<16xi32> to vector<32xbf16>
        %get3A_579 = arith.index_cast %add3A_555 : i32 to index
        %get3A_580 = arith.constant 96 : index
        %get3A_581 = tpu.vector_load %arg11[%get3A_579, %get3A_580] {strides = array<i32>} : memref<200x128xi32, #tpu.memory_space<vmem>>, vector<16xi32>,
        %bitcast3A_582 = vector.bitcast %get3A_581 : vector<16xi32> to vector<32xbf16>
        %mul3A_583 = arith.mulf %bitcast3A_578, %bitcast3A_582 : vector<32xbf16>
        %add3A_584 = arith.addf %add3A_574, %mul3A_583 : vector<32xbf16>
        %get3A_585 = arith.index_cast %add3A_555 : i32 to index
        %get3A_586 = arith.constant 48 : index
        %get3A_587 = tpu.vector_load %arg10[%get3A_585, %get3A_586] {strides = array<i32>} : memref<200x128xi32, #tpu.memory_space<vmem>>, vector<16xi32>,
        %bitcast3A_588 = vector.bitcast %get3A_587 : vector<16xi32> to vector<32xbf16>
        %get3A_589 = arith.index_cast %add3A_555 : i32 to index
        %get3A_590 = arith.constant 112 : index
        %get3A_591 = tpu.vector_load %arg11[%get3A_589, %get3A_590] {strides = array<i32>} : memref<200x128xi32, #tpu.memory_space<vmem>>, vector<16xi32>,
        %bitcast3A_592 = vector.bitcast %get3A_591 : vector<16xi32> to vector<32xbf16>
        %mul3A_593 = arith.mulf %bitcast3A_588, %bitcast3A_592 : vector<32xbf16>
        %add3A_594 = arith.addf %add3A_584, %mul3A_593 : vector<32xbf16>
        %unpack3A_595 = tpu.unpack_subelements %add3A_594, 0 {pack_format = #tpu.pack_format<interleaved>} : vector<32xbf16> -> vector<16xf32>
        %unpack3A_596 = tpu.unpack_subelements %add3A_594, 1 {pack_format = #tpu.pack_format<interleaved>} : vector<32xbf16> -> vector<16xf32>
        %add3A_597 = arith.addf %unpack3A_595, %unpack3A_596 : vector<16xf32>
        %reduce_sum3A_598 = arith.constant true
        %reduce_sum3A_599 = vector.broadcast %reduce_sum3A_598 : i1 to vector<16xi1>
        %reduce_sum3A_600 = tpu.scan <sum>, %add3A_597 masked %reduce_sum3A_599 : vector<16xf32>, vector<16xi1> -> vector<16xf32>
        %reduce_sum3A_601 = vector.extract %reduce_sum3A_600[15] : f32 from vector<16xf32>
        %add3A_602 = arith.constant 0 : i32
        %add3A_603 = arith.addi %add3A_602, %add3A_555 : i32
        %broadcast_in_dim3A_604 = vector.broadcast %add3A_603 : i32 to vector<16xi32>
        %broadcast_in_dim3A_605 = vector.broadcast %reduce_sum3A_601 : f32 to vector<16xf32>
        tpu.vector_store_idx %arg14[%broadcast_in_dim3A_604], %broadcast_in_dim3A_605 masked %eq3A_4 : memref<400xf32, #tpu.memory_space<vmem>>[vector<16xi32>], vector<16xf32>, vector<16xi1>
        %mul3A_606 = arith.constant 40 : i32
        %mul3A_607 = arith.muli %scan3A_123, %mul3A_606 : i32
        %add3A_608 = arith.constant 9 : i32
        %add3A_609 = arith.addi %mul3A_607, %add3A_608 : i32
        %get3A_610 = arith.index_cast %add3A_609 : i32 to index
        %get3A_611 = arith.constant 0 : index
        %get3A_612 = tpu.vector_load %arg10[%get3A_610, %get3A_611] {strides = array<i32>} : memref<200x128xi32, #tpu.memory_space<vmem>>, vector<16xi32>,
        %bitcast3A_613 = vector.bitcast %get3A_612 : vector<16xi32> to vector<32xbf16>
        %get3A_614 = arith.index_cast %add3A_609 : i32 to index
        %get3A_615 = arith.constant 64 : index
        %get3A_616 = tpu.vector_load %arg11[%get3A_614, %get3A_615] {strides = array<i32>} : memref<200x128xi32, #tpu.memory_space<vmem>>, vector<16xi32>,
        %bitcast3A_617 = vector.bitcast %get3A_616 : vector<16xi32> to vector<32xbf16>
        %mul3A_618 = arith.mulf %bitcast3A_613, %bitcast3A_617 : vector<32xbf16>
        %get3A_619 = arith.index_cast %add3A_609 : i32 to index
        %get3A_620 = arith.constant 16 : index
        %get3A_621 = tpu.vector_load %arg10[%get3A_619, %get3A_620] {strides = array<i32>} : memref<200x128xi32, #tpu.memory_space<vmem>>, vector<16xi32>,
        %bitcast3A_622 = vector.bitcast %get3A_621 : vector<16xi32> to vector<32xbf16>
        %get3A_623 = arith.index_cast %add3A_609 : i32 to index
        %get3A_624 = arith.constant 80 : index
        %get3A_625 = tpu.vector_load %arg11[%get3A_623, %get3A_624] {strides = array<i32>} : memref<200x128xi32, #tpu.memory_space<vmem>>, vector<16xi32>,
        %bitcast3A_626 = vector.bitcast %get3A_625 : vector<16xi32> to vector<32xbf16>
        %mul3A_627 = arith.mulf %bitcast3A_622, %bitcast3A_626 : vector<32xbf16>
        %add3A_628 = arith.addf %mul3A_618, %mul3A_627 : vector<32xbf16>
        %get3A_629 = arith.index_cast %add3A_609 : i32 to index
        %get3A_630 = arith.constant 32 : index
        %get3A_631 = tpu.vector_load %arg10[%get3A_629, %get3A_630] {strides = array<i32>} : memref<200x128xi32, #tpu.memory_space<vmem>>, vector<16xi32>,
        %bitcast3A_632 = vector.bitcast %get3A_631 : vector<16xi32> to vector<32xbf16>
        %get3A_633 = arith.index_cast %add3A_609 : i32 to index
        %get3A_634 = arith.constant 96 : index
        %get3A_635 = tpu.vector_load %arg11[%get3A_633, %get3A_634] {strides = array<i32>} : memref<200x128xi32, #tpu.memory_space<vmem>>, vector<16xi32>,
        %bitcast3A_636 = vector.bitcast %get3A_635 : vector<16xi32> to vector<32xbf16>
        %mul3A_637 = arith.mulf %bitcast3A_632, %bitcast3A_636 : vector<32xbf16>
        %add3A_638 = arith.addf %add3A_628, %mul3A_637 : vector<32xbf16>
        %get3A_639 = arith.index_cast %add3A_609 : i32 to index
        %get3A_640 = arith.constant 48 : index
        %get3A_641 = tpu.vector_load %arg10[%get3A_639, %get3A_640] {strides = array<i32>} : memref<200x128xi32, #tpu.memory_space<vmem>>, vector<16xi32>,
        %bitcast3A_642 = vector.bitcast %get3A_641 : vector<16xi32> to vector<32xbf16>
        %get3A_643 = arith.index_cast %add3A_609 : i32 to index
        %get3A_644 = arith.constant 112 : index
        %get3A_645 = tpu.vector_load %arg11[%get3A_643, %get3A_644] {strides = array<i32>} : memref<200x128xi32, #tpu.memory_space<vmem>>, vector<16xi32>,
        %bitcast3A_646 = vector.bitcast %get3A_645 : vector<16xi32> to vector<32xbf16>
        %mul3A_647 = arith.mulf %bitcast3A_642, %bitcast3A_646 : vector<32xbf16>
        %add3A_648 = arith.addf %add3A_638, %mul3A_647 : vector<32xbf16>
        %unpack3A_649 = tpu.unpack_subelements %add3A_648, 0 {pack_format = #tpu.pack_format<interleaved>} : vector<32xbf16> -> vector<16xf32>
        %unpack3A_650 = tpu.unpack_subelements %add3A_648, 1 {pack_format = #tpu.pack_format<interleaved>} : vector<32xbf16> -> vector<16xf32>
        %add3A_651 = arith.addf %unpack3A_649, %unpack3A_650 : vector<16xf32>
        %reduce_sum3A_652 = arith.constant true
        %reduce_sum3A_653 = vector.broadcast %reduce_sum3A_652 : i1 to vector<16xi1>
        %reduce_sum3A_654 = tpu.scan <sum>, %add3A_651 masked %reduce_sum3A_653 : vector<16xf32>, vector<16xi1> -> vector<16xf32>
        %reduce_sum3A_655 = vector.extract %reduce_sum3A_654[15] : f32 from vector<16xf32>
        %add3A_656 = arith.constant 0 : i32
        %add3A_657 = arith.addi %add3A_656, %add3A_609 : i32
        %broadcast_in_dim3A_658 = vector.broadcast %add3A_657 : i32 to vector<16xi32>
        %broadcast_in_dim3A_659 = vector.broadcast %reduce_sum3A_655 : f32 to vector<16xf32>
        tpu.vector_store_idx %arg14[%broadcast_in_dim3A_658], %broadcast_in_dim3A_659 masked %eq3A_4 : memref<400xf32, #tpu.memory_space<vmem>>[vector<16xi32>], vector<16xf32>, vector<16xi1>
        %mul3A_660 = arith.constant 40 : i32
        %mul3A_661 = arith.muli %scan3A_123, %mul3A_660 : i32
        %add3A_662 = arith.constant 10 : i32
        %add3A_663 = arith.addi %mul3A_661, %add3A_662 : i32
        %get3A_664 = arith.index_cast %add3A_663 : i32 to index
        %get3A_665 = arith.constant 0 : index
        %get3A_666 = tpu.vector_load %arg10[%get3A_664, %get3A_665] {strides = array<i32>} : memref<200x128xi32, #tpu.memory_space<vmem>>, vector<16xi32>,
        %bitcast3A_667 = vector.bitcast %get3A_666 : vector<16xi32> to vector<32xbf16>
        %get3A_668 = arith.index_cast %add3A_663 : i32 to index
        %get3A_669 = arith.constant 64 : index
        %get3A_670 = tpu.vector_load %arg11[%get3A_668, %get3A_669] {strides = array<i32>} : memref<200x128xi32, #tpu.memory_space<vmem>>, vector<16xi32>,
        %bitcast3A_671 = vector.bitcast %get3A_670 : vector<16xi32> to vector<32xbf16>
        %mul3A_672 = arith.mulf %bitcast3A_667, %bitcast3A_671 : vector<32xbf16>
        %get3A_673 = arith.index_cast %add3A_663 : i32 to index
        %get3A_674 = arith.constant 16 : index
        %get3A_675 = tpu.vector_load %arg10[%get3A_673, %get3A_674] {strides = array<i32>} : memref<200x128xi32, #tpu.memory_space<vmem>>, vector<16xi32>,
        %bitcast3A_676 = vector.bitcast %get3A_675 : vector<16xi32> to vector<32xbf16>
        %get3A_677 = arith.index_cast %add3A_663 : i32 to index
        %get3A_678 = arith.constant 80 : index
        %get3A_679 = tpu.vector_load %arg11[%get3A_677, %get3A_678] {strides = array<i32>} : memref<200x128xi32, #tpu.memory_space<vmem>>, vector<16xi32>,
        %bitcast3A_680 = vector.bitcast %get3A_679 : vector<16xi32> to vector<32xbf16>
        %mul3A_681 = arith.mulf %bitcast3A_676, %bitcast3A_680 : vector<32xbf16>
        %add3A_682 = arith.addf %mul3A_672, %mul3A_681 : vector<32xbf16>
        %get3A_683 = arith.index_cast %add3A_663 : i32 to index
        %get3A_684 = arith.constant 32 : index
        %get3A_685 = tpu.vector_load %arg10[%get3A_683, %get3A_684] {strides = array<i32>} : memref<200x128xi32, #tpu.memory_space<vmem>>, vector<16xi32>,
        %bitcast3A_686 = vector.bitcast %get3A_685 : vector<16xi32> to vector<32xbf16>
        %get3A_687 = arith.index_cast %add3A_663 : i32 to index
        %get3A_688 = arith.constant 96 : index
        %get3A_689 = tpu.vector_load %arg11[%get3A_687, %get3A_688] {strides = array<i32>} : memref<200x128xi32, #tpu.memory_space<vmem>>, vector<16xi32>,
        %bitcast3A_690 = vector.bitcast %get3A_689 : vector<16xi32> to vector<32xbf16>
        %mul3A_691 = arith.mulf %bitcast3A_686, %bitcast3A_690 : vector<32xbf16>
        %add3A_692 = arith.addf %add3A_682, %mul3A_691 : vector<32xbf16>
        %get3A_693 = arith.index_cast %add3A_663 : i32 to index
        %get3A_694 = arith.constant 48 : index
        %get3A_695 = tpu.vector_load %arg10[%get3A_693, %get3A_694] {strides = array<i32>} : memref<200x128xi32, #tpu.memory_space<vmem>>, vector<16xi32>,
        %bitcast3A_696 = vector.bitcast %get3A_695 : vector<16xi32> to vector<32xbf16>
        %get3A_697 = arith.index_cast %add3A_663 : i32 to index
        %get3A_698 = arith.constant 112 : index
        %get3A_699 = tpu.vector_load %arg11[%get3A_697, %get3A_698] {strides = array<i32>} : memref<200x128xi32, #tpu.memory_space<vmem>>, vector<16xi32>,
        %bitcast3A_700 = vector.bitcast %get3A_699 : vector<16xi32> to vector<32xbf16>
        %mul3A_701 = arith.mulf %bitcast3A_696, %bitcast3A_700 : vector<32xbf16>
        %add3A_702 = arith.addf %add3A_692, %mul3A_701 : vector<32xbf16>
        %unpack3A_703 = tpu.unpack_subelements %add3A_702, 0 {pack_format = #tpu.pack_format<interleaved>} : vector<32xbf16> -> vector<16xf32>
        %unpack3A_704 = tpu.unpack_subelements %add3A_702, 1 {pack_format = #tpu.pack_format<interleaved>} : vector<32xbf16> -> vector<16xf32>
        %add3A_705 = arith.addf %unpack3A_703, %unpack3A_704 : vector<16xf32>
        %reduce_sum3A_706 = arith.constant true
        %reduce_sum3A_707 = vector.broadcast %reduce_sum3A_706 : i1 to vector<16xi1>
        %reduce_sum3A_708 = tpu.scan <sum>, %add3A_705 masked %reduce_sum3A_707 : vector<16xf32>, vector<16xi1> -> vector<16xf32>
        %reduce_sum3A_709 = vector.extract %reduce_sum3A_708[15] : f32 from vector<16xf32>
        %add3A_710 = arith.constant 0 : i32
        %add3A_711 = arith.addi %add3A_710, %add3A_663 : i32
        %broadcast_in_dim3A_712 = vector.broadcast %add3A_711 : i32 to vector<16xi32>
        %broadcast_in_dim3A_713 = vector.broadcast %reduce_sum3A_709 : f32 to vector<16xf32>
        tpu.vector_store_idx %arg14[%broadcast_in_dim3A_712], %broadcast_in_dim3A_713 masked %eq3A_4 : memref<400xf32, #tpu.memory_space<vmem>>[vector<16xi32>], vector<16xf32>, vector<16xi1>
        %mul3A_714 = arith.constant 40 : i32
        %mul3A_715 = arith.muli %scan3A_123, %mul3A_714 : i32
        %add3A_716 = arith.constant 11 : i32
        %add3A_717 = arith.addi %mul3A_715, %add3A_716 : i32
        %get3A_718 = arith.index_cast %add3A_717 : i32 to index
        %get3A_719 = arith.constant 0 : index
        %get3A_720 = tpu.vector_load %arg10[%get3A_718, %get3A_719] {strides = array<i32>} : memref<200x128xi32, #tpu.memory_space<vmem>>, vector<16xi32>,
        %bitcast3A_721 = vector.bitcast %get3A_720 : vector<16xi32> to vector<32xbf16>
        %get3A_722 = arith.index_cast %add3A_717 : i32 to index
        %get3A_723 = arith.constant 64 : index
        %get3A_724 = tpu.vector_load %arg11[%get3A_722, %get3A_723] {strides = array<i32>} : memref<200x128xi32, #tpu.memory_space<vmem>>, vector<16xi32>,
        %bitcast3A_725 = vector.bitcast %get3A_724 : vector<16xi32> to vector<32xbf16>
        %mul3A_726 = arith.mulf %bitcast3A_721, %bitcast3A_725 : vector<32xbf16>
        %get3A_727 = arith.index_cast %add3A_717 : i32 to index
        %get3A_728 = arith.constant 16 : index
        %get3A_729 = tpu.vector_load %arg10[%get3A_727, %get3A_728] {strides = array<i32>} : memref<200x128xi32, #tpu.memory_space<vmem>>, vector<16xi32>,
        %bitcast3A_730 = vector.bitcast %get3A_729 : vector<16xi32> to vector<32xbf16>
        %get3A_731 = arith.index_cast %add3A_717 : i32 to index
        %get3A_732 = arith.constant 80 : index
        %get3A_733 = tpu.vector_load %arg11[%get3A_731, %get3A_732] {strides = array<i32>} : memref<200x128xi32, #tpu.memory_space<vmem>>, vector<16xi32>,
        %bitcast3A_734 = vector.bitcast %get3A_733 : vector<16xi32> to vector<32xbf16>
        %mul3A_735 = arith.mulf %bitcast3A_730, %bitcast3A_734 : vector<32xbf16>
        %add3A_736 = arith.addf %mul3A_726, %mul3A_735 : vector<32xbf16>
        %get3A_737 = arith.index_cast %add3A_717 : i32 to index
        %get3A_738 = arith.constant 32 : index
        %get3A_739 = tpu.vector_load %arg10[%get3A_737, %get3A_738] {strides = array<i32>} : memref<200x128xi32, #tpu.memory_space<vmem>>, vector<16xi32>,
        %bitcast3A_740 = vector.bitcast %get3A_739 : vector<16xi32> to vector<32xbf16>
        %get3A_741 = arith.index_cast %add3A_717 : i32 to index
        %get3A_742 = arith.constant 96 : index
        %get3A_743 = tpu.vector_load %arg11[%get3A_741, %get3A_742] {strides = array<i32>} : memref<200x128xi32, #tpu.memory_space<vmem>>, vector<16xi32>,
        %bitcast3A_744 = vector.bitcast %get3A_743 : vector<16xi32> to vector<32xbf16>
        %mul3A_745 = arith.mulf %bitcast3A_740, %bitcast3A_744 : vector<32xbf16>
        %add3A_746 = arith.addf %add3A_736, %mul3A_745 : vector<32xbf16>
        %get3A_747 = arith.index_cast %add3A_717 : i32 to index
        %get3A_748 = arith.constant 48 : index
        %get3A_749 = tpu.vector_load %arg10[%get3A_747, %get3A_748] {strides = array<i32>} : memref<200x128xi32, #tpu.memory_space<vmem>>, vector<16xi32>,
        %bitcast3A_750 = vector.bitcast %get3A_749 : vector<16xi32> to vector<32xbf16>
        %get3A_751 = arith.index_cast %add3A_717 : i32 to index
        %get3A_752 = arith.constant 112 : index
        %get3A_753 = tpu.vector_load %arg11[%get3A_751, %get3A_752] {strides = array<i32>} : memref<200x128xi32, #tpu.memory_space<vmem>>, vector<16xi32>,
        %bitcast3A_754 = vector.bitcast %get3A_753 : vector<16xi32> to vector<32xbf16>
        %mul3A_755 = arith.mulf %bitcast3A_750, %bitcast3A_754 : vector<32xbf16>
        %add3A_756 = arith.addf %add3A_746, %mul3A_755 : vector<32xbf16>
        %unpack3A_757 = tpu.unpack_subelements %add3A_756, 0 {pack_format = #tpu.pack_format<interleaved>} : vector<32xbf16> -> vector<16xf32>
        %unpack3A_758 = tpu.unpack_subelements %add3A_756, 1 {pack_format = #tpu.pack_format<interleaved>} : vector<32xbf16> -> vector<16xf32>
        %add3A_759 = arith.addf %unpack3A_757, %unpack3A_758 : vector<16xf32>
        %reduce_sum3A_760 = arith.constant true
        %reduce_sum3A_761 = vector.broadcast %reduce_sum3A_760 : i1 to vector<16xi1>
        %reduce_sum3A_762 = tpu.scan <sum>, %add3A_759 masked %reduce_sum3A_761 : vector<16xf32>, vector<16xi1> -> vector<16xf32>
        %reduce_sum3A_763 = vector.extract %reduce_sum3A_762[15] : f32 from vector<16xf32>
        %add3A_764 = arith.constant 0 : i32
        %add3A_765 = arith.addi %add3A_764, %add3A_717 : i32
        %broadcast_in_dim3A_766 = vector.broadcast %add3A_765 : i32 to vector<16xi32>
        %broadcast_in_dim3A_767 = vector.broadcast %reduce_sum3A_763 : f32 to vector<16xf32>
        tpu.vector_store_idx %arg14[%broadcast_in_dim3A_766], %broadcast_in_dim3A_767 masked %eq3A_4 : memref<400xf32, #tpu.memory_space<vmem>>[vector<16xi32>], vector<16xf32>, vector<16xi1>
        %mul3A_768 = arith.constant 40 : i32
        %mul3A_769 = arith.muli %scan3A_123, %mul3A_768 : i32
        %add3A_770 = arith.constant 12 : i32
        %add3A_771 = arith.addi %mul3A_769, %add3A_770 : i32
        %get3A_772 = arith.index_cast %add3A_771 : i32 to index
        %get3A_773 = arith.constant 0 : index
        %get3A_774 = tpu.vector_load %arg10[%get3A_772, %get3A_773] {strides = array<i32>} : memref<200x128xi32, #tpu.memory_space<vmem>>, vector<16xi32>,
        %bitcast3A_775 = vector.bitcast %get3A_774 : vector<16xi32> to vector<32xbf16>
        %get3A_776 = arith.index_cast %add3A_771 : i32 to index
        %get3A_777 = arith.constant 64 : index
        %get3A_778 = tpu.vector_load %arg11[%get3A_776, %get3A_777] {strides = array<i32>} : memref<200x128xi32, #tpu.memory_space<vmem>>, vector<16xi32>,
        %bitcast3A_779 = vector.bitcast %get3A_778 : vector<16xi32> to vector<32xbf16>
        %mul3A_780 = arith.mulf %bitcast3A_775, %bitcast3A_779 : vector<32xbf16>
        %get3A_781 = arith.index_cast %add3A_771 : i32 to index
        %get3A_782 = arith.constant 16 : index
        %get3A_783 = tpu.vector_load %arg10[%get3A_781, %get3A_782] {strides = array<i32>} : memref<200x128xi32, #tpu.memory_space<vmem>>, vector<16xi32>,
        %bitcast3A_784 = vector.bitcast %get3A_783 : vector<16xi32> to vector<32xbf16>
        %get3A_785 = arith.index_cast %add3A_771 : i32 to index
        %get3A_786 = arith.constant 80 : index
        %get3A_787 = tpu.vector_load %arg11[%get3A_785, %get3A_786] {strides = array<i32>} : memref<200x128xi32, #tpu.memory_space<vmem>>, vector<16xi32>,
        %bitcast3A_788 = vector.bitcast %get3A_787 : vector<16xi32> to vector<32xbf16>
        %mul3A_789 = arith.mulf %bitcast3A_784, %bitcast3A_788 : vector<32xbf16>
        %add3A_790 = arith.addf %mul3A_780, %mul3A_789 : vector<32xbf16>
        %get3A_791 = arith.index_cast %add3A_771 : i32 to index
        %get3A_792 = arith.constant 32 : index
        %get3A_793 = tpu.vector_load %arg10[%get3A_791, %get3A_792] {strides = array<i32>} : memref<200x128xi32, #tpu.memory_space<vmem>>, vector<16xi32>,
        %bitcast3A_794 = vector.bitcast %get3A_793 : vector<16xi32> to vector<32xbf16>
        %get3A_795 = arith.index_cast %add3A_771 : i32 to index
        %get3A_796 = arith.constant 96 : index
        %get3A_797 = tpu.vector_load %arg11[%get3A_795, %get3A_796] {strides = array<i32>} : memref<200x128xi32, #tpu.memory_space<vmem>>, vector<16xi32>,
        %bitcast3A_798 = vector.bitcast %get3A_797 : vector<16xi32> to vector<32xbf16>
        %mul3A_799 = arith.mulf %bitcast3A_794, %bitcast3A_798 : vector<32xbf16>
        %add3A_800 = arith.addf %add3A_790, %mul3A_799 : vector<32xbf16>
        %get3A_801 = arith.index_cast %add3A_771 : i32 to index
        %get3A_802 = arith.constant 48 : index
        %get3A_803 = tpu.vector_load %arg10[%get3A_801, %get3A_802] {strides = array<i32>} : memref<200x128xi32, #tpu.memory_space<vmem>>, vector<16xi32>,
        %bitcast3A_804 = vector.bitcast %get3A_803 : vector<16xi32> to vector<32xbf16>
        %get3A_805 = arith.index_cast %add3A_771 : i32 to index
        %get3A_806 = arith.constant 112 : index
        %get3A_807 = tpu.vector_load %arg11[%get3A_805, %get3A_806] {strides = array<i32>} : memref<200x128xi32, #tpu.memory_space<vmem>>, vector<16xi32>,
        %bitcast3A_808 = vector.bitcast %get3A_807 : vector<16xi32> to vector<32xbf16>
        %mul3A_809 = arith.mulf %bitcast3A_804, %bitcast3A_808 : vector<32xbf16>
        %add3A_810 = arith.addf %add3A_800, %mul3A_809 : vector<32xbf16>
        %unpack3A_811 = tpu.unpack_subelements %add3A_810, 0 {pack_format = #tpu.pack_format<interleaved>} : vector<32xbf16> -> vector<16xf32>
        %unpack3A_812 = tpu.unpack_subelements %add3A_810, 1 {pack_format = #tpu.pack_format<interleaved>} : vector<32xbf16> -> vector<16xf32>
        %add3A_813 = arith.addf %unpack3A_811, %unpack3A_812 : vector<16xf32>
        %reduce_sum3A_814 = arith.constant true
        %reduce_sum3A_815 = vector.broadcast %reduce_sum3A_814 : i1 to vector<16xi1>
        %reduce_sum3A_816 = tpu.scan <sum>, %add3A_813 masked %reduce_sum3A_815 : vector<16xf32>, vector<16xi1> -> vector<16xf32>
        %reduce_sum3A_817 = vector.extract %reduce_sum3A_816[15] : f32 from vector<16xf32>
        %add3A_818 = arith.constant 0 : i32
        %add3A_819 = arith.addi %add3A_818, %add3A_771 : i32
        %broadcast_in_dim3A_820 = vector.broadcast %add3A_819 : i32 to vector<16xi32>
        %broadcast_in_dim3A_821 = vector.broadcast %reduce_sum3A_817 : f32 to vector<16xf32>
        tpu.vector_store_idx %arg14[%broadcast_in_dim3A_820], %broadcast_in_dim3A_821 masked %eq3A_4 : memref<400xf32, #tpu.memory_space<vmem>>[vector<16xi32>], vector<16xf32>, vector<16xi1>
        %mul3A_822 = arith.constant 40 : i32
        %mul3A_823 = arith.muli %scan3A_123, %mul3A_822 : i32
        %add3A_824 = arith.constant 13 : i32
        %add3A_825 = arith.addi %mul3A_823, %add3A_824 : i32
        %get3A_826 = arith.index_cast %add3A_825 : i32 to index
        %get3A_827 = arith.constant 0 : index
        %get3A_828 = tpu.vector_load %arg10[%get3A_826, %get3A_827] {strides = array<i32>} : memref<200x128xi32, #tpu.memory_space<vmem>>, vector<16xi32>,
        %bitcast3A_829 = vector.bitcast %get3A_828 : vector<16xi32> to vector<32xbf16>
        %get3A_830 = arith.index_cast %add3A_825 : i32 to index
        %get3A_831 = arith.constant 64 : index
        %get3A_832 = tpu.vector_load %arg11[%get3A_830, %get3A_831] {strides = array<i32>} : memref<200x128xi32, #tpu.memory_space<vmem>>, vector<16xi32>,
        %bitcast3A_833 = vector.bitcast %get3A_832 : vector<16xi32> to vector<32xbf16>
        %mul3A_834 = arith.mulf %bitcast3A_829, %bitcast3A_833 : vector<32xbf16>
        %get3A_835 = arith.index_cast %add3A_825 : i32 to index
        %get3A_836 = arith.constant 16 : index
        %get3A_837 = tpu.vector_load %arg10[%get3A_835, %get3A_836] {strides = array<i32>} : memref<200x128xi32, #tpu.memory_space<vmem>>, vector<16xi32>,
        %bitcast3A_838 = vector.bitcast %get3A_837 : vector<16xi32> to vector<32xbf16>
        %get3A_839 = arith.index_cast %add3A_825 : i32 to index
        %get3A_840 = arith.constant 80 : index
        %get3A_841 = tpu.vector_load %arg11[%get3A_839, %get3A_840] {strides = array<i32>} : memref<200x128xi32, #tpu.memory_space<vmem>>, vector<16xi32>,
        %bitcast3A_842 = vector.bitcast %get3A_841 : vector<16xi32> to vector<32xbf16>
        %mul3A_843 = arith.mulf %bitcast3A_838, %bitcast3A_842 : vector<32xbf16>
        %add3A_844 = arith.addf %mul3A_834, %mul3A_843 : vector<32xbf16>
        %get3A_845 = arith.index_cast %add3A_825 : i32 to index
        %get3A_846 = arith.constant 32 : index
        %get3A_847 = tpu.vector_load %arg10[%get3A_845, %get3A_846] {strides = array<i32>} : memref<200x128xi32, #tpu.memory_space<vmem>>, vector<16xi32>,
        %bitcast3A_848 = vector.bitcast %get3A_847 : vector<16xi32> to vector<32xbf16>
        %get3A_849 = arith.index_cast %add3A_825 : i32 to index
        %get3A_850 = arith.constant 96 : index
        %get3A_851 = tpu.vector_load %arg11[%get3A_849, %get3A_850] {strides = array<i32>} : memref<200x128xi32, #tpu.memory_space<vmem>>, vector<16xi32>,
        %bitcast3A_852 = vector.bitcast %get3A_851 : vector<16xi32> to vector<32xbf16>
        %mul3A_853 = arith.mulf %bitcast3A_848, %bitcast3A_852 : vector<32xbf16>
        %add3A_854 = arith.addf %add3A_844, %mul3A_853 : vector<32xbf16>
        %get3A_855 = arith.index_cast %add3A_825 : i32 to index
        %get3A_856 = arith.constant 48 : index
        %get3A_857 = tpu.vector_load %arg10[%get3A_855, %get3A_856] {strides = array<i32>} : memref<200x128xi32, #tpu.memory_space<vmem>>, vector<16xi32>,
        %bitcast3A_858 = vector.bitcast %get3A_857 : vector<16xi32> to vector<32xbf16>
        %get3A_859 = arith.index_cast %add3A_825 : i32 to index
        %get3A_860 = arith.constant 112 : index
        %get3A_861 = tpu.vector_load %arg11[%get3A_859, %get3A_860] {strides = array<i32>} : memref<200x128xi32, #tpu.memory_space<vmem>>, vector<16xi32>,
        %bitcast3A_862 = vector.bitcast %get3A_861 : vector<16xi32> to vector<32xbf16>
        %mul3A_863 = arith.mulf %bitcast3A_858, %bitcast3A_862 : vector<32xbf16>
        %add3A_864 = arith.addf %add3A_854, %mul3A_863 : vector<32xbf16>
        %unpack3A_865 = tpu.unpack_subelements %add3A_864, 0 {pack_format = #tpu.pack_format<interleaved>} : vector<32xbf16> -> vector<16xf32>
        %unpack3A_866 = tpu.unpack_subelements %add3A_864, 1 {pack_format = #tpu.pack_format<interleaved>} : vector<32xbf16> -> vector<16xf32>
        %add3A_867 = arith.addf %unpack3A_865, %unpack3A_866 : vector<16xf32>
        %reduce_sum3A_868 = arith.constant true
        %reduce_sum3A_869 = vector.broadcast %reduce_sum3A_868 : i1 to vector<16xi1>
        %reduce_sum3A_870 = tpu.scan <sum>, %add3A_867 masked %reduce_sum3A_869 : vector<16xf32>, vector<16xi1> -> vector<16xf32>
        %reduce_sum3A_871 = vector.extract %reduce_sum3A_870[15] : f32 from vector<16xf32>
        %add3A_872 = arith.constant 0 : i32
        %add3A_873 = arith.addi %add3A_872, %add3A_825 : i32
        %broadcast_in_dim3A_874 = vector.broadcast %add3A_873 : i32 to vector<16xi32>
        %broadcast_in_dim3A_875 = vector.broadcast %reduce_sum3A_871 : f32 to vector<16xf32>
        tpu.vector_store_idx %arg14[%broadcast_in_dim3A_874], %broadcast_in_dim3A_875 masked %eq3A_4 : memref<400xf32, #tpu.memory_space<vmem>>[vector<16xi32>], vector<16xf32>, vector<16xi1>
        %mul3A_876 = arith.constant 40 : i32
        %mul3A_877 = arith.muli %scan3A_123, %mul3A_876 : i32
        %add3A_878 = arith.constant 14 : i32
        %add3A_879 = arith.addi %mul3A_877, %add3A_878 : i32
        %get3A_880 = arith.index_cast %add3A_879 : i32 to index
        %get3A_881 = arith.constant 0 : index
        %get3A_882 = tpu.vector_load %arg10[%get3A_880, %get3A_881] {strides = array<i32>} : memref<200x128xi32, #tpu.memory_space<vmem>>, vector<16xi32>,
        %bitcast3A_883 = vector.bitcast %get3A_882 : vector<16xi32> to vector<32xbf16>
        %get3A_884 = arith.index_cast %add3A_879 : i32 to index
        %get3A_885 = arith.constant 64 : index
        %get3A_886 = tpu.vector_load %arg11[%get3A_884, %get3A_885] {strides = array<i32>} : memref<200x128xi32, #tpu.memory_space<vmem>>, vector<16xi32>,
        %bitcast3A_887 = vector.bitcast %get3A_886 : vector<16xi32> to vector<32xbf16>
        %mul3A_888 = arith.mulf %bitcast3A_883, %bitcast3A_887 : vector<32xbf16>
        %get3A_889 = arith.index_cast %add3A_879 : i32 to index
        %get3A_890 = arith.constant 16 : index
        %get3A_891 = tpu.vector_load %arg10[%get3A_889, %get3A_890] {strides = array<i32>} : memref<200x128xi32, #tpu.memory_space<vmem>>, vector<16xi32>,
        %bitcast3A_892 = vector.bitcast %get3A_891 : vector<16xi32> to vector<32xbf16>
        %get3A_893 = arith.index_cast %add3A_879 : i32 to index
        %get3A_894 = arith.constant 80 : index
        %get3A_895 = tpu.vector_load %arg11[%get3A_893, %get3A_894] {strides = array<i32>} : memref<200x128xi32, #tpu.memory_space<vmem>>, vector<16xi32>,
        %bitcast3A_896 = vector.bitcast %get3A_895 : vector<16xi32> to vector<32xbf16>
        %mul3A_897 = arith.mulf %bitcast3A_892, %bitcast3A_896 : vector<32xbf16>
        %add3A_898 = arith.addf %mul3A_888, %mul3A_897 : vector<32xbf16>
        %get3A_899 = arith.index_cast %add3A_879 : i32 to index
        %get3A_900 = arith.constant 32 : index
        %get3A_901 = tpu.vector_load %arg10[%get3A_899, %get3A_900] {strides = array<i32>} : memref<200x128xi32, #tpu.memory_space<vmem>>, vector<16xi32>,
        %bitcast3A_902 = vector.bitcast %get3A_901 : vector<16xi32> to vector<32xbf16>
        %get3A_903 = arith.index_cast %add3A_879 : i32 to index
        %get3A_904 = arith.constant 96 : index
        %get3A_905 = tpu.vector_load %arg11[%get3A_903, %get3A_904] {strides = array<i32>} : memref<200x128xi32, #tpu.memory_space<vmem>>, vector<16xi32>,
        %bitcast3A_906 = vector.bitcast %get3A_905 : vector<16xi32> to vector<32xbf16>
        %mul3A_907 = arith.mulf %bitcast3A_902, %bitcast3A_906 : vector<32xbf16>
        %add3A_908 = arith.addf %add3A_898, %mul3A_907 : vector<32xbf16>
        %get3A_909 = arith.index_cast %add3A_879 : i32 to index
        %get3A_910 = arith.constant 48 : index
        %get3A_911 = tpu.vector_load %arg10[%get3A_909, %get3A_910] {strides = array<i32>} : memref<200x128xi32, #tpu.memory_space<vmem>>, vector<16xi32>,
        %bitcast3A_912 = vector.bitcast %get3A_911 : vector<16xi32> to vector<32xbf16>
        %get3A_913 = arith.index_cast %add3A_879 : i32 to index
        %get3A_914 = arith.constant 112 : index
        %get3A_915 = tpu.vector_load %arg11[%get3A_913, %get3A_914] {strides = array<i32>} : memref<200x128xi32, #tpu.memory_space<vmem>>, vector<16xi32>,
        %bitcast3A_916 = vector.bitcast %get3A_915 : vector<16xi32> to vector<32xbf16>
        %mul3A_917 = arith.mulf %bitcast3A_912, %bitcast3A_916 : vector<32xbf16>
        %add3A_918 = arith.addf %add3A_908, %mul3A_917 : vector<32xbf16>
        %unpack3A_919 = tpu.unpack_subelements %add3A_918, 0 {pack_format = #tpu.pack_format<interleaved>} : vector<32xbf16> -> vector<16xf32>
        %unpack3A_920 = tpu.unpack_subelements %add3A_918, 1 {pack_format = #tpu.pack_format<interleaved>} : vector<32xbf16> -> vector<16xf32>
        %add3A_921 = arith.addf %unpack3A_919, %unpack3A_920 : vector<16xf32>
        %reduce_sum3A_922 = arith.constant true
        %reduce_sum3A_923 = vector.broadcast %reduce_sum3A_922 : i1 to vector<16xi1>
        %reduce_sum3A_924 = tpu.scan <sum>, %add3A_921 masked %reduce_sum3A_923 : vector<16xf32>, vector<16xi1> -> vector<16xf32>
        %reduce_sum3A_925 = vector.extract %reduce_sum3A_924[15] : f32 from vector<16xf32>
        %add3A_926 = arith.constant 0 : i32
        %add3A_927 = arith.addi %add3A_926, %add3A_879 : i32
        %broadcast_in_dim3A_928 = vector.broadcast %add3A_927 : i32 to vector<16xi32>
        %broadcast_in_dim3A_929 = vector.broadcast %reduce_sum3A_925 : f32 to vector<16xf32>
        tpu.vector_store_idx %arg14[%broadcast_in_dim3A_928], %broadcast_in_dim3A_929 masked %eq3A_4 : memref<400xf32, #tpu.memory_space<vmem>>[vector<16xi32>], vector<16xf32>, vector<16xi1>
        %mul3A_930 = arith.constant 40 : i32
        %mul3A_931 = arith.muli %scan3A_123, %mul3A_930 : i32
        %add3A_932 = arith.constant 15 : i32
        %add3A_933 = arith.addi %mul3A_931, %add3A_932 : i32
        %get3A_934 = arith.index_cast %add3A_933 : i32 to index
        %get3A_935 = arith.constant 0 : index
        %get3A_936 = tpu.vector_load %arg10[%get3A_934, %get3A_935] {strides = array<i32>} : memref<200x128xi32, #tpu.memory_space<vmem>>, vector<16xi32>,
        %bitcast3A_937 = vector.bitcast %get3A_936 : vector<16xi32> to vector<32xbf16>
        %get3A_938 = arith.index_cast %add3A_933 : i32 to index
        %get3A_939 = arith.constant 64 : index
        %get3A_940 = tpu.vector_load %arg11[%get3A_938, %get3A_939] {strides = array<i32>} : memref<200x128xi32, #tpu.memory_space<vmem>>, vector<16xi32>,
        %bitcast3A_941 = vector.bitcast %get3A_940 : vector<16xi32> to vector<32xbf16>
        %mul3A_942 = arith.mulf %bitcast3A_937, %bitcast3A_941 : vector<32xbf16>
        %get3A_943 = arith.index_cast %add3A_933 : i32 to index
        %get3A_944 = arith.constant 16 : index
        %get3A_945 = tpu.vector_load %arg10[%get3A_943, %get3A_944] {strides = array<i32>} : memref<200x128xi32, #tpu.memory_space<vmem>>, vector<16xi32>,
        %bitcast3A_946 = vector.bitcast %get3A_945 : vector<16xi32> to vector<32xbf16>
        %get3A_947 = arith.index_cast %add3A_933 : i32 to index
        %get3A_948 = arith.constant 80 : index
        %get3A_949 = tpu.vector_load %arg11[%get3A_947, %get3A_948] {strides = array<i32>} : memref<200x128xi32, #tpu.memory_space<vmem>>, vector<16xi32>,
        %bitcast3A_950 = vector.bitcast %get3A_949 : vector<16xi32> to vector<32xbf16>
        %mul3A_951 = arith.mulf %bitcast3A_946, %bitcast3A_950 : vector<32xbf16>
        %add3A_952 = arith.addf %mul3A_942, %mul3A_951 : vector<32xbf16>
        %get3A_953 = arith.index_cast %add3A_933 : i32 to index
        %get3A_954 = arith.constant 32 : index
        %get3A_955 = tpu.vector_load %arg10[%get3A_953, %get3A_954] {strides = array<i32>} : memref<200x128xi32, #tpu.memory_space<vmem>>, vector<16xi32>,
        %bitcast3A_956 = vector.bitcast %get3A_955 : vector<16xi32> to vector<32xbf16>
        %get3A_957 = arith.index_cast %add3A_933 : i32 to index
        %get3A_958 = arith.constant 96 : index
        %get3A_959 = tpu.vector_load %arg11[%get3A_957, %get3A_958] {strides = array<i32>} : memref<200x128xi32, #tpu.memory_space<vmem>>, vector<16xi32>,
        %bitcast3A_960 = vector.bitcast %get3A_959 : vector<16xi32> to vector<32xbf16>
        %mul3A_961 = arith.mulf %bitcast3A_956, %bitcast3A_960 : vector<32xbf16>
        %add3A_962 = arith.addf %add3A_952, %mul3A_961 : vector<32xbf16>
        %get3A_963 = arith.index_cast %add3A_933 : i32 to index
        %get3A_964 = arith.constant 48 : index
        %get3A_965 = tpu.vector_load %arg10[%get3A_963, %get3A_964] {strides = array<i32>} : memref<200x128xi32, #tpu.memory_space<vmem>>, vector<16xi32>,
        %bitcast3A_966 = vector.bitcast %get3A_965 : vector<16xi32> to vector<32xbf16>
        %get3A_967 = arith.index_cast %add3A_933 : i32 to index
        %get3A_968 = arith.constant 112 : index
        %get3A_969 = tpu.vector_load %arg11[%get3A_967, %get3A_968] {strides = array<i32>} : memref<200x128xi32, #tpu.memory_space<vmem>>, vector<16xi32>,
        %bitcast3A_970 = vector.bitcast %get3A_969 : vector<16xi32> to vector<32xbf16>
        %mul3A_971 = arith.mulf %bitcast3A_966, %bitcast3A_970 : vector<32xbf16>
        %add3A_972 = arith.addf %add3A_962, %mul3A_971 : vector<32xbf16>
        %unpack3A_973 = tpu.unpack_subelements %add3A_972, 0 {pack_format = #tpu.pack_format<interleaved>} : vector<32xbf16> -> vector<16xf32>
        %unpack3A_974 = tpu.unpack_subelements %add3A_972, 1 {pack_format = #tpu.pack_format<interleaved>} : vector<32xbf16> -> vector<16xf32>
        %add3A_975 = arith.addf %unpack3A_973, %unpack3A_974 : vector<16xf32>
        %reduce_sum3A_976 = arith.constant true
        %reduce_sum3A_977 = vector.broadcast %reduce_sum3A_976 : i1 to vector<16xi1>
        %reduce_sum3A_978 = tpu.scan <sum>, %add3A_975 masked %reduce_sum3A_977 : vector<16xf32>, vector<16xi1> -> vector<16xf32>
        %reduce_sum3A_979 = vector.extract %reduce_sum3A_978[15] : f32 from vector<16xf32>
        %add3A_980 = arith.constant 0 : i32
        %add3A_981 = arith.addi %add3A_980, %add3A_933 : i32
        %broadcast_in_dim3A_982 = vector.broadcast %add3A_981 : i32 to vector<16xi32>
        %broadcast_in_dim3A_983 = vector.broadcast %reduce_sum3A_979 : f32 to vector<16xf32>
        tpu.vector_store_idx %arg14[%broadcast_in_dim3A_982], %broadcast_in_dim3A_983 masked %eq3A_4 : memref<400xf32, #tpu.memory_space<vmem>>[vector<16xi32>], vector<16xf32>, vector<16xi1>
        %mul3A_984 = arith.constant 40 : i32
        %mul3A_985 = arith.muli %scan3A_123, %mul3A_984 : i32
        %add3A_986 = arith.constant 16 : i32
        %add3A_987 = arith.addi %mul3A_985, %add3A_986 : i32
        %get3A_988 = arith.index_cast %add3A_987 : i32 to index
        %get3A_989 = arith.constant 0 : index
        %get3A_990 = tpu.vector_load %arg10[%get3A_988, %get3A_989] {strides = array<i32>} : memref<200x128xi32, #tpu.memory_space<vmem>>, vector<16xi32>,
        %bitcast3A_991 = vector.bitcast %get3A_990 : vector<16xi32> to vector<32xbf16>
        %get3A_992 = arith.index_cast %add3A_987 : i32 to index
        %get3A_993 = arith.constant 64 : index
        %get3A_994 = tpu.vector_load %arg11[%get3A_992, %get3A_993] {strides = array<i32>} : memref<200x128xi32, #tpu.memory_space<vmem>>, vector<16xi32>,
        %bitcast3A_995 = vector.bitcast %get3A_994 : vector<16xi32> to vector<32xbf16>
        %mul3A_996 = arith.mulf %bitcast3A_991, %bitcast3A_995 : vector<32xbf16>
        %get3A_997 = arith.index_cast %add3A_987 : i32 to index
        %get3A_998 = arith.constant 16 : index
        %get3A_999 = tpu.vector_load %arg10[%get3A_997, %get3A_998] {strides = array<i32>} : memref<200x128xi32, #tpu.memory_space<vmem>>, vector<16xi32>,
        %bitcast3A_1000 = vector.bitcast %get3A_999 : vector<16xi32> to vector<32xbf16>
        %get3A_1001 = arith.index_cast %add3A_987 : i32 to index
        %get3A_1002 = arith.constant 80 : index
        %get3A_1003 = tpu.vector_load %arg11[%get3A_1001, %get3A_1002] {strides = array<i32>} : memref<200x128xi32, #tpu.memory_space<vmem>>, vector<16xi32>,
        %bitcast3A_1004 = vector.bitcast %get3A_1003 : vector<16xi32> to vector<32xbf16>
        %mul3A_1005 = arith.mulf %bitcast3A_1000, %bitcast3A_1004 : vector<32xbf16>
        %add3A_1006 = arith.addf %mul3A_996, %mul3A_1005 : vector<32xbf16>
        %get3A_1007 = arith.index_cast %add3A_987 : i32 to index
        %get3A_1008 = arith.constant 32 : index
        %get3A_1009 = tpu.vector_load %arg10[%get3A_1007, %get3A_1008] {strides = array<i32>} : memref<200x128xi32, #tpu.memory_space<vmem>>, vector<16xi32>,
        %bitcast3A_1010 = vector.bitcast %get3A_1009 : vector<16xi32> to vector<32xbf16>
        %get3A_1011 = arith.index_cast %add3A_987 : i32 to index
        %get3A_1012 = arith.constant 96 : index
        %get3A_1013 = tpu.vector_load %arg11[%get3A_1011, %get3A_1012] {strides = array<i32>} : memref<200x128xi32, #tpu.memory_space<vmem>>, vector<16xi32>,
        %bitcast3A_1014 = vector.bitcast %get3A_1013 : vector<16xi32> to vector<32xbf16>
        %mul3A_1015 = arith.mulf %bitcast3A_1010, %bitcast3A_1014 : vector<32xbf16>
        %add3A_1016 = arith.addf %add3A_1006, %mul3A_1015 : vector<32xbf16>
        %get3A_1017 = arith.index_cast %add3A_987 : i32 to index
        %get3A_1018 = arith.constant 48 : index
        %get3A_1019 = tpu.vector_load %arg10[%get3A_1017, %get3A_1018] {strides = array<i32>} : memref<200x128xi32, #tpu.memory_space<vmem>>, vector<16xi32>,
        %bitcast3A_1020 = vector.bitcast %get3A_1019 : vector<16xi32> to vector<32xbf16>
        %get3A_1021 = arith.index_cast %add3A_987 : i32 to index
        %get3A_1022 = arith.constant 112 : index
        %get3A_1023 = tpu.vector_load %arg11[%get3A_1021, %get3A_1022] {strides = array<i32>} : memref<200x128xi32, #tpu.memory_space<vmem>>, vector<16xi32>,
        %bitcast3A_1024 = vector.bitcast %get3A_1023 : vector<16xi32> to vector<32xbf16>
        %mul3A_1025 = arith.mulf %bitcast3A_1020, %bitcast3A_1024 : vector<32xbf16>
        %add3A_1026 = arith.addf %add3A_1016, %mul3A_1025 : vector<32xbf16>
        %unpack3A_1027 = tpu.unpack_subelements %add3A_1026, 0 {pack_format = #tpu.pack_format<interleaved>} : vector<32xbf16> -> vector<16xf32>
        %unpack3A_1028 = tpu.unpack_subelements %add3A_1026, 1 {pack_format = #tpu.pack_format<interleaved>} : vector<32xbf16> -> vector<16xf32>
        %add3A_1029 = arith.addf %unpack3A_1027, %unpack3A_1028 : vector<16xf32>
        %reduce_sum3A_1030 = arith.constant true
        %reduce_sum3A_1031 = vector.broadcast %reduce_sum3A_1030 : i1 to vector<16xi1>
        %reduce_sum3A_1032 = tpu.scan <sum>, %add3A_1029 masked %reduce_sum3A_1031 : vector<16xf32>, vector<16xi1> -> vector<16xf32>
        %reduce_sum3A_1033 = vector.extract %reduce_sum3A_1032[15] : f32 from vector<16xf32>
        %add3A_1034 = arith.constant 0 : i32
        %add3A_1035 = arith.addi %add3A_1034, %add3A_987 : i32
        %broadcast_in_dim3A_1036 = vector.broadcast %add3A_1035 : i32 to vector<16xi32>
        %broadcast_in_dim3A_1037 = vector.broadcast %reduce_sum3A_1033 : f32 to vector<16xf32>
        tpu.vector_store_idx %arg14[%broadcast_in_dim3A_1036], %broadcast_in_dim3A_1037 masked %eq3A_4 : memref<400xf32, #tpu.memory_space<vmem>>[vector<16xi32>], vector<16xf32>, vector<16xi1>
        %mul3A_1038 = arith.constant 40 : i32
        %mul3A_1039 = arith.muli %scan3A_123, %mul3A_1038 : i32
        %add3A_1040 = arith.constant 17 : i32
        %add3A_1041 = arith.addi %mul3A_1039, %add3A_1040 : i32
        %get3A_1042 = arith.index_cast %add3A_1041 : i32 to index
        %get3A_1043 = arith.constant 0 : index
        %get3A_1044 = tpu.vector_load %arg10[%get3A_1042, %get3A_1043] {strides = array<i32>} : memref<200x128xi32, #tpu.memory_space<vmem>>, vector<16xi32>,
        %bitcast3A_1045 = vector.bitcast %get3A_1044 : vector<16xi32> to vector<32xbf16>
        %get3A_1046 = arith.index_cast %add3A_1041 : i32 to index
        %get3A_1047 = arith.constant 64 : index
        %get3A_1048 = tpu.vector_load %arg11[%get3A_1046, %get3A_1047] {strides = array<i32>} : memref<200x128xi32, #tpu.memory_space<vmem>>, vector<16xi32>,
        %bitcast3A_1049 = vector.bitcast %get3A_1048 : vector<16xi32> to vector<32xbf16>
        %mul3A_1050 = arith.mulf %bitcast3A_1045, %bitcast3A_1049 : vector<32xbf16>
        %get3A_1051 = arith.index_cast %add3A_1041 : i32 to index
        %get3A_1052 = arith.constant 16 : index
        %get3A_1053 = tpu.vector_load %arg10[%get3A_1051, %get3A_1052] {strides = array<i32>} : memref<200x128xi32, #tpu.memory_space<vmem>>, vector<16xi32>,
        %bitcast3A_1054 = vector.bitcast %get3A_1053 : vector<16xi32> to vector<32xbf16>
        %get3A_1055 = arith.index_cast %add3A_1041 : i32 to index
        %get3A_1056 = arith.constant 80 : index
        %get3A_1057 = tpu.vector_load %arg11[%get3A_1055, %get3A_1056] {strides = array<i32>} : memref<200x128xi32, #tpu.memory_space<vmem>>, vector<16xi32>,
        %bitcast3A_1058 = vector.bitcast %get3A_1057 : vector<16xi32> to vector<32xbf16>
        %mul3A_1059 = arith.mulf %bitcast3A_1054, %bitcast3A_1058 : vector<32xbf16>
        %add3A_1060 = arith.addf %mul3A_1050, %mul3A_1059 : vector<32xbf16>
        %get3A_1061 = arith.index_cast %add3A_1041 : i32 to index
        %get3A_1062 = arith.constant 32 : index
        %get3A_1063 = tpu.vector_load %arg10[%get3A_1061, %get3A_1062] {strides = array<i32>} : memref<200x128xi32, #tpu.memory_space<vmem>>, vector<16xi32>,
        %bitcast3A_1064 = vector.bitcast %get3A_1063 : vector<16xi32> to vector<32xbf16>
        %get3A_1065 = arith.index_cast %add3A_1041 : i32 to index
        %get3A_1066 = arith.constant 96 : index
        %get3A_1067 = tpu.vector_load %arg11[%get3A_1065, %get3A_1066] {strides = array<i32>} : memref<200x128xi32, #tpu.memory_space<vmem>>, vector<16xi32>,
        %bitcast3A_1068 = vector.bitcast %get3A_1067 : vector<16xi32> to vector<32xbf16>
        %mul3A_1069 = arith.mulf %bitcast3A_1064, %bitcast3A_1068 : vector<32xbf16>
        %add3A_1070 = arith.addf %add3A_1060, %mul3A_1069 : vector<32xbf16>
        %get3A_1071 = arith.index_cast %add3A_1041 : i32 to index
        %get3A_1072 = arith.constant 48 : index
        %get3A_1073 = tpu.vector_load %arg10[%get3A_1071, %get3A_1072] {strides = array<i32>} : memref<200x128xi32, #tpu.memory_space<vmem>>, vector<16xi32>,
        %bitcast3A_1074 = vector.bitcast %get3A_1073 : vector<16xi32> to vector<32xbf16>
        %get3A_1075 = arith.index_cast %add3A_1041 : i32 to index
        %get3A_1076 = arith.constant 112 : index
        %get3A_1077 = tpu.vector_load %arg11[%get3A_1075, %get3A_1076] {strides = array<i32>} : memref<200x128xi32, #tpu.memory_space<vmem>>, vector<16xi32>,
        %bitcast3A_1078 = vector.bitcast %get3A_1077 : vector<16xi32> to vector<32xbf16>
        %mul3A_1079 = arith.mulf %bitcast3A_1074, %bitcast3A_1078 : vector<32xbf16>
        %add3A_1080 = arith.addf %add3A_1070, %mul3A_1079 : vector<32xbf16>
        %unpack3A_1081 = tpu.unpack_subelements %add3A_1080, 0 {pack_format = #tpu.pack_format<interleaved>} : vector<32xbf16> -> vector<16xf32>
        %unpack3A_1082 = tpu.unpack_subelements %add3A_1080, 1 {pack_format = #tpu.pack_format<interleaved>} : vector<32xbf16> -> vector<16xf32>
        %add3A_1083 = arith.addf %unpack3A_1081, %unpack3A_1082 : vector<16xf32>
        %reduce_sum3A_1084 = arith.constant true
        %reduce_sum3A_1085 = vector.broadcast %reduce_sum3A_1084 : i1 to vector<16xi1>
        %reduce_sum3A_1086 = tpu.scan <sum>, %add3A_1083 masked %reduce_sum3A_1085 : vector<16xf32>, vector<16xi1> -> vector<16xf32>
        %reduce_sum3A_1087 = vector.extract %reduce_sum3A_1086[15] : f32 from vector<16xf32>
        %add3A_1088 = arith.constant 0 : i32
        %add3A_1089 = arith.addi %add3A_1088, %add3A_1041 : i32
        %broadcast_in_dim3A_1090 = vector.broadcast %add3A_1089 : i32 to vector<16xi32>
        %broadcast_in_dim3A_1091 = vector.broadcast %reduce_sum3A_1087 : f32 to vector<16xf32>
        tpu.vector_store_idx %arg14[%broadcast_in_dim3A_1090], %broadcast_in_dim3A_1091 masked %eq3A_4 : memref<400xf32, #tpu.memory_space<vmem>>[vector<16xi32>], vector<16xf32>, vector<16xi1>
        %mul3A_1092 = arith.constant 40 : i32
        %mul3A_1093 = arith.muli %scan3A_123, %mul3A_1092 : i32
        %add3A_1094 = arith.constant 18 : i32
        %add3A_1095 = arith.addi %mul3A_1093, %add3A_1094 : i32
        %get3A_1096 = arith.index_cast %add3A_1095 : i32 to index
        %get3A_1097 = arith.constant 0 : index
        %get3A_1098 = tpu.vector_load %arg10[%get3A_1096, %get3A_1097] {strides = array<i32>} : memref<200x128xi32, #tpu.memory_space<vmem>>, vector<16xi32>,
        %bitcast3A_1099 = vector.bitcast %get3A_1098 : vector<16xi32> to vector<32xbf16>
        %get3A_1100 = arith.index_cast %add3A_1095 : i32 to index
        %get3A_1101 = arith.constant 64 : index
        %get3A_1102 = tpu.vector_load %arg11[%get3A_1100, %get3A_1101] {strides = array<i32>} : memref<200x128xi32, #tpu.memory_space<vmem>>, vector<16xi32>,
        %bitcast3A_1103 = vector.bitcast %get3A_1102 : vector<16xi32> to vector<32xbf16>
        %mul3A_1104 = arith.mulf %bitcast3A_1099, %bitcast3A_1103 : vector<32xbf16>
        %get3A_1105 = arith.index_cast %add3A_1095 : i32 to index
        %get3A_1106 = arith.constant 16 : index
        %get3A_1107 = tpu.vector_load %arg10[%get3A_1105, %get3A_1106] {strides = array<i32>} : memref<200x128xi32, #tpu.memory_space<vmem>>, vector<16xi32>,
        %bitcast3A_1108 = vector.bitcast %get3A_1107 : vector<16xi32> to vector<32xbf16>
        %get3A_1109 = arith.index_cast %add3A_1095 : i32 to index
        %get3A_1110 = arith.constant 80 : index
        %get3A_1111 = tpu.vector_load %arg11[%get3A_1109, %get3A_1110] {strides = array<i32>} : memref<200x128xi32, #tpu.memory_space<vmem>>, vector<16xi32>,
        %bitcast3A_1112 = vector.bitcast %get3A_1111 : vector<16xi32> to vector<32xbf16>
        %mul3A_1113 = arith.mulf %bitcast3A_1108, %bitcast3A_1112 : vector<32xbf16>
        %add3A_1114 = arith.addf %mul3A_1104, %mul3A_1113 : vector<32xbf16>
        %get3A_1115 = arith.index_cast %add3A_1095 : i32 to index
        %get3A_1116 = arith.constant 32 : index
        %get3A_1117 = tpu.vector_load %arg10[%get3A_1115, %get3A_1116] {strides = array<i32>} : memref<200x128xi32, #tpu.memory_space<vmem>>, vector<16xi32>,
        %bitcast3A_1118 = vector.bitcast %get3A_1117 : vector<16xi32> to vector<32xbf16>
        %get3A_1119 = arith.index_cast %add3A_1095 : i32 to index
        %get3A_1120 = arith.constant 96 : index
        %get3A_1121 = tpu.vector_load %arg11[%get3A_1119, %get3A_1120] {strides = array<i32>} : memref<200x128xi32, #tpu.memory_space<vmem>>, vector<16xi32>,
        %bitcast3A_1122 = vector.bitcast %get3A_1121 : vector<16xi32> to vector<32xbf16>
        %mul3A_1123 = arith.mulf %bitcast3A_1118, %bitcast3A_1122 : vector<32xbf16>
        %add3A_1124 = arith.addf %add3A_1114, %mul3A_1123 : vector<32xbf16>
        %get3A_1125 = arith.index_cast %add3A_1095 : i32 to index
        %get3A_1126 = arith.constant 48 : index
        %get3A_1127 = tpu.vector_load %arg10[%get3A_1125, %get3A_1126] {strides = array<i32>} : memref<200x128xi32, #tpu.memory_space<vmem>>, vector<16xi32>,
        %bitcast3A_1128 = vector.bitcast %get3A_1127 : vector<16xi32> to vector<32xbf16>
        %get3A_1129 = arith.index_cast %add3A_1095 : i32 to index
        %get3A_1130 = arith.constant 112 : index
        %get3A_1131 = tpu.vector_load %arg11[%get3A_1129, %get3A_1130] {strides = array<i32>} : memref<200x128xi32, #tpu.memory_space<vmem>>, vector<16xi32>,
        %bitcast3A_1132 = vector.bitcast %get3A_1131 : vector<16xi32> to vector<32xbf16>
        %mul3A_1133 = arith.mulf %bitcast3A_1128, %bitcast3A_1132 : vector<32xbf16>
        %add3A_1134 = arith.addf %add3A_1124, %mul3A_1133 : vector<32xbf16>
        %unpack3A_1135 = tpu.unpack_subelements %add3A_1134, 0 {pack_format = #tpu.pack_format<interleaved>} : vector<32xbf16> -> vector<16xf32>
        %unpack3A_1136 = tpu.unpack_subelements %add3A_1134, 1 {pack_format = #tpu.pack_format<interleaved>} : vector<32xbf16> -> vector<16xf32>
        %add3A_1137 = arith.addf %unpack3A_1135, %unpack3A_1136 : vector<16xf32>
        %reduce_sum3A_1138 = arith.constant true
        %reduce_sum3A_1139 = vector.broadcast %reduce_sum3A_1138 : i1 to vector<16xi1>
        %reduce_sum3A_1140 = tpu.scan <sum>, %add3A_1137 masked %reduce_sum3A_1139 : vector<16xf32>, vector<16xi1> -> vector<16xf32>
        %reduce_sum3A_1141 = vector.extract %reduce_sum3A_1140[15] : f32 from vector<16xf32>
        %add3A_1142 = arith.constant 0 : i32
        %add3A_1143 = arith.addi %add3A_1142, %add3A_1095 : i32
        %broadcast_in_dim3A_1144 = vector.broadcast %add3A_1143 : i32 to vector<16xi32>
        %broadcast_in_dim3A_1145 = vector.broadcast %reduce_sum3A_1141 : f32 to vector<16xf32>
        tpu.vector_store_idx %arg14[%broadcast_in_dim3A_1144], %broadcast_in_dim3A_1145 masked %eq3A_4 : memref<400xf32, #tpu.memory_space<vmem>>[vector<16xi32>], vector<16xf32>, vector<16xi1>
        %mul3A_1146 = arith.constant 40 : i32
        %mul3A_1147 = arith.muli %scan3A_123, %mul3A_1146 : i32
        %add3A_1148 = arith.constant 19 : i32
        %add3A_1149 = arith.addi %mul3A_1147, %add3A_1148 : i32
        %get3A_1150 = arith.index_cast %add3A_1149 : i32 to index
        %get3A_1151 = arith.constant 0 : index
        %get3A_1152 = tpu.vector_load %arg10[%get3A_1150, %get3A_1151] {strides = array<i32>} : memref<200x128xi32, #tpu.memory_space<vmem>>, vector<16xi32>,
        %bitcast3A_1153 = vector.bitcast %get3A_1152 : vector<16xi32> to vector<32xbf16>
        %get3A_1154 = arith.index_cast %add3A_1149 : i32 to index
        %get3A_1155 = arith.constant 64 : index
        %get3A_1156 = tpu.vector_load %arg11[%get3A_1154, %get3A_1155] {strides = array<i32>} : memref<200x128xi32, #tpu.memory_space<vmem>>, vector<16xi32>,
        %bitcast3A_1157 = vector.bitcast %get3A_1156 : vector<16xi32> to vector<32xbf16>
        %mul3A_1158 = arith.mulf %bitcast3A_1153, %bitcast3A_1157 : vector<32xbf16>
        %get3A_1159 = arith.index_cast %add3A_1149 : i32 to index
        %get3A_1160 = arith.constant 16 : index
        %get3A_1161 = tpu.vector_load %arg10[%get3A_1159, %get3A_1160] {strides = array<i32>} : memref<200x128xi32, #tpu.memory_space<vmem>>, vector<16xi32>,
        %bitcast3A_1162 = vector.bitcast %get3A_1161 : vector<16xi32> to vector<32xbf16>
        %get3A_1163 = arith.index_cast %add3A_1149 : i32 to index
        %get3A_1164 = arith.constant 80 : index
        %get3A_1165 = tpu.vector_load %arg11[%get3A_1163, %get3A_1164] {strides = array<i32>} : memref<200x128xi32, #tpu.memory_space<vmem>>, vector<16xi32>,
        %bitcast3A_1166 = vector.bitcast %get3A_1165 : vector<16xi32> to vector<32xbf16>
        %mul3A_1167 = arith.mulf %bitcast3A_1162, %bitcast3A_1166 : vector<32xbf16>
        %add3A_1168 = arith.addf %mul3A_1158, %mul3A_1167 : vector<32xbf16>
        %get3A_1169 = arith.index_cast %add3A_1149 : i32 to index
        %get3A_1170 = arith.constant 32 : index
        %get3A_1171 = tpu.vector_load %arg10[%get3A_1169, %get3A_1170] {strides = array<i32>} : memref<200x128xi32, #tpu.memory_space<vmem>>, vector<16xi32>,
        %bitcast3A_1172 = vector.bitcast %get3A_1171 : vector<16xi32> to vector<32xbf16>
        %get3A_1173 = arith.index_cast %add3A_1149 : i32 to index
        %get3A_1174 = arith.constant 96 : index
        %get3A_1175 = tpu.vector_load %arg11[%get3A_1173, %get3A_1174] {strides = array<i32>} : memref<200x128xi32, #tpu.memory_space<vmem>>, vector<16xi32>,
        %bitcast3A_1176 = vector.bitcast %get3A_1175 : vector<16xi32> to vector<32xbf16>
        %mul3A_1177 = arith.mulf %bitcast3A_1172, %bitcast3A_1176 : vector<32xbf16>
        %add3A_1178 = arith.addf %add3A_1168, %mul3A_1177 : vector<32xbf16>
        %get3A_1179 = arith.index_cast %add3A_1149 : i32 to index
        %get3A_1180 = arith.constant 48 : index
        %get3A_1181 = tpu.vector_load %arg10[%get3A_1179, %get3A_1180] {strides = array<i32>} : memref<200x128xi32, #tpu.memory_space<vmem>>, vector<16xi32>,
        %bitcast3A_1182 = vector.bitcast %get3A_1181 : vector<16xi32> to vector<32xbf16>
        %get3A_1183 = arith.index_cast %add3A_1149 : i32 to index
        %get3A_1184 = arith.constant 112 : index
        %get3A_1185 = tpu.vector_load %arg11[%get3A_1183, %get3A_1184] {strides = array<i32>} : memref<200x128xi32, #tpu.memory_space<vmem>>, vector<16xi32>,
        %bitcast3A_1186 = vector.bitcast %get3A_1185 : vector<16xi32> to vector<32xbf16>
        %mul3A_1187 = arith.mulf %bitcast3A_1182, %bitcast3A_1186 : vector<32xbf16>
        %add3A_1188 = arith.addf %add3A_1178, %mul3A_1187 : vector<32xbf16>
        %unpack3A_1189 = tpu.unpack_subelements %add3A_1188, 0 {pack_format = #tpu.pack_format<interleaved>} : vector<32xbf16> -> vector<16xf32>
        %unpack3A_1190 = tpu.unpack_subelements %add3A_1188, 1 {pack_format = #tpu.pack_format<interleaved>} : vector<32xbf16> -> vector<16xf32>
        %add3A_1191 = arith.addf %unpack3A_1189, %unpack3A_1190 : vector<16xf32>
        %reduce_sum3A_1192 = arith.constant true
        %reduce_sum3A_1193 = vector.broadcast %reduce_sum3A_1192 : i1 to vector<16xi1>
        %reduce_sum3A_1194 = tpu.scan <sum>, %add3A_1191 masked %reduce_sum3A_1193 : vector<16xf32>, vector<16xi1> -> vector<16xf32>
        %reduce_sum3A_1195 = vector.extract %reduce_sum3A_1194[15] : f32 from vector<16xf32>
        %add3A_1196 = arith.constant 0 : i32
        %add3A_1197 = arith.addi %add3A_1196, %add3A_1149 : i32
        %broadcast_in_dim3A_1198 = vector.broadcast %add3A_1197 : i32 to vector<16xi32>
        %broadcast_in_dim3A_1199 = vector.broadcast %reduce_sum3A_1195 : f32 to vector<16xf32>
        tpu.vector_store_idx %arg14[%broadcast_in_dim3A_1198], %broadcast_in_dim3A_1199 masked %eq3A_4 : memref<400xf32, #tpu.memory_space<vmem>>[vector<16xi32>], vector<16xf32>, vector<16xi1>
        %mul3A_1200 = arith.constant 40 : i32
        %mul3A_1201 = arith.muli %scan3A_123, %mul3A_1200 : i32
        %add3A_1202 = arith.constant 20 : i32
        %add3A_1203 = arith.addi %mul3A_1201, %add3A_1202 : i32
        %get3A_1204 = arith.index_cast %add3A_1203 : i32 to index
        %get3A_1205 = arith.constant 0 : index
        %get3A_1206 = tpu.vector_load %arg10[%get3A_1204, %get3A_1205] {strides = array<i32>} : memref<200x128xi32, #tpu.memory_space<vmem>>, vector<16xi32>,
        %bitcast3A_1207 = vector.bitcast %get3A_1206 : vector<16xi32> to vector<32xbf16>
        %get3A_1208 = arith.index_cast %add3A_1203 : i32 to index
        %get3A_1209 = arith.constant 64 : index
        %get3A_1210 = tpu.vector_load %arg11[%get3A_1208, %get3A_1209] {strides = array<i32>} : memref<200x128xi32, #tpu.memory_space<vmem>>, vector<16xi32>,
        %bitcast3A_1211 = vector.bitcast %get3A_1210 : vector<16xi32> to vector<32xbf16>
        %mul3A_1212 = arith.mulf %bitcast3A_1207, %bitcast3A_1211 : vector<32xbf16>
        %get3A_1213 = arith.index_cast %add3A_1203 : i32 to index
        %get3A_1214 = arith.constant 16 : index
        %get3A_1215 = tpu.vector_load %arg10[%get3A_1213, %get3A_1214] {strides = array<i32>} : memref<200x128xi32, #tpu.memory_space<vmem>>, vector<16xi32>,
        %bitcast3A_1216 = vector.bitcast %get3A_1215 : vector<16xi32> to vector<32xbf16>
        %get3A_1217 = arith.index_cast %add3A_1203 : i32 to index
        %get3A_1218 = arith.constant 80 : index
        %get3A_1219 = tpu.vector_load %arg11[%get3A_1217, %get3A_1218] {strides = array<i32>} : memref<200x128xi32, #tpu.memory_space<vmem>>, vector<16xi32>,
        %bitcast3A_1220 = vector.bitcast %get3A_1219 : vector<16xi32> to vector<32xbf16>
        %mul3A_1221 = arith.mulf %bitcast3A_1216, %bitcast3A_1220 : vector<32xbf16>
        %add3A_1222 = arith.addf %mul3A_1212, %mul3A_1221 : vector<32xbf16>
        %get3A_1223 = arith.index_cast %add3A_1203 : i32 to index
        %get3A_1224 = arith.constant 32 : index
        %get3A_1225 = tpu.vector_load %arg10[%get3A_1223, %get3A_1224] {strides = array<i32>} : memref<200x128xi32, #tpu.memory_space<vmem>>, vector<16xi32>,
        %bitcast3A_1226 = vector.bitcast %get3A_1225 : vector<16xi32> to vector<32xbf16>
        %get3A_1227 = arith.index_cast %add3A_1203 : i32 to index
        %get3A_1228 = arith.constant 96 : index
        %get3A_1229 = tpu.vector_load %arg11[%get3A_1227, %get3A_1228] {strides = array<i32>} : memref<200x128xi32, #tpu.memory_space<vmem>>, vector<16xi32>,
        %bitcast3A_1230 = vector.bitcast %get3A_1229 : vector<16xi32> to vector<32xbf16>
        %mul3A_1231 = arith.mulf %bitcast3A_1226, %bitcast3A_1230 : vector<32xbf16>
        %add3A_1232 = arith.addf %add3A_1222, %mul3A_1231 : vector<32xbf16>
        %get3A_1233 = arith.index_cast %add3A_1203 : i32 to index
        %get3A_1234 = arith.constant 48 : index
        %get3A_1235 = tpu.vector_load %arg10[%get3A_1233, %get3A_1234] {strides = array<i32>} : memref<200x128xi32, #tpu.memory_space<vmem>>, vector<16xi32>,
        %bitcast3A_1236 = vector.bitcast %get3A_1235 : vector<16xi32> to vector<32xbf16>
        %get3A_1237 = arith.index_cast %add3A_1203 : i32 to index
        %get3A_1238 = arith.constant 112 : index
        %get3A_1239 = tpu.vector_load %arg11[%get3A_1237, %get3A_1238] {strides = array<i32>} : memref<200x128xi32, #tpu.memory_space<vmem>>, vector<16xi32>,
        %bitcast3A_1240 = vector.bitcast %get3A_1239 : vector<16xi32> to vector<32xbf16>
        %mul3A_1241 = arith.mulf %bitcast3A_1236, %bitcast3A_1240 : vector<32xbf16>
        %add3A_1242 = arith.addf %add3A_1232, %mul3A_1241 : vector<32xbf16>
        %unpack3A_1243 = tpu.unpack_subelements %add3A_1242, 0 {pack_format = #tpu.pack_format<interleaved>} : vector<32xbf16> -> vector<16xf32>
        %unpack3A_1244 = tpu.unpack_subelements %add3A_1242, 1 {pack_format = #tpu.pack_format<interleaved>} : vector<32xbf16> -> vector<16xf32>
        %add3A_1245 = arith.addf %unpack3A_1243, %unpack3A_1244 : vector<16xf32>
        %reduce_sum3A_1246 = arith.constant true
        %reduce_sum3A_1247 = vector.broadcast %reduce_sum3A_1246 : i1 to vector<16xi1>
        %reduce_sum3A_1248 = tpu.scan <sum>, %add3A_1245 masked %reduce_sum3A_1247 : vector<16xf32>, vector<16xi1> -> vector<16xf32>
        %reduce_sum3A_1249 = vector.extract %reduce_sum3A_1248[15] : f32 from vector<16xf32>
        %add3A_1250 = arith.constant 0 : i32
        %add3A_1251 = arith.addi %add3A_1250, %add3A_1203 : i32
        %broadcast_in_dim3A_1252 = vector.broadcast %add3A_1251 : i32 to vector<16xi32>
        %broadcast_in_dim3A_1253 = vector.broadcast %reduce_sum3A_1249 : f32 to vector<16xf32>
        tpu.vector_store_idx %arg14[%broadcast_in_dim3A_1252], %broadcast_in_dim3A_1253 masked %eq3A_4 : memref<400xf32, #tpu.memory_space<vmem>>[vector<16xi32>], vector<16xf32>, vector<16xi1>
        %mul3A_1254 = arith.constant 40 : i32
        %mul3A_1255 = arith.muli %scan3A_123, %mul3A_1254 : i32
        %add3A_1256 = arith.constant 21 : i32
        %add3A_1257 = arith.addi %mul3A_1255, %add3A_1256 : i32
        %get3A_1258 = arith.index_cast %add3A_1257 : i32 to index
        %get3A_1259 = arith.constant 0 : index
        %get3A_1260 = tpu.vector_load %arg10[%get3A_1258, %get3A_1259] {strides = array<i32>} : memref<200x128xi32, #tpu.memory_space<vmem>>, vector<16xi32>,
        %bitcast3A_1261 = vector.bitcast %get3A_1260 : vector<16xi32> to vector<32xbf16>
        %get3A_1262 = arith.index_cast %add3A_1257 : i32 to index
        %get3A_1263 = arith.constant 64 : index
        %get3A_1264 = tpu.vector_load %arg11[%get3A_1262, %get3A_1263] {strides = array<i32>} : memref<200x128xi32, #tpu.memory_space<vmem>>, vector<16xi32>,
        %bitcast3A_1265 = vector.bitcast %get3A_1264 : vector<16xi32> to vector<32xbf16>
        %mul3A_1266 = arith.mulf %bitcast3A_1261, %bitcast3A_1265 : vector<32xbf16>
        %get3A_1267 = arith.index_cast %add3A_1257 : i32 to index
        %get3A_1268 = arith.constant 16 : index
        %get3A_1269 = tpu.vector_load %arg10[%get3A_1267, %get3A_1268] {strides = array<i32>} : memref<200x128xi32, #tpu.memory_space<vmem>>, vector<16xi32>,
        %bitcast3A_1270 = vector.bitcast %get3A_1269 : vector<16xi32> to vector<32xbf16>
        %get3A_1271 = arith.index_cast %add3A_1257 : i32 to index
        %get3A_1272 = arith.constant 80 : index
        %get3A_1273 = tpu.vector_load %arg11[%get3A_1271, %get3A_1272] {strides = array<i32>} : memref<200x128xi32, #tpu.memory_space<vmem>>, vector<16xi32>,
        %bitcast3A_1274 = vector.bitcast %get3A_1273 : vector<16xi32> to vector<32xbf16>
        %mul3A_1275 = arith.mulf %bitcast3A_1270, %bitcast3A_1274 : vector<32xbf16>
        %add3A_1276 = arith.addf %mul3A_1266, %mul3A_1275 : vector<32xbf16>
        %get3A_1277 = arith.index_cast %add3A_1257 : i32 to index
        %get3A_1278 = arith.constant 32 : index
        %get3A_1279 = tpu.vector_load %arg10[%get3A_1277, %get3A_1278] {strides = array<i32>} : memref<200x128xi32, #tpu.memory_space<vmem>>, vector<16xi32>,
        %bitcast3A_1280 = vector.bitcast %get3A_1279 : vector<16xi32> to vector<32xbf16>
        %get3A_1281 = arith.index_cast %add3A_1257 : i32 to index
        %get3A_1282 = arith.constant 96 : index
        %get3A_1283 = tpu.vector_load %arg11[%get3A_1281, %get3A_1282] {strides = array<i32>} : memref<200x128xi32, #tpu.memory_space<vmem>>, vector<16xi32>,
        %bitcast3A_1284 = vector.bitcast %get3A_1283 : vector<16xi32> to vector<32xbf16>
        %mul3A_1285 = arith.mulf %bitcast3A_1280, %bitcast3A_1284 : vector<32xbf16>
        %add3A_1286 = arith.addf %add3A_1276, %mul3A_1285 : vector<32xbf16>
        %get3A_1287 = arith.index_cast %add3A_1257 : i32 to index
        %get3A_1288 = arith.constant 48 : index
        %get3A_1289 = tpu.vector_load %arg10[%get3A_1287, %get3A_1288] {strides = array<i32>} : memref<200x128xi32, #tpu.memory_space<vmem>>, vector<16xi32>,
        %bitcast3A_1290 = vector.bitcast %get3A_1289 : vector<16xi32> to vector<32xbf16>
        %get3A_1291 = arith.index_cast %add3A_1257 : i32 to index
        %get3A_1292 = arith.constant 112 : index
        %get3A_1293 = tpu.vector_load %arg11[%get3A_1291, %get3A_1292] {strides = array<i32>} : memref<200x128xi32, #tpu.memory_space<vmem>>, vector<16xi32>,
        %bitcast3A_1294 = vector.bitcast %get3A_1293 : vector<16xi32> to vector<32xbf16>
        %mul3A_1295 = arith.mulf %bitcast3A_1290, %bitcast3A_1294 : vector<32xbf16>
        %add3A_1296 = arith.addf %add3A_1286, %mul3A_1295 : vector<32xbf16>
        %unpack3A_1297 = tpu.unpack_subelements %add3A_1296, 0 {pack_format = #tpu.pack_format<interleaved>} : vector<32xbf16> -> vector<16xf32>
        %unpack3A_1298 = tpu.unpack_subelements %add3A_1296, 1 {pack_format = #tpu.pack_format<interleaved>} : vector<32xbf16> -> vector<16xf32>
        %add3A_1299 = arith.addf %unpack3A_1297, %unpack3A_1298 : vector<16xf32>
        %reduce_sum3A_1300 = arith.constant true
        %reduce_sum3A_1301 = vector.broadcast %reduce_sum3A_1300 : i1 to vector<16xi1>
        %reduce_sum3A_1302 = tpu.scan <sum>, %add3A_1299 masked %reduce_sum3A_1301 : vector<16xf32>, vector<16xi1> -> vector<16xf32>
        %reduce_sum3A_1303 = vector.extract %reduce_sum3A_1302[15] : f32 from vector<16xf32>
        %add3A_1304 = arith.constant 0 : i32
        %add3A_1305 = arith.addi %add3A_1304, %add3A_1257 : i32
        %broadcast_in_dim3A_1306 = vector.broadcast %add3A_1305 : i32 to vector<16xi32>
        %broadcast_in_dim3A_1307 = vector.broadcast %reduce_sum3A_1303 : f32 to vector<16xf32>
        tpu.vector_store_idx %arg14[%broadcast_in_dim3A_1306], %broadcast_in_dim3A_1307 masked %eq3A_4 : memref<400xf32, #tpu.memory_space<vmem>>[vector<16xi32>], vector<16xf32>, vector<16xi1>
        %mul3A_1308 = arith.constant 40 : i32
        %mul3A_1309 = arith.muli %scan3A_123, %mul3A_1308 : i32
        %add3A_1310 = arith.constant 22 : i32
        %add3A_1311 = arith.addi %mul3A_1309, %add3A_1310 : i32
        %get3A_1312 = arith.index_cast %add3A_1311 : i32 to index
        %get3A_1313 = arith.constant 0 : index
        %get3A_1314 = tpu.vector_load %arg10[%get3A_1312, %get3A_1313] {strides = array<i32>} : memref<200x128xi32, #tpu.memory_space<vmem>>, vector<16xi32>,
        %bitcast3A_1315 = vector.bitcast %get3A_1314 : vector<16xi32> to vector<32xbf16>
        %get3A_1316 = arith.index_cast %add3A_1311 : i32 to index
        %get3A_1317 = arith.constant 64 : index
        %get3A_1318 = tpu.vector_load %arg11[%get3A_1316, %get3A_1317] {strides = array<i32>} : memref<200x128xi32, #tpu.memory_space<vmem>>, vector<16xi32>,
        %bitcast3A_1319 = vector.bitcast %get3A_1318 : vector<16xi32> to vector<32xbf16>
        %mul3A_1320 = arith.mulf %bitcast3A_1315, %bitcast3A_1319 : vector<32xbf16>
        %get3A_1321 = arith.index_cast %add3A_1311 : i32 to index
        %get3A_1322 = arith.constant 16 : index
        %get3A_1323 = tpu.vector_load %arg10[%get3A_1321, %get3A_1322] {strides = array<i32>} : memref<200x128xi32, #tpu.memory_space<vmem>>, vector<16xi32>,
        %bitcast3A_1324 = vector.bitcast %get3A_1323 : vector<16xi32> to vector<32xbf16>
        %get3A_1325 = arith.index_cast %add3A_1311 : i32 to index
        %get3A_1326 = arith.constant 80 : index
        %get3A_1327 = tpu.vector_load %arg11[%get3A_1325, %get3A_1326] {strides = array<i32>} : memref<200x128xi32, #tpu.memory_space<vmem>>, vector<16xi32>,
        %bitcast3A_1328 = vector.bitcast %get3A_1327 : vector<16xi32> to vector<32xbf16>
        %mul3A_1329 = arith.mulf %bitcast3A_1324, %bitcast3A_1328 : vector<32xbf16>
        %add3A_1330 = arith.addf %mul3A_1320, %mul3A_1329 : vector<32xbf16>
        %get3A_1331 = arith.index_cast %add3A_1311 : i32 to index
        %get3A_1332 = arith.constant 32 : index
        %get3A_1333 = tpu.vector_load %arg10[%get3A_1331, %get3A_1332] {strides = array<i32>} : memref<200x128xi32, #tpu.memory_space<vmem>>, vector<16xi32>,
        %bitcast3A_1334 = vector.bitcast %get3A_1333 : vector<16xi32> to vector<32xbf16>
        %get3A_1335 = arith.index_cast %add3A_1311 : i32 to index
        %get3A_1336 = arith.constant 96 : index
        %get3A_1337 = tpu.vector_load %arg11[%get3A_1335, %get3A_1336] {strides = array<i32>} : memref<200x128xi32, #tpu.memory_space<vmem>>, vector<16xi32>,
        %bitcast3A_1338 = vector.bitcast %get3A_1337 : vector<16xi32> to vector<32xbf16>
        %mul3A_1339 = arith.mulf %bitcast3A_1334, %bitcast3A_1338 : vector<32xbf16>
        %add3A_1340 = arith.addf %add3A_1330, %mul3A_1339 : vector<32xbf16>
        %get3A_1341 = arith.index_cast %add3A_1311 : i32 to index
        %get3A_1342 = arith.constant 48 : index
        %get3A_1343 = tpu.vector_load %arg10[%get3A_1341, %get3A_1342] {strides = array<i32>} : memref<200x128xi32, #tpu.memory_space<vmem>>, vector<16xi32>,
        %bitcast3A_1344 = vector.bitcast %get3A_1343 : vector<16xi32> to vector<32xbf16>
        %get3A_1345 = arith.index_cast %add3A_1311 : i32 to index
        %get3A_1346 = arith.constant 112 : index
        %get3A_1347 = tpu.vector_load %arg11[%get3A_1345, %get3A_1346] {strides = array<i32>} : memref<200x128xi32, #tpu.memory_space<vmem>>, vector<16xi32>,
        %bitcast3A_1348 = vector.bitcast %get3A_1347 : vector<16xi32> to vector<32xbf16>
        %mul3A_1349 = arith.mulf %bitcast3A_1344, %bitcast3A_1348 : vector<32xbf16>
        %add3A_1350 = arith.addf %add3A_1340, %mul3A_1349 : vector<32xbf16>
        %unpack3A_1351 = tpu.unpack_subelements %add3A_1350, 0 {pack_format = #tpu.pack_format<interleaved>} : vector<32xbf16> -> vector<16xf32>
        %unpack3A_1352 = tpu.unpack_subelements %add3A_1350, 1 {pack_format = #tpu.pack_format<interleaved>} : vector<32xbf16> -> vector<16xf32>
        %add3A_1353 = arith.addf %unpack3A_1351, %unpack3A_1352 : vector<16xf32>
        %reduce_sum3A_1354 = arith.constant true
        %reduce_sum3A_1355 = vector.broadcast %reduce_sum3A_1354 : i1 to vector<16xi1>
        %reduce_sum3A_1356 = tpu.scan <sum>, %add3A_1353 masked %reduce_sum3A_1355 : vector<16xf32>, vector<16xi1> -> vector<16xf32>
        %reduce_sum3A_1357 = vector.extract %reduce_sum3A_1356[15] : f32 from vector<16xf32>
        %add3A_1358 = arith.constant 0 : i32
        %add3A_1359 = arith.addi %add3A_1358, %add3A_1311 : i32
        %broadcast_in_dim3A_1360 = vector.broadcast %add3A_1359 : i32 to vector<16xi32>
        %broadcast_in_dim3A_1361 = vector.broadcast %reduce_sum3A_1357 : f32 to vector<16xf32>
        tpu.vector_store_idx %arg14[%broadcast_in_dim3A_1360], %broadcast_in_dim3A_1361 masked %eq3A_4 : memref<400xf32, #tpu.memory_space<vmem>>[vector<16xi32>], vector<16xf32>, vector<16xi1>
        %mul3A_1362 = arith.constant 40 : i32
        %mul3A_1363 = arith.muli %scan3A_123, %mul3A_1362 : i32
        %add3A_1364 = arith.constant 23 : i32
        %add3A_1365 = arith.addi %mul3A_1363, %add3A_1364 : i32
        %get3A_1366 = arith.index_cast %add3A_1365 : i32 to index
        %get3A_1367 = arith.constant 0 : index
        %get3A_1368 = tpu.vector_load %arg10[%get3A_1366, %get3A_1367] {strides = array<i32>} : memref<200x128xi32, #tpu.memory_space<vmem>>, vector<16xi32>,
        %bitcast3A_1369 = vector.bitcast %get3A_1368 : vector<16xi32> to vector<32xbf16>
        %get3A_1370 = arith.index_cast %add3A_1365 : i32 to index
        %get3A_1371 = arith.constant 64 : index
        %get3A_1372 = tpu.vector_load %arg11[%get3A_1370, %get3A_1371] {strides = array<i32>} : memref<200x128xi32, #tpu.memory_space<vmem>>, vector<16xi32>,
        %bitcast3A_1373 = vector.bitcast %get3A_1372 : vector<16xi32> to vector<32xbf16>
        %mul3A_1374 = arith.mulf %bitcast3A_1369, %bitcast3A_1373 : vector<32xbf16>
        %get3A_1375 = arith.index_cast %add3A_1365 : i32 to index
        %get3A_1376 = arith.constant 16 : index
        %get3A_1377 = tpu.vector_load %arg10[%get3A_1375, %get3A_1376] {strides = array<i32>} : memref<200x128xi32, #tpu.memory_space<vmem>>, vector<16xi32>,
        %bitcast3A_1378 = vector.bitcast %get3A_1377 : vector<16xi32> to vector<32xbf16>
        %get3A_1379 = arith.index_cast %add3A_1365 : i32 to index
        %get3A_1380 = arith.constant 80 : index
        %get3A_1381 = tpu.vector_load %arg11[%get3A_1379, %get3A_1380] {strides = array<i32>} : memref<200x128xi32, #tpu.memory_space<vmem>>, vector<16xi32>,
        %bitcast3A_1382 = vector.bitcast %get3A_1381 : vector<16xi32> to vector<32xbf16>
        %mul3A_1383 = arith.mulf %bitcast3A_1378, %bitcast3A_1382 : vector<32xbf16>
        %add3A_1384 = arith.addf %mul3A_1374, %mul3A_1383 : vector<32xbf16>
        %get3A_1385 = arith.index_cast %add3A_1365 : i32 to index
        %get3A_1386 = arith.constant 32 : index
        %get3A_1387 = tpu.vector_load %arg10[%get3A_1385, %get3A_1386] {strides = array<i32>} : memref<200x128xi32, #tpu.memory_space<vmem>>, vector<16xi32>,
        %bitcast3A_1388 = vector.bitcast %get3A_1387 : vector<16xi32> to vector<32xbf16>
        %get3A_1389 = arith.index_cast %add3A_1365 : i32 to index
        %get3A_1390 = arith.constant 96 : index
        %get3A_1391 = tpu.vector_load %arg11[%get3A_1389, %get3A_1390] {strides = array<i32>} : memref<200x128xi32, #tpu.memory_space<vmem>>, vector<16xi32>,
        %bitcast3A_1392 = vector.bitcast %get3A_1391 : vector<16xi32> to vector<32xbf16>
        %mul3A_1393 = arith.mulf %bitcast3A_1388, %bitcast3A_1392 : vector<32xbf16>
        %add3A_1394 = arith.addf %add3A_1384, %mul3A_1393 : vector<32xbf16>
        %get3A_1395 = arith.index_cast %add3A_1365 : i32 to index
        %get3A_1396 = arith.constant 48 : index
        %get3A_1397 = tpu.vector_load %arg10[%get3A_1395, %get3A_1396] {strides = array<i32>} : memref<200x128xi32, #tpu.memory_space<vmem>>, vector<16xi32>,
        %bitcast3A_1398 = vector.bitcast %get3A_1397 : vector<16xi32> to vector<32xbf16>
        %get3A_1399 = arith.index_cast %add3A_1365 : i32 to index
        %get3A_1400 = arith.constant 112 : index
        %get3A_1401 = tpu.vector_load %arg11[%get3A_1399, %get3A_1400] {strides = array<i32>} : memref<200x128xi32, #tpu.memory_space<vmem>>, vector<16xi32>,
        %bitcast3A_1402 = vector.bitcast %get3A_1401 : vector<16xi32> to vector<32xbf16>
        %mul3A_1403 = arith.mulf %bitcast3A_1398, %bitcast3A_1402 : vector<32xbf16>
        %add3A_1404 = arith.addf %add3A_1394, %mul3A_1403 : vector<32xbf16>
        %unpack3A_1405 = tpu.unpack_subelements %add3A_1404, 0 {pack_format = #tpu.pack_format<interleaved>} : vector<32xbf16> -> vector<16xf32>
        %unpack3A_1406 = tpu.unpack_subelements %add3A_1404, 1 {pack_format = #tpu.pack_format<interleaved>} : vector<32xbf16> -> vector<16xf32>
        %add3A_1407 = arith.addf %unpack3A_1405, %unpack3A_1406 : vector<16xf32>
        %reduce_sum3A_1408 = arith.constant true
        %reduce_sum3A_1409 = vector.broadcast %reduce_sum3A_1408 : i1 to vector<16xi1>
        %reduce_sum3A_1410 = tpu.scan <sum>, %add3A_1407 masked %reduce_sum3A_1409 : vector<16xf32>, vector<16xi1> -> vector<16xf32>
        %reduce_sum3A_1411 = vector.extract %reduce_sum3A_1410[15] : f32 from vector<16xf32>
        %add3A_1412 = arith.constant 0 : i32
        %add3A_1413 = arith.addi %add3A_1412, %add3A_1365 : i32
        %broadcast_in_dim3A_1414 = vector.broadcast %add3A_1413 : i32 to vector<16xi32>
        %broadcast_in_dim3A_1415 = vector.broadcast %reduce_sum3A_1411 : f32 to vector<16xf32>
        tpu.vector_store_idx %arg14[%broadcast_in_dim3A_1414], %broadcast_in_dim3A_1415 masked %eq3A_4 : memref<400xf32, #tpu.memory_space<vmem>>[vector<16xi32>], vector<16xf32>, vector<16xi1>
        %mul3A_1416 = arith.constant 40 : i32
        %mul3A_1417 = arith.muli %scan3A_123, %mul3A_1416 : i32
        %add3A_1418 = arith.constant 24 : i32
        %add3A_1419 = arith.addi %mul3A_1417, %add3A_1418 : i32
        %get3A_1420 = arith.index_cast %add3A_1419 : i32 to index
        %get3A_1421 = arith.constant 0 : index
        %get3A_1422 = tpu.vector_load %arg10[%get3A_1420, %get3A_1421] {strides = array<i32>} : memref<200x128xi32, #tpu.memory_space<vmem>>, vector<16xi32>,
        %bitcast3A_1423 = vector.bitcast %get3A_1422 : vector<16xi32> to vector<32xbf16>
        %get3A_1424 = arith.index_cast %add3A_1419 : i32 to index
        %get3A_1425 = arith.constant 64 : index
        %get3A_1426 = tpu.vector_load %arg11[%get3A_1424, %get3A_1425] {strides = array<i32>} : memref<200x128xi32, #tpu.memory_space<vmem>>, vector<16xi32>,
        %bitcast3A_1427 = vector.bitcast %get3A_1426 : vector<16xi32> to vector<32xbf16>
        %mul3A_1428 = arith.mulf %bitcast3A_1423, %bitcast3A_1427 : vector<32xbf16>
        %get3A_1429 = arith.index_cast %add3A_1419 : i32 to index
        %get3A_1430 = arith.constant 16 : index
        %get3A_1431 = tpu.vector_load %arg10[%get3A_1429, %get3A_1430] {strides = array<i32>} : memref<200x128xi32, #tpu.memory_space<vmem>>, vector<16xi32>,
        %bitcast3A_1432 = vector.bitcast %get3A_1431 : vector<16xi32> to vector<32xbf16>
        %get3A_1433 = arith.index_cast %add3A_1419 : i32 to index
        %get3A_1434 = arith.constant 80 : index
        %get3A_1435 = tpu.vector_load %arg11[%get3A_1433, %get3A_1434] {strides = array<i32>} : memref<200x128xi32, #tpu.memory_space<vmem>>, vector<16xi32>,
        %bitcast3A_1436 = vector.bitcast %get3A_1435 : vector<16xi32> to vector<32xbf16>
        %mul3A_1437 = arith.mulf %bitcast3A_1432, %bitcast3A_1436 : vector<32xbf16>
        %add3A_1438 = arith.addf %mul3A_1428, %mul3A_1437 : vector<32xbf16>
        %get3A_1439 = arith.index_cast %add3A_1419 : i32 to index
        %get3A_1440 = arith.constant 32 : index
        %get3A_1441 = tpu.vector_load %arg10[%get3A_1439, %get3A_1440] {strides = array<i32>} : memref<200x128xi32, #tpu.memory_space<vmem>>, vector<16xi32>,
        %bitcast3A_1442 = vector.bitcast %get3A_1441 : vector<16xi32> to vector<32xbf16>
        %get3A_1443 = arith.index_cast %add3A_1419 : i32 to index
        %get3A_1444 = arith.constant 96 : index
        %get3A_1445 = tpu.vector_load %arg11[%get3A_1443, %get3A_1444] {strides = array<i32>} : memref<200x128xi32, #tpu.memory_space<vmem>>, vector<16xi32>,
        %bitcast3A_1446 = vector.bitcast %get3A_1445 : vector<16xi32> to vector<32xbf16>
        %mul3A_1447 = arith.mulf %bitcast3A_1442, %bitcast3A_1446 : vector<32xbf16>
        %add3A_1448 = arith.addf %add3A_1438, %mul3A_1447 : vector<32xbf16>
        %get3A_1449 = arith.index_cast %add3A_1419 : i32 to index
        %get3A_1450 = arith.constant 48 : index
        %get3A_1451 = tpu.vector_load %arg10[%get3A_1449, %get3A_1450] {strides = array<i32>} : memref<200x128xi32, #tpu.memory_space<vmem>>, vector<16xi32>,
        %bitcast3A_1452 = vector.bitcast %get3A_1451 : vector<16xi32> to vector<32xbf16>
        %get3A_1453 = arith.index_cast %add3A_1419 : i32 to index
        %get3A_1454 = arith.constant 112 : index
        %get3A_1455 = tpu.vector_load %arg11[%get3A_1453, %get3A_1454] {strides = array<i32>} : memref<200x128xi32, #tpu.memory_space<vmem>>, vector<16xi32>,
        %bitcast3A_1456 = vector.bitcast %get3A_1455 : vector<16xi32> to vector<32xbf16>
        %mul3A_1457 = arith.mulf %bitcast3A_1452, %bitcast3A_1456 : vector<32xbf16>
        %add3A_1458 = arith.addf %add3A_1448, %mul3A_1457 : vector<32xbf16>
        %unpack3A_1459 = tpu.unpack_subelements %add3A_1458, 0 {pack_format = #tpu.pack_format<interleaved>} : vector<32xbf16> -> vector<16xf32>
        %unpack3A_1460 = tpu.unpack_subelements %add3A_1458, 1 {pack_format = #tpu.pack_format<interleaved>} : vector<32xbf16> -> vector<16xf32>
        %add3A_1461 = arith.addf %unpack3A_1459, %unpack3A_1460 : vector<16xf32>
        %reduce_sum3A_1462 = arith.constant true
        %reduce_sum3A_1463 = vector.broadcast %reduce_sum3A_1462 : i1 to vector<16xi1>
        %reduce_sum3A_1464 = tpu.scan <sum>, %add3A_1461 masked %reduce_sum3A_1463 : vector<16xf32>, vector<16xi1> -> vector<16xf32>
        %reduce_sum3A_1465 = vector.extract %reduce_sum3A_1464[15] : f32 from vector<16xf32>
        %add3A_1466 = arith.constant 0 : i32
        %add3A_1467 = arith.addi %add3A_1466, %add3A_1419 : i32
        %broadcast_in_dim3A_1468 = vector.broadcast %add3A_1467 : i32 to vector<16xi32>
        %broadcast_in_dim3A_1469 = vector.broadcast %reduce_sum3A_1465 : f32 to vector<16xf32>
        tpu.vector_store_idx %arg14[%broadcast_in_dim3A_1468], %broadcast_in_dim3A_1469 masked %eq3A_4 : memref<400xf32, #tpu.memory_space<vmem>>[vector<16xi32>], vector<16xf32>, vector<16xi1>
        %mul3A_1470 = arith.constant 40 : i32
        %mul3A_1471 = arith.muli %scan3A_123, %mul3A_1470 : i32
        %add3A_1472 = arith.constant 25 : i32
        %add3A_1473 = arith.addi %mul3A_1471, %add3A_1472 : i32
        %get3A_1474 = arith.index_cast %add3A_1473 : i32 to index
        %get3A_1475 = arith.constant 0 : index
        %get3A_1476 = tpu.vector_load %arg10[%get3A_1474, %get3A_1475] {strides = array<i32>} : memref<200x128xi32, #tpu.memory_space<vmem>>, vector<16xi32>,
        %bitcast3A_1477 = vector.bitcast %get3A_1476 : vector<16xi32> to vector<32xbf16>
        %get3A_1478 = arith.index_cast %add3A_1473 : i32 to index
        %get3A_1479 = arith.constant 64 : index
        %get3A_1480 = tpu.vector_load %arg11[%get3A_1478, %get3A_1479] {strides = array<i32>} : memref<200x128xi32, #tpu.memory_space<vmem>>, vector<16xi32>,
        %bitcast3A_1481 = vector.bitcast %get3A_1480 : vector<16xi32> to vector<32xbf16>
        %mul3A_1482 = arith.mulf %bitcast3A_1477, %bitcast3A_1481 : vector<32xbf16>
        %get3A_1483 = arith.index_cast %add3A_1473 : i32 to index
        %get3A_1484 = arith.constant 16 : index
        %get3A_1485 = tpu.vector_load %arg10[%get3A_1483, %get3A_1484] {strides = array<i32>} : memref<200x128xi32, #tpu.memory_space<vmem>>, vector<16xi32>,
        %bitcast3A_1486 = vector.bitcast %get3A_1485 : vector<16xi32> to vector<32xbf16>
        %get3A_1487 = arith.index_cast %add3A_1473 : i32 to index
        %get3A_1488 = arith.constant 80 : index
        %get3A_1489 = tpu.vector_load %arg11[%get3A_1487, %get3A_1488] {strides = array<i32>} : memref<200x128xi32, #tpu.memory_space<vmem>>, vector<16xi32>,
        %bitcast3A_1490 = vector.bitcast %get3A_1489 : vector<16xi32> to vector<32xbf16>
        %mul3A_1491 = arith.mulf %bitcast3A_1486, %bitcast3A_1490 : vector<32xbf16>
        %add3A_1492 = arith.addf %mul3A_1482, %mul3A_1491 : vector<32xbf16>
        %get3A_1493 = arith.index_cast %add3A_1473 : i32 to index
        %get3A_1494 = arith.constant 32 : index
        %get3A_1495 = tpu.vector_load %arg10[%get3A_1493, %get3A_1494] {strides = array<i32>} : memref<200x128xi32, #tpu.memory_space<vmem>>, vector<16xi32>,
        %bitcast3A_1496 = vector.bitcast %get3A_1495 : vector<16xi32> to vector<32xbf16>
        %get3A_1497 = arith.index_cast %add3A_1473 : i32 to index
        %get3A_1498 = arith.constant 96 : index
        %get3A_1499 = tpu.vector_load %arg11[%get3A_1497, %get3A_1498] {strides = array<i32>} : memref<200x128xi32, #tpu.memory_space<vmem>>, vector<16xi32>,
        %bitcast3A_1500 = vector.bitcast %get3A_1499 : vector<16xi32> to vector<32xbf16>
        %mul3A_1501 = arith.mulf %bitcast3A_1496, %bitcast3A_1500 : vector<32xbf16>
        %add3A_1502 = arith.addf %add3A_1492, %mul3A_1501 : vector<32xbf16>
        %get3A_1503 = arith.index_cast %add3A_1473 : i32 to index
        %get3A_1504 = arith.constant 48 : index
        %get3A_1505 = tpu.vector_load %arg10[%get3A_1503, %get3A_1504] {strides = array<i32>} : memref<200x128xi32, #tpu.memory_space<vmem>>, vector<16xi32>,
        %bitcast3A_1506 = vector.bitcast %get3A_1505 : vector<16xi32> to vector<32xbf16>
        %get3A_1507 = arith.index_cast %add3A_1473 : i32 to index
        %get3A_1508 = arith.constant 112 : index
        %get3A_1509 = tpu.vector_load %arg11[%get3A_1507, %get3A_1508] {strides = array<i32>} : memref<200x128xi32, #tpu.memory_space<vmem>>, vector<16xi32>,
        %bitcast3A_1510 = vector.bitcast %get3A_1509 : vector<16xi32> to vector<32xbf16>
        %mul3A_1511 = arith.mulf %bitcast3A_1506, %bitcast3A_1510 : vector<32xbf16>
        %add3A_1512 = arith.addf %add3A_1502, %mul3A_1511 : vector<32xbf16>
        %unpack3A_1513 = tpu.unpack_subelements %add3A_1512, 0 {pack_format = #tpu.pack_format<interleaved>} : vector<32xbf16> -> vector<16xf32>
        %unpack3A_1514 = tpu.unpack_subelements %add3A_1512, 1 {pack_format = #tpu.pack_format<interleaved>} : vector<32xbf16> -> vector<16xf32>
        %add3A_1515 = arith.addf %unpack3A_1513, %unpack3A_1514 : vector<16xf32>
        %reduce_sum3A_1516 = arith.constant true
        %reduce_sum3A_1517 = vector.broadcast %reduce_sum3A_1516 : i1 to vector<16xi1>
        %reduce_sum3A_1518 = tpu.scan <sum>, %add3A_1515 masked %reduce_sum3A_1517 : vector<16xf32>, vector<16xi1> -> vector<16xf32>
        %reduce_sum3A_1519 = vector.extract %reduce_sum3A_1518[15] : f32 from vector<16xf32>
        %add3A_1520 = arith.constant 0 : i32
        %add3A_1521 = arith.addi %add3A_1520, %add3A_1473 : i32
        %broadcast_in_dim3A_1522 = vector.broadcast %add3A_1521 : i32 to vector<16xi32>
        %broadcast_in_dim3A_1523 = vector.broadcast %reduce_sum3A_1519 : f32 to vector<16xf32>
        tpu.vector_store_idx %arg14[%broadcast_in_dim3A_1522], %broadcast_in_dim3A_1523 masked %eq3A_4 : memref<400xf32, #tpu.memory_space<vmem>>[vector<16xi32>], vector<16xf32>, vector<16xi1>
        %mul3A_1524 = arith.constant 40 : i32
        %mul3A_1525 = arith.muli %scan3A_123, %mul3A_1524 : i32
        %add3A_1526 = arith.constant 26 : i32
        %add3A_1527 = arith.addi %mul3A_1525, %add3A_1526 : i32
        %get3A_1528 = arith.index_cast %add3A_1527 : i32 to index
        %get3A_1529 = arith.constant 0 : index
        %get3A_1530 = tpu.vector_load %arg10[%get3A_1528, %get3A_1529] {strides = array<i32>} : memref<200x128xi32, #tpu.memory_space<vmem>>, vector<16xi32>,
        %bitcast3A_1531 = vector.bitcast %get3A_1530 : vector<16xi32> to vector<32xbf16>
        %get3A_1532 = arith.index_cast %add3A_1527 : i32 to index
        %get3A_1533 = arith.constant 64 : index
        %get3A_1534 = tpu.vector_load %arg11[%get3A_1532, %get3A_1533] {strides = array<i32>} : memref<200x128xi32, #tpu.memory_space<vmem>>, vector<16xi32>,
        %bitcast3A_1535 = vector.bitcast %get3A_1534 : vector<16xi32> to vector<32xbf16>
        %mul3A_1536 = arith.mulf %bitcast3A_1531, %bitcast3A_1535 : vector<32xbf16>
        %get3A_1537 = arith.index_cast %add3A_1527 : i32 to index
        %get3A_1538 = arith.constant 16 : index
        %get3A_1539 = tpu.vector_load %arg10[%get3A_1537, %get3A_1538] {strides = array<i32>} : memref<200x128xi32, #tpu.memory_space<vmem>>, vector<16xi32>,
        %bitcast3A_1540 = vector.bitcast %get3A_1539 : vector<16xi32> to vector<32xbf16>
        %get3A_1541 = arith.index_cast %add3A_1527 : i32 to index
        %get3A_1542 = arith.constant 80 : index
        %get3A_1543 = tpu.vector_load %arg11[%get3A_1541, %get3A_1542] {strides = array<i32>} : memref<200x128xi32, #tpu.memory_space<vmem>>, vector<16xi32>,
        %bitcast3A_1544 = vector.bitcast %get3A_1543 : vector<16xi32> to vector<32xbf16>
        %mul3A_1545 = arith.mulf %bitcast3A_1540, %bitcast3A_1544 : vector<32xbf16>
        %add3A_1546 = arith.addf %mul3A_1536, %mul3A_1545 : vector<32xbf16>
        %get3A_1547 = arith.index_cast %add3A_1527 : i32 to index
        %get3A_1548 = arith.constant 32 : index
        %get3A_1549 = tpu.vector_load %arg10[%get3A_1547, %get3A_1548] {strides = array<i32>} : memref<200x128xi32, #tpu.memory_space<vmem>>, vector<16xi32>,
        %bitcast3A_1550 = vector.bitcast %get3A_1549 : vector<16xi32> to vector<32xbf16>
        %get3A_1551 = arith.index_cast %add3A_1527 : i32 to index
        %get3A_1552 = arith.constant 96 : index
        %get3A_1553 = tpu.vector_load %arg11[%get3A_1551, %get3A_1552] {strides = array<i32>} : memref<200x128xi32, #tpu.memory_space<vmem>>, vector<16xi32>,
        %bitcast3A_1554 = vector.bitcast %get3A_1553 : vector<16xi32> to vector<32xbf16>
        %mul3A_1555 = arith.mulf %bitcast3A_1550, %bitcast3A_1554 : vector<32xbf16>
        %add3A_1556 = arith.addf %add3A_1546, %mul3A_1555 : vector<32xbf16>
        %get3A_1557 = arith.index_cast %add3A_1527 : i32 to index
        %get3A_1558 = arith.constant 48 : index
        %get3A_1559 = tpu.vector_load %arg10[%get3A_1557, %get3A_1558] {strides = array<i32>} : memref<200x128xi32, #tpu.memory_space<vmem>>, vector<16xi32>,
        %bitcast3A_1560 = vector.bitcast %get3A_1559 : vector<16xi32> to vector<32xbf16>
        %get3A_1561 = arith.index_cast %add3A_1527 : i32 to index
        %get3A_1562 = arith.constant 112 : index
        %get3A_1563 = tpu.vector_load %arg11[%get3A_1561, %get3A_1562] {strides = array<i32>} : memref<200x128xi32, #tpu.memory_space<vmem>>, vector<16xi32>,
        %bitcast3A_1564 = vector.bitcast %get3A_1563 : vector<16xi32> to vector<32xbf16>
        %mul3A_1565 = arith.mulf %bitcast3A_1560, %bitcast3A_1564 : vector<32xbf16>
        %add3A_1566 = arith.addf %add3A_1556, %mul3A_1565 : vector<32xbf16>
        %unpack3A_1567 = tpu.unpack_subelements %add3A_1566, 0 {pack_format = #tpu.pack_format<interleaved>} : vector<32xbf16> -> vector<16xf32>
        %unpack3A_1568 = tpu.unpack_subelements %add3A_1566, 1 {pack_format = #tpu.pack_format<interleaved>} : vector<32xbf16> -> vector<16xf32>
        %add3A_1569 = arith.addf %unpack3A_1567, %unpack3A_1568 : vector<16xf32>
        %reduce_sum3A_1570 = arith.constant true
        %reduce_sum3A_1571 = vector.broadcast %reduce_sum3A_1570 : i1 to vector<16xi1>
        %reduce_sum3A_1572 = tpu.scan <sum>, %add3A_1569 masked %reduce_sum3A_1571 : vector<16xf32>, vector<16xi1> -> vector<16xf32>
        %reduce_sum3A_1573 = vector.extract %reduce_sum3A_1572[15] : f32 from vector<16xf32>
        %add3A_1574 = arith.constant 0 : i32
        %add3A_1575 = arith.addi %add3A_1574, %add3A_1527 : i32
        %broadcast_in_dim3A_1576 = vector.broadcast %add3A_1575 : i32 to vector<16xi32>
        %broadcast_in_dim3A_1577 = vector.broadcast %reduce_sum3A_1573 : f32 to vector<16xf32>
        tpu.vector_store_idx %arg14[%broadcast_in_dim3A_1576], %broadcast_in_dim3A_1577 masked %eq3A_4 : memref<400xf32, #tpu.memory_space<vmem>>[vector<16xi32>], vector<16xf32>, vector<16xi1>
        %mul3A_1578 = arith.constant 40 : i32
        %mul3A_1579 = arith.muli %scan3A_123, %mul3A_1578 : i32
        %add3A_1580 = arith.constant 27 : i32
        %add3A_1581 = arith.addi %mul3A_1579, %add3A_1580 : i32
        %get3A_1582 = arith.index_cast %add3A_1581 : i32 to index
        %get3A_1583 = arith.constant 0 : index
        %get3A_1584 = tpu.vector_load %arg10[%get3A_1582, %get3A_1583] {strides = array<i32>} : memref<200x128xi32, #tpu.memory_space<vmem>>, vector<16xi32>,
        %bitcast3A_1585 = vector.bitcast %get3A_1584 : vector<16xi32> to vector<32xbf16>
        %get3A_1586 = arith.index_cast %add3A_1581 : i32 to index
        %get3A_1587 = arith.constant 64 : index
        %get3A_1588 = tpu.vector_load %arg11[%get3A_1586, %get3A_1587] {strides = array<i32>} : memref<200x128xi32, #tpu.memory_space<vmem>>, vector<16xi32>,
        %bitcast3A_1589 = vector.bitcast %get3A_1588 : vector<16xi32> to vector<32xbf16>
        %mul3A_1590 = arith.mulf %bitcast3A_1585, %bitcast3A_1589 : vector<32xbf16>
        %get3A_1591 = arith.index_cast %add3A_1581 : i32 to index
        %get3A_1592 = arith.constant 16 : index
        %get3A_1593 = tpu.vector_load %arg10[%get3A_1591, %get3A_1592] {strides = array<i32>} : memref<200x128xi32, #tpu.memory_space<vmem>>, vector<16xi32>,
        %bitcast3A_1594 = vector.bitcast %get3A_1593 : vector<16xi32> to vector<32xbf16>
        %get3A_1595 = arith.index_cast %add3A_1581 : i32 to index
        %get3A_1596 = arith.constant 80 : index
        %get3A_1597 = tpu.vector_load %arg11[%get3A_1595, %get3A_1596] {strides = array<i32>} : memref<200x128xi32, #tpu.memory_space<vmem>>, vector<16xi32>,
        %bitcast3A_1598 = vector.bitcast %get3A_1597 : vector<16xi32> to vector<32xbf16>
        %mul3A_1599 = arith.mulf %bitcast3A_1594, %bitcast3A_1598 : vector<32xbf16>
        %add3A_1600 = arith.addf %mul3A_1590, %mul3A_1599 : vector<32xbf16>
        %get3A_1601 = arith.index_cast %add3A_1581 : i32 to index
        %get3A_1602 = arith.constant 32 : index
        %get3A_1603 = tpu.vector_load %arg10[%get3A_1601, %get3A_1602] {strides = array<i32>} : memref<200x128xi32, #tpu.memory_space<vmem>>, vector<16xi32>,
        %bitcast3A_1604 = vector.bitcast %get3A_1603 : vector<16xi32> to vector<32xbf16>
        %get3A_1605 = arith.index_cast %add3A_1581 : i32 to index
        %get3A_1606 = arith.constant 96 : index
        %get3A_1607 = tpu.vector_load %arg11[%get3A_1605, %get3A_1606] {strides = array<i32>} : memref<200x128xi32, #tpu.memory_space<vmem>>, vector<16xi32>,
        %bitcast3A_1608 = vector.bitcast %get3A_1607 : vector<16xi32> to vector<32xbf16>
        %mul3A_1609 = arith.mulf %bitcast3A_1604, %bitcast3A_1608 : vector<32xbf16>
        %add3A_1610 = arith.addf %add3A_1600, %mul3A_1609 : vector<32xbf16>
        %get3A_1611 = arith.index_cast %add3A_1581 : i32 to index
        %get3A_1612 = arith.constant 48 : index
        %get3A_1613 = tpu.vector_load %arg10[%get3A_1611, %get3A_1612] {strides = array<i32>} : memref<200x128xi32, #tpu.memory_space<vmem>>, vector<16xi32>,
        %bitcast3A_1614 = vector.bitcast %get3A_1613 : vector<16xi32> to vector<32xbf16>
        %get3A_1615 = arith.index_cast %add3A_1581 : i32 to index
        %get3A_1616 = arith.constant 112 : index
        %get3A_1617 = tpu.vector_load %arg11[%get3A_1615, %get3A_1616] {strides = array<i32>} : memref<200x128xi32, #tpu.memory_space<vmem>>, vector<16xi32>,
        %bitcast3A_1618 = vector.bitcast %get3A_1617 : vector<16xi32> to vector<32xbf16>
        %mul3A_1619 = arith.mulf %bitcast3A_1614, %bitcast3A_1618 : vector<32xbf16>
        %add3A_1620 = arith.addf %add3A_1610, %mul3A_1619 : vector<32xbf16>
        %unpack3A_1621 = tpu.unpack_subelements %add3A_1620, 0 {pack_format = #tpu.pack_format<interleaved>} : vector<32xbf16> -> vector<16xf32>
        %unpack3A_1622 = tpu.unpack_subelements %add3A_1620, 1 {pack_format = #tpu.pack_format<interleaved>} : vector<32xbf16> -> vector<16xf32>
        %add3A_1623 = arith.addf %unpack3A_1621, %unpack3A_1622 : vector<16xf32>
        %reduce_sum3A_1624 = arith.constant true
        %reduce_sum3A_1625 = vector.broadcast %reduce_sum3A_1624 : i1 to vector<16xi1>
        %reduce_sum3A_1626 = tpu.scan <sum>, %add3A_1623 masked %reduce_sum3A_1625 : vector<16xf32>, vector<16xi1> -> vector<16xf32>
        %reduce_sum3A_1627 = vector.extract %reduce_sum3A_1626[15] : f32 from vector<16xf32>
        %add3A_1628 = arith.constant 0 : i32
        %add3A_1629 = arith.addi %add3A_1628, %add3A_1581 : i32
        %broadcast_in_dim3A_1630 = vector.broadcast %add3A_1629 : i32 to vector<16xi32>
        %broadcast_in_dim3A_1631 = vector.broadcast %reduce_sum3A_1627 : f32 to vector<16xf32>
        tpu.vector_store_idx %arg14[%broadcast_in_dim3A_1630], %broadcast_in_dim3A_1631 masked %eq3A_4 : memref<400xf32, #tpu.memory_space<vmem>>[vector<16xi32>], vector<16xf32>, vector<16xi1>
        %mul3A_1632 = arith.constant 40 : i32
        %mul3A_1633 = arith.muli %scan3A_123, %mul3A_1632 : i32
        %add3A_1634 = arith.constant 28 : i32
        %add3A_1635 = arith.addi %mul3A_1633, %add3A_1634 : i32
        %get3A_1636 = arith.index_cast %add3A_1635 : i32 to index
        %get3A_1637 = arith.constant 0 : index
        %get3A_1638 = tpu.vector_load %arg10[%get3A_1636, %get3A_1637] {strides = array<i32>} : memref<200x128xi32, #tpu.memory_space<vmem>>, vector<16xi32>,
        %bitcast3A_1639 = vector.bitcast %get3A_1638 : vector<16xi32> to vector<32xbf16>
        %get3A_1640 = arith.index_cast %add3A_1635 : i32 to index
        %get3A_1641 = arith.constant 64 : index
        %get3A_1642 = tpu.vector_load %arg11[%get3A_1640, %get3A_1641] {strides = array<i32>} : memref<200x128xi32, #tpu.memory_space<vmem>>, vector<16xi32>,
        %bitcast3A_1643 = vector.bitcast %get3A_1642 : vector<16xi32> to vector<32xbf16>
        %mul3A_1644 = arith.mulf %bitcast3A_1639, %bitcast3A_1643 : vector<32xbf16>
        %get3A_1645 = arith.index_cast %add3A_1635 : i32 to index
        %get3A_1646 = arith.constant 16 : index
        %get3A_1647 = tpu.vector_load %arg10[%get3A_1645, %get3A_1646] {strides = array<i32>} : memref<200x128xi32, #tpu.memory_space<vmem>>, vector<16xi32>,
        %bitcast3A_1648 = vector.bitcast %get3A_1647 : vector<16xi32> to vector<32xbf16>
        %get3A_1649 = arith.index_cast %add3A_1635 : i32 to index
        %get3A_1650 = arith.constant 80 : index
        %get3A_1651 = tpu.vector_load %arg11[%get3A_1649, %get3A_1650] {strides = array<i32>} : memref<200x128xi32, #tpu.memory_space<vmem>>, vector<16xi32>,
        %bitcast3A_1652 = vector.bitcast %get3A_1651 : vector<16xi32> to vector<32xbf16>
        %mul3A_1653 = arith.mulf %bitcast3A_1648, %bitcast3A_1652 : vector<32xbf16>
        %add3A_1654 = arith.addf %mul3A_1644, %mul3A_1653 : vector<32xbf16>
        %get3A_1655 = arith.index_cast %add3A_1635 : i32 to index
        %get3A_1656 = arith.constant 32 : index
        %get3A_1657 = tpu.vector_load %arg10[%get3A_1655, %get3A_1656] {strides = array<i32>} : memref<200x128xi32, #tpu.memory_space<vmem>>, vector<16xi32>,
        %bitcast3A_1658 = vector.bitcast %get3A_1657 : vector<16xi32> to vector<32xbf16>
        %get3A_1659 = arith.index_cast %add3A_1635 : i32 to index
        %get3A_1660 = arith.constant 96 : index
        %get3A_1661 = tpu.vector_load %arg11[%get3A_1659, %get3A_1660] {strides = array<i32>} : memref<200x128xi32, #tpu.memory_space<vmem>>, vector<16xi32>,
        %bitcast3A_1662 = vector.bitcast %get3A_1661 : vector<16xi32> to vector<32xbf16>
        %mul3A_1663 = arith.mulf %bitcast3A_1658, %bitcast3A_1662 : vector<32xbf16>
        %add3A_1664 = arith.addf %add3A_1654, %mul3A_1663 : vector<32xbf16>
        %get3A_1665 = arith.index_cast %add3A_1635 : i32 to index
        %get3A_1666 = arith.constant 48 : index
        %get3A_1667 = tpu.vector_load %arg10[%get3A_1665, %get3A_1666] {strides = array<i32>} : memref<200x128xi32, #tpu.memory_space<vmem>>, vector<16xi32>,
        %bitcast3A_1668 = vector.bitcast %get3A_1667 : vector<16xi32> to vector<32xbf16>
        %get3A_1669 = arith.index_cast %add3A_1635 : i32 to index
        %get3A_1670 = arith.constant 112 : index
        %get3A_1671 = tpu.vector_load %arg11[%get3A_1669, %get3A_1670] {strides = array<i32>} : memref<200x128xi32, #tpu.memory_space<vmem>>, vector<16xi32>,
        %bitcast3A_1672 = vector.bitcast %get3A_1671 : vector<16xi32> to vector<32xbf16>
        %mul3A_1673 = arith.mulf %bitcast3A_1668, %bitcast3A_1672 : vector<32xbf16>
        %add3A_1674 = arith.addf %add3A_1664, %mul3A_1673 : vector<32xbf16>
        %unpack3A_1675 = tpu.unpack_subelements %add3A_1674, 0 {pack_format = #tpu.pack_format<interleaved>} : vector<32xbf16> -> vector<16xf32>
        %unpack3A_1676 = tpu.unpack_subelements %add3A_1674, 1 {pack_format = #tpu.pack_format<interleaved>} : vector<32xbf16> -> vector<16xf32>
        %add3A_1677 = arith.addf %unpack3A_1675, %unpack3A_1676 : vector<16xf32>
        %reduce_sum3A_1678 = arith.constant true
        %reduce_sum3A_1679 = vector.broadcast %reduce_sum3A_1678 : i1 to vector<16xi1>
        %reduce_sum3A_1680 = tpu.scan <sum>, %add3A_1677 masked %reduce_sum3A_1679 : vector<16xf32>, vector<16xi1> -> vector<16xf32>
        %reduce_sum3A_1681 = vector.extract %reduce_sum3A_1680[15] : f32 from vector<16xf32>
        %add3A_1682 = arith.constant 0 : i32
        %add3A_1683 = arith.addi %add3A_1682, %add3A_1635 : i32
        %broadcast_in_dim3A_1684 = vector.broadcast %add3A_1683 : i32 to vector<16xi32>
        %broadcast_in_dim3A_1685 = vector.broadcast %reduce_sum3A_1681 : f32 to vector<16xf32>
        tpu.vector_store_idx %arg14[%broadcast_in_dim3A_1684], %broadcast_in_dim3A_1685 masked %eq3A_4 : memref<400xf32, #tpu.memory_space<vmem>>[vector<16xi32>], vector<16xf32>, vector<16xi1>
        %mul3A_1686 = arith.constant 40 : i32
        %mul3A_1687 = arith.muli %scan3A_123, %mul3A_1686 : i32
        %add3A_1688 = arith.constant 29 : i32
        %add3A_1689 = arith.addi %mul3A_1687, %add3A_1688 : i32
        %get3A_1690 = arith.index_cast %add3A_1689 : i32 to index
        %get3A_1691 = arith.constant 0 : index
        %get3A_1692 = tpu.vector_load %arg10[%get3A_1690, %get3A_1691] {strides = array<i32>} : memref<200x128xi32, #tpu.memory_space<vmem>>, vector<16xi32>,
        %bitcast3A_1693 = vector.bitcast %get3A_1692 : vector<16xi32> to vector<32xbf16>
        %get3A_1694 = arith.index_cast %add3A_1689 : i32 to index
        %get3A_1695 = arith.constant 64 : index
        %get3A_1696 = tpu.vector_load %arg11[%get3A_1694, %get3A_1695] {strides = array<i32>} : memref<200x128xi32, #tpu.memory_space<vmem>>, vector<16xi32>,
        %bitcast3A_1697 = vector.bitcast %get3A_1696 : vector<16xi32> to vector<32xbf16>
        %mul3A_1698 = arith.mulf %bitcast3A_1693, %bitcast3A_1697 : vector<32xbf16>
        %get3A_1699 = arith.index_cast %add3A_1689 : i32 to index
        %get3A_1700 = arith.constant 16 : index
        %get3A_1701 = tpu.vector_load %arg10[%get3A_1699, %get3A_1700] {strides = array<i32>} : memref<200x128xi32, #tpu.memory_space<vmem>>, vector<16xi32>,
        %bitcast3A_1702 = vector.bitcast %get3A_1701 : vector<16xi32> to vector<32xbf16>
        %get3A_1703 = arith.index_cast %add3A_1689 : i32 to index
        %get3A_1704 = arith.constant 80 : index
        %get3A_1705 = tpu.vector_load %arg11[%get3A_1703, %get3A_1704] {strides = array<i32>} : memref<200x128xi32, #tpu.memory_space<vmem>>, vector<16xi32>,
        %bitcast3A_1706 = vector.bitcast %get3A_1705 : vector<16xi32> to vector<32xbf16>
        %mul3A_1707 = arith.mulf %bitcast3A_1702, %bitcast3A_1706 : vector<32xbf16>
        %add3A_1708 = arith.addf %mul3A_1698, %mul3A_1707 : vector<32xbf16>
        %get3A_1709 = arith.index_cast %add3A_1689 : i32 to index
        %get3A_1710 = arith.constant 32 : index
        %get3A_1711 = tpu.vector_load %arg10[%get3A_1709, %get3A_1710] {strides = array<i32>} : memref<200x128xi32, #tpu.memory_space<vmem>>, vector<16xi32>,
        %bitcast3A_1712 = vector.bitcast %get3A_1711 : vector<16xi32> to vector<32xbf16>
        %get3A_1713 = arith.index_cast %add3A_1689 : i32 to index
        %get3A_1714 = arith.constant 96 : index
        %get3A_1715 = tpu.vector_load %arg11[%get3A_1713, %get3A_1714] {strides = array<i32>} : memref<200x128xi32, #tpu.memory_space<vmem>>, vector<16xi32>,
        %bitcast3A_1716 = vector.bitcast %get3A_1715 : vector<16xi32> to vector<32xbf16>
        %mul3A_1717 = arith.mulf %bitcast3A_1712, %bitcast3A_1716 : vector<32xbf16>
        %add3A_1718 = arith.addf %add3A_1708, %mul3A_1717 : vector<32xbf16>
        %get3A_1719 = arith.index_cast %add3A_1689 : i32 to index
        %get3A_1720 = arith.constant 48 : index
        %get3A_1721 = tpu.vector_load %arg10[%get3A_1719, %get3A_1720] {strides = array<i32>} : memref<200x128xi32, #tpu.memory_space<vmem>>, vector<16xi32>,
        %bitcast3A_1722 = vector.bitcast %get3A_1721 : vector<16xi32> to vector<32xbf16>
        %get3A_1723 = arith.index_cast %add3A_1689 : i32 to index
        %get3A_1724 = arith.constant 112 : index
        %get3A_1725 = tpu.vector_load %arg11[%get3A_1723, %get3A_1724] {strides = array<i32>} : memref<200x128xi32, #tpu.memory_space<vmem>>, vector<16xi32>,
        %bitcast3A_1726 = vector.bitcast %get3A_1725 : vector<16xi32> to vector<32xbf16>
        %mul3A_1727 = arith.mulf %bitcast3A_1722, %bitcast3A_1726 : vector<32xbf16>
        %add3A_1728 = arith.addf %add3A_1718, %mul3A_1727 : vector<32xbf16>
        %unpack3A_1729 = tpu.unpack_subelements %add3A_1728, 0 {pack_format = #tpu.pack_format<interleaved>} : vector<32xbf16> -> vector<16xf32>
        %unpack3A_1730 = tpu.unpack_subelements %add3A_1728, 1 {pack_format = #tpu.pack_format<interleaved>} : vector<32xbf16> -> vector<16xf32>
        %add3A_1731 = arith.addf %unpack3A_1729, %unpack3A_1730 : vector<16xf32>
        %reduce_sum3A_1732 = arith.constant true
        %reduce_sum3A_1733 = vector.broadcast %reduce_sum3A_1732 : i1 to vector<16xi1>
        %reduce_sum3A_1734 = tpu.scan <sum>, %add3A_1731 masked %reduce_sum3A_1733 : vector<16xf32>, vector<16xi1> -> vector<16xf32>
        %reduce_sum3A_1735 = vector.extract %reduce_sum3A_1734[15] : f32 from vector<16xf32>
        %add3A_1736 = arith.constant 0 : i32
        %add3A_1737 = arith.addi %add3A_1736, %add3A_1689 : i32
        %broadcast_in_dim3A_1738 = vector.broadcast %add3A_1737 : i32 to vector<16xi32>
        %broadcast_in_dim3A_1739 = vector.broadcast %reduce_sum3A_1735 : f32 to vector<16xf32>
        tpu.vector_store_idx %arg14[%broadcast_in_dim3A_1738], %broadcast_in_dim3A_1739 masked %eq3A_4 : memref<400xf32, #tpu.memory_space<vmem>>[vector<16xi32>], vector<16xf32>, vector<16xi1>
        %mul3A_1740 = arith.constant 40 : i32
        %mul3A_1741 = arith.muli %scan3A_123, %mul3A_1740 : i32
        %add3A_1742 = arith.constant 30 : i32
        %add3A_1743 = arith.addi %mul3A_1741, %add3A_1742 : i32
        %get3A_1744 = arith.index_cast %add3A_1743 : i32 to index
        %get3A_1745 = arith.constant 0 : index
        %get3A_1746 = tpu.vector_load %arg10[%get3A_1744, %get3A_1745] {strides = array<i32>} : memref<200x128xi32, #tpu.memory_space<vmem>>, vector<16xi32>,
        %bitcast3A_1747 = vector.bitcast %get3A_1746 : vector<16xi32> to vector<32xbf16>
        %get3A_1748 = arith.index_cast %add3A_1743 : i32 to index
        %get3A_1749 = arith.constant 64 : index
        %get3A_1750 = tpu.vector_load %arg11[%get3A_1748, %get3A_1749] {strides = array<i32>} : memref<200x128xi32, #tpu.memory_space<vmem>>, vector<16xi32>,
        %bitcast3A_1751 = vector.bitcast %get3A_1750 : vector<16xi32> to vector<32xbf16>
        %mul3A_1752 = arith.mulf %bitcast3A_1747, %bitcast3A_1751 : vector<32xbf16>
        %get3A_1753 = arith.index_cast %add3A_1743 : i32 to index
        %get3A_1754 = arith.constant 16 : index
        %get3A_1755 = tpu.vector_load %arg10[%get3A_1753, %get3A_1754] {strides = array<i32>} : memref<200x128xi32, #tpu.memory_space<vmem>>, vector<16xi32>,
        %bitcast3A_1756 = vector.bitcast %get3A_1755 : vector<16xi32> to vector<32xbf16>
        %get3A_1757 = arith.index_cast %add3A_1743 : i32 to index
        %get3A_1758 = arith.constant 80 : index
        %get3A_1759 = tpu.vector_load %arg11[%get3A_1757, %get3A_1758] {strides = array<i32>} : memref<200x128xi32, #tpu.memory_space<vmem>>, vector<16xi32>,
        %bitcast3A_1760 = vector.bitcast %get3A_1759 : vector<16xi32> to vector<32xbf16>
        %mul3A_1761 = arith.mulf %bitcast3A_1756, %bitcast3A_1760 : vector<32xbf16>
        %add3A_1762 = arith.addf %mul3A_1752, %mul3A_1761 : vector<32xbf16>
        %get3A_1763 = arith.index_cast %add3A_1743 : i32 to index
        %get3A_1764 = arith.constant 32 : index
        %get3A_1765 = tpu.vector_load %arg10[%get3A_1763, %get3A_1764] {strides = array<i32>} : memref<200x128xi32, #tpu.memory_space<vmem>>, vector<16xi32>,
        %bitcast3A_1766 = vector.bitcast %get3A_1765 : vector<16xi32> to vector<32xbf16>
        %get3A_1767 = arith.index_cast %add3A_1743 : i32 to index
        %get3A_1768 = arith.constant 96 : index
        %get3A_1769 = tpu.vector_load %arg11[%get3A_1767, %get3A_1768] {strides = array<i32>} : memref<200x128xi32, #tpu.memory_space<vmem>>, vector<16xi32>,
        %bitcast3A_1770 = vector.bitcast %get3A_1769 : vector<16xi32> to vector<32xbf16>
        %mul3A_1771 = arith.mulf %bitcast3A_1766, %bitcast3A_1770 : vector<32xbf16>
        %add3A_1772 = arith.addf %add3A_1762, %mul3A_1771 : vector<32xbf16>
        %get3A_1773 = arith.index_cast %add3A_1743 : i32 to index
        %get3A_1774 = arith.constant 48 : index
        %get3A_1775 = tpu.vector_load %arg10[%get3A_1773, %get3A_1774] {strides = array<i32>} : memref<200x128xi32, #tpu.memory_space<vmem>>, vector<16xi32>,
        %bitcast3A_1776 = vector.bitcast %get3A_1775 : vector<16xi32> to vector<32xbf16>
        %get3A_1777 = arith.index_cast %add3A_1743 : i32 to index
        %get3A_1778 = arith.constant 112 : index
        %get3A_1779 = tpu.vector_load %arg11[%get3A_1777, %get3A_1778] {strides = array<i32>} : memref<200x128xi32, #tpu.memory_space<vmem>>, vector<16xi32>,
        %bitcast3A_1780 = vector.bitcast %get3A_1779 : vector<16xi32> to vector<32xbf16>
        %mul3A_1781 = arith.mulf %bitcast3A_1776, %bitcast3A_1780 : vector<32xbf16>
        %add3A_1782 = arith.addf %add3A_1772, %mul3A_1781 : vector<32xbf16>
        %unpack3A_1783 = tpu.unpack_subelements %add3A_1782, 0 {pack_format = #tpu.pack_format<interleaved>} : vector<32xbf16> -> vector<16xf32>
        %unpack3A_1784 = tpu.unpack_subelements %add3A_1782, 1 {pack_format = #tpu.pack_format<interleaved>} : vector<32xbf16> -> vector<16xf32>
        %add3A_1785 = arith.addf %unpack3A_1783, %unpack3A_1784 : vector<16xf32>
        %reduce_sum3A_1786 = arith.constant true
        %reduce_sum3A_1787 = vector.broadcast %reduce_sum3A_1786 : i1 to vector<16xi1>
        %reduce_sum3A_1788 = tpu.scan <sum>, %add3A_1785 masked %reduce_sum3A_1787 : vector<16xf32>, vector<16xi1> -> vector<16xf32>
        %reduce_sum3A_1789 = vector.extract %reduce_sum3A_1788[15] : f32 from vector<16xf32>
        %add3A_1790 = arith.constant 0 : i32
        %add3A_1791 = arith.addi %add3A_1790, %add3A_1743 : i32
        %broadcast_in_dim3A_1792 = vector.broadcast %add3A_1791 : i32 to vector<16xi32>
        %broadcast_in_dim3A_1793 = vector.broadcast %reduce_sum3A_1789 : f32 to vector<16xf32>
        tpu.vector_store_idx %arg14[%broadcast_in_dim3A_1792], %broadcast_in_dim3A_1793 masked %eq3A_4 : memref<400xf32, #tpu.memory_space<vmem>>[vector<16xi32>], vector<16xf32>, vector<16xi1>
        %mul3A_1794 = arith.constant 40 : i32
        %mul3A_1795 = arith.muli %scan3A_123, %mul3A_1794 : i32
        %add3A_1796 = arith.constant 31 : i32
        %add3A_1797 = arith.addi %mul3A_1795, %add3A_1796 : i32
        %get3A_1798 = arith.index_cast %add3A_1797 : i32 to index
        %get3A_1799 = arith.constant 0 : index
        %get3A_1800 = tpu.vector_load %arg10[%get3A_1798, %get3A_1799] {strides = array<i32>} : memref<200x128xi32, #tpu.memory_space<vmem>>, vector<16xi32>,
        %bitcast3A_1801 = vector.bitcast %get3A_1800 : vector<16xi32> to vector<32xbf16>
        %get3A_1802 = arith.index_cast %add3A_1797 : i32 to index
        %get3A_1803 = arith.constant 64 : index
        %get3A_1804 = tpu.vector_load %arg11[%get3A_1802, %get3A_1803] {strides = array<i32>} : memref<200x128xi32, #tpu.memory_space<vmem>>, vector<16xi32>,
        %bitcast3A_1805 = vector.bitcast %get3A_1804 : vector<16xi32> to vector<32xbf16>
        %mul3A_1806 = arith.mulf %bitcast3A_1801, %bitcast3A_1805 : vector<32xbf16>
        %get3A_1807 = arith.index_cast %add3A_1797 : i32 to index
        %get3A_1808 = arith.constant 16 : index
        %get3A_1809 = tpu.vector_load %arg10[%get3A_1807, %get3A_1808] {strides = array<i32>} : memref<200x128xi32, #tpu.memory_space<vmem>>, vector<16xi32>,
        %bitcast3A_1810 = vector.bitcast %get3A_1809 : vector<16xi32> to vector<32xbf16>
        %get3A_1811 = arith.index_cast %add3A_1797 : i32 to index
        %get3A_1812 = arith.constant 80 : index
        %get3A_1813 = tpu.vector_load %arg11[%get3A_1811, %get3A_1812] {strides = array<i32>} : memref<200x128xi32, #tpu.memory_space<vmem>>, vector<16xi32>,
        %bitcast3A_1814 = vector.bitcast %get3A_1813 : vector<16xi32> to vector<32xbf16>
        %mul3A_1815 = arith.mulf %bitcast3A_1810, %bitcast3A_1814 : vector<32xbf16>
        %add3A_1816 = arith.addf %mul3A_1806, %mul3A_1815 : vector<32xbf16>
        %get3A_1817 = arith.index_cast %add3A_1797 : i32 to index
        %get3A_1818 = arith.constant 32 : index
        %get3A_1819 = tpu.vector_load %arg10[%get3A_1817, %get3A_1818] {strides = array<i32>} : memref<200x128xi32, #tpu.memory_space<vmem>>, vector<16xi32>,
        %bitcast3A_1820 = vector.bitcast %get3A_1819 : vector<16xi32> to vector<32xbf16>
        %get3A_1821 = arith.index_cast %add3A_1797 : i32 to index
        %get3A_1822 = arith.constant 96 : index
        %get3A_1823 = tpu.vector_load %arg11[%get3A_1821, %get3A_1822] {strides = array<i32>} : memref<200x128xi32, #tpu.memory_space<vmem>>, vector<16xi32>,
        %bitcast3A_1824 = vector.bitcast %get3A_1823 : vector<16xi32> to vector<32xbf16>
        %mul3A_1825 = arith.mulf %bitcast3A_1820, %bitcast3A_1824 : vector<32xbf16>
        %add3A_1826 = arith.addf %add3A_1816, %mul3A_1825 : vector<32xbf16>
        %get3A_1827 = arith.index_cast %add3A_1797 : i32 to index
        %get3A_1828 = arith.constant 48 : index
        %get3A_1829 = tpu.vector_load %arg10[%get3A_1827, %get3A_1828] {strides = array<i32>} : memref<200x128xi32, #tpu.memory_space<vmem>>, vector<16xi32>,
        %bitcast3A_1830 = vector.bitcast %get3A_1829 : vector<16xi32> to vector<32xbf16>
        %get3A_1831 = arith.index_cast %add3A_1797 : i32 to index
        %get3A_1832 = arith.constant 112 : index
        %get3A_1833 = tpu.vector_load %arg11[%get3A_1831, %get3A_1832] {strides = array<i32>} : memref<200x128xi32, #tpu.memory_space<vmem>>, vector<16xi32>,
        %bitcast3A_1834 = vector.bitcast %get3A_1833 : vector<16xi32> to vector<32xbf16>
        %mul3A_1835 = arith.mulf %bitcast3A_1830, %bitcast3A_1834 : vector<32xbf16>
        %add3A_1836 = arith.addf %add3A_1826, %mul3A_1835 : vector<32xbf16>
        %unpack3A_1837 = tpu.unpack_subelements %add3A_1836, 0 {pack_format = #tpu.pack_format<interleaved>} : vector<32xbf16> -> vector<16xf32>
        %unpack3A_1838 = tpu.unpack_subelements %add3A_1836, 1 {pack_format = #tpu.pack_format<interleaved>} : vector<32xbf16> -> vector<16xf32>
        %add3A_1839 = arith.addf %unpack3A_1837, %unpack3A_1838 : vector<16xf32>
        %reduce_sum3A_1840 = arith.constant true
        %reduce_sum3A_1841 = vector.broadcast %reduce_sum3A_1840 : i1 to vector<16xi1>
        %reduce_sum3A_1842 = tpu.scan <sum>, %add3A_1839 masked %reduce_sum3A_1841 : vector<16xf32>, vector<16xi1> -> vector<16xf32>
        %reduce_sum3A_1843 = vector.extract %reduce_sum3A_1842[15] : f32 from vector<16xf32>
        %add3A_1844 = arith.constant 0 : i32
        %add3A_1845 = arith.addi %add3A_1844, %add3A_1797 : i32
        %broadcast_in_dim3A_1846 = vector.broadcast %add3A_1845 : i32 to vector<16xi32>
        %broadcast_in_dim3A_1847 = vector.broadcast %reduce_sum3A_1843 : f32 to vector<16xf32>
        tpu.vector_store_idx %arg14[%broadcast_in_dim3A_1846], %broadcast_in_dim3A_1847 masked %eq3A_4 : memref<400xf32, #tpu.memory_space<vmem>>[vector<16xi32>], vector<16xf32>, vector<16xi1>
        %mul3A_1848 = arith.constant 40 : i32
        %mul3A_1849 = arith.muli %scan3A_123, %mul3A_1848 : i32
        %add3A_1850 = arith.constant 32 : i32
        %add3A_1851 = arith.addi %mul3A_1849, %add3A_1850 : i32
        %get3A_1852 = arith.index_cast %add3A_1851 : i32 to index
        %get3A_1853 = arith.constant 0 : index
        %get3A_1854 = tpu.vector_load %arg10[%get3A_1852, %get3A_1853] {strides = array<i32>} : memref<200x128xi32, #tpu.memory_space<vmem>>, vector<16xi32>,
        %bitcast3A_1855 = vector.bitcast %get3A_1854 : vector<16xi32> to vector<32xbf16>
        %get3A_1856 = arith.index_cast %add3A_1851 : i32 to index
        %get3A_1857 = arith.constant 64 : index
        %get3A_1858 = tpu.vector_load %arg11[%get3A_1856, %get3A_1857] {strides = array<i32>} : memref<200x128xi32, #tpu.memory_space<vmem>>, vector<16xi32>,
        %bitcast3A_1859 = vector.bitcast %get3A_1858 : vector<16xi32> to vector<32xbf16>
        %mul3A_1860 = arith.mulf %bitcast3A_1855, %bitcast3A_1859 : vector<32xbf16>
        %get3A_1861 = arith.index_cast %add3A_1851 : i32 to index
        %get3A_1862 = arith.constant 16 : index
        %get3A_1863 = tpu.vector_load %arg10[%get3A_1861, %get3A_1862] {strides = array<i32>} : memref<200x128xi32, #tpu.memory_space<vmem>>, vector<16xi32>,
        %bitcast3A_1864 = vector.bitcast %get3A_1863 : vector<16xi32> to vector<32xbf16>
        %get3A_1865 = arith.index_cast %add3A_1851 : i32 to index
        %get3A_1866 = arith.constant 80 : index
        %get3A_1867 = tpu.vector_load %arg11[%get3A_1865, %get3A_1866] {strides = array<i32>} : memref<200x128xi32, #tpu.memory_space<vmem>>, vector<16xi32>,
        %bitcast3A_1868 = vector.bitcast %get3A_1867 : vector<16xi32> to vector<32xbf16>
        %mul3A_1869 = arith.mulf %bitcast3A_1864, %bitcast3A_1868 : vector<32xbf16>
        %add3A_1870 = arith.addf %mul3A_1860, %mul3A_1869 : vector<32xbf16>
        %get3A_1871 = arith.index_cast %add3A_1851 : i32 to index
        %get3A_1872 = arith.constant 32 : index
        %get3A_1873 = tpu.vector_load %arg10[%get3A_1871, %get3A_1872] {strides = array<i32>} : memref<200x128xi32, #tpu.memory_space<vmem>>, vector<16xi32>,
        %bitcast3A_1874 = vector.bitcast %get3A_1873 : vector<16xi32> to vector<32xbf16>
        %get3A_1875 = arith.index_cast %add3A_1851 : i32 to index
        %get3A_1876 = arith.constant 96 : index
        %get3A_1877 = tpu.vector_load %arg11[%get3A_1875, %get3A_1876] {strides = array<i32>} : memref<200x128xi32, #tpu.memory_space<vmem>>, vector<16xi32>,
        %bitcast3A_1878 = vector.bitcast %get3A_1877 : vector<16xi32> to vector<32xbf16>
        %mul3A_1879 = arith.mulf %bitcast3A_1874, %bitcast3A_1878 : vector<32xbf16>
        %add3A_1880 = arith.addf %add3A_1870, %mul3A_1879 : vector<32xbf16>
        %get3A_1881 = arith.index_cast %add3A_1851 : i32 to index
        %get3A_1882 = arith.constant 48 : index
        %get3A_1883 = tpu.vector_load %arg10[%get3A_1881, %get3A_1882] {strides = array<i32>} : memref<200x128xi32, #tpu.memory_space<vmem>>, vector<16xi32>,
        %bitcast3A_1884 = vector.bitcast %get3A_1883 : vector<16xi32> to vector<32xbf16>
        %get3A_1885 = arith.index_cast %add3A_1851 : i32 to index
        %get3A_1886 = arith.constant 112 : index
        %get3A_1887 = tpu.vector_load %arg11[%get3A_1885, %get3A_1886] {strides = array<i32>} : memref<200x128xi32, #tpu.memory_space<vmem>>, vector<16xi32>,
        %bitcast3A_1888 = vector.bitcast %get3A_1887 : vector<16xi32> to vector<32xbf16>
        %mul3A_1889 = arith.mulf %bitcast3A_1884, %bitcast3A_1888 : vector<32xbf16>
        %add3A_1890 = arith.addf %add3A_1880, %mul3A_1889 : vector<32xbf16>
        %unpack3A_1891 = tpu.unpack_subelements %add3A_1890, 0 {pack_format = #tpu.pack_format<interleaved>} : vector<32xbf16> -> vector<16xf32>
        %unpack3A_1892 = tpu.unpack_subelements %add3A_1890, 1 {pack_format = #tpu.pack_format<interleaved>} : vector<32xbf16> -> vector<16xf32>
        %add3A_1893 = arith.addf %unpack3A_1891, %unpack3A_1892 : vector<16xf32>
        %reduce_sum3A_1894 = arith.constant true
        %reduce_sum3A_1895 = vector.broadcast %reduce_sum3A_1894 : i1 to vector<16xi1>
        %reduce_sum3A_1896 = tpu.scan <sum>, %add3A_1893 masked %reduce_sum3A_1895 : vector<16xf32>, vector<16xi1> -> vector<16xf32>
        %reduce_sum3A_1897 = vector.extract %reduce_sum3A_1896[15] : f32 from vector<16xf32>
        %add3A_1898 = arith.constant 0 : i32
        %add3A_1899 = arith.addi %add3A_1898, %add3A_1851 : i32
        %broadcast_in_dim3A_1900 = vector.broadcast %add3A_1899 : i32 to vector<16xi32>
        %broadcast_in_dim3A_1901 = vector.broadcast %reduce_sum3A_1897 : f32 to vector<16xf32>
        tpu.vector_store_idx %arg14[%broadcast_in_dim3A_1900], %broadcast_in_dim3A_1901 masked %eq3A_4 : memref<400xf32, #tpu.memory_space<vmem>>[vector<16xi32>], vector<16xf32>, vector<16xi1>
        %mul3A_1902 = arith.constant 40 : i32
        %mul3A_1903 = arith.muli %scan3A_123, %mul3A_1902 : i32
        %add3A_1904 = arith.constant 33 : i32
        %add3A_1905 = arith.addi %mul3A_1903, %add3A_1904 : i32
        %get3A_1906 = arith.index_cast %add3A_1905 : i32 to index
        %get3A_1907 = arith.constant 0 : index
        %get3A_1908 = tpu.vector_load %arg10[%get3A_1906, %get3A_1907] {strides = array<i32>} : memref<200x128xi32, #tpu.memory_space<vmem>>, vector<16xi32>,
        %bitcast3A_1909 = vector.bitcast %get3A_1908 : vector<16xi32> to vector<32xbf16>
        %get3A_1910 = arith.index_cast %add3A_1905 : i32 to index
        %get3A_1911 = arith.constant 64 : index
        %get3A_1912 = tpu.vector_load %arg11[%get3A_1910, %get3A_1911] {strides = array<i32>} : memref<200x128xi32, #tpu.memory_space<vmem>>, vector<16xi32>,
        %bitcast3A_1913 = vector.bitcast %get3A_1912 : vector<16xi32> to vector<32xbf16>
        %mul3A_1914 = arith.mulf %bitcast3A_1909, %bitcast3A_1913 : vector<32xbf16>
        %get3A_1915 = arith.index_cast %add3A_1905 : i32 to index
        %get3A_1916 = arith.constant 16 : index
        %get3A_1917 = tpu.vector_load %arg10[%get3A_1915, %get3A_1916] {strides = array<i32>} : memref<200x128xi32, #tpu.memory_space<vmem>>, vector<16xi32>,
        %bitcast3A_1918 = vector.bitcast %get3A_1917 : vector<16xi32> to vector<32xbf16>
        %get3A_1919 = arith.index_cast %add3A_1905 : i32 to index
        %get3A_1920 = arith.constant 80 : index
        %get3A_1921 = tpu.vector_load %arg11[%get3A_1919, %get3A_1920] {strides = array<i32>} : memref<200x128xi32, #tpu.memory_space<vmem>>, vector<16xi32>,
        %bitcast3A_1922 = vector.bitcast %get3A_1921 : vector<16xi32> to vector<32xbf16>
        %mul3A_1923 = arith.mulf %bitcast3A_1918, %bitcast3A_1922 : vector<32xbf16>
        %add3A_1924 = arith.addf %mul3A_1914, %mul3A_1923 : vector<32xbf16>
        %get3A_1925 = arith.index_cast %add3A_1905 : i32 to index
        %get3A_1926 = arith.constant 32 : index
        %get3A_1927 = tpu.vector_load %arg10[%get3A_1925, %get3A_1926] {strides = array<i32>} : memref<200x128xi32, #tpu.memory_space<vmem>>, vector<16xi32>,
        %bitcast3A_1928 = vector.bitcast %get3A_1927 : vector<16xi32> to vector<32xbf16>
        %get3A_1929 = arith.index_cast %add3A_1905 : i32 to index
        %get3A_1930 = arith.constant 96 : index
        %get3A_1931 = tpu.vector_load %arg11[%get3A_1929, %get3A_1930] {strides = array<i32>} : memref<200x128xi32, #tpu.memory_space<vmem>>, vector<16xi32>,
        %bitcast3A_1932 = vector.bitcast %get3A_1931 : vector<16xi32> to vector<32xbf16>
        %mul3A_1933 = arith.mulf %bitcast3A_1928, %bitcast3A_1932 : vector<32xbf16>
        %add3A_1934 = arith.addf %add3A_1924, %mul3A_1933 : vector<32xbf16>
        %get3A_1935 = arith.index_cast %add3A_1905 : i32 to index
        %get3A_1936 = arith.constant 48 : index
        %get3A_1937 = tpu.vector_load %arg10[%get3A_1935, %get3A_1936] {strides = array<i32>} : memref<200x128xi32, #tpu.memory_space<vmem>>, vector<16xi32>,
        %bitcast3A_1938 = vector.bitcast %get3A_1937 : vector<16xi32> to vector<32xbf16>
        %get3A_1939 = arith.index_cast %add3A_1905 : i32 to index
        %get3A_1940 = arith.constant 112 : index
        %get3A_1941 = tpu.vector_load %arg11[%get3A_1939, %get3A_1940] {strides = array<i32>} : memref<200x128xi32, #tpu.memory_space<vmem>>, vector<16xi32>,
        %bitcast3A_1942 = vector.bitcast %get3A_1941 : vector<16xi32> to vector<32xbf16>
        %mul3A_1943 = arith.mulf %bitcast3A_1938, %bitcast3A_1942 : vector<32xbf16>
        %add3A_1944 = arith.addf %add3A_1934, %mul3A_1943 : vector<32xbf16>
        %unpack3A_1945 = tpu.unpack_subelements %add3A_1944, 0 {pack_format = #tpu.pack_format<interleaved>} : vector<32xbf16> -> vector<16xf32>
        %unpack3A_1946 = tpu.unpack_subelements %add3A_1944, 1 {pack_format = #tpu.pack_format<interleaved>} : vector<32xbf16> -> vector<16xf32>
        %add3A_1947 = arith.addf %unpack3A_1945, %unpack3A_1946 : vector<16xf32>
        %reduce_sum3A_1948 = arith.constant true
        %reduce_sum3A_1949 = vector.broadcast %reduce_sum3A_1948 : i1 to vector<16xi1>
        %reduce_sum3A_1950 = tpu.scan <sum>, %add3A_1947 masked %reduce_sum3A_1949 : vector<16xf32>, vector<16xi1> -> vector<16xf32>
        %reduce_sum3A_1951 = vector.extract %reduce_sum3A_1950[15] : f32 from vector<16xf32>
        %add3A_1952 = arith.constant 0 : i32
        %add3A_1953 = arith.addi %add3A_1952, %add3A_1905 : i32
        %broadcast_in_dim3A_1954 = vector.broadcast %add3A_1953 : i32 to vector<16xi32>
        %broadcast_in_dim3A_1955 = vector.broadcast %reduce_sum3A_1951 : f32 to vector<16xf32>
        tpu.vector_store_idx %arg14[%broadcast_in_dim3A_1954], %broadcast_in_dim3A_1955 masked %eq3A_4 : memref<400xf32, #tpu.memory_space<vmem>>[vector<16xi32>], vector<16xf32>, vector<16xi1>
        %mul3A_1956 = arith.constant 40 : i32
        %mul3A_1957 = arith.muli %scan3A_123, %mul3A_1956 : i32
        %add3A_1958 = arith.constant 34 : i32
        %add3A_1959 = arith.addi %mul3A_1957, %add3A_1958 : i32
        %get3A_1960 = arith.index_cast %add3A_1959 : i32 to index
        %get3A_1961 = arith.constant 0 : index
        %get3A_1962 = tpu.vector_load %arg10[%get3A_1960, %get3A_1961] {strides = array<i32>} : memref<200x128xi32, #tpu.memory_space<vmem>>, vector<16xi32>,
        %bitcast3A_1963 = vector.bitcast %get3A_1962 : vector<16xi32> to vector<32xbf16>
        %get3A_1964 = arith.index_cast %add3A_1959 : i32 to index
        %get3A_1965 = arith.constant 64 : index
        %get3A_1966 = tpu.vector_load %arg11[%get3A_1964, %get3A_1965] {strides = array<i32>} : memref<200x128xi32, #tpu.memory_space<vmem>>, vector<16xi32>,
        %bitcast3A_1967 = vector.bitcast %get3A_1966 : vector<16xi32> to vector<32xbf16>
        %mul3A_1968 = arith.mulf %bitcast3A_1963, %bitcast3A_1967 : vector<32xbf16>
        %get3A_1969 = arith.index_cast %add3A_1959 : i32 to index
        %get3A_1970 = arith.constant 16 : index
        %get3A_1971 = tpu.vector_load %arg10[%get3A_1969, %get3A_1970] {strides = array<i32>} : memref<200x128xi32, #tpu.memory_space<vmem>>, vector<16xi32>,
        %bitcast3A_1972 = vector.bitcast %get3A_1971 : vector<16xi32> to vector<32xbf16>
        %get3A_1973 = arith.index_cast %add3A_1959 : i32 to index
        %get3A_1974 = arith.constant 80 : index
        %get3A_1975 = tpu.vector_load %arg11[%get3A_1973, %get3A_1974] {strides = array<i32>} : memref<200x128xi32, #tpu.memory_space<vmem>>, vector<16xi32>,
        %bitcast3A_1976 = vector.bitcast %get3A_1975 : vector<16xi32> to vector<32xbf16>
        %mul3A_1977 = arith.mulf %bitcast3A_1972, %bitcast3A_1976 : vector<32xbf16>
        %add3A_1978 = arith.addf %mul3A_1968, %mul3A_1977 : vector<32xbf16>
        %get3A_1979 = arith.index_cast %add3A_1959 : i32 to index
        %get3A_1980 = arith.constant 32 : index
        %get3A_1981 = tpu.vector_load %arg10[%get3A_1979, %get3A_1980] {strides = array<i32>} : memref<200x128xi32, #tpu.memory_space<vmem>>, vector<16xi32>,
        %bitcast3A_1982 = vector.bitcast %get3A_1981 : vector<16xi32> to vector<32xbf16>
        %get3A_1983 = arith.index_cast %add3A_1959 : i32 to index
        %get3A_1984 = arith.constant 96 : index
        %get3A_1985 = tpu.vector_load %arg11[%get3A_1983, %get3A_1984] {strides = array<i32>} : memref<200x128xi32, #tpu.memory_space<vmem>>, vector<16xi32>,
        %bitcast3A_1986 = vector.bitcast %get3A_1985 : vector<16xi32> to vector<32xbf16>
        %mul3A_1987 = arith.mulf %bitcast3A_1982, %bitcast3A_1986 : vector<32xbf16>
        %add3A_1988 = arith.addf %add3A_1978, %mul3A_1987 : vector<32xbf16>
        %get3A_1989 = arith.index_cast %add3A_1959 : i32 to index
        %get3A_1990 = arith.constant 48 : index
        %get3A_1991 = tpu.vector_load %arg10[%get3A_1989, %get3A_1990] {strides = array<i32>} : memref<200x128xi32, #tpu.memory_space<vmem>>, vector<16xi32>,
        %bitcast3A_1992 = vector.bitcast %get3A_1991 : vector<16xi32> to vector<32xbf16>
        %get3A_1993 = arith.index_cast %add3A_1959 : i32 to index
        %get3A_1994 = arith.constant 112 : index
        %get3A_1995 = tpu.vector_load %arg11[%get3A_1993, %get3A_1994] {strides = array<i32>} : memref<200x128xi32, #tpu.memory_space<vmem>>, vector<16xi32>,
        %bitcast3A_1996 = vector.bitcast %get3A_1995 : vector<16xi32> to vector<32xbf16>
        %mul3A_1997 = arith.mulf %bitcast3A_1992, %bitcast3A_1996 : vector<32xbf16>
        %add3A_1998 = arith.addf %add3A_1988, %mul3A_1997 : vector<32xbf16>
        %unpack3A_1999 = tpu.unpack_subelements %add3A_1998, 0 {pack_format = #tpu.pack_format<interleaved>} : vector<32xbf16> -> vector<16xf32>
        %unpack3A_2000 = tpu.unpack_subelements %add3A_1998, 1 {pack_format = #tpu.pack_format<interleaved>} : vector<32xbf16> -> vector<16xf32>
        %add3A_2001 = arith.addf %unpack3A_1999, %unpack3A_2000 : vector<16xf32>
        %reduce_sum3A_2002 = arith.constant true
        %reduce_sum3A_2003 = vector.broadcast %reduce_sum3A_2002 : i1 to vector<16xi1>
        %reduce_sum3A_2004 = tpu.scan <sum>, %add3A_2001 masked %reduce_sum3A_2003 : vector<16xf32>, vector<16xi1> -> vector<16xf32>
        %reduce_sum3A_2005 = vector.extract %reduce_sum3A_2004[15] : f32 from vector<16xf32>
        %add3A_2006 = arith.constant 0 : i32
        %add3A_2007 = arith.addi %add3A_2006, %add3A_1959 : i32
        %broadcast_in_dim3A_2008 = vector.broadcast %add3A_2007 : i32 to vector<16xi32>
        %broadcast_in_dim3A_2009 = vector.broadcast %reduce_sum3A_2005 : f32 to vector<16xf32>
        tpu.vector_store_idx %arg14[%broadcast_in_dim3A_2008], %broadcast_in_dim3A_2009 masked %eq3A_4 : memref<400xf32, #tpu.memory_space<vmem>>[vector<16xi32>], vector<16xf32>, vector<16xi1>
        %mul3A_2010 = arith.constant 40 : i32
        %mul3A_2011 = arith.muli %scan3A_123, %mul3A_2010 : i32
        %add3A_2012 = arith.constant 35 : i32
        %add3A_2013 = arith.addi %mul3A_2011, %add3A_2012 : i32
        %get3A_2014 = arith.index_cast %add3A_2013 : i32 to index
        %get3A_2015 = arith.constant 0 : index
        %get3A_2016 = tpu.vector_load %arg10[%get3A_2014, %get3A_2015] {strides = array<i32>} : memref<200x128xi32, #tpu.memory_space<vmem>>, vector<16xi32>,
        %bitcast3A_2017 = vector.bitcast %get3A_2016 : vector<16xi32> to vector<32xbf16>
        %get3A_2018 = arith.index_cast %add3A_2013 : i32 to index
        %get3A_2019 = arith.constant 64 : index
        %get3A_2020 = tpu.vector_load %arg11[%get3A_2018, %get3A_2019] {strides = array<i32>} : memref<200x128xi32, #tpu.memory_space<vmem>>, vector<16xi32>,
        %bitcast3A_2021 = vector.bitcast %get3A_2020 : vector<16xi32> to vector<32xbf16>
        %mul3A_2022 = arith.mulf %bitcast3A_2017, %bitcast3A_2021 : vector<32xbf16>
        %get3A_2023 = arith.index_cast %add3A_2013 : i32 to index
        %get3A_2024 = arith.constant 16 : index
        %get3A_2025 = tpu.vector_load %arg10[%get3A_2023, %get3A_2024] {strides = array<i32>} : memref<200x128xi32, #tpu.memory_space<vmem>>, vector<16xi32>,
        %bitcast3A_2026 = vector.bitcast %get3A_2025 : vector<16xi32> to vector<32xbf16>
        %get3A_2027 = arith.index_cast %add3A_2013 : i32 to index
        %get3A_2028 = arith.constant 80 : index
        %get3A_2029 = tpu.vector_load %arg11[%get3A_2027, %get3A_2028] {strides = array<i32>} : memref<200x128xi32, #tpu.memory_space<vmem>>, vector<16xi32>,
        %bitcast3A_2030 = vector.bitcast %get3A_2029 : vector<16xi32> to vector<32xbf16>
        %mul3A_2031 = arith.mulf %bitcast3A_2026, %bitcast3A_2030 : vector<32xbf16>
        %add3A_2032 = arith.addf %mul3A_2022, %mul3A_2031 : vector<32xbf16>
        %get3A_2033 = arith.index_cast %add3A_2013 : i32 to index
        %get3A_2034 = arith.constant 32 : index
        %get3A_2035 = tpu.vector_load %arg10[%get3A_2033, %get3A_2034] {strides = array<i32>} : memref<200x128xi32, #tpu.memory_space<vmem>>, vector<16xi32>,
        %bitcast3A_2036 = vector.bitcast %get3A_2035 : vector<16xi32> to vector<32xbf16>
        %get3A_2037 = arith.index_cast %add3A_2013 : i32 to index
        %get3A_2038 = arith.constant 96 : index
        %get3A_2039 = tpu.vector_load %arg11[%get3A_2037, %get3A_2038] {strides = array<i32>} : memref<200x128xi32, #tpu.memory_space<vmem>>, vector<16xi32>,
        %bitcast3A_2040 = vector.bitcast %get3A_2039 : vector<16xi32> to vector<32xbf16>
        %mul3A_2041 = arith.mulf %bitcast3A_2036, %bitcast3A_2040 : vector<32xbf16>
        %add3A_2042 = arith.addf %add3A_2032, %mul3A_2041 : vector<32xbf16>
        %get3A_2043 = arith.index_cast %add3A_2013 : i32 to index
        %get3A_2044 = arith.constant 48 : index
        %get3A_2045 = tpu.vector_load %arg10[%get3A_2043, %get3A_2044] {strides = array<i32>} : memref<200x128xi32, #tpu.memory_space<vmem>>, vector<16xi32>,
        %bitcast3A_2046 = vector.bitcast %get3A_2045 : vector<16xi32> to vector<32xbf16>
        %get3A_2047 = arith.index_cast %add3A_2013 : i32 to index
        %get3A_2048 = arith.constant 112 : index
        %get3A_2049 = tpu.vector_load %arg11[%get3A_2047, %get3A_2048] {strides = array<i32>} : memref<200x128xi32, #tpu.memory_space<vmem>>, vector<16xi32>,
        %bitcast3A_2050 = vector.bitcast %get3A_2049 : vector<16xi32> to vector<32xbf16>
        %mul3A_2051 = arith.mulf %bitcast3A_2046, %bitcast3A_2050 : vector<32xbf16>
        %add3A_2052 = arith.addf %add3A_2042, %mul3A_2051 : vector<32xbf16>
        %unpack3A_2053 = tpu.unpack_subelements %add3A_2052, 0 {pack_format = #tpu.pack_format<interleaved>} : vector<32xbf16> -> vector<16xf32>
        %unpack3A_2054 = tpu.unpack_subelements %add3A_2052, 1 {pack_format = #tpu.pack_format<interleaved>} : vector<32xbf16> -> vector<16xf32>
        %add3A_2055 = arith.addf %unpack3A_2053, %unpack3A_2054 : vector<16xf32>
        %reduce_sum3A_2056 = arith.constant true
        %reduce_sum3A_2057 = vector.broadcast %reduce_sum3A_2056 : i1 to vector<16xi1>
        %reduce_sum3A_2058 = tpu.scan <sum>, %add3A_2055 masked %reduce_sum3A_2057 : vector<16xf32>, vector<16xi1> -> vector<16xf32>
        %reduce_sum3A_2059 = vector.extract %reduce_sum3A_2058[15] : f32 from vector<16xf32>
        %add3A_2060 = arith.constant 0 : i32
        %add3A_2061 = arith.addi %add3A_2060, %add3A_2013 : i32
        %broadcast_in_dim3A_2062 = vector.broadcast %add3A_2061 : i32 to vector<16xi32>
        %broadcast_in_dim3A_2063 = vector.broadcast %reduce_sum3A_2059 : f32 to vector<16xf32>
        tpu.vector_store_idx %arg14[%broadcast_in_dim3A_2062], %broadcast_in_dim3A_2063 masked %eq3A_4 : memref<400xf32, #tpu.memory_space<vmem>>[vector<16xi32>], vector<16xf32>, vector<16xi1>
        %mul3A_2064 = arith.constant 40 : i32
        %mul3A_2065 = arith.muli %scan3A_123, %mul3A_2064 : i32
        %add3A_2066 = arith.constant 36 : i32
        %add3A_2067 = arith.addi %mul3A_2065, %add3A_2066 : i32
        %get3A_2068 = arith.index_cast %add3A_2067 : i32 to index
        %get3A_2069 = arith.constant 0 : index
        %get3A_2070 = tpu.vector_load %arg10[%get3A_2068, %get3A_2069] {strides = array<i32>} : memref<200x128xi32, #tpu.memory_space<vmem>>, vector<16xi32>,
        %bitcast3A_2071 = vector.bitcast %get3A_2070 : vector<16xi32> to vector<32xbf16>
        %get3A_2072 = arith.index_cast %add3A_2067 : i32 to index
        %get3A_2073 = arith.constant 64 : index
        %get3A_2074 = tpu.vector_load %arg11[%get3A_2072, %get3A_2073] {strides = array<i32>} : memref<200x128xi32, #tpu.memory_space<vmem>>, vector<16xi32>,
        %bitcast3A_2075 = vector.bitcast %get3A_2074 : vector<16xi32> to vector<32xbf16>
        %mul3A_2076 = arith.mulf %bitcast3A_2071, %bitcast3A_2075 : vector<32xbf16>
        %get3A_2077 = arith.index_cast %add3A_2067 : i32 to index
        %get3A_2078 = arith.constant 16 : index
        %get3A_2079 = tpu.vector_load %arg10[%get3A_2077, %get3A_2078] {strides = array<i32>} : memref<200x128xi32, #tpu.memory_space<vmem>>, vector<16xi32>,
        %bitcast3A_2080 = vector.bitcast %get3A_2079 : vector<16xi32> to vector<32xbf16>
        %get3A_2081 = arith.index_cast %add3A_2067 : i32 to index
        %get3A_2082 = arith.constant 80 : index
        %get3A_2083 = tpu.vector_load %arg11[%get3A_2081, %get3A_2082] {strides = array<i32>} : memref<200x128xi32, #tpu.memory_space<vmem>>, vector<16xi32>,
        %bitcast3A_2084 = vector.bitcast %get3A_2083 : vector<16xi32> to vector<32xbf16>
        %mul3A_2085 = arith.mulf %bitcast3A_2080, %bitcast3A_2084 : vector<32xbf16>
        %add3A_2086 = arith.addf %mul3A_2076, %mul3A_2085 : vector<32xbf16>
        %get3A_2087 = arith.index_cast %add3A_2067 : i32 to index
        %get3A_2088 = arith.constant 32 : index
        %get3A_2089 = tpu.vector_load %arg10[%get3A_2087, %get3A_2088] {strides = array<i32>} : memref<200x128xi32, #tpu.memory_space<vmem>>, vector<16xi32>,
        %bitcast3A_2090 = vector.bitcast %get3A_2089 : vector<16xi32> to vector<32xbf16>
        %get3A_2091 = arith.index_cast %add3A_2067 : i32 to index
        %get3A_2092 = arith.constant 96 : index
        %get3A_2093 = tpu.vector_load %arg11[%get3A_2091, %get3A_2092] {strides = array<i32>} : memref<200x128xi32, #tpu.memory_space<vmem>>, vector<16xi32>,
        %bitcast3A_2094 = vector.bitcast %get3A_2093 : vector<16xi32> to vector<32xbf16>
        %mul3A_2095 = arith.mulf %bitcast3A_2090, %bitcast3A_2094 : vector<32xbf16>
        %add3A_2096 = arith.addf %add3A_2086, %mul3A_2095 : vector<32xbf16>
        %get3A_2097 = arith.index_cast %add3A_2067 : i32 to index
        %get3A_2098 = arith.constant 48 : index
        %get3A_2099 = tpu.vector_load %arg10[%get3A_2097, %get3A_2098] {strides = array<i32>} : memref<200x128xi32, #tpu.memory_space<vmem>>, vector<16xi32>,
        %bitcast3A_2100 = vector.bitcast %get3A_2099 : vector<16xi32> to vector<32xbf16>
        %get3A_2101 = arith.index_cast %add3A_2067 : i32 to index
        %get3A_2102 = arith.constant 112 : index
        %get3A_2103 = tpu.vector_load %arg11[%get3A_2101, %get3A_2102] {strides = array<i32>} : memref<200x128xi32, #tpu.memory_space<vmem>>, vector<16xi32>,
        %bitcast3A_2104 = vector.bitcast %get3A_2103 : vector<16xi32> to vector<32xbf16>
        %mul3A_2105 = arith.mulf %bitcast3A_2100, %bitcast3A_2104 : vector<32xbf16>
        %add3A_2106 = arith.addf %add3A_2096, %mul3A_2105 : vector<32xbf16>
        %unpack3A_2107 = tpu.unpack_subelements %add3A_2106, 0 {pack_format = #tpu.pack_format<interleaved>} : vector<32xbf16> -> vector<16xf32>
        %unpack3A_2108 = tpu.unpack_subelements %add3A_2106, 1 {pack_format = #tpu.pack_format<interleaved>} : vector<32xbf16> -> vector<16xf32>
        %add3A_2109 = arith.addf %unpack3A_2107, %unpack3A_2108 : vector<16xf32>
        %reduce_sum3A_2110 = arith.constant true
        %reduce_sum3A_2111 = vector.broadcast %reduce_sum3A_2110 : i1 to vector<16xi1>
        %reduce_sum3A_2112 = tpu.scan <sum>, %add3A_2109 masked %reduce_sum3A_2111 : vector<16xf32>, vector<16xi1> -> vector<16xf32>
        %reduce_sum3A_2113 = vector.extract %reduce_sum3A_2112[15] : f32 from vector<16xf32>
        %add3A_2114 = arith.constant 0 : i32
        %add3A_2115 = arith.addi %add3A_2114, %add3A_2067 : i32
        %broadcast_in_dim3A_2116 = vector.broadcast %add3A_2115 : i32 to vector<16xi32>
        %broadcast_in_dim3A_2117 = vector.broadcast %reduce_sum3A_2113 : f32 to vector<16xf32>
        tpu.vector_store_idx %arg14[%broadcast_in_dim3A_2116], %broadcast_in_dim3A_2117 masked %eq3A_4 : memref<400xf32, #tpu.memory_space<vmem>>[vector<16xi32>], vector<16xf32>, vector<16xi1>
        %mul3A_2118 = arith.constant 40 : i32
        %mul3A_2119 = arith.muli %scan3A_123, %mul3A_2118 : i32
        %add3A_2120 = arith.constant 37 : i32
        %add3A_2121 = arith.addi %mul3A_2119, %add3A_2120 : i32
        %get3A_2122 = arith.index_cast %add3A_2121 : i32 to index
        %get3A_2123 = arith.constant 0 : index
        %get3A_2124 = tpu.vector_load %arg10[%get3A_2122, %get3A_2123] {strides = array<i32>} : memref<200x128xi32, #tpu.memory_space<vmem>>, vector<16xi32>,
        %bitcast3A_2125 = vector.bitcast %get3A_2124 : vector<16xi32> to vector<32xbf16>
        %get3A_2126 = arith.index_cast %add3A_2121 : i32 to index
        %get3A_2127 = arith.constant 64 : index
        %get3A_2128 = tpu.vector_load %arg11[%get3A_2126, %get3A_2127] {strides = array<i32>} : memref<200x128xi32, #tpu.memory_space<vmem>>, vector<16xi32>,
        %bitcast3A_2129 = vector.bitcast %get3A_2128 : vector<16xi32> to vector<32xbf16>
        %mul3A_2130 = arith.mulf %bitcast3A_2125, %bitcast3A_2129 : vector<32xbf16>
        %get3A_2131 = arith.index_cast %add3A_2121 : i32 to index
        %get3A_2132 = arith.constant 16 : index
        %get3A_2133 = tpu.vector_load %arg10[%get3A_2131, %get3A_2132] {strides = array<i32>} : memref<200x128xi32, #tpu.memory_space<vmem>>, vector<16xi32>,
        %bitcast3A_2134 = vector.bitcast %get3A_2133 : vector<16xi32> to vector<32xbf16>
        %get3A_2135 = arith.index_cast %add3A_2121 : i32 to index
        %get3A_2136 = arith.constant 80 : index
        %get3A_2137 = tpu.vector_load %arg11[%get3A_2135, %get3A_2136] {strides = array<i32>} : memref<200x128xi32, #tpu.memory_space<vmem>>, vector<16xi32>,
        %bitcast3A_2138 = vector.bitcast %get3A_2137 : vector<16xi32> to vector<32xbf16>
        %mul3A_2139 = arith.mulf %bitcast3A_2134, %bitcast3A_2138 : vector<32xbf16>
        %add3A_2140 = arith.addf %mul3A_2130, %mul3A_2139 : vector<32xbf16>
        %get3A_2141 = arith.index_cast %add3A_2121 : i32 to index
        %get3A_2142 = arith.constant 32 : index
        %get3A_2143 = tpu.vector_load %arg10[%get3A_2141, %get3A_2142] {strides = array<i32>} : memref<200x128xi32, #tpu.memory_space<vmem>>, vector<16xi32>,
        %bitcast3A_2144 = vector.bitcast %get3A_2143 : vector<16xi32> to vector<32xbf16>
        %get3A_2145 = arith.index_cast %add3A_2121 : i32 to index
        %get3A_2146 = arith.constant 96 : index
        %get3A_2147 = tpu.vector_load %arg11[%get3A_2145, %get3A_2146] {strides = array<i32>} : memref<200x128xi32, #tpu.memory_space<vmem>>, vector<16xi32>,
        %bitcast3A_2148 = vector.bitcast %get3A_2147 : vector<16xi32> to vector<32xbf16>
        %mul3A_2149 = arith.mulf %bitcast3A_2144, %bitcast3A_2148 : vector<32xbf16>
        %add3A_2150 = arith.addf %add3A_2140, %mul3A_2149 : vector<32xbf16>
        %get3A_2151 = arith.index_cast %add3A_2121 : i32 to index
        %get3A_2152 = arith.constant 48 : index
        %get3A_2153 = tpu.vector_load %arg10[%get3A_2151, %get3A_2152] {strides = array<i32>} : memref<200x128xi32, #tpu.memory_space<vmem>>, vector<16xi32>,
        %bitcast3A_2154 = vector.bitcast %get3A_2153 : vector<16xi32> to vector<32xbf16>
        %get3A_2155 = arith.index_cast %add3A_2121 : i32 to index
        %get3A_2156 = arith.constant 112 : index
        %get3A_2157 = tpu.vector_load %arg11[%get3A_2155, %get3A_2156] {strides = array<i32>} : memref<200x128xi32, #tpu.memory_space<vmem>>, vector<16xi32>,
        %bitcast3A_2158 = vector.bitcast %get3A_2157 : vector<16xi32> to vector<32xbf16>
        %mul3A_2159 = arith.mulf %bitcast3A_2154, %bitcast3A_2158 : vector<32xbf16>
        %add3A_2160 = arith.addf %add3A_2150, %mul3A_2159 : vector<32xbf16>
        %unpack3A_2161 = tpu.unpack_subelements %add3A_2160, 0 {pack_format = #tpu.pack_format<interleaved>} : vector<32xbf16> -> vector<16xf32>
        %unpack3A_2162 = tpu.unpack_subelements %add3A_2160, 1 {pack_format = #tpu.pack_format<interleaved>} : vector<32xbf16> -> vector<16xf32>
        %add3A_2163 = arith.addf %unpack3A_2161, %unpack3A_2162 : vector<16xf32>
        %reduce_sum3A_2164 = arith.constant true
        %reduce_sum3A_2165 = vector.broadcast %reduce_sum3A_2164 : i1 to vector<16xi1>
        %reduce_sum3A_2166 = tpu.scan <sum>, %add3A_2163 masked %reduce_sum3A_2165 : vector<16xf32>, vector<16xi1> -> vector<16xf32>
        %reduce_sum3A_2167 = vector.extract %reduce_sum3A_2166[15] : f32 from vector<16xf32>
        %add3A_2168 = arith.constant 0 : i32
        %add3A_2169 = arith.addi %add3A_2168, %add3A_2121 : i32
        %broadcast_in_dim3A_2170 = vector.broadcast %add3A_2169 : i32 to vector<16xi32>
        %broadcast_in_dim3A_2171 = vector.broadcast %reduce_sum3A_2167 : f32 to vector<16xf32>
        tpu.vector_store_idx %arg14[%broadcast_in_dim3A_2170], %broadcast_in_dim3A_2171 masked %eq3A_4 : memref<400xf32, #tpu.memory_space<vmem>>[vector<16xi32>], vector<16xf32>, vector<16xi1>
        %mul3A_2172 = arith.constant 40 : i32
        %mul3A_2173 = arith.muli %scan3A_123, %mul3A_2172 : i32
        %add3A_2174 = arith.constant 38 : i32
        %add3A_2175 = arith.addi %mul3A_2173, %add3A_2174 : i32
        %get3A_2176 = arith.index_cast %add3A_2175 : i32 to index
        %get3A_2177 = arith.constant 0 : index
        %get3A_2178 = tpu.vector_load %arg10[%get3A_2176, %get3A_2177] {strides = array<i32>} : memref<200x128xi32, #tpu.memory_space<vmem>>, vector<16xi32>,
        %bitcast3A_2179 = vector.bitcast %get3A_2178 : vector<16xi32> to vector<32xbf16>
        %get3A_2180 = arith.index_cast %add3A_2175 : i32 to index
        %get3A_2181 = arith.constant 64 : index
        %get3A_2182 = tpu.vector_load %arg11[%get3A_2180, %get3A_2181] {strides = array<i32>} : memref<200x128xi32, #tpu.memory_space<vmem>>, vector<16xi32>,
        %bitcast3A_2183 = vector.bitcast %get3A_2182 : vector<16xi32> to vector<32xbf16>
        %mul3A_2184 = arith.mulf %bitcast3A_2179, %bitcast3A_2183 : vector<32xbf16>
        %get3A_2185 = arith.index_cast %add3A_2175 : i32 to index
        %get3A_2186 = arith.constant 16 : index
        %get3A_2187 = tpu.vector_load %arg10[%get3A_2185, %get3A_2186] {strides = array<i32>} : memref<200x128xi32, #tpu.memory_space<vmem>>, vector<16xi32>,
        %bitcast3A_2188 = vector.bitcast %get3A_2187 : vector<16xi32> to vector<32xbf16>
        %get3A_2189 = arith.index_cast %add3A_2175 : i32 to index
        %get3A_2190 = arith.constant 80 : index
        %get3A_2191 = tpu.vector_load %arg11[%get3A_2189, %get3A_2190] {strides = array<i32>} : memref<200x128xi32, #tpu.memory_space<vmem>>, vector<16xi32>,
        %bitcast3A_2192 = vector.bitcast %get3A_2191 : vector<16xi32> to vector<32xbf16>
        %mul3A_2193 = arith.mulf %bitcast3A_2188, %bitcast3A_2192 : vector<32xbf16>
        %add3A_2194 = arith.addf %mul3A_2184, %mul3A_2193 : vector<32xbf16>
        %get3A_2195 = arith.index_cast %add3A_2175 : i32 to index
        %get3A_2196 = arith.constant 32 : index
        %get3A_2197 = tpu.vector_load %arg10[%get3A_2195, %get3A_2196] {strides = array<i32>} : memref<200x128xi32, #tpu.memory_space<vmem>>, vector<16xi32>,
        %bitcast3A_2198 = vector.bitcast %get3A_2197 : vector<16xi32> to vector<32xbf16>
        %get3A_2199 = arith.index_cast %add3A_2175 : i32 to index
        %get3A_2200 = arith.constant 96 : index
        %get3A_2201 = tpu.vector_load %arg11[%get3A_2199, %get3A_2200] {strides = array<i32>} : memref<200x128xi32, #tpu.memory_space<vmem>>, vector<16xi32>,
        %bitcast3A_2202 = vector.bitcast %get3A_2201 : vector<16xi32> to vector<32xbf16>
        %mul3A_2203 = arith.mulf %bitcast3A_2198, %bitcast3A_2202 : vector<32xbf16>
        %add3A_2204 = arith.addf %add3A_2194, %mul3A_2203 : vector<32xbf16>
        %get3A_2205 = arith.index_cast %add3A_2175 : i32 to index
        %get3A_2206 = arith.constant 48 : index
        %get3A_2207 = tpu.vector_load %arg10[%get3A_2205, %get3A_2206] {strides = array<i32>} : memref<200x128xi32, #tpu.memory_space<vmem>>, vector<16xi32>,
        %bitcast3A_2208 = vector.bitcast %get3A_2207 : vector<16xi32> to vector<32xbf16>
        %get3A_2209 = arith.index_cast %add3A_2175 : i32 to index
        %get3A_2210 = arith.constant 112 : index
        %get3A_2211 = tpu.vector_load %arg11[%get3A_2209, %get3A_2210] {strides = array<i32>} : memref<200x128xi32, #tpu.memory_space<vmem>>, vector<16xi32>,
        %bitcast3A_2212 = vector.bitcast %get3A_2211 : vector<16xi32> to vector<32xbf16>
        %mul3A_2213 = arith.mulf %bitcast3A_2208, %bitcast3A_2212 : vector<32xbf16>
        %add3A_2214 = arith.addf %add3A_2204, %mul3A_2213 : vector<32xbf16>
        %unpack3A_2215 = tpu.unpack_subelements %add3A_2214, 0 {pack_format = #tpu.pack_format<interleaved>} : vector<32xbf16> -> vector<16xf32>
        %unpack3A_2216 = tpu.unpack_subelements %add3A_2214, 1 {pack_format = #tpu.pack_format<interleaved>} : vector<32xbf16> -> vector<16xf32>
        %add3A_2217 = arith.addf %unpack3A_2215, %unpack3A_2216 : vector<16xf32>
        %reduce_sum3A_2218 = arith.constant true
        %reduce_sum3A_2219 = vector.broadcast %reduce_sum3A_2218 : i1 to vector<16xi1>
        %reduce_sum3A_2220 = tpu.scan <sum>, %add3A_2217 masked %reduce_sum3A_2219 : vector<16xf32>, vector<16xi1> -> vector<16xf32>
        %reduce_sum3A_2221 = vector.extract %reduce_sum3A_2220[15] : f32 from vector<16xf32>
        %add3A_2222 = arith.constant 0 : i32
        %add3A_2223 = arith.addi %add3A_2222, %add3A_2175 : i32
        %broadcast_in_dim3A_2224 = vector.broadcast %add3A_2223 : i32 to vector<16xi32>
        %broadcast_in_dim3A_2225 = vector.broadcast %reduce_sum3A_2221 : f32 to vector<16xf32>
        tpu.vector_store_idx %arg14[%broadcast_in_dim3A_2224], %broadcast_in_dim3A_2225 masked %eq3A_4 : memref<400xf32, #tpu.memory_space<vmem>>[vector<16xi32>], vector<16xf32>, vector<16xi1>
        %mul3A_2226 = arith.constant 40 : i32
        %mul3A_2227 = arith.muli %scan3A_123, %mul3A_2226 : i32
        %add3A_2228 = arith.constant 39 : i32
        %add3A_2229 = arith.addi %mul3A_2227, %add3A_2228 : i32
        %get3A_2230 = arith.index_cast %add3A_2229 : i32 to index
        %get3A_2231 = arith.constant 0 : index
        %get3A_2232 = tpu.vector_load %arg10[%get3A_2230, %get3A_2231] {strides = array<i32>} : memref<200x128xi32, #tpu.memory_space<vmem>>, vector<16xi32>,
        %bitcast3A_2233 = vector.bitcast %get3A_2232 : vector<16xi32> to vector<32xbf16>
        %get3A_2234 = arith.index_cast %add3A_2229 : i32 to index
        %get3A_2235 = arith.constant 64 : index
        %get3A_2236 = tpu.vector_load %arg11[%get3A_2234, %get3A_2235] {strides = array<i32>} : memref<200x128xi32, #tpu.memory_space<vmem>>, vector<16xi32>,
        %bitcast3A_2237 = vector.bitcast %get3A_2236 : vector<16xi32> to vector<32xbf16>
        %mul3A_2238 = arith.mulf %bitcast3A_2233, %bitcast3A_2237 : vector<32xbf16>
        %get3A_2239 = arith.index_cast %add3A_2229 : i32 to index
        %get3A_2240 = arith.constant 16 : index
        %get3A_2241 = tpu.vector_load %arg10[%get3A_2239, %get3A_2240] {strides = array<i32>} : memref<200x128xi32, #tpu.memory_space<vmem>>, vector<16xi32>,
        %bitcast3A_2242 = vector.bitcast %get3A_2241 : vector<16xi32> to vector<32xbf16>
        %get3A_2243 = arith.index_cast %add3A_2229 : i32 to index
        %get3A_2244 = arith.constant 80 : index
        %get3A_2245 = tpu.vector_load %arg11[%get3A_2243, %get3A_2244] {strides = array<i32>} : memref<200x128xi32, #tpu.memory_space<vmem>>, vector<16xi32>,
        %bitcast3A_2246 = vector.bitcast %get3A_2245 : vector<16xi32> to vector<32xbf16>
        %mul3A_2247 = arith.mulf %bitcast3A_2242, %bitcast3A_2246 : vector<32xbf16>
        %add3A_2248 = arith.addf %mul3A_2238, %mul3A_2247 : vector<32xbf16>
        %get3A_2249 = arith.index_cast %add3A_2229 : i32 to index
        %get3A_2250 = arith.constant 32 : index
        %get3A_2251 = tpu.vector_load %arg10[%get3A_2249, %get3A_2250] {strides = array<i32>} : memref<200x128xi32, #tpu.memory_space<vmem>>, vector<16xi32>,
        %bitcast3A_2252 = vector.bitcast %get3A_2251 : vector<16xi32> to vector<32xbf16>
        %get3A_2253 = arith.index_cast %add3A_2229 : i32 to index
        %get3A_2254 = arith.constant 96 : index
        %get3A_2255 = tpu.vector_load %arg11[%get3A_2253, %get3A_2254] {strides = array<i32>} : memref<200x128xi32, #tpu.memory_space<vmem>>, vector<16xi32>,
        %bitcast3A_2256 = vector.bitcast %get3A_2255 : vector<16xi32> to vector<32xbf16>
        %mul3A_2257 = arith.mulf %bitcast3A_2252, %bitcast3A_2256 : vector<32xbf16>
        %add3A_2258 = arith.addf %add3A_2248, %mul3A_2257 : vector<32xbf16>
        %get3A_2259 = arith.index_cast %add3A_2229 : i32 to index
        %get3A_2260 = arith.constant 48 : index
        %get3A_2261 = tpu.vector_load %arg10[%get3A_2259, %get3A_2260] {strides = array<i32>} : memref<200x128xi32, #tpu.memory_space<vmem>>, vector<16xi32>,
        %bitcast3A_2262 = vector.bitcast %get3A_2261 : vector<16xi32> to vector<32xbf16>
        %get3A_2263 = arith.index_cast %add3A_2229 : i32 to index
        %get3A_2264 = arith.constant 112 : index
        %get3A_2265 = tpu.vector_load %arg11[%get3A_2263, %get3A_2264] {strides = array<i32>} : memref<200x128xi32, #tpu.memory_space<vmem>>, vector<16xi32>,
        %bitcast3A_2266 = vector.bitcast %get3A_2265 : vector<16xi32> to vector<32xbf16>
        %mul3A_2267 = arith.mulf %bitcast3A_2262, %bitcast3A_2266 : vector<32xbf16>
        %add3A_2268 = arith.addf %add3A_2258, %mul3A_2267 : vector<32xbf16>
        %unpack3A_2269 = tpu.unpack_subelements %add3A_2268, 0 {pack_format = #tpu.pack_format<interleaved>} : vector<32xbf16> -> vector<16xf32>
        %unpack3A_2270 = tpu.unpack_subelements %add3A_2268, 1 {pack_format = #tpu.pack_format<interleaved>} : vector<32xbf16> -> vector<16xf32>
        %add3A_2271 = arith.addf %unpack3A_2269, %unpack3A_2270 : vector<16xf32>
        %reduce_sum3A_2272 = arith.constant true
        %reduce_sum3A_2273 = vector.broadcast %reduce_sum3A_2272 : i1 to vector<16xi1>
        %reduce_sum3A_2274 = tpu.scan <sum>, %add3A_2271 masked %reduce_sum3A_2273 : vector<16xf32>, vector<16xi1> -> vector<16xf32>
        %reduce_sum3A_2275 = vector.extract %reduce_sum3A_2274[15] : f32 from vector<16xf32>
        %add3A_2276 = arith.constant 0 : i32
        %add3A_2277 = arith.addi %add3A_2276, %add3A_2229 : i32
        %broadcast_in_dim3A_2278 = vector.broadcast %add3A_2277 : i32 to vector<16xi32>
        %broadcast_in_dim3A_2279 = vector.broadcast %reduce_sum3A_2275 : f32 to vector<16xf32>
        tpu.vector_store_idx %arg14[%broadcast_in_dim3A_2278], %broadcast_in_dim3A_2279 masked %eq3A_4 : memref<400xf32, #tpu.memory_space<vmem>>[vector<16xi32>], vector<16xf32>, vector<16xi1>
        %scan3A_2280 = arith.constant 0 : i32
        scf.yield %scan3A_2280 : i32
      }
      %scan3A_85 = arith.constant 5 : i32
      %dma_wait3A_86 = arith.constant 0 : i32
      %dma_wait3A_87 = tpu.memref_slice %arg8[%dma_wait3A_86] : memref<208xi32, #tpu.memory_space<vmem>> -> memref<200xi32, #tpu.memory_space<vmem>>
      %dma_wait3A_88 = arith.constant 0 : i32
      %dma_wait3A_89 = arith.constant 0 : i32
      %dma_wait3A_90 = tpu.memref_slice %arg2[%dma_wait3A_88, %dma_wait3A_89] : memref<10000x128xi32, #tpu.memory_space<hbm>> -> memref<10000x128xi32, #tpu.memory_space<hbm>>
      tpu.wait_indirect_dma semaphore(%arg19 : memref<!tpu.dma_semaphore, #tpu.memory_space<semaphore_mem>>) src(%dma_wait3A_90 : memref<10000x128xi32, #tpu.memory_space<hbm>>) dst(%arg12 : memref<200x128xi32, #tpu.memory_space<vmem>>)
      %dma_wait3A_91 = arith.constant 0 : i32
      %dma_wait3A_92 = tpu.memref_slice %arg8[%dma_wait3A_91] : memref<208xi32, #tpu.memory_space<vmem>> -> memref<200xi32, #tpu.memory_space<vmem>>
      %dma_wait3A_93 = arith.constant 0 : i32
      %dma_wait3A_94 = arith.constant 0 : i32
      %dma_wait3A_95 = tpu.memref_slice %arg2[%dma_wait3A_93, %dma_wait3A_94] : memref<10000x128xi32, #tpu.memory_space<hbm>> -> memref<10000x128xi32, #tpu.memory_space<hbm>>
      tpu.wait_indirect_dma semaphore(%arg20 : memref<!tpu.dma_semaphore, #tpu.memory_space<semaphore_mem>>) src(%dma_wait3A_95 : memref<10000x128xi32, #tpu.memory_space<hbm>>) dst(%arg13 : memref<200x128xi32, #tpu.memory_space<vmem>>)
      %add3A_96 = arith.constant 2 : i32
      %add3A_97 = arith.addi %mul3A_60, %add3A_96 : i32
      %lt3A_98 = arith.constant 50 : i32
      %lt3A_99 = arith.cmpi slt, %add3A_97, %lt3A_98 : i32
      %convert_element_type3A_100 = arith.extui %lt3A_99 : i1 to i32
      %cond3A_101 = arith.constant 0 : i32
      %cond3A_102 = arith.cmpi ne, %convert_element_type3A_100, %cond3A_101 : i32
      scf.if %cond3A_102 {
        %add3A_123 = arith.constant 2 : i32
        %add3A_124 = arith.addi %mul3A_60, %add3A_123 : i32
        %mul3A_125 = arith.constant 200 : i32
        %mul3A_126 = arith.muli %add3A_124, %mul3A_125 : i32
        %add3A_127 = arith.addi %mul3A_2, %mul3A_126 : i32
        %dma_wait3A_128 = tpu.memref_slice %arg3[%add3A_127] : memref<320008xi32, #tpu.memory_space<hbm>> -> memref<208xi32, #tpu.memory_space<hbm>>
        %dma_wait3A_129 = tpu.memref_slice %arg3[%add3A_127] : memref<320008xi32, #tpu.memory_space<hbm>> -> memref<208xi32, #tpu.memory_space<hbm>>
        tpu.wait_dma2 semaphore(%arg15 : memref<!tpu.dma_semaphore, #tpu.memory_space<semaphore_mem>>) src(%dma_wait3A_129 : memref<208xi32, #tpu.memory_space<hbm>>) dst(%arg6 : memref<208xi32, #tpu.memory_space<vmem>>)
        %dma_wait3A_130 = tpu.memref_slice %arg4[%add3A_127] : memref<320008xi32, #tpu.memory_space<hbm>> -> memref<208xi32, #tpu.memory_space<hbm>>
        %dma_wait3A_131 = tpu.memref_slice %arg4[%add3A_127] : memref<320008xi32, #tpu.memory_space<hbm>> -> memref<208xi32, #tpu.memory_space<hbm>>
        tpu.wait_dma2 semaphore(%arg15 : memref<!tpu.dma_semaphore, #tpu.memory_space<semaphore_mem>>) src(%dma_wait3A_131 : memref<208xi32, #tpu.memory_space<hbm>>) dst(%arg7 : memref<208xi32, #tpu.memory_space<vmem>>)
        %dma_start3A_132 = arith.constant 0 : i32
        %dma_start3A_133 = tpu.memref_slice %arg6[%dma_start3A_132] : memref<208xi32, #tpu.memory_space<vmem>> -> memref<200xi32, #tpu.memory_space<vmem>>
        %dma_start3A_134 = arith.constant 0 : i32
        %dma_start3A_135 = arith.constant 0 : i32
        %dma_start3A_136 = tpu.memref_slice %arg2[%dma_start3A_134, %dma_start3A_135] : memref<10000x128xi32, #tpu.memory_space<hbm>> -> memref<10000x128xi32, #tpu.memory_space<hbm>>
        tpu.enqueue_indirect_dma source(%dma_start3A_136 : memref<10000x128xi32, #tpu.memory_space<hbm>>) target(%arg10 : memref<200x128xi32, #tpu.memory_space<vmem>>) offsets(%dma_start3A_133 : memref<200xi32, #tpu.memory_space<vmem>>) semaphore(%arg17 : memref<!tpu.dma_semaphore, #tpu.memory_space<semaphore_mem>>)
        %dma_start3A_137 = arith.constant 0 : i32
        %dma_start3A_138 = tpu.memref_slice %arg7[%dma_start3A_137] : memref<208xi32, #tpu.memory_space<vmem>> -> memref<200xi32, #tpu.memory_space<vmem>>
        %dma_start3A_139 = arith.constant 0 : i32
        %dma_start3A_140 = arith.constant 0 : i32
        %dma_start3A_141 = tpu.memref_slice %arg2[%dma_start3A_139, %dma_start3A_140] : memref<10000x128xi32, #tpu.memory_space<hbm>> -> memref<10000x128xi32, #tpu.memory_space<hbm>>
        tpu.enqueue_indirect_dma source(%dma_start3A_141 : memref<10000x128xi32, #tpu.memory_space<hbm>>) target(%arg11 : memref<200x128xi32, #tpu.memory_space<vmem>>) offsets(%dma_start3A_138 : memref<200xi32, #tpu.memory_space<vmem>>) semaphore(%arg18 : memref<!tpu.dma_semaphore, #tpu.memory_space<semaphore_mem>>)
        %add3A_142 = arith.constant 3 : i32
        %add3A_143 = arith.addi %mul3A_60, %add3A_142 : i32
        %mul3A_144 = arith.constant 200 : i32
        %mul3A_145 = arith.muli %add3A_143, %mul3A_144 : i32
        %add3A_146 = arith.addi %mul3A_2, %mul3A_145 : i32
        %dma_start3A_147 = tpu.memref_slice %arg3[%add3A_146] : memref<320008xi32, #tpu.memory_space<hbm>> -> memref<208xi32, #tpu.memory_space<hbm>>
        %dma_start3A_148 = tpu.memref_slice %arg3[%add3A_146] : memref<320008xi32, #tpu.memory_space<hbm>> -> memref<208xi32, #tpu.memory_space<hbm>>
        tpu.enqueue_dma source(%dma_start3A_148 : memref<208xi32, #tpu.memory_space<hbm>>) target(%arg8 : memref<208xi32, #tpu.memory_space<vmem>>) target_semaphore(%arg16 : memref<!tpu.dma_semaphore, #tpu.memory_space<semaphore_mem>>)
        %dma_start3A_149 = tpu.memref_slice %arg4[%add3A_146] : memref<320008xi32, #tpu.memory_space<hbm>> -> memref<208xi32, #tpu.memory_space<hbm>>
        %dma_start3A_150 = tpu.memref_slice %arg4[%add3A_146] : memref<320008xi32, #tpu.memory_space<hbm>> -> memref<208xi32, #tpu.memory_space<hbm>>
        tpu.enqueue_dma source(%dma_start3A_150 : memref<208xi32, #tpu.memory_space<hbm>>) target(%arg9 : memref<208xi32, #tpu.memory_space<vmem>>) target_semaphore(%arg16 : memref<!tpu.dma_semaphore, #tpu.memory_space<semaphore_mem>>)
      } else {
      }
      %scan3A_103 = arith.constant 0 : i32
      %scan3A_104 = arith.constant 0 : i32
      %scan3A_105 = arith.constant 5 : i32
      %scan3A_106 = arith.addi %scan3A_104, %scan3A_105 : i32
      %scan3A_107 = arith.constant 1 : i32
      %scan3A_108 = scf.for %scan3A_123 = %scan3A_104 to %scan3A_106 step %scan3A_107 iter_args(%scan3A_124 = %scan3A_103) -> (i32)  : i32 {
        %mul3A_125 = arith.constant 40 : i32
        %mul3A_126 = arith.muli %scan3A_123, %mul3A_125 : i32
        %add3A_127 = arith.constant 0 : i32
        %add3A_128 = arith.addi %mul3A_126, %add3A_127 : i32
        %get3A = arith.index_cast %add3A_128 : i32 to index
        %get3A_129 = arith.constant 0 : index
        %get3A_130 = tpu.vector_load %arg12[%get3A, %get3A_129] {strides = array<i32>} : memref<200x128xi32, #tpu.memory_space<vmem>>, vector<16xi32>,
        %bitcast3A = vector.bitcast %get3A_130 : vector<16xi32> to vector<32xbf16>
        %get3A_131 = arith.index_cast %add3A_128 : i32 to index
        %get3A_132 = arith.constant 64 : index
        %get3A_133 = tpu.vector_load %arg13[%get3A_131, %get3A_132] {strides = array<i32>} : memref<200x128xi32, #tpu.memory_space<vmem>>, vector<16xi32>,
        %bitcast3A_134 = vector.bitcast %get3A_133 : vector<16xi32> to vector<32xbf16>
        %mul3A_135 = arith.mulf %bitcast3A, %bitcast3A_134 : vector<32xbf16>
        %get3A_136 = arith.index_cast %add3A_128 : i32 to index
        %get3A_137 = arith.constant 16 : index
        %get3A_138 = tpu.vector_load %arg12[%get3A_136, %get3A_137] {strides = array<i32>} : memref<200x128xi32, #tpu.memory_space<vmem>>, vector<16xi32>,
        %bitcast3A_139 = vector.bitcast %get3A_138 : vector<16xi32> to vector<32xbf16>
        %get3A_140 = arith.index_cast %add3A_128 : i32 to index
        %get3A_141 = arith.constant 80 : index
        %get3A_142 = tpu.vector_load %arg13[%get3A_140, %get3A_141] {strides = array<i32>} : memref<200x128xi32, #tpu.memory_space<vmem>>, vector<16xi32>,
        %bitcast3A_143 = vector.bitcast %get3A_142 : vector<16xi32> to vector<32xbf16>
        %mul3A_144 = arith.mulf %bitcast3A_139, %bitcast3A_143 : vector<32xbf16>
        %add3A_145 = arith.addf %mul3A_135, %mul3A_144 : vector<32xbf16>
        %get3A_146 = arith.index_cast %add3A_128 : i32 to index
        %get3A_147 = arith.constant 32 : index
        %get3A_148 = tpu.vector_load %arg12[%get3A_146, %get3A_147] {strides = array<i32>} : memref<200x128xi32, #tpu.memory_space<vmem>>, vector<16xi32>,
        %bitcast3A_149 = vector.bitcast %get3A_148 : vector<16xi32> to vector<32xbf16>
        %get3A_150 = arith.index_cast %add3A_128 : i32 to index
        %get3A_151 = arith.constant 96 : index
        %get3A_152 = tpu.vector_load %arg13[%get3A_150, %get3A_151] {strides = array<i32>} : memref<200x128xi32, #tpu.memory_space<vmem>>, vector<16xi32>,
        %bitcast3A_153 = vector.bitcast %get3A_152 : vector<16xi32> to vector<32xbf16>
        %mul3A_154 = arith.mulf %bitcast3A_149, %bitcast3A_153 : vector<32xbf16>
        %add3A_155 = arith.addf %add3A_145, %mul3A_154 : vector<32xbf16>
        %get3A_156 = arith.index_cast %add3A_128 : i32 to index
        %get3A_157 = arith.constant 48 : index
        %get3A_158 = tpu.vector_load %arg12[%get3A_156, %get3A_157] {strides = array<i32>} : memref<200x128xi32, #tpu.memory_space<vmem>>, vector<16xi32>,
        %bitcast3A_159 = vector.bitcast %get3A_158 : vector<16xi32> to vector<32xbf16>
        %get3A_160 = arith.index_cast %add3A_128 : i32 to index
        %get3A_161 = arith.constant 112 : index
        %get3A_162 = tpu.vector_load %arg13[%get3A_160, %get3A_161] {strides = array<i32>} : memref<200x128xi32, #tpu.memory_space<vmem>>, vector<16xi32>,
        %bitcast3A_163 = vector.bitcast %get3A_162 : vector<16xi32> to vector<32xbf16>
        %mul3A_164 = arith.mulf %bitcast3A_159, %bitcast3A_163 : vector<32xbf16>
        %add3A_165 = arith.addf %add3A_155, %mul3A_164 : vector<32xbf16>
        %unpack3A = tpu.unpack_subelements %add3A_165, 0 {pack_format = #tpu.pack_format<interleaved>} : vector<32xbf16> -> vector<16xf32>
        %unpack3A_166 = tpu.unpack_subelements %add3A_165, 1 {pack_format = #tpu.pack_format<interleaved>} : vector<32xbf16> -> vector<16xf32>
        %add3A_167 = arith.addf %unpack3A, %unpack3A_166 : vector<16xf32>
        %reduce_sum3A = arith.constant true
        %reduce_sum3A_168 = vector.broadcast %reduce_sum3A : i1 to vector<16xi1>
        %reduce_sum3A_169 = tpu.scan <sum>, %add3A_167 masked %reduce_sum3A_168 : vector<16xf32>, vector<16xi1> -> vector<16xf32>
        %reduce_sum3A_170 = vector.extract %reduce_sum3A_169[15] : f32 from vector<16xf32>
        %add3A_171 = arith.constant 200 : i32
        %add3A_172 = arith.addi %add3A_171, %add3A_128 : i32
        %broadcast_in_dim3A = vector.broadcast %add3A_172 : i32 to vector<16xi32>
        %broadcast_in_dim3A_173 = vector.broadcast %reduce_sum3A_170 : f32 to vector<16xf32>
        tpu.vector_store_idx %arg14[%broadcast_in_dim3A], %broadcast_in_dim3A_173 masked %eq3A_4 : memref<400xf32, #tpu.memory_space<vmem>>[vector<16xi32>], vector<16xf32>, vector<16xi1>
        %mul3A_174 = arith.constant 40 : i32
        %mul3A_175 = arith.muli %scan3A_123, %mul3A_174 : i32
        %add3A_176 = arith.constant 1 : i32
        %add3A_177 = arith.addi %mul3A_175, %add3A_176 : i32
        %get3A_178 = arith.index_cast %add3A_177 : i32 to index
        %get3A_179 = arith.constant 0 : index
        %get3A_180 = tpu.vector_load %arg12[%get3A_178, %get3A_179] {strides = array<i32>} : memref<200x128xi32, #tpu.memory_space<vmem>>, vector<16xi32>,
        %bitcast3A_181 = vector.bitcast %get3A_180 : vector<16xi32> to vector<32xbf16>
        %get3A_182 = arith.index_cast %add3A_177 : i32 to index
        %get3A_183 = arith.constant 64 : index
        %get3A_184 = tpu.vector_load %arg13[%get3A_182, %get3A_183] {strides = array<i32>} : memref<200x128xi32, #tpu.memory_space<vmem>>, vector<16xi32>,
        %bitcast3A_185 = vector.bitcast %get3A_184 : vector<16xi32> to vector<32xbf16>
        %mul3A_186 = arith.mulf %bitcast3A_181, %bitcast3A_185 : vector<32xbf16>
        %get3A_187 = arith.index_cast %add3A_177 : i32 to index
        %get3A_188 = arith.constant 16 : index
        %get3A_189 = tpu.vector_load %arg12[%get3A_187, %get3A_188] {strides = array<i32>} : memref<200x128xi32, #tpu.memory_space<vmem>>, vector<16xi32>,
        %bitcast3A_190 = vector.bitcast %get3A_189 : vector<16xi32> to vector<32xbf16>
        %get3A_191 = arith.index_cast %add3A_177 : i32 to index
        %get3A_192 = arith.constant 80 : index
        %get3A_193 = tpu.vector_load %arg13[%get3A_191, %get3A_192] {strides = array<i32>} : memref<200x128xi32, #tpu.memory_space<vmem>>, vector<16xi32>,
        %bitcast3A_194 = vector.bitcast %get3A_193 : vector<16xi32> to vector<32xbf16>
        %mul3A_195 = arith.mulf %bitcast3A_190, %bitcast3A_194 : vector<32xbf16>
        %add3A_196 = arith.addf %mul3A_186, %mul3A_195 : vector<32xbf16>
        %get3A_197 = arith.index_cast %add3A_177 : i32 to index
        %get3A_198 = arith.constant 32 : index
        %get3A_199 = tpu.vector_load %arg12[%get3A_197, %get3A_198] {strides = array<i32>} : memref<200x128xi32, #tpu.memory_space<vmem>>, vector<16xi32>,
        %bitcast3A_200 = vector.bitcast %get3A_199 : vector<16xi32> to vector<32xbf16>
        %get3A_201 = arith.index_cast %add3A_177 : i32 to index
        %get3A_202 = arith.constant 96 : index
        %get3A_203 = tpu.vector_load %arg13[%get3A_201, %get3A_202] {strides = array<i32>} : memref<200x128xi32, #tpu.memory_space<vmem>>, vector<16xi32>,
        %bitcast3A_204 = vector.bitcast %get3A_203 : vector<16xi32> to vector<32xbf16>
        %mul3A_205 = arith.mulf %bitcast3A_200, %bitcast3A_204 : vector<32xbf16>
        %add3A_206 = arith.addf %add3A_196, %mul3A_205 : vector<32xbf16>
        %get3A_207 = arith.index_cast %add3A_177 : i32 to index
        %get3A_208 = arith.constant 48 : index
        %get3A_209 = tpu.vector_load %arg12[%get3A_207, %get3A_208] {strides = array<i32>} : memref<200x128xi32, #tpu.memory_space<vmem>>, vector<16xi32>,
        %bitcast3A_210 = vector.bitcast %get3A_209 : vector<16xi32> to vector<32xbf16>
        %get3A_211 = arith.index_cast %add3A_177 : i32 to index
        %get3A_212 = arith.constant 112 : index
        %get3A_213 = tpu.vector_load %arg13[%get3A_211, %get3A_212] {strides = array<i32>} : memref<200x128xi32, #tpu.memory_space<vmem>>, vector<16xi32>,
        %bitcast3A_214 = vector.bitcast %get3A_213 : vector<16xi32> to vector<32xbf16>
        %mul3A_215 = arith.mulf %bitcast3A_210, %bitcast3A_214 : vector<32xbf16>
        %add3A_216 = arith.addf %add3A_206, %mul3A_215 : vector<32xbf16>
        %unpack3A_217 = tpu.unpack_subelements %add3A_216, 0 {pack_format = #tpu.pack_format<interleaved>} : vector<32xbf16> -> vector<16xf32>
        %unpack3A_218 = tpu.unpack_subelements %add3A_216, 1 {pack_format = #tpu.pack_format<interleaved>} : vector<32xbf16> -> vector<16xf32>
        %add3A_219 = arith.addf %unpack3A_217, %unpack3A_218 : vector<16xf32>
        %reduce_sum3A_220 = arith.constant true
        %reduce_sum3A_221 = vector.broadcast %reduce_sum3A_220 : i1 to vector<16xi1>
        %reduce_sum3A_222 = tpu.scan <sum>, %add3A_219 masked %reduce_sum3A_221 : vector<16xf32>, vector<16xi1> -> vector<16xf32>
        %reduce_sum3A_223 = vector.extract %reduce_sum3A_222[15] : f32 from vector<16xf32>
        %add3A_224 = arith.constant 200 : i32
        %add3A_225 = arith.addi %add3A_224, %add3A_177 : i32
        %broadcast_in_dim3A_226 = vector.broadcast %add3A_225 : i32 to vector<16xi32>
        %broadcast_in_dim3A_227 = vector.broadcast %reduce_sum3A_223 : f32 to vector<16xf32>
        tpu.vector_store_idx %arg14[%broadcast_in_dim3A_226], %broadcast_in_dim3A_227 masked %eq3A_4 : memref<400xf32, #tpu.memory_space<vmem>>[vector<16xi32>], vector<16xf32>, vector<16xi1>
        %mul3A_228 = arith.constant 40 : i32
        %mul3A_229 = arith.muli %scan3A_123, %mul3A_228 : i32
        %add3A_230 = arith.constant 2 : i32
        %add3A_231 = arith.addi %mul3A_229, %add3A_230 : i32
        %get3A_232 = arith.index_cast %add3A_231 : i32 to index
        %get3A_233 = arith.constant 0 : index
        %get3A_234 = tpu.vector_load %arg12[%get3A_232, %get3A_233] {strides = array<i32>} : memref<200x128xi32, #tpu.memory_space<vmem>>, vector<16xi32>,
        %bitcast3A_235 = vector.bitcast %get3A_234 : vector<16xi32> to vector<32xbf16>
        %get3A_236 = arith.index_cast %add3A_231 : i32 to index
        %get3A_237 = arith.constant 64 : index
        %get3A_238 = tpu.vector_load %arg13[%get3A_236, %get3A_237] {strides = array<i32>} : memref<200x128xi32, #tpu.memory_space<vmem>>, vector<16xi32>,
        %bitcast3A_239 = vector.bitcast %get3A_238 : vector<16xi32> to vector<32xbf16>
        %mul3A_240 = arith.mulf %bitcast3A_235, %bitcast3A_239 : vector<32xbf16>
        %get3A_241 = arith.index_cast %add3A_231 : i32 to index
        %get3A_242 = arith.constant 16 : index
        %get3A_243 = tpu.vector_load %arg12[%get3A_241, %get3A_242] {strides = array<i32>} : memref<200x128xi32, #tpu.memory_space<vmem>>, vector<16xi32>,
        %bitcast3A_244 = vector.bitcast %get3A_243 : vector<16xi32> to vector<32xbf16>
        %get3A_245 = arith.index_cast %add3A_231 : i32 to index
        %get3A_246 = arith.constant 80 : index
        %get3A_247 = tpu.vector_load %arg13[%get3A_245, %get3A_246] {strides = array<i32>} : memref<200x128xi32, #tpu.memory_space<vmem>>, vector<16xi32>,
        %bitcast3A_248 = vector.bitcast %get3A_247 : vector<16xi32> to vector<32xbf16>
        %mul3A_249 = arith.mulf %bitcast3A_244, %bitcast3A_248 : vector<32xbf16>
        %add3A_250 = arith.addf %mul3A_240, %mul3A_249 : vector<32xbf16>
        %get3A_251 = arith.index_cast %add3A_231 : i32 to index
        %get3A_252 = arith.constant 32 : index
        %get3A_253 = tpu.vector_load %arg12[%get3A_251, %get3A_252] {strides = array<i32>} : memref<200x128xi32, #tpu.memory_space<vmem>>, vector<16xi32>,
        %bitcast3A_254 = vector.bitcast %get3A_253 : vector<16xi32> to vector<32xbf16>
        %get3A_255 = arith.index_cast %add3A_231 : i32 to index
        %get3A_256 = arith.constant 96 : index
        %get3A_257 = tpu.vector_load %arg13[%get3A_255, %get3A_256] {strides = array<i32>} : memref<200x128xi32, #tpu.memory_space<vmem>>, vector<16xi32>,
        %bitcast3A_258 = vector.bitcast %get3A_257 : vector<16xi32> to vector<32xbf16>
        %mul3A_259 = arith.mulf %bitcast3A_254, %bitcast3A_258 : vector<32xbf16>
        %add3A_260 = arith.addf %add3A_250, %mul3A_259 : vector<32xbf16>
        %get3A_261 = arith.index_cast %add3A_231 : i32 to index
        %get3A_262 = arith.constant 48 : index
        %get3A_263 = tpu.vector_load %arg12[%get3A_261, %get3A_262] {strides = array<i32>} : memref<200x128xi32, #tpu.memory_space<vmem>>, vector<16xi32>,
        %bitcast3A_264 = vector.bitcast %get3A_263 : vector<16xi32> to vector<32xbf16>
        %get3A_265 = arith.index_cast %add3A_231 : i32 to index
        %get3A_266 = arith.constant 112 : index
        %get3A_267 = tpu.vector_load %arg13[%get3A_265, %get3A_266] {strides = array<i32>} : memref<200x128xi32, #tpu.memory_space<vmem>>, vector<16xi32>,
        %bitcast3A_268 = vector.bitcast %get3A_267 : vector<16xi32> to vector<32xbf16>
        %mul3A_269 = arith.mulf %bitcast3A_264, %bitcast3A_268 : vector<32xbf16>
        %add3A_270 = arith.addf %add3A_260, %mul3A_269 : vector<32xbf16>
        %unpack3A_271 = tpu.unpack_subelements %add3A_270, 0 {pack_format = #tpu.pack_format<interleaved>} : vector<32xbf16> -> vector<16xf32>
        %unpack3A_272 = tpu.unpack_subelements %add3A_270, 1 {pack_format = #tpu.pack_format<interleaved>} : vector<32xbf16> -> vector<16xf32>
        %add3A_273 = arith.addf %unpack3A_271, %unpack3A_272 : vector<16xf32>
        %reduce_sum3A_274 = arith.constant true
        %reduce_sum3A_275 = vector.broadcast %reduce_sum3A_274 : i1 to vector<16xi1>
        %reduce_sum3A_276 = tpu.scan <sum>, %add3A_273 masked %reduce_sum3A_275 : vector<16xf32>, vector<16xi1> -> vector<16xf32>
        %reduce_sum3A_277 = vector.extract %reduce_sum3A_276[15] : f32 from vector<16xf32>
        %add3A_278 = arith.constant 200 : i32
        %add3A_279 = arith.addi %add3A_278, %add3A_231 : i32
        %broadcast_in_dim3A_280 = vector.broadcast %add3A_279 : i32 to vector<16xi32>
        %broadcast_in_dim3A_281 = vector.broadcast %reduce_sum3A_277 : f32 to vector<16xf32>
        tpu.vector_store_idx %arg14[%broadcast_in_dim3A_280], %broadcast_in_dim3A_281 masked %eq3A_4 : memref<400xf32, #tpu.memory_space<vmem>>[vector<16xi32>], vector<16xf32>, vector<16xi1>
        %mul3A_282 = arith.constant 40 : i32
        %mul3A_283 = arith.muli %scan3A_123, %mul3A_282 : i32
        %add3A_284 = arith.constant 3 : i32
        %add3A_285 = arith.addi %mul3A_283, %add3A_284 : i32
        %get3A_286 = arith.index_cast %add3A_285 : i32 to index
        %get3A_287 = arith.constant 0 : index
        %get3A_288 = tpu.vector_load %arg12[%get3A_286, %get3A_287] {strides = array<i32>} : memref<200x128xi32, #tpu.memory_space<vmem>>, vector<16xi32>,
        %bitcast3A_289 = vector.bitcast %get3A_288 : vector<16xi32> to vector<32xbf16>
        %get3A_290 = arith.index_cast %add3A_285 : i32 to index
        %get3A_291 = arith.constant 64 : index
        %get3A_292 = tpu.vector_load %arg13[%get3A_290, %get3A_291] {strides = array<i32>} : memref<200x128xi32, #tpu.memory_space<vmem>>, vector<16xi32>,
        %bitcast3A_293 = vector.bitcast %get3A_292 : vector<16xi32> to vector<32xbf16>
        %mul3A_294 = arith.mulf %bitcast3A_289, %bitcast3A_293 : vector<32xbf16>
        %get3A_295 = arith.index_cast %add3A_285 : i32 to index
        %get3A_296 = arith.constant 16 : index
        %get3A_297 = tpu.vector_load %arg12[%get3A_295, %get3A_296] {strides = array<i32>} : memref<200x128xi32, #tpu.memory_space<vmem>>, vector<16xi32>,
        %bitcast3A_298 = vector.bitcast %get3A_297 : vector<16xi32> to vector<32xbf16>
        %get3A_299 = arith.index_cast %add3A_285 : i32 to index
        %get3A_300 = arith.constant 80 : index
        %get3A_301 = tpu.vector_load %arg13[%get3A_299, %get3A_300] {strides = array<i32>} : memref<200x128xi32, #tpu.memory_space<vmem>>, vector<16xi32>,
        %bitcast3A_302 = vector.bitcast %get3A_301 : vector<16xi32> to vector<32xbf16>
        %mul3A_303 = arith.mulf %bitcast3A_298, %bitcast3A_302 : vector<32xbf16>
        %add3A_304 = arith.addf %mul3A_294, %mul3A_303 : vector<32xbf16>
        %get3A_305 = arith.index_cast %add3A_285 : i32 to index
        %get3A_306 = arith.constant 32 : index
        %get3A_307 = tpu.vector_load %arg12[%get3A_305, %get3A_306] {strides = array<i32>} : memref<200x128xi32, #tpu.memory_space<vmem>>, vector<16xi32>,
        %bitcast3A_308 = vector.bitcast %get3A_307 : vector<16xi32> to vector<32xbf16>
        %get3A_309 = arith.index_cast %add3A_285 : i32 to index
        %get3A_310 = arith.constant 96 : index
        %get3A_311 = tpu.vector_load %arg13[%get3A_309, %get3A_310] {strides = array<i32>} : memref<200x128xi32, #tpu.memory_space<vmem>>, vector<16xi32>,
        %bitcast3A_312 = vector.bitcast %get3A_311 : vector<16xi32> to vector<32xbf16>
        %mul3A_313 = arith.mulf %bitcast3A_308, %bitcast3A_312 : vector<32xbf16>
        %add3A_314 = arith.addf %add3A_304, %mul3A_313 : vector<32xbf16>
        %get3A_315 = arith.index_cast %add3A_285 : i32 to index
        %get3A_316 = arith.constant 48 : index
        %get3A_317 = tpu.vector_load %arg12[%get3A_315, %get3A_316] {strides = array<i32>} : memref<200x128xi32, #tpu.memory_space<vmem>>, vector<16xi32>,
        %bitcast3A_318 = vector.bitcast %get3A_317 : vector<16xi32> to vector<32xbf16>
        %get3A_319 = arith.index_cast %add3A_285 : i32 to index
        %get3A_320 = arith.constant 112 : index
        %get3A_321 = tpu.vector_load %arg13[%get3A_319, %get3A_320] {strides = array<i32>} : memref<200x128xi32, #tpu.memory_space<vmem>>, vector<16xi32>,
        %bitcast3A_322 = vector.bitcast %get3A_321 : vector<16xi32> to vector<32xbf16>
        %mul3A_323 = arith.mulf %bitcast3A_318, %bitcast3A_322 : vector<32xbf16>
        %add3A_324 = arith.addf %add3A_314, %mul3A_323 : vector<32xbf16>
        %unpack3A_325 = tpu.unpack_subelements %add3A_324, 0 {pack_format = #tpu.pack_format<interleaved>} : vector<32xbf16> -> vector<16xf32>
        %unpack3A_326 = tpu.unpack_subelements %add3A_324, 1 {pack_format = #tpu.pack_format<interleaved>} : vector<32xbf16> -> vector<16xf32>
        %add3A_327 = arith.addf %unpack3A_325, %unpack3A_326 : vector<16xf32>
        %reduce_sum3A_328 = arith.constant true
        %reduce_sum3A_329 = vector.broadcast %reduce_sum3A_328 : i1 to vector<16xi1>
        %reduce_sum3A_330 = tpu.scan <sum>, %add3A_327 masked %reduce_sum3A_329 : vector<16xf32>, vector<16xi1> -> vector<16xf32>
        %reduce_sum3A_331 = vector.extract %reduce_sum3A_330[15] : f32 from vector<16xf32>
        %add3A_332 = arith.constant 200 : i32
        %add3A_333 = arith.addi %add3A_332, %add3A_285 : i32
        %broadcast_in_dim3A_334 = vector.broadcast %add3A_333 : i32 to vector<16xi32>
        %broadcast_in_dim3A_335 = vector.broadcast %reduce_sum3A_331 : f32 to vector<16xf32>
        tpu.vector_store_idx %arg14[%broadcast_in_dim3A_334], %broadcast_in_dim3A_335 masked %eq3A_4 : memref<400xf32, #tpu.memory_space<vmem>>[vector<16xi32>], vector<16xf32>, vector<16xi1>
        %mul3A_336 = arith.constant 40 : i32
        %mul3A_337 = arith.muli %scan3A_123, %mul3A_336 : i32
        %add3A_338 = arith.constant 4 : i32
        %add3A_339 = arith.addi %mul3A_337, %add3A_338 : i32
        %get3A_340 = arith.index_cast %add3A_339 : i32 to index
        %get3A_341 = arith.constant 0 : index
        %get3A_342 = tpu.vector_load %arg12[%get3A_340, %get3A_341] {strides = array<i32>} : memref<200x128xi32, #tpu.memory_space<vmem>>, vector<16xi32>,
        %bitcast3A_343 = vector.bitcast %get3A_342 : vector<16xi32> to vector<32xbf16>
        %get3A_344 = arith.index_cast %add3A_339 : i32 to index
        %get3A_345 = arith.constant 64 : index
        %get3A_346 = tpu.vector_load %arg13[%get3A_344, %get3A_345] {strides = array<i32>} : memref<200x128xi32, #tpu.memory_space<vmem>>, vector<16xi32>,
        %bitcast3A_347 = vector.bitcast %get3A_346 : vector<16xi32> to vector<32xbf16>
        %mul3A_348 = arith.mulf %bitcast3A_343, %bitcast3A_347 : vector<32xbf16>
        %get3A_349 = arith.index_cast %add3A_339 : i32 to index
        %get3A_350 = arith.constant 16 : index
        %get3A_351 = tpu.vector_load %arg12[%get3A_349, %get3A_350] {strides = array<i32>} : memref<200x128xi32, #tpu.memory_space<vmem>>, vector<16xi32>,
        %bitcast3A_352 = vector.bitcast %get3A_351 : vector<16xi32> to vector<32xbf16>
        %get3A_353 = arith.index_cast %add3A_339 : i32 to index
        %get3A_354 = arith.constant 80 : index
        %get3A_355 = tpu.vector_load %arg13[%get3A_353, %get3A_354] {strides = array<i32>} : memref<200x128xi32, #tpu.memory_space<vmem>>, vector<16xi32>,
        %bitcast3A_356 = vector.bitcast %get3A_355 : vector<16xi32> to vector<32xbf16>
        %mul3A_357 = arith.mulf %bitcast3A_352, %bitcast3A_356 : vector<32xbf16>
        %add3A_358 = arith.addf %mul3A_348, %mul3A_357 : vector<32xbf16>
        %get3A_359 = arith.index_cast %add3A_339 : i32 to index
        %get3A_360 = arith.constant 32 : index
        %get3A_361 = tpu.vector_load %arg12[%get3A_359, %get3A_360] {strides = array<i32>} : memref<200x128xi32, #tpu.memory_space<vmem>>, vector<16xi32>,
        %bitcast3A_362 = vector.bitcast %get3A_361 : vector<16xi32> to vector<32xbf16>
        %get3A_363 = arith.index_cast %add3A_339 : i32 to index
        %get3A_364 = arith.constant 96 : index
        %get3A_365 = tpu.vector_load %arg13[%get3A_363, %get3A_364] {strides = array<i32>} : memref<200x128xi32, #tpu.memory_space<vmem>>, vector<16xi32>,
        %bitcast3A_366 = vector.bitcast %get3A_365 : vector<16xi32> to vector<32xbf16>
        %mul3A_367 = arith.mulf %bitcast3A_362, %bitcast3A_366 : vector<32xbf16>
        %add3A_368 = arith.addf %add3A_358, %mul3A_367 : vector<32xbf16>
        %get3A_369 = arith.index_cast %add3A_339 : i32 to index
        %get3A_370 = arith.constant 48 : index
        %get3A_371 = tpu.vector_load %arg12[%get3A_369, %get3A_370] {strides = array<i32>} : memref<200x128xi32, #tpu.memory_space<vmem>>, vector<16xi32>,
        %bitcast3A_372 = vector.bitcast %get3A_371 : vector<16xi32> to vector<32xbf16>
        %get3A_373 = arith.index_cast %add3A_339 : i32 to index
        %get3A_374 = arith.constant 112 : index
        %get3A_375 = tpu.vector_load %arg13[%get3A_373, %get3A_374] {strides = array<i32>} : memref<200x128xi32, #tpu.memory_space<vmem>>, vector<16xi32>,
        %bitcast3A_376 = vector.bitcast %get3A_375 : vector<16xi32> to vector<32xbf16>
        %mul3A_377 = arith.mulf %bitcast3A_372, %bitcast3A_376 : vector<32xbf16>
        %add3A_378 = arith.addf %add3A_368, %mul3A_377 : vector<32xbf16>
        %unpack3A_379 = tpu.unpack_subelements %add3A_378, 0 {pack_format = #tpu.pack_format<interleaved>} : vector<32xbf16> -> vector<16xf32>
        %unpack3A_380 = tpu.unpack_subelements %add3A_378, 1 {pack_format = #tpu.pack_format<interleaved>} : vector<32xbf16> -> vector<16xf32>
        %add3A_381 = arith.addf %unpack3A_379, %unpack3A_380 : vector<16xf32>
        %reduce_sum3A_382 = arith.constant true
        %reduce_sum3A_383 = vector.broadcast %reduce_sum3A_382 : i1 to vector<16xi1>
        %reduce_sum3A_384 = tpu.scan <sum>, %add3A_381 masked %reduce_sum3A_383 : vector<16xf32>, vector<16xi1> -> vector<16xf32>
        %reduce_sum3A_385 = vector.extract %reduce_sum3A_384[15] : f32 from vector<16xf32>
        %add3A_386 = arith.constant 200 : i32
        %add3A_387 = arith.addi %add3A_386, %add3A_339 : i32
        %broadcast_in_dim3A_388 = vector.broadcast %add3A_387 : i32 to vector<16xi32>
        %broadcast_in_dim3A_389 = vector.broadcast %reduce_sum3A_385 : f32 to vector<16xf32>
        tpu.vector_store_idx %arg14[%broadcast_in_dim3A_388], %broadcast_in_dim3A_389 masked %eq3A_4 : memref<400xf32, #tpu.memory_space<vmem>>[vector<16xi32>], vector<16xf32>, vector<16xi1>
        %mul3A_390 = arith.constant 40 : i32
        %mul3A_391 = arith.muli %scan3A_123, %mul3A_390 : i32
        %add3A_392 = arith.constant 5 : i32
        %add3A_393 = arith.addi %mul3A_391, %add3A_392 : i32
        %get3A_394 = arith.index_cast %add3A_393 : i32 to index
        %get3A_395 = arith.constant 0 : index
        %get3A_396 = tpu.vector_load %arg12[%get3A_394, %get3A_395] {strides = array<i32>} : memref<200x128xi32, #tpu.memory_space<vmem>>, vector<16xi32>,
        %bitcast3A_397 = vector.bitcast %get3A_396 : vector<16xi32> to vector<32xbf16>
        %get3A_398 = arith.index_cast %add3A_393 : i32 to index
        %get3A_399 = arith.constant 64 : index
        %get3A_400 = tpu.vector_load %arg13[%get3A_398, %get3A_399] {strides = array<i32>} : memref<200x128xi32, #tpu.memory_space<vmem>>, vector<16xi32>,
        %bitcast3A_401 = vector.bitcast %get3A_400 : vector<16xi32> to vector<32xbf16>
        %mul3A_402 = arith.mulf %bitcast3A_397, %bitcast3A_401 : vector<32xbf16>
        %get3A_403 = arith.index_cast %add3A_393 : i32 to index
        %get3A_404 = arith.constant 16 : index
        %get3A_405 = tpu.vector_load %arg12[%get3A_403, %get3A_404] {strides = array<i32>} : memref<200x128xi32, #tpu.memory_space<vmem>>, vector<16xi32>,
        %bitcast3A_406 = vector.bitcast %get3A_405 : vector<16xi32> to vector<32xbf16>
        %get3A_407 = arith.index_cast %add3A_393 : i32 to index
        %get3A_408 = arith.constant 80 : index
        %get3A_409 = tpu.vector_load %arg13[%get3A_407, %get3A_408] {strides = array<i32>} : memref<200x128xi32, #tpu.memory_space<vmem>>, vector<16xi32>,
        %bitcast3A_410 = vector.bitcast %get3A_409 : vector<16xi32> to vector<32xbf16>
        %mul3A_411 = arith.mulf %bitcast3A_406, %bitcast3A_410 : vector<32xbf16>
        %add3A_412 = arith.addf %mul3A_402, %mul3A_411 : vector<32xbf16>
        %get3A_413 = arith.index_cast %add3A_393 : i32 to index
        %get3A_414 = arith.constant 32 : index
        %get3A_415 = tpu.vector_load %arg12[%get3A_413, %get3A_414] {strides = array<i32>} : memref<200x128xi32, #tpu.memory_space<vmem>>, vector<16xi32>,
        %bitcast3A_416 = vector.bitcast %get3A_415 : vector<16xi32> to vector<32xbf16>
        %get3A_417 = arith.index_cast %add3A_393 : i32 to index
        %get3A_418 = arith.constant 96 : index
        %get3A_419 = tpu.vector_load %arg13[%get3A_417, %get3A_418] {strides = array<i32>} : memref<200x128xi32, #tpu.memory_space<vmem>>, vector<16xi32>,
        %bitcast3A_420 = vector.bitcast %get3A_419 : vector<16xi32> to vector<32xbf16>
        %mul3A_421 = arith.mulf %bitcast3A_416, %bitcast3A_420 : vector<32xbf16>
        %add3A_422 = arith.addf %add3A_412, %mul3A_421 : vector<32xbf16>
        %get3A_423 = arith.index_cast %add3A_393 : i32 to index
        %get3A_424 = arith.constant 48 : index
        %get3A_425 = tpu.vector_load %arg12[%get3A_423, %get3A_424] {strides = array<i32>} : memref<200x128xi32, #tpu.memory_space<vmem>>, vector<16xi32>,
        %bitcast3A_426 = vector.bitcast %get3A_425 : vector<16xi32> to vector<32xbf16>
        %get3A_427 = arith.index_cast %add3A_393 : i32 to index
        %get3A_428 = arith.constant 112 : index
        %get3A_429 = tpu.vector_load %arg13[%get3A_427, %get3A_428] {strides = array<i32>} : memref<200x128xi32, #tpu.memory_space<vmem>>, vector<16xi32>,
        %bitcast3A_430 = vector.bitcast %get3A_429 : vector<16xi32> to vector<32xbf16>
        %mul3A_431 = arith.mulf %bitcast3A_426, %bitcast3A_430 : vector<32xbf16>
        %add3A_432 = arith.addf %add3A_422, %mul3A_431 : vector<32xbf16>
        %unpack3A_433 = tpu.unpack_subelements %add3A_432, 0 {pack_format = #tpu.pack_format<interleaved>} : vector<32xbf16> -> vector<16xf32>
        %unpack3A_434 = tpu.unpack_subelements %add3A_432, 1 {pack_format = #tpu.pack_format<interleaved>} : vector<32xbf16> -> vector<16xf32>
        %add3A_435 = arith.addf %unpack3A_433, %unpack3A_434 : vector<16xf32>
        %reduce_sum3A_436 = arith.constant true
        %reduce_sum3A_437 = vector.broadcast %reduce_sum3A_436 : i1 to vector<16xi1>
        %reduce_sum3A_438 = tpu.scan <sum>, %add3A_435 masked %reduce_sum3A_437 : vector<16xf32>, vector<16xi1> -> vector<16xf32>
        %reduce_sum3A_439 = vector.extract %reduce_sum3A_438[15] : f32 from vector<16xf32>
        %add3A_440 = arith.constant 200 : i32
        %add3A_441 = arith.addi %add3A_440, %add3A_393 : i32
        %broadcast_in_dim3A_442 = vector.broadcast %add3A_441 : i32 to vector<16xi32>
        %broadcast_in_dim3A_443 = vector.broadcast %reduce_sum3A_439 : f32 to vector<16xf32>
        tpu.vector_store_idx %arg14[%broadcast_in_dim3A_442], %broadcast_in_dim3A_443 masked %eq3A_4 : memref<400xf32, #tpu.memory_space<vmem>>[vector<16xi32>], vector<16xf32>, vector<16xi1>
        %mul3A_444 = arith.constant 40 : i32
        %mul3A_445 = arith.muli %scan3A_123, %mul3A_444 : i32
        %add3A_446 = arith.constant 6 : i32
        %add3A_447 = arith.addi %mul3A_445, %add3A_446 : i32
        %get3A_448 = arith.index_cast %add3A_447 : i32 to index
        %get3A_449 = arith.constant 0 : index
        %get3A_450 = tpu.vector_load %arg12[%get3A_448, %get3A_449] {strides = array<i32>} : memref<200x128xi32, #tpu.memory_space<vmem>>, vector<16xi32>,
        %bitcast3A_451 = vector.bitcast %get3A_450 : vector<16xi32> to vector<32xbf16>
        %get3A_452 = arith.index_cast %add3A_447 : i32 to index
        %get3A_453 = arith.constant 64 : index
        %get3A_454 = tpu.vector_load %arg13[%get3A_452, %get3A_453] {strides = array<i32>} : memref<200x128xi32, #tpu.memory_space<vmem>>, vector<16xi32>,
        %bitcast3A_455 = vector.bitcast %get3A_454 : vector<16xi32> to vector<32xbf16>
        %mul3A_456 = arith.mulf %bitcast3A_451, %bitcast3A_455 : vector<32xbf16>
        %get3A_457 = arith.index_cast %add3A_447 : i32 to index
        %get3A_458 = arith.constant 16 : index
        %get3A_459 = tpu.vector_load %arg12[%get3A_457, %get3A_458] {strides = array<i32>} : memref<200x128xi32, #tpu.memory_space<vmem>>, vector<16xi32>,
        %bitcast3A_460 = vector.bitcast %get3A_459 : vector<16xi32> to vector<32xbf16>
        %get3A_461 = arith.index_cast %add3A_447 : i32 to index
        %get3A_462 = arith.constant 80 : index
        %get3A_463 = tpu.vector_load %arg13[%get3A_461, %get3A_462] {strides = array<i32>} : memref<200x128xi32, #tpu.memory_space<vmem>>, vector<16xi32>,
        %bitcast3A_464 = vector.bitcast %get3A_463 : vector<16xi32> to vector<32xbf16>
        %mul3A_465 = arith.mulf %bitcast3A_460, %bitcast3A_464 : vector<32xbf16>
        %add3A_466 = arith.addf %mul3A_456, %mul3A_465 : vector<32xbf16>
        %get3A_467 = arith.index_cast %add3A_447 : i32 to index
        %get3A_468 = arith.constant 32 : index
        %get3A_469 = tpu.vector_load %arg12[%get3A_467, %get3A_468] {strides = array<i32>} : memref<200x128xi32, #tpu.memory_space<vmem>>, vector<16xi32>,
        %bitcast3A_470 = vector.bitcast %get3A_469 : vector<16xi32> to vector<32xbf16>
        %get3A_471 = arith.index_cast %add3A_447 : i32 to index
        %get3A_472 = arith.constant 96 : index
        %get3A_473 = tpu.vector_load %arg13[%get3A_471, %get3A_472] {strides = array<i32>} : memref<200x128xi32, #tpu.memory_space<vmem>>, vector<16xi32>,
        %bitcast3A_474 = vector.bitcast %get3A_473 : vector<16xi32> to vector<32xbf16>
        %mul3A_475 = arith.mulf %bitcast3A_470, %bitcast3A_474 : vector<32xbf16>
        %add3A_476 = arith.addf %add3A_466, %mul3A_475 : vector<32xbf16>
        %get3A_477 = arith.index_cast %add3A_447 : i32 to index
        %get3A_478 = arith.constant 48 : index
        %get3A_479 = tpu.vector_load %arg12[%get3A_477, %get3A_478] {strides = array<i32>} : memref<200x128xi32, #tpu.memory_space<vmem>>, vector<16xi32>,
        %bitcast3A_480 = vector.bitcast %get3A_479 : vector<16xi32> to vector<32xbf16>
        %get3A_481 = arith.index_cast %add3A_447 : i32 to index
        %get3A_482 = arith.constant 112 : index
        %get3A_483 = tpu.vector_load %arg13[%get3A_481, %get3A_482] {strides = array<i32>} : memref<200x128xi32, #tpu.memory_space<vmem>>, vector<16xi32>,
        %bitcast3A_484 = vector.bitcast %get3A_483 : vector<16xi32> to vector<32xbf16>
        %mul3A_485 = arith.mulf %bitcast3A_480, %bitcast3A_484 : vector<32xbf16>
        %add3A_486 = arith.addf %add3A_476, %mul3A_485 : vector<32xbf16>
        %unpack3A_487 = tpu.unpack_subelements %add3A_486, 0 {pack_format = #tpu.pack_format<interleaved>} : vector<32xbf16> -> vector<16xf32>
        %unpack3A_488 = tpu.unpack_subelements %add3A_486, 1 {pack_format = #tpu.pack_format<interleaved>} : vector<32xbf16> -> vector<16xf32>
        %add3A_489 = arith.addf %unpack3A_487, %unpack3A_488 : vector<16xf32>
        %reduce_sum3A_490 = arith.constant true
        %reduce_sum3A_491 = vector.broadcast %reduce_sum3A_490 : i1 to vector<16xi1>
        %reduce_sum3A_492 = tpu.scan <sum>, %add3A_489 masked %reduce_sum3A_491 : vector<16xf32>, vector<16xi1> -> vector<16xf32>
        %reduce_sum3A_493 = vector.extract %reduce_sum3A_492[15] : f32 from vector<16xf32>
        %add3A_494 = arith.constant 200 : i32
        %add3A_495 = arith.addi %add3A_494, %add3A_447 : i32
        %broadcast_in_dim3A_496 = vector.broadcast %add3A_495 : i32 to vector<16xi32>
        %broadcast_in_dim3A_497 = vector.broadcast %reduce_sum3A_493 : f32 to vector<16xf32>
        tpu.vector_store_idx %arg14[%broadcast_in_dim3A_496], %broadcast_in_dim3A_497 masked %eq3A_4 : memref<400xf32, #tpu.memory_space<vmem>>[vector<16xi32>], vector<16xf32>, vector<16xi1>
        %mul3A_498 = arith.constant 40 : i32
        %mul3A_499 = arith.muli %scan3A_123, %mul3A_498 : i32
        %add3A_500 = arith.constant 7 : i32
        %add3A_501 = arith.addi %mul3A_499, %add3A_500 : i32
        %get3A_502 = arith.index_cast %add3A_501 : i32 to index
        %get3A_503 = arith.constant 0 : index
        %get3A_504 = tpu.vector_load %arg12[%get3A_502, %get3A_503] {strides = array<i32>} : memref<200x128xi32, #tpu.memory_space<vmem>>, vector<16xi32>,
        %bitcast3A_505 = vector.bitcast %get3A_504 : vector<16xi32> to vector<32xbf16>
        %get3A_506 = arith.index_cast %add3A_501 : i32 to index
        %get3A_507 = arith.constant 64 : index
        %get3A_508 = tpu.vector_load %arg13[%get3A_506, %get3A_507] {strides = array<i32>} : memref<200x128xi32, #tpu.memory_space<vmem>>, vector<16xi32>,
        %bitcast3A_509 = vector.bitcast %get3A_508 : vector<16xi32> to vector<32xbf16>
        %mul3A_510 = arith.mulf %bitcast3A_505, %bitcast3A_509 : vector<32xbf16>
        %get3A_511 = arith.index_cast %add3A_501 : i32 to index
        %get3A_512 = arith.constant 16 : index
        %get3A_513 = tpu.vector_load %arg12[%get3A_511, %get3A_512] {strides = array<i32>} : memref<200x128xi32, #tpu.memory_space<vmem>>, vector<16xi32>,
        %bitcast3A_514 = vector.bitcast %get3A_513 : vector<16xi32> to vector<32xbf16>
        %get3A_515 = arith.index_cast %add3A_501 : i32 to index
        %get3A_516 = arith.constant 80 : index
        %get3A_517 = tpu.vector_load %arg13[%get3A_515, %get3A_516] {strides = array<i32>} : memref<200x128xi32, #tpu.memory_space<vmem>>, vector<16xi32>,
        %bitcast3A_518 = vector.bitcast %get3A_517 : vector<16xi32> to vector<32xbf16>
        %mul3A_519 = arith.mulf %bitcast3A_514, %bitcast3A_518 : vector<32xbf16>
        %add3A_520 = arith.addf %mul3A_510, %mul3A_519 : vector<32xbf16>
        %get3A_521 = arith.index_cast %add3A_501 : i32 to index
        %get3A_522 = arith.constant 32 : index
        %get3A_523 = tpu.vector_load %arg12[%get3A_521, %get3A_522] {strides = array<i32>} : memref<200x128xi32, #tpu.memory_space<vmem>>, vector<16xi32>,
        %bitcast3A_524 = vector.bitcast %get3A_523 : vector<16xi32> to vector<32xbf16>
        %get3A_525 = arith.index_cast %add3A_501 : i32 to index
        %get3A_526 = arith.constant 96 : index
        %get3A_527 = tpu.vector_load %arg13[%get3A_525, %get3A_526] {strides = array<i32>} : memref<200x128xi32, #tpu.memory_space<vmem>>, vector<16xi32>,
        %bitcast3A_528 = vector.bitcast %get3A_527 : vector<16xi32> to vector<32xbf16>
        %mul3A_529 = arith.mulf %bitcast3A_524, %bitcast3A_528 : vector<32xbf16>
        %add3A_530 = arith.addf %add3A_520, %mul3A_529 : vector<32xbf16>
        %get3A_531 = arith.index_cast %add3A_501 : i32 to index
        %get3A_532 = arith.constant 48 : index
        %get3A_533 = tpu.vector_load %arg12[%get3A_531, %get3A_532] {strides = array<i32>} : memref<200x128xi32, #tpu.memory_space<vmem>>, vector<16xi32>,
        %bitcast3A_534 = vector.bitcast %get3A_533 : vector<16xi32> to vector<32xbf16>
        %get3A_535 = arith.index_cast %add3A_501 : i32 to index
        %get3A_536 = arith.constant 112 : index
        %get3A_537 = tpu.vector_load %arg13[%get3A_535, %get3A_536] {strides = array<i32>} : memref<200x128xi32, #tpu.memory_space<vmem>>, vector<16xi32>,
        %bitcast3A_538 = vector.bitcast %get3A_537 : vector<16xi32> to vector<32xbf16>
        %mul3A_539 = arith.mulf %bitcast3A_534, %bitcast3A_538 : vector<32xbf16>
        %add3A_540 = arith.addf %add3A_530, %mul3A_539 : vector<32xbf16>
        %unpack3A_541 = tpu.unpack_subelements %add3A_540, 0 {pack_format = #tpu.pack_format<interleaved>} : vector<32xbf16> -> vector<16xf32>
        %unpack3A_542 = tpu.unpack_subelements %add3A_540, 1 {pack_format = #tpu.pack_format<interleaved>} : vector<32xbf16> -> vector<16xf32>
        %add3A_543 = arith.addf %unpack3A_541, %unpack3A_542 : vector<16xf32>
        %reduce_sum3A_544 = arith.constant true
        %reduce_sum3A_545 = vector.broadcast %reduce_sum3A_544 : i1 to vector<16xi1>
        %reduce_sum3A_546 = tpu.scan <sum>, %add3A_543 masked %reduce_sum3A_545 : vector<16xf32>, vector<16xi1> -> vector<16xf32>
        %reduce_sum3A_547 = vector.extract %reduce_sum3A_546[15] : f32 from vector<16xf32>
        %add3A_548 = arith.constant 200 : i32
        %add3A_549 = arith.addi %add3A_548, %add3A_501 : i32
        %broadcast_in_dim3A_550 = vector.broadcast %add3A_549 : i32 to vector<16xi32>
        %broadcast_in_dim3A_551 = vector.broadcast %reduce_sum3A_547 : f32 to vector<16xf32>
        tpu.vector_store_idx %arg14[%broadcast_in_dim3A_550], %broadcast_in_dim3A_551 masked %eq3A_4 : memref<400xf32, #tpu.memory_space<vmem>>[vector<16xi32>], vector<16xf32>, vector<16xi1>
        %mul3A_552 = arith.constant 40 : i32
        %mul3A_553 = arith.muli %scan3A_123, %mul3A_552 : i32
        %add3A_554 = arith.constant 8 : i32
        %add3A_555 = arith.addi %mul3A_553, %add3A_554 : i32
        %get3A_556 = arith.index_cast %add3A_555 : i32 to index
        %get3A_557 = arith.constant 0 : index
        %get3A_558 = tpu.vector_load %arg12[%get3A_556, %get3A_557] {strides = array<i32>} : memref<200x128xi32, #tpu.memory_space<vmem>>, vector<16xi32>,
        %bitcast3A_559 = vector.bitcast %get3A_558 : vector<16xi32> to vector<32xbf16>
        %get3A_560 = arith.index_cast %add3A_555 : i32 to index
        %get3A_561 = arith.constant 64 : index
        %get3A_562 = tpu.vector_load %arg13[%get3A_560, %get3A_561] {strides = array<i32>} : memref<200x128xi32, #tpu.memory_space<vmem>>, vector<16xi32>,
        %bitcast3A_563 = vector.bitcast %get3A_562 : vector<16xi32> to vector<32xbf16>
        %mul3A_564 = arith.mulf %bitcast3A_559, %bitcast3A_563 : vector<32xbf16>
        %get3A_565 = arith.index_cast %add3A_555 : i32 to index
        %get3A_566 = arith.constant 16 : index
        %get3A_567 = tpu.vector_load %arg12[%get3A_565, %get3A_566] {strides = array<i32>} : memref<200x128xi32, #tpu.memory_space<vmem>>, vector<16xi32>,
        %bitcast3A_568 = vector.bitcast %get3A_567 : vector<16xi32> to vector<32xbf16>
        %get3A_569 = arith.index_cast %add3A_555 : i32 to index
        %get3A_570 = arith.constant 80 : index
        %get3A_571 = tpu.vector_load %arg13[%get3A_569, %get3A_570] {strides = array<i32>} : memref<200x128xi32, #tpu.memory_space<vmem>>, vector<16xi32>,
        %bitcast3A_572 = vector.bitcast %get3A_571 : vector<16xi32> to vector<32xbf16>
        %mul3A_573 = arith.mulf %bitcast3A_568, %bitcast3A_572 : vector<32xbf16>
        %add3A_574 = arith.addf %mul3A_564, %mul3A_573 : vector<32xbf16>
        %get3A_575 = arith.index_cast %add3A_555 : i32 to index
        %get3A_576 = arith.constant 32 : index
        %get3A_577 = tpu.vector_load %arg12[%get3A_575, %get3A_576] {strides = array<i32>} : memref<200x128xi32, #tpu.memory_space<vmem>>, vector<16xi32>,
        %bitcast3A_578 = vector.bitcast %get3A_577 : vector<16xi32> to vector<32xbf16>
        %get3A_579 = arith.index_cast %add3A_555 : i32 to index
        %get3A_580 = arith.constant 96 : index
        %get3A_581 = tpu.vector_load %arg13[%get3A_579, %get3A_580] {strides = array<i32>} : memref<200x128xi32, #tpu.memory_space<vmem>>, vector<16xi32>,
        %bitcast3A_582 = vector.bitcast %get3A_581 : vector<16xi32> to vector<32xbf16>
        %mul3A_583 = arith.mulf %bitcast3A_578, %bitcast3A_582 : vector<32xbf16>
        %add3A_584 = arith.addf %add3A_574, %mul3A_583 : vector<32xbf16>
        %get3A_585 = arith.index_cast %add3A_555 : i32 to index
        %get3A_586 = arith.constant 48 : index
        %get3A_587 = tpu.vector_load %arg12[%get3A_585, %get3A_586] {strides = array<i32>} : memref<200x128xi32, #tpu.memory_space<vmem>>, vector<16xi32>,
        %bitcast3A_588 = vector.bitcast %get3A_587 : vector<16xi32> to vector<32xbf16>
        %get3A_589 = arith.index_cast %add3A_555 : i32 to index
        %get3A_590 = arith.constant 112 : index
        %get3A_591 = tpu.vector_load %arg13[%get3A_589, %get3A_590] {strides = array<i32>} : memref<200x128xi32, #tpu.memory_space<vmem>>, vector<16xi32>,
        %bitcast3A_592 = vector.bitcast %get3A_591 : vector<16xi32> to vector<32xbf16>
        %mul3A_593 = arith.mulf %bitcast3A_588, %bitcast3A_592 : vector<32xbf16>
        %add3A_594 = arith.addf %add3A_584, %mul3A_593 : vector<32xbf16>
        %unpack3A_595 = tpu.unpack_subelements %add3A_594, 0 {pack_format = #tpu.pack_format<interleaved>} : vector<32xbf16> -> vector<16xf32>
        %unpack3A_596 = tpu.unpack_subelements %add3A_594, 1 {pack_format = #tpu.pack_format<interleaved>} : vector<32xbf16> -> vector<16xf32>
        %add3A_597 = arith.addf %unpack3A_595, %unpack3A_596 : vector<16xf32>
        %reduce_sum3A_598 = arith.constant true
        %reduce_sum3A_599 = vector.broadcast %reduce_sum3A_598 : i1 to vector<16xi1>
        %reduce_sum3A_600 = tpu.scan <sum>, %add3A_597 masked %reduce_sum3A_599 : vector<16xf32>, vector<16xi1> -> vector<16xf32>
        %reduce_sum3A_601 = vector.extract %reduce_sum3A_600[15] : f32 from vector<16xf32>
        %add3A_602 = arith.constant 200 : i32
        %add3A_603 = arith.addi %add3A_602, %add3A_555 : i32
        %broadcast_in_dim3A_604 = vector.broadcast %add3A_603 : i32 to vector<16xi32>
        %broadcast_in_dim3A_605 = vector.broadcast %reduce_sum3A_601 : f32 to vector<16xf32>
        tpu.vector_store_idx %arg14[%broadcast_in_dim3A_604], %broadcast_in_dim3A_605 masked %eq3A_4 : memref<400xf32, #tpu.memory_space<vmem>>[vector<16xi32>], vector<16xf32>, vector<16xi1>
        %mul3A_606 = arith.constant 40 : i32
        %mul3A_607 = arith.muli %scan3A_123, %mul3A_606 : i32
        %add3A_608 = arith.constant 9 : i32
        %add3A_609 = arith.addi %mul3A_607, %add3A_608 : i32
        %get3A_610 = arith.index_cast %add3A_609 : i32 to index
        %get3A_611 = arith.constant 0 : index
        %get3A_612 = tpu.vector_load %arg12[%get3A_610, %get3A_611] {strides = array<i32>} : memref<200x128xi32, #tpu.memory_space<vmem>>, vector<16xi32>,
        %bitcast3A_613 = vector.bitcast %get3A_612 : vector<16xi32> to vector<32xbf16>
        %get3A_614 = arith.index_cast %add3A_609 : i32 to index
        %get3A_615 = arith.constant 64 : index
        %get3A_616 = tpu.vector_load %arg13[%get3A_614, %get3A_615] {strides = array<i32>} : memref<200x128xi32, #tpu.memory_space<vmem>>, vector<16xi32>,
        %bitcast3A_617 = vector.bitcast %get3A_616 : vector<16xi32> to vector<32xbf16>
        %mul3A_618 = arith.mulf %bitcast3A_613, %bitcast3A_617 : vector<32xbf16>
        %get3A_619 = arith.index_cast %add3A_609 : i32 to index
        %get3A_620 = arith.constant 16 : index
        %get3A_621 = tpu.vector_load %arg12[%get3A_619, %get3A_620] {strides = array<i32>} : memref<200x128xi32, #tpu.memory_space<vmem>>, vector<16xi32>,
        %bitcast3A_622 = vector.bitcast %get3A_621 : vector<16xi32> to vector<32xbf16>
        %get3A_623 = arith.index_cast %add3A_609 : i32 to index
        %get3A_624 = arith.constant 80 : index
        %get3A_625 = tpu.vector_load %arg13[%get3A_623, %get3A_624] {strides = array<i32>} : memref<200x128xi32, #tpu.memory_space<vmem>>, vector<16xi32>,
        %bitcast3A_626 = vector.bitcast %get3A_625 : vector<16xi32> to vector<32xbf16>
        %mul3A_627 = arith.mulf %bitcast3A_622, %bitcast3A_626 : vector<32xbf16>
        %add3A_628 = arith.addf %mul3A_618, %mul3A_627 : vector<32xbf16>
        %get3A_629 = arith.index_cast %add3A_609 : i32 to index
        %get3A_630 = arith.constant 32 : index
        %get3A_631 = tpu.vector_load %arg12[%get3A_629, %get3A_630] {strides = array<i32>} : memref<200x128xi32, #tpu.memory_space<vmem>>, vector<16xi32>,
        %bitcast3A_632 = vector.bitcast %get3A_631 : vector<16xi32> to vector<32xbf16>
        %get3A_633 = arith.index_cast %add3A_609 : i32 to index
        %get3A_634 = arith.constant 96 : index
        %get3A_635 = tpu.vector_load %arg13[%get3A_633, %get3A_634] {strides = array<i32>} : memref<200x128xi32, #tpu.memory_space<vmem>>, vector<16xi32>,
        %bitcast3A_636 = vector.bitcast %get3A_635 : vector<16xi32> to vector<32xbf16>
        %mul3A_637 = arith.mulf %bitcast3A_632, %bitcast3A_636 : vector<32xbf16>
        %add3A_638 = arith.addf %add3A_628, %mul3A_637 : vector<32xbf16>
        %get3A_639 = arith.index_cast %add3A_609 : i32 to index
        %get3A_640 = arith.constant 48 : index
        %get3A_641 = tpu.vector_load %arg12[%get3A_639, %get3A_640] {strides = array<i32>} : memref<200x128xi32, #tpu.memory_space<vmem>>, vector<16xi32>,
        %bitcast3A_642 = vector.bitcast %get3A_641 : vector<16xi32> to vector<32xbf16>
        %get3A_643 = arith.index_cast %add3A_609 : i32 to index
        %get3A_644 = arith.constant 112 : index
        %get3A_645 = tpu.vector_load %arg13[%get3A_643, %get3A_644] {strides = array<i32>} : memref<200x128xi32, #tpu.memory_space<vmem>>, vector<16xi32>,
        %bitcast3A_646 = vector.bitcast %get3A_645 : vector<16xi32> to vector<32xbf16>
        %mul3A_647 = arith.mulf %bitcast3A_642, %bitcast3A_646 : vector<32xbf16>
        %add3A_648 = arith.addf %add3A_638, %mul3A_647 : vector<32xbf16>
        %unpack3A_649 = tpu.unpack_subelements %add3A_648, 0 {pack_format = #tpu.pack_format<interleaved>} : vector<32xbf16> -> vector<16xf32>
        %unpack3A_650 = tpu.unpack_subelements %add3A_648, 1 {pack_format = #tpu.pack_format<interleaved>} : vector<32xbf16> -> vector<16xf32>
        %add3A_651 = arith.addf %unpack3A_649, %unpack3A_650 : vector<16xf32>
        %reduce_sum3A_652 = arith.constant true
        %reduce_sum3A_653 = vector.broadcast %reduce_sum3A_652 : i1 to vector<16xi1>
        %reduce_sum3A_654 = tpu.scan <sum>, %add3A_651 masked %reduce_sum3A_653 : vector<16xf32>, vector<16xi1> -> vector<16xf32>
        %reduce_sum3A_655 = vector.extract %reduce_sum3A_654[15] : f32 from vector<16xf32>
        %add3A_656 = arith.constant 200 : i32
        %add3A_657 = arith.addi %add3A_656, %add3A_609 : i32
        %broadcast_in_dim3A_658 = vector.broadcast %add3A_657 : i32 to vector<16xi32>
        %broadcast_in_dim3A_659 = vector.broadcast %reduce_sum3A_655 : f32 to vector<16xf32>
        tpu.vector_store_idx %arg14[%broadcast_in_dim3A_658], %broadcast_in_dim3A_659 masked %eq3A_4 : memref<400xf32, #tpu.memory_space<vmem>>[vector<16xi32>], vector<16xf32>, vector<16xi1>
        %mul3A_660 = arith.constant 40 : i32
        %mul3A_661 = arith.muli %scan3A_123, %mul3A_660 : i32
        %add3A_662 = arith.constant 10 : i32
        %add3A_663 = arith.addi %mul3A_661, %add3A_662 : i32
        %get3A_664 = arith.index_cast %add3A_663 : i32 to index
        %get3A_665 = arith.constant 0 : index
        %get3A_666 = tpu.vector_load %arg12[%get3A_664, %get3A_665] {strides = array<i32>} : memref<200x128xi32, #tpu.memory_space<vmem>>, vector<16xi32>,
        %bitcast3A_667 = vector.bitcast %get3A_666 : vector<16xi32> to vector<32xbf16>
        %get3A_668 = arith.index_cast %add3A_663 : i32 to index
        %get3A_669 = arith.constant 64 : index
        %get3A_670 = tpu.vector_load %arg13[%get3A_668, %get3A_669] {strides = array<i32>} : memref<200x128xi32, #tpu.memory_space<vmem>>, vector<16xi32>,
        %bitcast3A_671 = vector.bitcast %get3A_670 : vector<16xi32> to vector<32xbf16>
        %mul3A_672 = arith.mulf %bitcast3A_667, %bitcast3A_671 : vector<32xbf16>
        %get3A_673 = arith.index_cast %add3A_663 : i32 to index
        %get3A_674 = arith.constant 16 : index
        %get3A_675 = tpu.vector_load %arg12[%get3A_673, %get3A_674] {strides = array<i32>} : memref<200x128xi32, #tpu.memory_space<vmem>>, vector<16xi32>,
        %bitcast3A_676 = vector.bitcast %get3A_675 : vector<16xi32> to vector<32xbf16>
        %get3A_677 = arith.index_cast %add3A_663 : i32 to index
        %get3A_678 = arith.constant 80 : index
        %get3A_679 = tpu.vector_load %arg13[%get3A_677, %get3A_678] {strides = array<i32>} : memref<200x128xi32, #tpu.memory_space<vmem>>, vector<16xi32>,
        %bitcast3A_680 = vector.bitcast %get3A_679 : vector<16xi32> to vector<32xbf16>
        %mul3A_681 = arith.mulf %bitcast3A_676, %bitcast3A_680 : vector<32xbf16>
        %add3A_682 = arith.addf %mul3A_672, %mul3A_681 : vector<32xbf16>
        %get3A_683 = arith.index_cast %add3A_663 : i32 to index
        %get3A_684 = arith.constant 32 : index
        %get3A_685 = tpu.vector_load %arg12[%get3A_683, %get3A_684] {strides = array<i32>} : memref<200x128xi32, #tpu.memory_space<vmem>>, vector<16xi32>,
        %bitcast3A_686 = vector.bitcast %get3A_685 : vector<16xi32> to vector<32xbf16>
        %get3A_687 = arith.index_cast %add3A_663 : i32 to index
        %get3A_688 = arith.constant 96 : index
        %get3A_689 = tpu.vector_load %arg13[%get3A_687, %get3A_688] {strides = array<i32>} : memref<200x128xi32, #tpu.memory_space<vmem>>, vector<16xi32>,
        %bitcast3A_690 = vector.bitcast %get3A_689 : vector<16xi32> to vector<32xbf16>
        %mul3A_691 = arith.mulf %bitcast3A_686, %bitcast3A_690 : vector<32xbf16>
        %add3A_692 = arith.addf %add3A_682, %mul3A_691 : vector<32xbf16>
        %get3A_693 = arith.index_cast %add3A_663 : i32 to index
        %get3A_694 = arith.constant 48 : index
        %get3A_695 = tpu.vector_load %arg12[%get3A_693, %get3A_694] {strides = array<i32>} : memref<200x128xi32, #tpu.memory_space<vmem>>, vector<16xi32>,
        %bitcast3A_696 = vector.bitcast %get3A_695 : vector<16xi32> to vector<32xbf16>
        %get3A_697 = arith.index_cast %add3A_663 : i32 to index
        %get3A_698 = arith.constant 112 : index
        %get3A_699 = tpu.vector_load %arg13[%get3A_697, %get3A_698] {strides = array<i32>} : memref<200x128xi32, #tpu.memory_space<vmem>>, vector<16xi32>,
        %bitcast3A_700 = vector.bitcast %get3A_699 : vector<16xi32> to vector<32xbf16>
        %mul3A_701 = arith.mulf %bitcast3A_696, %bitcast3A_700 : vector<32xbf16>
        %add3A_702 = arith.addf %add3A_692, %mul3A_701 : vector<32xbf16>
        %unpack3A_703 = tpu.unpack_subelements %add3A_702, 0 {pack_format = #tpu.pack_format<interleaved>} : vector<32xbf16> -> vector<16xf32>
        %unpack3A_704 = tpu.unpack_subelements %add3A_702, 1 {pack_format = #tpu.pack_format<interleaved>} : vector<32xbf16> -> vector<16xf32>
        %add3A_705 = arith.addf %unpack3A_703, %unpack3A_704 : vector<16xf32>
        %reduce_sum3A_706 = arith.constant true
        %reduce_sum3A_707 = vector.broadcast %reduce_sum3A_706 : i1 to vector<16xi1>
        %reduce_sum3A_708 = tpu.scan <sum>, %add3A_705 masked %reduce_sum3A_707 : vector<16xf32>, vector<16xi1> -> vector<16xf32>
        %reduce_sum3A_709 = vector.extract %reduce_sum3A_708[15] : f32 from vector<16xf32>
        %add3A_710 = arith.constant 200 : i32
        %add3A_711 = arith.addi %add3A_710, %add3A_663 : i32
        %broadcast_in_dim3A_712 = vector.broadcast %add3A_711 : i32 to vector<16xi32>
        %broadcast_in_dim3A_713 = vector.broadcast %reduce_sum3A_709 : f32 to vector<16xf32>
        tpu.vector_store_idx %arg14[%broadcast_in_dim3A_712], %broadcast_in_dim3A_713 masked %eq3A_4 : memref<400xf32, #tpu.memory_space<vmem>>[vector<16xi32>], vector<16xf32>, vector<16xi1>
        %mul3A_714 = arith.constant 40 : i32
        %mul3A_715 = arith.muli %scan3A_123, %mul3A_714 : i32
        %add3A_716 = arith.constant 11 : i32
        %add3A_717 = arith.addi %mul3A_715, %add3A_716 : i32
        %get3A_718 = arith.index_cast %add3A_717 : i32 to index
        %get3A_719 = arith.constant 0 : index
        %get3A_720 = tpu.vector_load %arg12[%get3A_718, %get3A_719] {strides = array<i32>} : memref<200x128xi32, #tpu.memory_space<vmem>>, vector<16xi32>,
        %bitcast3A_721 = vector.bitcast %get3A_720 : vector<16xi32> to vector<32xbf16>
        %get3A_722 = arith.index_cast %add3A_717 : i32 to index
        %get3A_723 = arith.constant 64 : index
        %get3A_724 = tpu.vector_load %arg13[%get3A_722, %get3A_723] {strides = array<i32>} : memref<200x128xi32, #tpu.memory_space<vmem>>, vector<16xi32>,
        %bitcast3A_725 = vector.bitcast %get3A_724 : vector<16xi32> to vector<32xbf16>
        %mul3A_726 = arith.mulf %bitcast3A_721, %bitcast3A_725 : vector<32xbf16>
        %get3A_727 = arith.index_cast %add3A_717 : i32 to index
        %get3A_728 = arith.constant 16 : index
        %get3A_729 = tpu.vector_load %arg12[%get3A_727, %get3A_728] {strides = array<i32>} : memref<200x128xi32, #tpu.memory_space<vmem>>, vector<16xi32>,
        %bitcast3A_730 = vector.bitcast %get3A_729 : vector<16xi32> to vector<32xbf16>
        %get3A_731 = arith.index_cast %add3A_717 : i32 to index
        %get3A_732 = arith.constant 80 : index
        %get3A_733 = tpu.vector_load %arg13[%get3A_731, %get3A_732] {strides = array<i32>} : memref<200x128xi32, #tpu.memory_space<vmem>>, vector<16xi32>,
        %bitcast3A_734 = vector.bitcast %get3A_733 : vector<16xi32> to vector<32xbf16>
        %mul3A_735 = arith.mulf %bitcast3A_730, %bitcast3A_734 : vector<32xbf16>
        %add3A_736 = arith.addf %mul3A_726, %mul3A_735 : vector<32xbf16>
        %get3A_737 = arith.index_cast %add3A_717 : i32 to index
        %get3A_738 = arith.constant 32 : index
        %get3A_739 = tpu.vector_load %arg12[%get3A_737, %get3A_738] {strides = array<i32>} : memref<200x128xi32, #tpu.memory_space<vmem>>, vector<16xi32>,
        %bitcast3A_740 = vector.bitcast %get3A_739 : vector<16xi32> to vector<32xbf16>
        %get3A_741 = arith.index_cast %add3A_717 : i32 to index
        %get3A_742 = arith.constant 96 : index
        %get3A_743 = tpu.vector_load %arg13[%get3A_741, %get3A_742] {strides = array<i32>} : memref<200x128xi32, #tpu.memory_space<vmem>>, vector<16xi32>,
        %bitcast3A_744 = vector.bitcast %get3A_743 : vector<16xi32> to vector<32xbf16>
        %mul3A_745 = arith.mulf %bitcast3A_740, %bitcast3A_744 : vector<32xbf16>
        %add3A_746 = arith.addf %add3A_736, %mul3A_745 : vector<32xbf16>
        %get3A_747 = arith.index_cast %add3A_717 : i32 to index
        %get3A_748 = arith.constant 48 : index
        %get3A_749 = tpu.vector_load %arg12[%get3A_747, %get3A_748] {strides = array<i32>} : memref<200x128xi32, #tpu.memory_space<vmem>>, vector<16xi32>,
        %bitcast3A_750 = vector.bitcast %get3A_749 : vector<16xi32> to vector<32xbf16>
        %get3A_751 = arith.index_cast %add3A_717 : i32 to index
        %get3A_752 = arith.constant 112 : index
        %get3A_753 = tpu.vector_load %arg13[%get3A_751, %get3A_752] {strides = array<i32>} : memref<200x128xi32, #tpu.memory_space<vmem>>, vector<16xi32>,
        %bitcast3A_754 = vector.bitcast %get3A_753 : vector<16xi32> to vector<32xbf16>
        %mul3A_755 = arith.mulf %bitcast3A_750, %bitcast3A_754 : vector<32xbf16>
        %add3A_756 = arith.addf %add3A_746, %mul3A_755 : vector<32xbf16>
        %unpack3A_757 = tpu.unpack_subelements %add3A_756, 0 {pack_format = #tpu.pack_format<interleaved>} : vector<32xbf16> -> vector<16xf32>
        %unpack3A_758 = tpu.unpack_subelements %add3A_756, 1 {pack_format = #tpu.pack_format<interleaved>} : vector<32xbf16> -> vector<16xf32>
        %add3A_759 = arith.addf %unpack3A_757, %unpack3A_758 : vector<16xf32>
        %reduce_sum3A_760 = arith.constant true
        %reduce_sum3A_761 = vector.broadcast %reduce_sum3A_760 : i1 to vector<16xi1>
        %reduce_sum3A_762 = tpu.scan <sum>, %add3A_759 masked %reduce_sum3A_761 : vector<16xf32>, vector<16xi1> -> vector<16xf32>
        %reduce_sum3A_763 = vector.extract %reduce_sum3A_762[15] : f32 from vector<16xf32>
        %add3A_764 = arith.constant 200 : i32
        %add3A_765 = arith.addi %add3A_764, %add3A_717 : i32
        %broadcast_in_dim3A_766 = vector.broadcast %add3A_765 : i32 to vector<16xi32>
        %broadcast_in_dim3A_767 = vector.broadcast %reduce_sum3A_763 : f32 to vector<16xf32>
        tpu.vector_store_idx %arg14[%broadcast_in_dim3A_766], %broadcast_in_dim3A_767 masked %eq3A_4 : memref<400xf32, #tpu.memory_space<vmem>>[vector<16xi32>], vector<16xf32>, vector<16xi1>
        %mul3A_768 = arith.constant 40 : i32
        %mul3A_769 = arith.muli %scan3A_123, %mul3A_768 : i32
        %add3A_770 = arith.constant 12 : i32
        %add3A_771 = arith.addi %mul3A_769, %add3A_770 : i32
        %get3A_772 = arith.index_cast %add3A_771 : i32 to index
        %get3A_773 = arith.constant 0 : index
        %get3A_774 = tpu.vector_load %arg12[%get3A_772, %get3A_773] {strides = array<i32>} : memref<200x128xi32, #tpu.memory_space<vmem>>, vector<16xi32>,
        %bitcast3A_775 = vector.bitcast %get3A_774 : vector<16xi32> to vector<32xbf16>
        %get3A_776 = arith.index_cast %add3A_771 : i32 to index
        %get3A_777 = arith.constant 64 : index
        %get3A_778 = tpu.vector_load %arg13[%get3A_776, %get3A_777] {strides = array<i32>} : memref<200x128xi32, #tpu.memory_space<vmem>>, vector<16xi32>,
        %bitcast3A_779 = vector.bitcast %get3A_778 : vector<16xi32> to vector<32xbf16>
        %mul3A_780 = arith.mulf %bitcast3A_775, %bitcast3A_779 : vector<32xbf16>
        %get3A_781 = arith.index_cast %add3A_771 : i32 to index
        %get3A_782 = arith.constant 16 : index
        %get3A_783 = tpu.vector_load %arg12[%get3A_781, %get3A_782] {strides = array<i32>} : memref<200x128xi32, #tpu.memory_space<vmem>>, vector<16xi32>,
        %bitcast3A_784 = vector.bitcast %get3A_783 : vector<16xi32> to vector<32xbf16>
        %get3A_785 = arith.index_cast %add3A_771 : i32 to index
        %get3A_786 = arith.constant 80 : index
        %get3A_787 = tpu.vector_load %arg13[%get3A_785, %get3A_786] {strides = array<i32>} : memref<200x128xi32, #tpu.memory_space<vmem>>, vector<16xi32>,
        %bitcast3A_788 = vector.bitcast %get3A_787 : vector<16xi32> to vector<32xbf16>
        %mul3A_789 = arith.mulf %bitcast3A_784, %bitcast3A_788 : vector<32xbf16>
        %add3A_790 = arith.addf %mul3A_780, %mul3A_789 : vector<32xbf16>
        %get3A_791 = arith.index_cast %add3A_771 : i32 to index
        %get3A_792 = arith.constant 32 : index
        %get3A_793 = tpu.vector_load %arg12[%get3A_791, %get3A_792] {strides = array<i32>} : memref<200x128xi32, #tpu.memory_space<vmem>>, vector<16xi32>,
        %bitcast3A_794 = vector.bitcast %get3A_793 : vector<16xi32> to vector<32xbf16>
        %get3A_795 = arith.index_cast %add3A_771 : i32 to index
        %get3A_796 = arith.constant 96 : index
        %get3A_797 = tpu.vector_load %arg13[%get3A_795, %get3A_796] {strides = array<i32>} : memref<200x128xi32, #tpu.memory_space<vmem>>, vector<16xi32>,
        %bitcast3A_798 = vector.bitcast %get3A_797 : vector<16xi32> to vector<32xbf16>
        %mul3A_799 = arith.mulf %bitcast3A_794, %bitcast3A_798 : vector<32xbf16>
        %add3A_800 = arith.addf %add3A_790, %mul3A_799 : vector<32xbf16>
        %get3A_801 = arith.index_cast %add3A_771 : i32 to index
        %get3A_802 = arith.constant 48 : index
        %get3A_803 = tpu.vector_load %arg12[%get3A_801, %get3A_802] {strides = array<i32>} : memref<200x128xi32, #tpu.memory_space<vmem>>, vector<16xi32>,
        %bitcast3A_804 = vector.bitcast %get3A_803 : vector<16xi32> to vector<32xbf16>
        %get3A_805 = arith.index_cast %add3A_771 : i32 to index
        %get3A_806 = arith.constant 112 : index
        %get3A_807 = tpu.vector_load %arg13[%get3A_805, %get3A_806] {strides = array<i32>} : memref<200x128xi32, #tpu.memory_space<vmem>>, vector<16xi32>,
        %bitcast3A_808 = vector.bitcast %get3A_807 : vector<16xi32> to vector<32xbf16>
        %mul3A_809 = arith.mulf %bitcast3A_804, %bitcast3A_808 : vector<32xbf16>
        %add3A_810 = arith.addf %add3A_800, %mul3A_809 : vector<32xbf16>
        %unpack3A_811 = tpu.unpack_subelements %add3A_810, 0 {pack_format = #tpu.pack_format<interleaved>} : vector<32xbf16> -> vector<16xf32>
        %unpack3A_812 = tpu.unpack_subelements %add3A_810, 1 {pack_format = #tpu.pack_format<interleaved>} : vector<32xbf16> -> vector<16xf32>
        %add3A_813 = arith.addf %unpack3A_811, %unpack3A_812 : vector<16xf32>
        %reduce_sum3A_814 = arith.constant true
        %reduce_sum3A_815 = vector.broadcast %reduce_sum3A_814 : i1 to vector<16xi1>
        %reduce_sum3A_816 = tpu.scan <sum>, %add3A_813 masked %reduce_sum3A_815 : vector<16xf32>, vector<16xi1> -> vector<16xf32>
        %reduce_sum3A_817 = vector.extract %reduce_sum3A_816[15] : f32 from vector<16xf32>
        %add3A_818 = arith.constant 200 : i32
        %add3A_819 = arith.addi %add3A_818, %add3A_771 : i32
        %broadcast_in_dim3A_820 = vector.broadcast %add3A_819 : i32 to vector<16xi32>
        %broadcast_in_dim3A_821 = vector.broadcast %reduce_sum3A_817 : f32 to vector<16xf32>
        tpu.vector_store_idx %arg14[%broadcast_in_dim3A_820], %broadcast_in_dim3A_821 masked %eq3A_4 : memref<400xf32, #tpu.memory_space<vmem>>[vector<16xi32>], vector<16xf32>, vector<16xi1>
        %mul3A_822 = arith.constant 40 : i32
        %mul3A_823 = arith.muli %scan3A_123, %mul3A_822 : i32
        %add3A_824 = arith.constant 13 : i32
        %add3A_825 = arith.addi %mul3A_823, %add3A_824 : i32
        %get3A_826 = arith.index_cast %add3A_825 : i32 to index
        %get3A_827 = arith.constant 0 : index
        %get3A_828 = tpu.vector_load %arg12[%get3A_826, %get3A_827] {strides = array<i32>} : memref<200x128xi32, #tpu.memory_space<vmem>>, vector<16xi32>,
        %bitcast3A_829 = vector.bitcast %get3A_828 : vector<16xi32> to vector<32xbf16>
        %get3A_830 = arith.index_cast %add3A_825 : i32 to index
        %get3A_831 = arith.constant 64 : index
        %get3A_832 = tpu.vector_load %arg13[%get3A_830, %get3A_831] {strides = array<i32>} : memref<200x128xi32, #tpu.memory_space<vmem>>, vector<16xi32>,
        %bitcast3A_833 = vector.bitcast %get3A_832 : vector<16xi32> to vector<32xbf16>
        %mul3A_834 = arith.mulf %bitcast3A_829, %bitcast3A_833 : vector<32xbf16>
        %get3A_835 = arith.index_cast %add3A_825 : i32 to index
        %get3A_836 = arith.constant 16 : index
        %get3A_837 = tpu.vector_load %arg12[%get3A_835, %get3A_836] {strides = array<i32>} : memref<200x128xi32, #tpu.memory_space<vmem>>, vector<16xi32>,
        %bitcast3A_838 = vector.bitcast %get3A_837 : vector<16xi32> to vector<32xbf16>
        %get3A_839 = arith.index_cast %add3A_825 : i32 to index
        %get3A_840 = arith.constant 80 : index
        %get3A_841 = tpu.vector_load %arg13[%get3A_839, %get3A_840] {strides = array<i32>} : memref<200x128xi32, #tpu.memory_space<vmem>>, vector<16xi32>,
        %bitcast3A_842 = vector.bitcast %get3A_841 : vector<16xi32> to vector<32xbf16>
        %mul3A_843 = arith.mulf %bitcast3A_838, %bitcast3A_842 : vector<32xbf16>
        %add3A_844 = arith.addf %mul3A_834, %mul3A_843 : vector<32xbf16>
        %get3A_845 = arith.index_cast %add3A_825 : i32 to index
        %get3A_846 = arith.constant 32 : index
        %get3A_847 = tpu.vector_load %arg12[%get3A_845, %get3A_846] {strides = array<i32>} : memref<200x128xi32, #tpu.memory_space<vmem>>, vector<16xi32>,
        %bitcast3A_848 = vector.bitcast %get3A_847 : vector<16xi32> to vector<32xbf16>
        %get3A_849 = arith.index_cast %add3A_825 : i32 to index
        %get3A_850 = arith.constant 96 : index
        %get3A_851 = tpu.vector_load %arg13[%get3A_849, %get3A_850] {strides = array<i32>} : memref<200x128xi32, #tpu.memory_space<vmem>>, vector<16xi32>,
        %bitcast3A_852 = vector.bitcast %get3A_851 : vector<16xi32> to vector<32xbf16>
        %mul3A_853 = arith.mulf %bitcast3A_848, %bitcast3A_852 : vector<32xbf16>
        %add3A_854 = arith.addf %add3A_844, %mul3A_853 : vector<32xbf16>
        %get3A_855 = arith.index_cast %add3A_825 : i32 to index
        %get3A_856 = arith.constant 48 : index
        %get3A_857 = tpu.vector_load %arg12[%get3A_855, %get3A_856] {strides = array<i32>} : memref<200x128xi32, #tpu.memory_space<vmem>>, vector<16xi32>,
        %bitcast3A_858 = vector.bitcast %get3A_857 : vector<16xi32> to vector<32xbf16>
        %get3A_859 = arith.index_cast %add3A_825 : i32 to index
        %get3A_860 = arith.constant 112 : index
        %get3A_861 = tpu.vector_load %arg13[%get3A_859, %get3A_860] {strides = array<i32>} : memref<200x128xi32, #tpu.memory_space<vmem>>, vector<16xi32>,
        %bitcast3A_862 = vector.bitcast %get3A_861 : vector<16xi32> to vector<32xbf16>
        %mul3A_863 = arith.mulf %bitcast3A_858, %bitcast3A_862 : vector<32xbf16>
        %add3A_864 = arith.addf %add3A_854, %mul3A_863 : vector<32xbf16>
        %unpack3A_865 = tpu.unpack_subelements %add3A_864, 0 {pack_format = #tpu.pack_format<interleaved>} : vector<32xbf16> -> vector<16xf32>
        %unpack3A_866 = tpu.unpack_subelements %add3A_864, 1 {pack_format = #tpu.pack_format<interleaved>} : vector<32xbf16> -> vector<16xf32>
        %add3A_867 = arith.addf %unpack3A_865, %unpack3A_866 : vector<16xf32>
        %reduce_sum3A_868 = arith.constant true
        %reduce_sum3A_869 = vector.broadcast %reduce_sum3A_868 : i1 to vector<16xi1>
        %reduce_sum3A_870 = tpu.scan <sum>, %add3A_867 masked %reduce_sum3A_869 : vector<16xf32>, vector<16xi1> -> vector<16xf32>
        %reduce_sum3A_871 = vector.extract %reduce_sum3A_870[15] : f32 from vector<16xf32>
        %add3A_872 = arith.constant 200 : i32
        %add3A_873 = arith.addi %add3A_872, %add3A_825 : i32
        %broadcast_in_dim3A_874 = vector.broadcast %add3A_873 : i32 to vector<16xi32>
        %broadcast_in_dim3A_875 = vector.broadcast %reduce_sum3A_871 : f32 to vector<16xf32>
        tpu.vector_store_idx %arg14[%broadcast_in_dim3A_874], %broadcast_in_dim3A_875 masked %eq3A_4 : memref<400xf32, #tpu.memory_space<vmem>>[vector<16xi32>], vector<16xf32>, vector<16xi1>
        %mul3A_876 = arith.constant 40 : i32
        %mul3A_877 = arith.muli %scan3A_123, %mul3A_876 : i32
        %add3A_878 = arith.constant 14 : i32
        %add3A_879 = arith.addi %mul3A_877, %add3A_878 : i32
        %get3A_880 = arith.index_cast %add3A_879 : i32 to index
        %get3A_881 = arith.constant 0 : index
        %get3A_882 = tpu.vector_load %arg12[%get3A_880, %get3A_881] {strides = array<i32>} : memref<200x128xi32, #tpu.memory_space<vmem>>, vector<16xi32>,
        %bitcast3A_883 = vector.bitcast %get3A_882 : vector<16xi32> to vector<32xbf16>
        %get3A_884 = arith.index_cast %add3A_879 : i32 to index
        %get3A_885 = arith.constant 64 : index
        %get3A_886 = tpu.vector_load %arg13[%get3A_884, %get3A_885] {strides = array<i32>} : memref<200x128xi32, #tpu.memory_space<vmem>>, vector<16xi32>,
        %bitcast3A_887 = vector.bitcast %get3A_886 : vector<16xi32> to vector<32xbf16>
        %mul3A_888 = arith.mulf %bitcast3A_883, %bitcast3A_887 : vector<32xbf16>
        %get3A_889 = arith.index_cast %add3A_879 : i32 to index
        %get3A_890 = arith.constant 16 : index
        %get3A_891 = tpu.vector_load %arg12[%get3A_889, %get3A_890] {strides = array<i32>} : memref<200x128xi32, #tpu.memory_space<vmem>>, vector<16xi32>,
        %bitcast3A_892 = vector.bitcast %get3A_891 : vector<16xi32> to vector<32xbf16>
        %get3A_893 = arith.index_cast %add3A_879 : i32 to index
        %get3A_894 = arith.constant 80 : index
        %get3A_895 = tpu.vector_load %arg13[%get3A_893, %get3A_894] {strides = array<i32>} : memref<200x128xi32, #tpu.memory_space<vmem>>, vector<16xi32>,
        %bitcast3A_896 = vector.bitcast %get3A_895 : vector<16xi32> to vector<32xbf16>
        %mul3A_897 = arith.mulf %bitcast3A_892, %bitcast3A_896 : vector<32xbf16>
        %add3A_898 = arith.addf %mul3A_888, %mul3A_897 : vector<32xbf16>
        %get3A_899 = arith.index_cast %add3A_879 : i32 to index
        %get3A_900 = arith.constant 32 : index
        %get3A_901 = tpu.vector_load %arg12[%get3A_899, %get3A_900] {strides = array<i32>} : memref<200x128xi32, #tpu.memory_space<vmem>>, vector<16xi32>,
        %bitcast3A_902 = vector.bitcast %get3A_901 : vector<16xi32> to vector<32xbf16>
        %get3A_903 = arith.index_cast %add3A_879 : i32 to index
        %get3A_904 = arith.constant 96 : index
        %get3A_905 = tpu.vector_load %arg13[%get3A_903, %get3A_904] {strides = array<i32>} : memref<200x128xi32, #tpu.memory_space<vmem>>, vector<16xi32>,
        %bitcast3A_906 = vector.bitcast %get3A_905 : vector<16xi32> to vector<32xbf16>
        %mul3A_907 = arith.mulf %bitcast3A_902, %bitcast3A_906 : vector<32xbf16>
        %add3A_908 = arith.addf %add3A_898, %mul3A_907 : vector<32xbf16>
        %get3A_909 = arith.index_cast %add3A_879 : i32 to index
        %get3A_910 = arith.constant 48 : index
        %get3A_911 = tpu.vector_load %arg12[%get3A_909, %get3A_910] {strides = array<i32>} : memref<200x128xi32, #tpu.memory_space<vmem>>, vector<16xi32>,
        %bitcast3A_912 = vector.bitcast %get3A_911 : vector<16xi32> to vector<32xbf16>
        %get3A_913 = arith.index_cast %add3A_879 : i32 to index
        %get3A_914 = arith.constant 112 : index
        %get3A_915 = tpu.vector_load %arg13[%get3A_913, %get3A_914] {strides = array<i32>} : memref<200x128xi32, #tpu.memory_space<vmem>>, vector<16xi32>,
        %bitcast3A_916 = vector.bitcast %get3A_915 : vector<16xi32> to vector<32xbf16>
        %mul3A_917 = arith.mulf %bitcast3A_912, %bitcast3A_916 : vector<32xbf16>
        %add3A_918 = arith.addf %add3A_908, %mul3A_917 : vector<32xbf16>
        %unpack3A_919 = tpu.unpack_subelements %add3A_918, 0 {pack_format = #tpu.pack_format<interleaved>} : vector<32xbf16> -> vector<16xf32>
        %unpack3A_920 = tpu.unpack_subelements %add3A_918, 1 {pack_format = #tpu.pack_format<interleaved>} : vector<32xbf16> -> vector<16xf32>
        %add3A_921 = arith.addf %unpack3A_919, %unpack3A_920 : vector<16xf32>
        %reduce_sum3A_922 = arith.constant true
        %reduce_sum3A_923 = vector.broadcast %reduce_sum3A_922 : i1 to vector<16xi1>
        %reduce_sum3A_924 = tpu.scan <sum>, %add3A_921 masked %reduce_sum3A_923 : vector<16xf32>, vector<16xi1> -> vector<16xf32>
        %reduce_sum3A_925 = vector.extract %reduce_sum3A_924[15] : f32 from vector<16xf32>
        %add3A_926 = arith.constant 200 : i32
        %add3A_927 = arith.addi %add3A_926, %add3A_879 : i32
        %broadcast_in_dim3A_928 = vector.broadcast %add3A_927 : i32 to vector<16xi32>
        %broadcast_in_dim3A_929 = vector.broadcast %reduce_sum3A_925 : f32 to vector<16xf32>
        tpu.vector_store_idx %arg14[%broadcast_in_dim3A_928], %broadcast_in_dim3A_929 masked %eq3A_4 : memref<400xf32, #tpu.memory_space<vmem>>[vector<16xi32>], vector<16xf32>, vector<16xi1>
        %mul3A_930 = arith.constant 40 : i32
        %mul3A_931 = arith.muli %scan3A_123, %mul3A_930 : i32
        %add3A_932 = arith.constant 15 : i32
        %add3A_933 = arith.addi %mul3A_931, %add3A_932 : i32
        %get3A_934 = arith.index_cast %add3A_933 : i32 to index
        %get3A_935 = arith.constant 0 : index
        %get3A_936 = tpu.vector_load %arg12[%get3A_934, %get3A_935] {strides = array<i32>} : memref<200x128xi32, #tpu.memory_space<vmem>>, vector<16xi32>,
        %bitcast3A_937 = vector.bitcast %get3A_936 : vector<16xi32> to vector<32xbf16>
        %get3A_938 = arith.index_cast %add3A_933 : i32 to index
        %get3A_939 = arith.constant 64 : index
        %get3A_940 = tpu.vector_load %arg13[%get3A_938, %get3A_939] {strides = array<i32>} : memref<200x128xi32, #tpu.memory_space<vmem>>, vector<16xi32>,
        %bitcast3A_941 = vector.bitcast %get3A_940 : vector<16xi32> to vector<32xbf16>
        %mul3A_942 = arith.mulf %bitcast3A_937, %bitcast3A_941 : vector<32xbf16>
        %get3A_943 = arith.index_cast %add3A_933 : i32 to index
        %get3A_944 = arith.constant 16 : index
        %get3A_945 = tpu.vector_load %arg12[%get3A_943, %get3A_944] {strides = array<i32>} : memref<200x128xi32, #tpu.memory_space<vmem>>, vector<16xi32>,
        %bitcast3A_946 = vector.bitcast %get3A_945 : vector<16xi32> to vector<32xbf16>
        %get3A_947 = arith.index_cast %add3A_933 : i32 to index
        %get3A_948 = arith.constant 80 : index
        %get3A_949 = tpu.vector_load %arg13[%get3A_947, %get3A_948] {strides = array<i32>} : memref<200x128xi32, #tpu.memory_space<vmem>>, vector<16xi32>,
        %bitcast3A_950 = vector.bitcast %get3A_949 : vector<16xi32> to vector<32xbf16>
        %mul3A_951 = arith.mulf %bitcast3A_946, %bitcast3A_950 : vector<32xbf16>
        %add3A_952 = arith.addf %mul3A_942, %mul3A_951 : vector<32xbf16>
        %get3A_953 = arith.index_cast %add3A_933 : i32 to index
        %get3A_954 = arith.constant 32 : index
        %get3A_955 = tpu.vector_load %arg12[%get3A_953, %get3A_954] {strides = array<i32>} : memref<200x128xi32, #tpu.memory_space<vmem>>, vector<16xi32>,
        %bitcast3A_956 = vector.bitcast %get3A_955 : vector<16xi32> to vector<32xbf16>
        %get3A_957 = arith.index_cast %add3A_933 : i32 to index
        %get3A_958 = arith.constant 96 : index
        %get3A_959 = tpu.vector_load %arg13[%get3A_957, %get3A_958] {strides = array<i32>} : memref<200x128xi32, #tpu.memory_space<vmem>>, vector<16xi32>,
        %bitcast3A_960 = vector.bitcast %get3A_959 : vector<16xi32> to vector<32xbf16>
        %mul3A_961 = arith.mulf %bitcast3A_956, %bitcast3A_960 : vector<32xbf16>
        %add3A_962 = arith.addf %add3A_952, %mul3A_961 : vector<32xbf16>
        %get3A_963 = arith.index_cast %add3A_933 : i32 to index
        %get3A_964 = arith.constant 48 : index
        %get3A_965 = tpu.vector_load %arg12[%get3A_963, %get3A_964] {strides = array<i32>} : memref<200x128xi32, #tpu.memory_space<vmem>>, vector<16xi32>,
        %bitcast3A_966 = vector.bitcast %get3A_965 : vector<16xi32> to vector<32xbf16>
        %get3A_967 = arith.index_cast %add3A_933 : i32 to index
        %get3A_968 = arith.constant 112 : index
        %get3A_969 = tpu.vector_load %arg13[%get3A_967, %get3A_968] {strides = array<i32>} : memref<200x128xi32, #tpu.memory_space<vmem>>, vector<16xi32>,
        %bitcast3A_970 = vector.bitcast %get3A_969 : vector<16xi32> to vector<32xbf16>
        %mul3A_971 = arith.mulf %bitcast3A_966, %bitcast3A_970 : vector<32xbf16>
        %add3A_972 = arith.addf %add3A_962, %mul3A_971 : vector<32xbf16>
        %unpack3A_973 = tpu.unpack_subelements %add3A_972, 0 {pack_format = #tpu.pack_format<interleaved>} : vector<32xbf16> -> vector<16xf32>
        %unpack3A_974 = tpu.unpack_subelements %add3A_972, 1 {pack_format = #tpu.pack_format<interleaved>} : vector<32xbf16> -> vector<16xf32>
        %add3A_975 = arith.addf %unpack3A_973, %unpack3A_974 : vector<16xf32>
        %reduce_sum3A_976 = arith.constant true
        %reduce_sum3A_977 = vector.broadcast %reduce_sum3A_976 : i1 to vector<16xi1>
        %reduce_sum3A_978 = tpu.scan <sum>, %add3A_975 masked %reduce_sum3A_977 : vector<16xf32>, vector<16xi1> -> vector<16xf32>
        %reduce_sum3A_979 = vector.extract %reduce_sum3A_978[15] : f32 from vector<16xf32>
        %add3A_980 = arith.constant 200 : i32
        %add3A_981 = arith.addi %add3A_980, %add3A_933 : i32
        %broadcast_in_dim3A_982 = vector.broadcast %add3A_981 : i32 to vector<16xi32>
        %broadcast_in_dim3A_983 = vector.broadcast %reduce_sum3A_979 : f32 to vector<16xf32>
        tpu.vector_store_idx %arg14[%broadcast_in_dim3A_982], %broadcast_in_dim3A_983 masked %eq3A_4 : memref<400xf32, #tpu.memory_space<vmem>>[vector<16xi32>], vector<16xf32>, vector<16xi1>
        %mul3A_984 = arith.constant 40 : i32
        %mul3A_985 = arith.muli %scan3A_123, %mul3A_984 : i32
        %add3A_986 = arith.constant 16 : i32
        %add3A_987 = arith.addi %mul3A_985, %add3A_986 : i32
        %get3A_988 = arith.index_cast %add3A_987 : i32 to index
        %get3A_989 = arith.constant 0 : index
        %get3A_990 = tpu.vector_load %arg12[%get3A_988, %get3A_989] {strides = array<i32>} : memref<200x128xi32, #tpu.memory_space<vmem>>, vector<16xi32>,
        %bitcast3A_991 = vector.bitcast %get3A_990 : vector<16xi32> to vector<32xbf16>
        %get3A_992 = arith.index_cast %add3A_987 : i32 to index
        %get3A_993 = arith.constant 64 : index
        %get3A_994 = tpu.vector_load %arg13[%get3A_992, %get3A_993] {strides = array<i32>} : memref<200x128xi32, #tpu.memory_space<vmem>>, vector<16xi32>,
        %bitcast3A_995 = vector.bitcast %get3A_994 : vector<16xi32> to vector<32xbf16>
        %mul3A_996 = arith.mulf %bitcast3A_991, %bitcast3A_995 : vector<32xbf16>
        %get3A_997 = arith.index_cast %add3A_987 : i32 to index
        %get3A_998 = arith.constant 16 : index
        %get3A_999 = tpu.vector_load %arg12[%get3A_997, %get3A_998] {strides = array<i32>} : memref<200x128xi32, #tpu.memory_space<vmem>>, vector<16xi32>,
        %bitcast3A_1000 = vector.bitcast %get3A_999 : vector<16xi32> to vector<32xbf16>
        %get3A_1001 = arith.index_cast %add3A_987 : i32 to index
        %get3A_1002 = arith.constant 80 : index
        %get3A_1003 = tpu.vector_load %arg13[%get3A_1001, %get3A_1002] {strides = array<i32>} : memref<200x128xi32, #tpu.memory_space<vmem>>, vector<16xi32>,
        %bitcast3A_1004 = vector.bitcast %get3A_1003 : vector<16xi32> to vector<32xbf16>
        %mul3A_1005 = arith.mulf %bitcast3A_1000, %bitcast3A_1004 : vector<32xbf16>
        %add3A_1006 = arith.addf %mul3A_996, %mul3A_1005 : vector<32xbf16>
        %get3A_1007 = arith.index_cast %add3A_987 : i32 to index
        %get3A_1008 = arith.constant 32 : index
        %get3A_1009 = tpu.vector_load %arg12[%get3A_1007, %get3A_1008] {strides = array<i32>} : memref<200x128xi32, #tpu.memory_space<vmem>>, vector<16xi32>,
        %bitcast3A_1010 = vector.bitcast %get3A_1009 : vector<16xi32> to vector<32xbf16>
        %get3A_1011 = arith.index_cast %add3A_987 : i32 to index
        %get3A_1012 = arith.constant 96 : index
        %get3A_1013 = tpu.vector_load %arg13[%get3A_1011, %get3A_1012] {strides = array<i32>} : memref<200x128xi32, #tpu.memory_space<vmem>>, vector<16xi32>,
        %bitcast3A_1014 = vector.bitcast %get3A_1013 : vector<16xi32> to vector<32xbf16>
        %mul3A_1015 = arith.mulf %bitcast3A_1010, %bitcast3A_1014 : vector<32xbf16>
        %add3A_1016 = arith.addf %add3A_1006, %mul3A_1015 : vector<32xbf16>
        %get3A_1017 = arith.index_cast %add3A_987 : i32 to index
        %get3A_1018 = arith.constant 48 : index
        %get3A_1019 = tpu.vector_load %arg12[%get3A_1017, %get3A_1018] {strides = array<i32>} : memref<200x128xi32, #tpu.memory_space<vmem>>, vector<16xi32>,
        %bitcast3A_1020 = vector.bitcast %get3A_1019 : vector<16xi32> to vector<32xbf16>
        %get3A_1021 = arith.index_cast %add3A_987 : i32 to index
        %get3A_1022 = arith.constant 112 : index
        %get3A_1023 = tpu.vector_load %arg13[%get3A_1021, %get3A_1022] {strides = array<i32>} : memref<200x128xi32, #tpu.memory_space<vmem>>, vector<16xi32>,
        %bitcast3A_1024 = vector.bitcast %get3A_1023 : vector<16xi32> to vector<32xbf16>
        %mul3A_1025 = arith.mulf %bitcast3A_1020, %bitcast3A_1024 : vector<32xbf16>
        %add3A_1026 = arith.addf %add3A_1016, %mul3A_1025 : vector<32xbf16>
        %unpack3A_1027 = tpu.unpack_subelements %add3A_1026, 0 {pack_format = #tpu.pack_format<interleaved>} : vector<32xbf16> -> vector<16xf32>
        %unpack3A_1028 = tpu.unpack_subelements %add3A_1026, 1 {pack_format = #tpu.pack_format<interleaved>} : vector<32xbf16> -> vector<16xf32>
        %add3A_1029 = arith.addf %unpack3A_1027, %unpack3A_1028 : vector<16xf32>
        %reduce_sum3A_1030 = arith.constant true
        %reduce_sum3A_1031 = vector.broadcast %reduce_sum3A_1030 : i1 to vector<16xi1>
        %reduce_sum3A_1032 = tpu.scan <sum>, %add3A_1029 masked %reduce_sum3A_1031 : vector<16xf32>, vector<16xi1> -> vector<16xf32>
        %reduce_sum3A_1033 = vector.extract %reduce_sum3A_1032[15] : f32 from vector<16xf32>
        %add3A_1034 = arith.constant 200 : i32
        %add3A_1035 = arith.addi %add3A_1034, %add3A_987 : i32
        %broadcast_in_dim3A_1036 = vector.broadcast %add3A_1035 : i32 to vector<16xi32>
        %broadcast_in_dim3A_1037 = vector.broadcast %reduce_sum3A_1033 : f32 to vector<16xf32>
        tpu.vector_store_idx %arg14[%broadcast_in_dim3A_1036], %broadcast_in_dim3A_1037 masked %eq3A_4 : memref<400xf32, #tpu.memory_space<vmem>>[vector<16xi32>], vector<16xf32>, vector<16xi1>
        %mul3A_1038 = arith.constant 40 : i32
        %mul3A_1039 = arith.muli %scan3A_123, %mul3A_1038 : i32
        %add3A_1040 = arith.constant 17 : i32
        %add3A_1041 = arith.addi %mul3A_1039, %add3A_1040 : i32
        %get3A_1042 = arith.index_cast %add3A_1041 : i32 to index
        %get3A_1043 = arith.constant 0 : index
        %get3A_1044 = tpu.vector_load %arg12[%get3A_1042, %get3A_1043] {strides = array<i32>} : memref<200x128xi32, #tpu.memory_space<vmem>>, vector<16xi32>,
        %bitcast3A_1045 = vector.bitcast %get3A_1044 : vector<16xi32> to vector<32xbf16>
        %get3A_1046 = arith.index_cast %add3A_1041 : i32 to index
        %get3A_1047 = arith.constant 64 : index
        %get3A_1048 = tpu.vector_load %arg13[%get3A_1046, %get3A_1047] {strides = array<i32>} : memref<200x128xi32, #tpu.memory_space<vmem>>, vector<16xi32>,
        %bitcast3A_1049 = vector.bitcast %get3A_1048 : vector<16xi32> to vector<32xbf16>
        %mul3A_1050 = arith.mulf %bitcast3A_1045, %bitcast3A_1049 : vector<32xbf16>
        %get3A_1051 = arith.index_cast %add3A_1041 : i32 to index
        %get3A_1052 = arith.constant 16 : index
        %get3A_1053 = tpu.vector_load %arg12[%get3A_1051, %get3A_1052] {strides = array<i32>} : memref<200x128xi32, #tpu.memory_space<vmem>>, vector<16xi32>,
        %bitcast3A_1054 = vector.bitcast %get3A_1053 : vector<16xi32> to vector<32xbf16>
        %get3A_1055 = arith.index_cast %add3A_1041 : i32 to index
        %get3A_1056 = arith.constant 80 : index
        %get3A_1057 = tpu.vector_load %arg13[%get3A_1055, %get3A_1056] {strides = array<i32>} : memref<200x128xi32, #tpu.memory_space<vmem>>, vector<16xi32>,
        %bitcast3A_1058 = vector.bitcast %get3A_1057 : vector<16xi32> to vector<32xbf16>
        %mul3A_1059 = arith.mulf %bitcast3A_1054, %bitcast3A_1058 : vector<32xbf16>
        %add3A_1060 = arith.addf %mul3A_1050, %mul3A_1059 : vector<32xbf16>
        %get3A_1061 = arith.index_cast %add3A_1041 : i32 to index
        %get3A_1062 = arith.constant 32 : index
        %get3A_1063 = tpu.vector_load %arg12[%get3A_1061, %get3A_1062] {strides = array<i32>} : memref<200x128xi32, #tpu.memory_space<vmem>>, vector<16xi32>,
        %bitcast3A_1064 = vector.bitcast %get3A_1063 : vector<16xi32> to vector<32xbf16>
        %get3A_1065 = arith.index_cast %add3A_1041 : i32 to index
        %get3A_1066 = arith.constant 96 : index
        %get3A_1067 = tpu.vector_load %arg13[%get3A_1065, %get3A_1066] {strides = array<i32>} : memref<200x128xi32, #tpu.memory_space<vmem>>, vector<16xi32>,
        %bitcast3A_1068 = vector.bitcast %get3A_1067 : vector<16xi32> to vector<32xbf16>
        %mul3A_1069 = arith.mulf %bitcast3A_1064, %bitcast3A_1068 : vector<32xbf16>
        %add3A_1070 = arith.addf %add3A_1060, %mul3A_1069 : vector<32xbf16>
        %get3A_1071 = arith.index_cast %add3A_1041 : i32 to index
        %get3A_1072 = arith.constant 48 : index
        %get3A_1073 = tpu.vector_load %arg12[%get3A_1071, %get3A_1072] {strides = array<i32>} : memref<200x128xi32, #tpu.memory_space<vmem>>, vector<16xi32>,
        %bitcast3A_1074 = vector.bitcast %get3A_1073 : vector<16xi32> to vector<32xbf16>
        %get3A_1075 = arith.index_cast %add3A_1041 : i32 to index
        %get3A_1076 = arith.constant 112 : index
        %get3A_1077 = tpu.vector_load %arg13[%get3A_1075, %get3A_1076] {strides = array<i32>} : memref<200x128xi32, #tpu.memory_space<vmem>>, vector<16xi32>,
        %bitcast3A_1078 = vector.bitcast %get3A_1077 : vector<16xi32> to vector<32xbf16>
        %mul3A_1079 = arith.mulf %bitcast3A_1074, %bitcast3A_1078 : vector<32xbf16>
        %add3A_1080 = arith.addf %add3A_1070, %mul3A_1079 : vector<32xbf16>
        %unpack3A_1081 = tpu.unpack_subelements %add3A_1080, 0 {pack_format = #tpu.pack_format<interleaved>} : vector<32xbf16> -> vector<16xf32>
        %unpack3A_1082 = tpu.unpack_subelements %add3A_1080, 1 {pack_format = #tpu.pack_format<interleaved>} : vector<32xbf16> -> vector<16xf32>
        %add3A_1083 = arith.addf %unpack3A_1081, %unpack3A_1082 : vector<16xf32>
        %reduce_sum3A_1084 = arith.constant true
        %reduce_sum3A_1085 = vector.broadcast %reduce_sum3A_1084 : i1 to vector<16xi1>
        %reduce_sum3A_1086 = tpu.scan <sum>, %add3A_1083 masked %reduce_sum3A_1085 : vector<16xf32>, vector<16xi1> -> vector<16xf32>
        %reduce_sum3A_1087 = vector.extract %reduce_sum3A_1086[15] : f32 from vector<16xf32>
        %add3A_1088 = arith.constant 200 : i32
        %add3A_1089 = arith.addi %add3A_1088, %add3A_1041 : i32
        %broadcast_in_dim3A_1090 = vector.broadcast %add3A_1089 : i32 to vector<16xi32>
        %broadcast_in_dim3A_1091 = vector.broadcast %reduce_sum3A_1087 : f32 to vector<16xf32>
        tpu.vector_store_idx %arg14[%broadcast_in_dim3A_1090], %broadcast_in_dim3A_1091 masked %eq3A_4 : memref<400xf32, #tpu.memory_space<vmem>>[vector<16xi32>], vector<16xf32>, vector<16xi1>
        %mul3A_1092 = arith.constant 40 : i32
        %mul3A_1093 = arith.muli %scan3A_123, %mul3A_1092 : i32
        %add3A_1094 = arith.constant 18 : i32
        %add3A_1095 = arith.addi %mul3A_1093, %add3A_1094 : i32
        %get3A_1096 = arith.index_cast %add3A_1095 : i32 to index
        %get3A_1097 = arith.constant 0 : index
        %get3A_1098 = tpu.vector_load %arg12[%get3A_1096, %get3A_1097] {strides = array<i32>} : memref<200x128xi32, #tpu.memory_space<vmem>>, vector<16xi32>,
        %bitcast3A_1099 = vector.bitcast %get3A_1098 : vector<16xi32> to vector<32xbf16>
        %get3A_1100 = arith.index_cast %add3A_1095 : i32 to index
        %get3A_1101 = arith.constant 64 : index
        %get3A_1102 = tpu.vector_load %arg13[%get3A_1100, %get3A_1101] {strides = array<i32>} : memref<200x128xi32, #tpu.memory_space<vmem>>, vector<16xi32>,
        %bitcast3A_1103 = vector.bitcast %get3A_1102 : vector<16xi32> to vector<32xbf16>
        %mul3A_1104 = arith.mulf %bitcast3A_1099, %bitcast3A_1103 : vector<32xbf16>
        %get3A_1105 = arith.index_cast %add3A_1095 : i32 to index
        %get3A_1106 = arith.constant 16 : index
        %get3A_1107 = tpu.vector_load %arg12[%get3A_1105, %get3A_1106] {strides = array<i32>} : memref<200x128xi32, #tpu.memory_space<vmem>>, vector<16xi32>,
        %bitcast3A_1108 = vector.bitcast %get3A_1107 : vector<16xi32> to vector<32xbf16>
        %get3A_1109 = arith.index_cast %add3A_1095 : i32 to index
        %get3A_1110 = arith.constant 80 : index
        %get3A_1111 = tpu.vector_load %arg13[%get3A_1109, %get3A_1110] {strides = array<i32>} : memref<200x128xi32, #tpu.memory_space<vmem>>, vector<16xi32>,
        %bitcast3A_1112 = vector.bitcast %get3A_1111 : vector<16xi32> to vector<32xbf16>
        %mul3A_1113 = arith.mulf %bitcast3A_1108, %bitcast3A_1112 : vector<32xbf16>
        %add3A_1114 = arith.addf %mul3A_1104, %mul3A_1113 : vector<32xbf16>
        %get3A_1115 = arith.index_cast %add3A_1095 : i32 to index
        %get3A_1116 = arith.constant 32 : index
        %get3A_1117 = tpu.vector_load %arg12[%get3A_1115, %get3A_1116] {strides = array<i32>} : memref<200x128xi32, #tpu.memory_space<vmem>>, vector<16xi32>,
        %bitcast3A_1118 = vector.bitcast %get3A_1117 : vector<16xi32> to vector<32xbf16>
        %get3A_1119 = arith.index_cast %add3A_1095 : i32 to index
        %get3A_1120 = arith.constant 96 : index
        %get3A_1121 = tpu.vector_load %arg13[%get3A_1119, %get3A_1120] {strides = array<i32>} : memref<200x128xi32, #tpu.memory_space<vmem>>, vector<16xi32>,
        %bitcast3A_1122 = vector.bitcast %get3A_1121 : vector<16xi32> to vector<32xbf16>
        %mul3A_1123 = arith.mulf %bitcast3A_1118, %bitcast3A_1122 : vector<32xbf16>
        %add3A_1124 = arith.addf %add3A_1114, %mul3A_1123 : vector<32xbf16>
        %get3A_1125 = arith.index_cast %add3A_1095 : i32 to index
        %get3A_1126 = arith.constant 48 : index
        %get3A_1127 = tpu.vector_load %arg12[%get3A_1125, %get3A_1126] {strides = array<i32>} : memref<200x128xi32, #tpu.memory_space<vmem>>, vector<16xi32>,
        %bitcast3A_1128 = vector.bitcast %get3A_1127 : vector<16xi32> to vector<32xbf16>
        %get3A_1129 = arith.index_cast %add3A_1095 : i32 to index
        %get3A_1130 = arith.constant 112 : index
        %get3A_1131 = tpu.vector_load %arg13[%get3A_1129, %get3A_1130] {strides = array<i32>} : memref<200x128xi32, #tpu.memory_space<vmem>>, vector<16xi32>,
        %bitcast3A_1132 = vector.bitcast %get3A_1131 : vector<16xi32> to vector<32xbf16>
        %mul3A_1133 = arith.mulf %bitcast3A_1128, %bitcast3A_1132 : vector<32xbf16>
        %add3A_1134 = arith.addf %add3A_1124, %mul3A_1133 : vector<32xbf16>
        %unpack3A_1135 = tpu.unpack_subelements %add3A_1134, 0 {pack_format = #tpu.pack_format<interleaved>} : vector<32xbf16> -> vector<16xf32>
        %unpack3A_1136 = tpu.unpack_subelements %add3A_1134, 1 {pack_format = #tpu.pack_format<interleaved>} : vector<32xbf16> -> vector<16xf32>
        %add3A_1137 = arith.addf %unpack3A_1135, %unpack3A_1136 : vector<16xf32>
        %reduce_sum3A_1138 = arith.constant true
        %reduce_sum3A_1139 = vector.broadcast %reduce_sum3A_1138 : i1 to vector<16xi1>
        %reduce_sum3A_1140 = tpu.scan <sum>, %add3A_1137 masked %reduce_sum3A_1139 : vector<16xf32>, vector<16xi1> -> vector<16xf32>
        %reduce_sum3A_1141 = vector.extract %reduce_sum3A_1140[15] : f32 from vector<16xf32>
        %add3A_1142 = arith.constant 200 : i32
        %add3A_1143 = arith.addi %add3A_1142, %add3A_1095 : i32
        %broadcast_in_dim3A_1144 = vector.broadcast %add3A_1143 : i32 to vector<16xi32>
        %broadcast_in_dim3A_1145 = vector.broadcast %reduce_sum3A_1141 : f32 to vector<16xf32>
        tpu.vector_store_idx %arg14[%broadcast_in_dim3A_1144], %broadcast_in_dim3A_1145 masked %eq3A_4 : memref<400xf32, #tpu.memory_space<vmem>>[vector<16xi32>], vector<16xf32>, vector<16xi1>
        %mul3A_1146 = arith.constant 40 : i32
        %mul3A_1147 = arith.muli %scan3A_123, %mul3A_1146 : i32
        %add3A_1148 = arith.constant 19 : i32
        %add3A_1149 = arith.addi %mul3A_1147, %add3A_1148 : i32
        %get3A_1150 = arith.index_cast %add3A_1149 : i32 to index
        %get3A_1151 = arith.constant 0 : index
        %get3A_1152 = tpu.vector_load %arg12[%get3A_1150, %get3A_1151] {strides = array<i32>} : memref<200x128xi32, #tpu.memory_space<vmem>>, vector<16xi32>,
        %bitcast3A_1153 = vector.bitcast %get3A_1152 : vector<16xi32> to vector<32xbf16>
        %get3A_1154 = arith.index_cast %add3A_1149 : i32 to index
        %get3A_1155 = arith.constant 64 : index
        %get3A_1156 = tpu.vector_load %arg13[%get3A_1154, %get3A_1155] {strides = array<i32>} : memref<200x128xi32, #tpu.memory_space<vmem>>, vector<16xi32>,
        %bitcast3A_1157 = vector.bitcast %get3A_1156 : vector<16xi32> to vector<32xbf16>
        %mul3A_1158 = arith.mulf %bitcast3A_1153, %bitcast3A_1157 : vector<32xbf16>
        %get3A_1159 = arith.index_cast %add3A_1149 : i32 to index
        %get3A_1160 = arith.constant 16 : index
        %get3A_1161 = tpu.vector_load %arg12[%get3A_1159, %get3A_1160] {strides = array<i32>} : memref<200x128xi32, #tpu.memory_space<vmem>>, vector<16xi32>,
        %bitcast3A_1162 = vector.bitcast %get3A_1161 : vector<16xi32> to vector<32xbf16>
        %get3A_1163 = arith.index_cast %add3A_1149 : i32 to index
        %get3A_1164 = arith.constant 80 : index
        %get3A_1165 = tpu.vector_load %arg13[%get3A_1163, %get3A_1164] {strides = array<i32>} : memref<200x128xi32, #tpu.memory_space<vmem>>, vector<16xi32>,
        %bitcast3A_1166 = vector.bitcast %get3A_1165 : vector<16xi32> to vector<32xbf16>
        %mul3A_1167 = arith.mulf %bitcast3A_1162, %bitcast3A_1166 : vector<32xbf16>
        %add3A_1168 = arith.addf %mul3A_1158, %mul3A_1167 : vector<32xbf16>
        %get3A_1169 = arith.index_cast %add3A_1149 : i32 to index
        %get3A_1170 = arith.constant 32 : index
        %get3A_1171 = tpu.vector_load %arg12[%get3A_1169, %get3A_1170] {strides = array<i32>} : memref<200x128xi32, #tpu.memory_space<vmem>>, vector<16xi32>,
        %bitcast3A_1172 = vector.bitcast %get3A_1171 : vector<16xi32> to vector<32xbf16>
        %get3A_1173 = arith.index_cast %add3A_1149 : i32 to index
        %get3A_1174 = arith.constant 96 : index
        %get3A_1175 = tpu.vector_load %arg13[%get3A_1173, %get3A_1174] {strides = array<i32>} : memref<200x128xi32, #tpu.memory_space<vmem>>, vector<16xi32>,
        %bitcast3A_1176 = vector.bitcast %get3A_1175 : vector<16xi32> to vector<32xbf16>
        %mul3A_1177 = arith.mulf %bitcast3A_1172, %bitcast3A_1176 : vector<32xbf16>
        %add3A_1178 = arith.addf %add3A_1168, %mul3A_1177 : vector<32xbf16>
        %get3A_1179 = arith.index_cast %add3A_1149 : i32 to index
        %get3A_1180 = arith.constant 48 : index
        %get3A_1181 = tpu.vector_load %arg12[%get3A_1179, %get3A_1180] {strides = array<i32>} : memref<200x128xi32, #tpu.memory_space<vmem>>, vector<16xi32>,
        %bitcast3A_1182 = vector.bitcast %get3A_1181 : vector<16xi32> to vector<32xbf16>
        %get3A_1183 = arith.index_cast %add3A_1149 : i32 to index
        %get3A_1184 = arith.constant 112 : index
        %get3A_1185 = tpu.vector_load %arg13[%get3A_1183, %get3A_1184] {strides = array<i32>} : memref<200x128xi32, #tpu.memory_space<vmem>>, vector<16xi32>,
        %bitcast3A_1186 = vector.bitcast %get3A_1185 : vector<16xi32> to vector<32xbf16>
        %mul3A_1187 = arith.mulf %bitcast3A_1182, %bitcast3A_1186 : vector<32xbf16>
        %add3A_1188 = arith.addf %add3A_1178, %mul3A_1187 : vector<32xbf16>
        %unpack3A_1189 = tpu.unpack_subelements %add3A_1188, 0 {pack_format = #tpu.pack_format<interleaved>} : vector<32xbf16> -> vector<16xf32>
        %unpack3A_1190 = tpu.unpack_subelements %add3A_1188, 1 {pack_format = #tpu.pack_format<interleaved>} : vector<32xbf16> -> vector<16xf32>
        %add3A_1191 = arith.addf %unpack3A_1189, %unpack3A_1190 : vector<16xf32>
        %reduce_sum3A_1192 = arith.constant true
        %reduce_sum3A_1193 = vector.broadcast %reduce_sum3A_1192 : i1 to vector<16xi1>
        %reduce_sum3A_1194 = tpu.scan <sum>, %add3A_1191 masked %reduce_sum3A_1193 : vector<16xf32>, vector<16xi1> -> vector<16xf32>
        %reduce_sum3A_1195 = vector.extract %reduce_sum3A_1194[15] : f32 from vector<16xf32>
        %add3A_1196 = arith.constant 200 : i32
        %add3A_1197 = arith.addi %add3A_1196, %add3A_1149 : i32
        %broadcast_in_dim3A_1198 = vector.broadcast %add3A_1197 : i32 to vector<16xi32>
        %broadcast_in_dim3A_1199 = vector.broadcast %reduce_sum3A_1195 : f32 to vector<16xf32>
        tpu.vector_store_idx %arg14[%broadcast_in_dim3A_1198], %broadcast_in_dim3A_1199 masked %eq3A_4 : memref<400xf32, #tpu.memory_space<vmem>>[vector<16xi32>], vector<16xf32>, vector<16xi1>
        %mul3A_1200 = arith.constant 40 : i32
        %mul3A_1201 = arith.muli %scan3A_123, %mul3A_1200 : i32
        %add3A_1202 = arith.constant 20 : i32
        %add3A_1203 = arith.addi %mul3A_1201, %add3A_1202 : i32
        %get3A_1204 = arith.index_cast %add3A_1203 : i32 to index
        %get3A_1205 = arith.constant 0 : index
        %get3A_1206 = tpu.vector_load %arg12[%get3A_1204, %get3A_1205] {strides = array<i32>} : memref<200x128xi32, #tpu.memory_space<vmem>>, vector<16xi32>,
        %bitcast3A_1207 = vector.bitcast %get3A_1206 : vector<16xi32> to vector<32xbf16>
        %get3A_1208 = arith.index_cast %add3A_1203 : i32 to index
        %get3A_1209 = arith.constant 64 : index
        %get3A_1210 = tpu.vector_load %arg13[%get3A_1208, %get3A_1209] {strides = array<i32>} : memref<200x128xi32, #tpu.memory_space<vmem>>, vector<16xi32>,
        %bitcast3A_1211 = vector.bitcast %get3A_1210 : vector<16xi32> to vector<32xbf16>
        %mul3A_1212 = arith.mulf %bitcast3A_1207, %bitcast3A_1211 : vector<32xbf16>
        %get3A_1213 = arith.index_cast %add3A_1203 : i32 to index
        %get3A_1214 = arith.constant 16 : index
        %get3A_1215 = tpu.vector_load %arg12[%get3A_1213, %get3A_1214] {strides = array<i32>} : memref<200x128xi32, #tpu.memory_space<vmem>>, vector<16xi32>,
        %bitcast3A_1216 = vector.bitcast %get3A_1215 : vector<16xi32> to vector<32xbf16>
        %get3A_1217 = arith.index_cast %add3A_1203 : i32 to index
        %get3A_1218 = arith.constant 80 : index
        %get3A_1219 = tpu.vector_load %arg13[%get3A_1217, %get3A_1218] {strides = array<i32>} : memref<200x128xi32, #tpu.memory_space<vmem>>, vector<16xi32>,
        %bitcast3A_1220 = vector.bitcast %get3A_1219 : vector<16xi32> to vector<32xbf16>
        %mul3A_1221 = arith.mulf %bitcast3A_1216, %bitcast3A_1220 : vector<32xbf16>
        %add3A_1222 = arith.addf %mul3A_1212, %mul3A_1221 : vector<32xbf16>
        %get3A_1223 = arith.index_cast %add3A_1203 : i32 to index
        %get3A_1224 = arith.constant 32 : index
        %get3A_1225 = tpu.vector_load %arg12[%get3A_1223, %get3A_1224] {strides = array<i32>} : memref<200x128xi32, #tpu.memory_space<vmem>>, vector<16xi32>,
        %bitcast3A_1226 = vector.bitcast %get3A_1225 : vector<16xi32> to vector<32xbf16>
        %get3A_1227 = arith.index_cast %add3A_1203 : i32 to index
        %get3A_1228 = arith.constant 96 : index
        %get3A_1229 = tpu.vector_load %arg13[%get3A_1227, %get3A_1228] {strides = array<i32>} : memref<200x128xi32, #tpu.memory_space<vmem>>, vector<16xi32>,
        %bitcast3A_1230 = vector.bitcast %get3A_1229 : vector<16xi32> to vector<32xbf16>
        %mul3A_1231 = arith.mulf %bitcast3A_1226, %bitcast3A_1230 : vector<32xbf16>
        %add3A_1232 = arith.addf %add3A_1222, %mul3A_1231 : vector<32xbf16>
        %get3A_1233 = arith.index_cast %add3A_1203 : i32 to index
        %get3A_1234 = arith.constant 48 : index
        %get3A_1235 = tpu.vector_load %arg12[%get3A_1233, %get3A_1234] {strides = array<i32>} : memref<200x128xi32, #tpu.memory_space<vmem>>, vector<16xi32>,
        %bitcast3A_1236 = vector.bitcast %get3A_1235 : vector<16xi32> to vector<32xbf16>
        %get3A_1237 = arith.index_cast %add3A_1203 : i32 to index
        %get3A_1238 = arith.constant 112 : index
        %get3A_1239 = tpu.vector_load %arg13[%get3A_1237, %get3A_1238] {strides = array<i32>} : memref<200x128xi32, #tpu.memory_space<vmem>>, vector<16xi32>,
        %bitcast3A_1240 = vector.bitcast %get3A_1239 : vector<16xi32> to vector<32xbf16>
        %mul3A_1241 = arith.mulf %bitcast3A_1236, %bitcast3A_1240 : vector<32xbf16>
        %add3A_1242 = arith.addf %add3A_1232, %mul3A_1241 : vector<32xbf16>
        %unpack3A_1243 = tpu.unpack_subelements %add3A_1242, 0 {pack_format = #tpu.pack_format<interleaved>} : vector<32xbf16> -> vector<16xf32>
        %unpack3A_1244 = tpu.unpack_subelements %add3A_1242, 1 {pack_format = #tpu.pack_format<interleaved>} : vector<32xbf16> -> vector<16xf32>
        %add3A_1245 = arith.addf %unpack3A_1243, %unpack3A_1244 : vector<16xf32>
        %reduce_sum3A_1246 = arith.constant true
        %reduce_sum3A_1247 = vector.broadcast %reduce_sum3A_1246 : i1 to vector<16xi1>
        %reduce_sum3A_1248 = tpu.scan <sum>, %add3A_1245 masked %reduce_sum3A_1247 : vector<16xf32>, vector<16xi1> -> vector<16xf32>
        %reduce_sum3A_1249 = vector.extract %reduce_sum3A_1248[15] : f32 from vector<16xf32>
        %add3A_1250 = arith.constant 200 : i32
        %add3A_1251 = arith.addi %add3A_1250, %add3A_1203 : i32
        %broadcast_in_dim3A_1252 = vector.broadcast %add3A_1251 : i32 to vector<16xi32>
        %broadcast_in_dim3A_1253 = vector.broadcast %reduce_sum3A_1249 : f32 to vector<16xf32>
        tpu.vector_store_idx %arg14[%broadcast_in_dim3A_1252], %broadcast_in_dim3A_1253 masked %eq3A_4 : memref<400xf32, #tpu.memory_space<vmem>>[vector<16xi32>], vector<16xf32>, vector<16xi1>
        %mul3A_1254 = arith.constant 40 : i32
        %mul3A_1255 = arith.muli %scan3A_123, %mul3A_1254 : i32
        %add3A_1256 = arith.constant 21 : i32
        %add3A_1257 = arith.addi %mul3A_1255, %add3A_1256 : i32
        %get3A_1258 = arith.index_cast %add3A_1257 : i32 to index
        %get3A_1259 = arith.constant 0 : index
        %get3A_1260 = tpu.vector_load %arg12[%get3A_1258, %get3A_1259] {strides = array<i32>} : memref<200x128xi32, #tpu.memory_space<vmem>>, vector<16xi32>,
        %bitcast3A_1261 = vector.bitcast %get3A_1260 : vector<16xi32> to vector<32xbf16>
        %get3A_1262 = arith.index_cast %add3A_1257 : i32 to index
        %get3A_1263 = arith.constant 64 : index
        %get3A_1264 = tpu.vector_load %arg13[%get3A_1262, %get3A_1263] {strides = array<i32>} : memref<200x128xi32, #tpu.memory_space<vmem>>, vector<16xi32>,
        %bitcast3A_1265 = vector.bitcast %get3A_1264 : vector<16xi32> to vector<32xbf16>
        %mul3A_1266 = arith.mulf %bitcast3A_1261, %bitcast3A_1265 : vector<32xbf16>
        %get3A_1267 = arith.index_cast %add3A_1257 : i32 to index
        %get3A_1268 = arith.constant 16 : index
        %get3A_1269 = tpu.vector_load %arg12[%get3A_1267, %get3A_1268] {strides = array<i32>} : memref<200x128xi32, #tpu.memory_space<vmem>>, vector<16xi32>,
        %bitcast3A_1270 = vector.bitcast %get3A_1269 : vector<16xi32> to vector<32xbf16>
        %get3A_1271 = arith.index_cast %add3A_1257 : i32 to index
        %get3A_1272 = arith.constant 80 : index
        %get3A_1273 = tpu.vector_load %arg13[%get3A_1271, %get3A_1272] {strides = array<i32>} : memref<200x128xi32, #tpu.memory_space<vmem>>, vector<16xi32>,
        %bitcast3A_1274 = vector.bitcast %get3A_1273 : vector<16xi32> to vector<32xbf16>
        %mul3A_1275 = arith.mulf %bitcast3A_1270, %bitcast3A_1274 : vector<32xbf16>
        %add3A_1276 = arith.addf %mul3A_1266, %mul3A_1275 : vector<32xbf16>
        %get3A_1277 = arith.index_cast %add3A_1257 : i32 to index
        %get3A_1278 = arith.constant 32 : index
        %get3A_1279 = tpu.vector_load %arg12[%get3A_1277, %get3A_1278] {strides = array<i32>} : memref<200x128xi32, #tpu.memory_space<vmem>>, vector<16xi32>,
        %bitcast3A_1280 = vector.bitcast %get3A_1279 : vector<16xi32> to vector<32xbf16>
        %get3A_1281 = arith.index_cast %add3A_1257 : i32 to index
        %get3A_1282 = arith.constant 96 : index
        %get3A_1283 = tpu.vector_load %arg13[%get3A_1281, %get3A_1282] {strides = array<i32>} : memref<200x128xi32, #tpu.memory_space<vmem>>, vector<16xi32>,
        %bitcast3A_1284 = vector.bitcast %get3A_1283 : vector<16xi32> to vector<32xbf16>
        %mul3A_1285 = arith.mulf %bitcast3A_1280, %bitcast3A_1284 : vector<32xbf16>
        %add3A_1286 = arith.addf %add3A_1276, %mul3A_1285 : vector<32xbf16>
        %get3A_1287 = arith.index_cast %add3A_1257 : i32 to index
        %get3A_1288 = arith.constant 48 : index
        %get3A_1289 = tpu.vector_load %arg12[%get3A_1287, %get3A_1288] {strides = array<i32>} : memref<200x128xi32, #tpu.memory_space<vmem>>, vector<16xi32>,
        %bitcast3A_1290 = vector.bitcast %get3A_1289 : vector<16xi32> to vector<32xbf16>
        %get3A_1291 = arith.index_cast %add3A_1257 : i32 to index
        %get3A_1292 = arith.constant 112 : index
        %get3A_1293 = tpu.vector_load %arg13[%get3A_1291, %get3A_1292] {strides = array<i32>} : memref<200x128xi32, #tpu.memory_space<vmem>>, vector<16xi32>,
        %bitcast3A_1294 = vector.bitcast %get3A_1293 : vector<16xi32> to vector<32xbf16>
        %mul3A_1295 = arith.mulf %bitcast3A_1290, %bitcast3A_1294 : vector<32xbf16>
        %add3A_1296 = arith.addf %add3A_1286, %mul3A_1295 : vector<32xbf16>
        %unpack3A_1297 = tpu.unpack_subelements %add3A_1296, 0 {pack_format = #tpu.pack_format<interleaved>} : vector<32xbf16> -> vector<16xf32>
        %unpack3A_1298 = tpu.unpack_subelements %add3A_1296, 1 {pack_format = #tpu.pack_format<interleaved>} : vector<32xbf16> -> vector<16xf32>
        %add3A_1299 = arith.addf %unpack3A_1297, %unpack3A_1298 : vector<16xf32>
        %reduce_sum3A_1300 = arith.constant true
        %reduce_sum3A_1301 = vector.broadcast %reduce_sum3A_1300 : i1 to vector<16xi1>
        %reduce_sum3A_1302 = tpu.scan <sum>, %add3A_1299 masked %reduce_sum3A_1301 : vector<16xf32>, vector<16xi1> -> vector<16xf32>
        %reduce_sum3A_1303 = vector.extract %reduce_sum3A_1302[15] : f32 from vector<16xf32>
        %add3A_1304 = arith.constant 200 : i32
        %add3A_1305 = arith.addi %add3A_1304, %add3A_1257 : i32
        %broadcast_in_dim3A_1306 = vector.broadcast %add3A_1305 : i32 to vector<16xi32>
        %broadcast_in_dim3A_1307 = vector.broadcast %reduce_sum3A_1303 : f32 to vector<16xf32>
        tpu.vector_store_idx %arg14[%broadcast_in_dim3A_1306], %broadcast_in_dim3A_1307 masked %eq3A_4 : memref<400xf32, #tpu.memory_space<vmem>>[vector<16xi32>], vector<16xf32>, vector<16xi1>
        %mul3A_1308 = arith.constant 40 : i32
        %mul3A_1309 = arith.muli %scan3A_123, %mul3A_1308 : i32
        %add3A_1310 = arith.constant 22 : i32
        %add3A_1311 = arith.addi %mul3A_1309, %add3A_1310 : i32
        %get3A_1312 = arith.index_cast %add3A_1311 : i32 to index
        %get3A_1313 = arith.constant 0 : index
        %get3A_1314 = tpu.vector_load %arg12[%get3A_1312, %get3A_1313] {strides = array<i32>} : memref<200x128xi32, #tpu.memory_space<vmem>>, vector<16xi32>,
        %bitcast3A_1315 = vector.bitcast %get3A_1314 : vector<16xi32> to vector<32xbf16>
        %get3A_1316 = arith.index_cast %add3A_1311 : i32 to index
        %get3A_1317 = arith.constant 64 : index
        %get3A_1318 = tpu.vector_load %arg13[%get3A_1316, %get3A_1317] {strides = array<i32>} : memref<200x128xi32, #tpu.memory_space<vmem>>, vector<16xi32>,
        %bitcast3A_1319 = vector.bitcast %get3A_1318 : vector<16xi32> to vector<32xbf16>
        %mul3A_1320 = arith.mulf %bitcast3A_1315, %bitcast3A_1319 : vector<32xbf16>
        %get3A_1321 = arith.index_cast %add3A_1311 : i32 to index
        %get3A_1322 = arith.constant 16 : index
        %get3A_1323 = tpu.vector_load %arg12[%get3A_1321, %get3A_1322] {strides = array<i32>} : memref<200x128xi32, #tpu.memory_space<vmem>>, vector<16xi32>,
        %bitcast3A_1324 = vector.bitcast %get3A_1323 : vector<16xi32> to vector<32xbf16>
        %get3A_1325 = arith.index_cast %add3A_1311 : i32 to index
        %get3A_1326 = arith.constant 80 : index
        %get3A_1327 = tpu.vector_load %arg13[%get3A_1325, %get3A_1326] {strides = array<i32>} : memref<200x128xi32, #tpu.memory_space<vmem>>, vector<16xi32>,
        %bitcast3A_1328 = vector.bitcast %get3A_1327 : vector<16xi32> to vector<32xbf16>
        %mul3A_1329 = arith.mulf %bitcast3A_1324, %bitcast3A_1328 : vector<32xbf16>
        %add3A_1330 = arith.addf %mul3A_1320, %mul3A_1329 : vector<32xbf16>
        %get3A_1331 = arith.index_cast %add3A_1311 : i32 to index
        %get3A_1332 = arith.constant 32 : index
        %get3A_1333 = tpu.vector_load %arg12[%get3A_1331, %get3A_1332] {strides = array<i32>} : memref<200x128xi32, #tpu.memory_space<vmem>>, vector<16xi32>,
        %bitcast3A_1334 = vector.bitcast %get3A_1333 : vector<16xi32> to vector<32xbf16>
        %get3A_1335 = arith.index_cast %add3A_1311 : i32 to index
        %get3A_1336 = arith.constant 96 : index
        %get3A_1337 = tpu.vector_load %arg13[%get3A_1335, %get3A_1336] {strides = array<i32>} : memref<200x128xi32, #tpu.memory_space<vmem>>, vector<16xi32>,
        %bitcast3A_1338 = vector.bitcast %get3A_1337 : vector<16xi32> to vector<32xbf16>
        %mul3A_1339 = arith.mulf %bitcast3A_1334, %bitcast3A_1338 : vector<32xbf16>
        %add3A_1340 = arith.addf %add3A_1330, %mul3A_1339 : vector<32xbf16>
        %get3A_1341 = arith.index_cast %add3A_1311 : i32 to index
        %get3A_1342 = arith.constant 48 : index
        %get3A_1343 = tpu.vector_load %arg12[%get3A_1341, %get3A_1342] {strides = array<i32>} : memref<200x128xi32, #tpu.memory_space<vmem>>, vector<16xi32>,
        %bitcast3A_1344 = vector.bitcast %get3A_1343 : vector<16xi32> to vector<32xbf16>
        %get3A_1345 = arith.index_cast %add3A_1311 : i32 to index
        %get3A_1346 = arith.constant 112 : index
        %get3A_1347 = tpu.vector_load %arg13[%get3A_1345, %get3A_1346] {strides = array<i32>} : memref<200x128xi32, #tpu.memory_space<vmem>>, vector<16xi32>,
        %bitcast3A_1348 = vector.bitcast %get3A_1347 : vector<16xi32> to vector<32xbf16>
        %mul3A_1349 = arith.mulf %bitcast3A_1344, %bitcast3A_1348 : vector<32xbf16>
        %add3A_1350 = arith.addf %add3A_1340, %mul3A_1349 : vector<32xbf16>
        %unpack3A_1351 = tpu.unpack_subelements %add3A_1350, 0 {pack_format = #tpu.pack_format<interleaved>} : vector<32xbf16> -> vector<16xf32>
        %unpack3A_1352 = tpu.unpack_subelements %add3A_1350, 1 {pack_format = #tpu.pack_format<interleaved>} : vector<32xbf16> -> vector<16xf32>
        %add3A_1353 = arith.addf %unpack3A_1351, %unpack3A_1352 : vector<16xf32>
        %reduce_sum3A_1354 = arith.constant true
        %reduce_sum3A_1355 = vector.broadcast %reduce_sum3A_1354 : i1 to vector<16xi1>
        %reduce_sum3A_1356 = tpu.scan <sum>, %add3A_1353 masked %reduce_sum3A_1355 : vector<16xf32>, vector<16xi1> -> vector<16xf32>
        %reduce_sum3A_1357 = vector.extract %reduce_sum3A_1356[15] : f32 from vector<16xf32>
        %add3A_1358 = arith.constant 200 : i32
        %add3A_1359 = arith.addi %add3A_1358, %add3A_1311 : i32
        %broadcast_in_dim3A_1360 = vector.broadcast %add3A_1359 : i32 to vector<16xi32>
        %broadcast_in_dim3A_1361 = vector.broadcast %reduce_sum3A_1357 : f32 to vector<16xf32>
        tpu.vector_store_idx %arg14[%broadcast_in_dim3A_1360], %broadcast_in_dim3A_1361 masked %eq3A_4 : memref<400xf32, #tpu.memory_space<vmem>>[vector<16xi32>], vector<16xf32>, vector<16xi1>
        %mul3A_1362 = arith.constant 40 : i32
        %mul3A_1363 = arith.muli %scan3A_123, %mul3A_1362 : i32
        %add3A_1364 = arith.constant 23 : i32
        %add3A_1365 = arith.addi %mul3A_1363, %add3A_1364 : i32
        %get3A_1366 = arith.index_cast %add3A_1365 : i32 to index
        %get3A_1367 = arith.constant 0 : index
        %get3A_1368 = tpu.vector_load %arg12[%get3A_1366, %get3A_1367] {strides = array<i32>} : memref<200x128xi32, #tpu.memory_space<vmem>>, vector<16xi32>,
        %bitcast3A_1369 = vector.bitcast %get3A_1368 : vector<16xi32> to vector<32xbf16>
        %get3A_1370 = arith.index_cast %add3A_1365 : i32 to index
        %get3A_1371 = arith.constant 64 : index
        %get3A_1372 = tpu.vector_load %arg13[%get3A_1370, %get3A_1371] {strides = array<i32>} : memref<200x128xi32, #tpu.memory_space<vmem>>, vector<16xi32>,
        %bitcast3A_1373 = vector.bitcast %get3A_1372 : vector<16xi32> to vector<32xbf16>
        %mul3A_1374 = arith.mulf %bitcast3A_1369, %bitcast3A_1373 : vector<32xbf16>
        %get3A_1375 = arith.index_cast %add3A_1365 : i32 to index
        %get3A_1376 = arith.constant 16 : index
        %get3A_1377 = tpu.vector_load %arg12[%get3A_1375, %get3A_1376] {strides = array<i32>} : memref<200x128xi32, #tpu.memory_space<vmem>>, vector<16xi32>,
        %bitcast3A_1378 = vector.bitcast %get3A_1377 : vector<16xi32> to vector<32xbf16>
        %get3A_1379 = arith.index_cast %add3A_1365 : i32 to index
        %get3A_1380 = arith.constant 80 : index
        %get3A_1381 = tpu.vector_load %arg13[%get3A_1379, %get3A_1380] {strides = array<i32>} : memref<200x128xi32, #tpu.memory_space<vmem>>, vector<16xi32>,
        %bitcast3A_1382 = vector.bitcast %get3A_1381 : vector<16xi32> to vector<32xbf16>
        %mul3A_1383 = arith.mulf %bitcast3A_1378, %bitcast3A_1382 : vector<32xbf16>
        %add3A_1384 = arith.addf %mul3A_1374, %mul3A_1383 : vector<32xbf16>
        %get3A_1385 = arith.index_cast %add3A_1365 : i32 to index
        %get3A_1386 = arith.constant 32 : index
        %get3A_1387 = tpu.vector_load %arg12[%get3A_1385, %get3A_1386] {strides = array<i32>} : memref<200x128xi32, #tpu.memory_space<vmem>>, vector<16xi32>,
        %bitcast3A_1388 = vector.bitcast %get3A_1387 : vector<16xi32> to vector<32xbf16>
        %get3A_1389 = arith.index_cast %add3A_1365 : i32 to index
        %get3A_1390 = arith.constant 96 : index
        %get3A_1391 = tpu.vector_load %arg13[%get3A_1389, %get3A_1390] {strides = array<i32>} : memref<200x128xi32, #tpu.memory_space<vmem>>, vector<16xi32>,
        %bitcast3A_1392 = vector.bitcast %get3A_1391 : vector<16xi32> to vector<32xbf16>
        %mul3A_1393 = arith.mulf %bitcast3A_1388, %bitcast3A_1392 : vector<32xbf16>
        %add3A_1394 = arith.addf %add3A_1384, %mul3A_1393 : vector<32xbf16>
        %get3A_1395 = arith.index_cast %add3A_1365 : i32 to index
        %get3A_1396 = arith.constant 48 : index
        %get3A_1397 = tpu.vector_load %arg12[%get3A_1395, %get3A_1396] {strides = array<i32>} : memref<200x128xi32, #tpu.memory_space<vmem>>, vector<16xi32>,
        %bitcast3A_1398 = vector.bitcast %get3A_1397 : vector<16xi32> to vector<32xbf16>
        %get3A_1399 = arith.index_cast %add3A_1365 : i32 to index
        %get3A_1400 = arith.constant 112 : index
        %get3A_1401 = tpu.vector_load %arg13[%get3A_1399, %get3A_1400] {strides = array<i32>} : memref<200x128xi32, #tpu.memory_space<vmem>>, vector<16xi32>,
        %bitcast3A_1402 = vector.bitcast %get3A_1401 : vector<16xi32> to vector<32xbf16>
        %mul3A_1403 = arith.mulf %bitcast3A_1398, %bitcast3A_1402 : vector<32xbf16>
        %add3A_1404 = arith.addf %add3A_1394, %mul3A_1403 : vector<32xbf16>
        %unpack3A_1405 = tpu.unpack_subelements %add3A_1404, 0 {pack_format = #tpu.pack_format<interleaved>} : vector<32xbf16> -> vector<16xf32>
        %unpack3A_1406 = tpu.unpack_subelements %add3A_1404, 1 {pack_format = #tpu.pack_format<interleaved>} : vector<32xbf16> -> vector<16xf32>
        %add3A_1407 = arith.addf %unpack3A_1405, %unpack3A_1406 : vector<16xf32>
        %reduce_sum3A_1408 = arith.constant true
        %reduce_sum3A_1409 = vector.broadcast %reduce_sum3A_1408 : i1 to vector<16xi1>
        %reduce_sum3A_1410 = tpu.scan <sum>, %add3A_1407 masked %reduce_sum3A_1409 : vector<16xf32>, vector<16xi1> -> vector<16xf32>
        %reduce_sum3A_1411 = vector.extract %reduce_sum3A_1410[15] : f32 from vector<16xf32>
        %add3A_1412 = arith.constant 200 : i32
        %add3A_1413 = arith.addi %add3A_1412, %add3A_1365 : i32
        %broadcast_in_dim3A_1414 = vector.broadcast %add3A_1413 : i32 to vector<16xi32>
        %broadcast_in_dim3A_1415 = vector.broadcast %reduce_sum3A_1411 : f32 to vector<16xf32>
        tpu.vector_store_idx %arg14[%broadcast_in_dim3A_1414], %broadcast_in_dim3A_1415 masked %eq3A_4 : memref<400xf32, #tpu.memory_space<vmem>>[vector<16xi32>], vector<16xf32>, vector<16xi1>
        %mul3A_1416 = arith.constant 40 : i32
        %mul3A_1417 = arith.muli %scan3A_123, %mul3A_1416 : i32
        %add3A_1418 = arith.constant 24 : i32
        %add3A_1419 = arith.addi %mul3A_1417, %add3A_1418 : i32
        %get3A_1420 = arith.index_cast %add3A_1419 : i32 to index
        %get3A_1421 = arith.constant 0 : index
        %get3A_1422 = tpu.vector_load %arg12[%get3A_1420, %get3A_1421] {strides = array<i32>} : memref<200x128xi32, #tpu.memory_space<vmem>>, vector<16xi32>,
        %bitcast3A_1423 = vector.bitcast %get3A_1422 : vector<16xi32> to vector<32xbf16>
        %get3A_1424 = arith.index_cast %add3A_1419 : i32 to index
        %get3A_1425 = arith.constant 64 : index
        %get3A_1426 = tpu.vector_load %arg13[%get3A_1424, %get3A_1425] {strides = array<i32>} : memref<200x128xi32, #tpu.memory_space<vmem>>, vector<16xi32>,
        %bitcast3A_1427 = vector.bitcast %get3A_1426 : vector<16xi32> to vector<32xbf16>
        %mul3A_1428 = arith.mulf %bitcast3A_1423, %bitcast3A_1427 : vector<32xbf16>
        %get3A_1429 = arith.index_cast %add3A_1419 : i32 to index
        %get3A_1430 = arith.constant 16 : index
        %get3A_1431 = tpu.vector_load %arg12[%get3A_1429, %get3A_1430] {strides = array<i32>} : memref<200x128xi32, #tpu.memory_space<vmem>>, vector<16xi32>,
        %bitcast3A_1432 = vector.bitcast %get3A_1431 : vector<16xi32> to vector<32xbf16>
        %get3A_1433 = arith.index_cast %add3A_1419 : i32 to index
        %get3A_1434 = arith.constant 80 : index
        %get3A_1435 = tpu.vector_load %arg13[%get3A_1433, %get3A_1434] {strides = array<i32>} : memref<200x128xi32, #tpu.memory_space<vmem>>, vector<16xi32>,
        %bitcast3A_1436 = vector.bitcast %get3A_1435 : vector<16xi32> to vector<32xbf16>
        %mul3A_1437 = arith.mulf %bitcast3A_1432, %bitcast3A_1436 : vector<32xbf16>
        %add3A_1438 = arith.addf %mul3A_1428, %mul3A_1437 : vector<32xbf16>
        %get3A_1439 = arith.index_cast %add3A_1419 : i32 to index
        %get3A_1440 = arith.constant 32 : index
        %get3A_1441 = tpu.vector_load %arg12[%get3A_1439, %get3A_1440] {strides = array<i32>} : memref<200x128xi32, #tpu.memory_space<vmem>>, vector<16xi32>,
        %bitcast3A_1442 = vector.bitcast %get3A_1441 : vector<16xi32> to vector<32xbf16>
        %get3A_1443 = arith.index_cast %add3A_1419 : i32 to index
        %get3A_1444 = arith.constant 96 : index
        %get3A_1445 = tpu.vector_load %arg13[%get3A_1443, %get3A_1444] {strides = array<i32>} : memref<200x128xi32, #tpu.memory_space<vmem>>, vector<16xi32>,
        %bitcast3A_1446 = vector.bitcast %get3A_1445 : vector<16xi32> to vector<32xbf16>
        %mul3A_1447 = arith.mulf %bitcast3A_1442, %bitcast3A_1446 : vector<32xbf16>
        %add3A_1448 = arith.addf %add3A_1438, %mul3A_1447 : vector<32xbf16>
        %get3A_1449 = arith.index_cast %add3A_1419 : i32 to index
        %get3A_1450 = arith.constant 48 : index
        %get3A_1451 = tpu.vector_load %arg12[%get3A_1449, %get3A_1450] {strides = array<i32>} : memref<200x128xi32, #tpu.memory_space<vmem>>, vector<16xi32>,
        %bitcast3A_1452 = vector.bitcast %get3A_1451 : vector<16xi32> to vector<32xbf16>
        %get3A_1453 = arith.index_cast %add3A_1419 : i32 to index
        %get3A_1454 = arith.constant 112 : index
        %get3A_1455 = tpu.vector_load %arg13[%get3A_1453, %get3A_1454] {strides = array<i32>} : memref<200x128xi32, #tpu.memory_space<vmem>>, vector<16xi32>,
        %bitcast3A_1456 = vector.bitcast %get3A_1455 : vector<16xi32> to vector<32xbf16>
        %mul3A_1457 = arith.mulf %bitcast3A_1452, %bitcast3A_1456 : vector<32xbf16>
        %add3A_1458 = arith.addf %add3A_1448, %mul3A_1457 : vector<32xbf16>
        %unpack3A_1459 = tpu.unpack_subelements %add3A_1458, 0 {pack_format = #tpu.pack_format<interleaved>} : vector<32xbf16> -> vector<16xf32>
        %unpack3A_1460 = tpu.unpack_subelements %add3A_1458, 1 {pack_format = #tpu.pack_format<interleaved>} : vector<32xbf16> -> vector<16xf32>
        %add3A_1461 = arith.addf %unpack3A_1459, %unpack3A_1460 : vector<16xf32>
        %reduce_sum3A_1462 = arith.constant true
        %reduce_sum3A_1463 = vector.broadcast %reduce_sum3A_1462 : i1 to vector<16xi1>
        %reduce_sum3A_1464 = tpu.scan <sum>, %add3A_1461 masked %reduce_sum3A_1463 : vector<16xf32>, vector<16xi1> -> vector<16xf32>
        %reduce_sum3A_1465 = vector.extract %reduce_sum3A_1464[15] : f32 from vector<16xf32>
        %add3A_1466 = arith.constant 200 : i32
        %add3A_1467 = arith.addi %add3A_1466, %add3A_1419 : i32
        %broadcast_in_dim3A_1468 = vector.broadcast %add3A_1467 : i32 to vector<16xi32>
        %broadcast_in_dim3A_1469 = vector.broadcast %reduce_sum3A_1465 : f32 to vector<16xf32>
        tpu.vector_store_idx %arg14[%broadcast_in_dim3A_1468], %broadcast_in_dim3A_1469 masked %eq3A_4 : memref<400xf32, #tpu.memory_space<vmem>>[vector<16xi32>], vector<16xf32>, vector<16xi1>
        %mul3A_1470 = arith.constant 40 : i32
        %mul3A_1471 = arith.muli %scan3A_123, %mul3A_1470 : i32
        %add3A_1472 = arith.constant 25 : i32
        %add3A_1473 = arith.addi %mul3A_1471, %add3A_1472 : i32
        %get3A_1474 = arith.index_cast %add3A_1473 : i32 to index
        %get3A_1475 = arith.constant 0 : index
        %get3A_1476 = tpu.vector_load %arg12[%get3A_1474, %get3A_1475] {strides = array<i32>} : memref<200x128xi32, #tpu.memory_space<vmem>>, vector<16xi32>,
        %bitcast3A_1477 = vector.bitcast %get3A_1476 : vector<16xi32> to vector<32xbf16>
        %get3A_1478 = arith.index_cast %add3A_1473 : i32 to index
        %get3A_1479 = arith.constant 64 : index
        %get3A_1480 = tpu.vector_load %arg13[%get3A_1478, %get3A_1479] {strides = array<i32>} : memref<200x128xi32, #tpu.memory_space<vmem>>, vector<16xi32>,
        %bitcast3A_1481 = vector.bitcast %get3A_1480 : vector<16xi32> to vector<32xbf16>
        %mul3A_1482 = arith.mulf %bitcast3A_1477, %bitcast3A_1481 : vector<32xbf16>
        %get3A_1483 = arith.index_cast %add3A_1473 : i32 to index
        %get3A_1484 = arith.constant 16 : index
        %get3A_1485 = tpu.vector_load %arg12[%get3A_1483, %get3A_1484] {strides = array<i32>} : memref<200x128xi32, #tpu.memory_space<vmem>>, vector<16xi32>,
        %bitcast3A_1486 = vector.bitcast %get3A_1485 : vector<16xi32> to vector<32xbf16>
        %get3A_1487 = arith.index_cast %add3A_1473 : i32 to index
        %get3A_1488 = arith.constant 80 : index
        %get3A_1489 = tpu.vector_load %arg13[%get3A_1487, %get3A_1488] {strides = array<i32>} : memref<200x128xi32, #tpu.memory_space<vmem>>, vector<16xi32>,
        %bitcast3A_1490 = vector.bitcast %get3A_1489 : vector<16xi32> to vector<32xbf16>
        %mul3A_1491 = arith.mulf %bitcast3A_1486, %bitcast3A_1490 : vector<32xbf16>
        %add3A_1492 = arith.addf %mul3A_1482, %mul3A_1491 : vector<32xbf16>
        %get3A_1493 = arith.index_cast %add3A_1473 : i32 to index
        %get3A_1494 = arith.constant 32 : index
        %get3A_1495 = tpu.vector_load %arg12[%get3A_1493, %get3A_1494] {strides = array<i32>} : memref<200x128xi32, #tpu.memory_space<vmem>>, vector<16xi32>,
        %bitcast3A_1496 = vector.bitcast %get3A_1495 : vector<16xi32> to vector<32xbf16>
        %get3A_1497 = arith.index_cast %add3A_1473 : i32 to index
        %get3A_1498 = arith.constant 96 : index
        %get3A_1499 = tpu.vector_load %arg13[%get3A_1497, %get3A_1498] {strides = array<i32>} : memref<200x128xi32, #tpu.memory_space<vmem>>, vector<16xi32>,
        %bitcast3A_1500 = vector.bitcast %get3A_1499 : vector<16xi32> to vector<32xbf16>
        %mul3A_1501 = arith.mulf %bitcast3A_1496, %bitcast3A_1500 : vector<32xbf16>
        %add3A_1502 = arith.addf %add3A_1492, %mul3A_1501 : vector<32xbf16>
        %get3A_1503 = arith.index_cast %add3A_1473 : i32 to index
        %get3A_1504 = arith.constant 48 : index
        %get3A_1505 = tpu.vector_load %arg12[%get3A_1503, %get3A_1504] {strides = array<i32>} : memref<200x128xi32, #tpu.memory_space<vmem>>, vector<16xi32>,
        %bitcast3A_1506 = vector.bitcast %get3A_1505 : vector<16xi32> to vector<32xbf16>
        %get3A_1507 = arith.index_cast %add3A_1473 : i32 to index
        %get3A_1508 = arith.constant 112 : index
        %get3A_1509 = tpu.vector_load %arg13[%get3A_1507, %get3A_1508] {strides = array<i32>} : memref<200x128xi32, #tpu.memory_space<vmem>>, vector<16xi32>,
        %bitcast3A_1510 = vector.bitcast %get3A_1509 : vector<16xi32> to vector<32xbf16>
        %mul3A_1511 = arith.mulf %bitcast3A_1506, %bitcast3A_1510 : vector<32xbf16>
        %add3A_1512 = arith.addf %add3A_1502, %mul3A_1511 : vector<32xbf16>
        %unpack3A_1513 = tpu.unpack_subelements %add3A_1512, 0 {pack_format = #tpu.pack_format<interleaved>} : vector<32xbf16> -> vector<16xf32>
        %unpack3A_1514 = tpu.unpack_subelements %add3A_1512, 1 {pack_format = #tpu.pack_format<interleaved>} : vector<32xbf16> -> vector<16xf32>
        %add3A_1515 = arith.addf %unpack3A_1513, %unpack3A_1514 : vector<16xf32>
        %reduce_sum3A_1516 = arith.constant true
        %reduce_sum3A_1517 = vector.broadcast %reduce_sum3A_1516 : i1 to vector<16xi1>
        %reduce_sum3A_1518 = tpu.scan <sum>, %add3A_1515 masked %reduce_sum3A_1517 : vector<16xf32>, vector<16xi1> -> vector<16xf32>
        %reduce_sum3A_1519 = vector.extract %reduce_sum3A_1518[15] : f32 from vector<16xf32>
        %add3A_1520 = arith.constant 200 : i32
        %add3A_1521 = arith.addi %add3A_1520, %add3A_1473 : i32
        %broadcast_in_dim3A_1522 = vector.broadcast %add3A_1521 : i32 to vector<16xi32>
        %broadcast_in_dim3A_1523 = vector.broadcast %reduce_sum3A_1519 : f32 to vector<16xf32>
        tpu.vector_store_idx %arg14[%broadcast_in_dim3A_1522], %broadcast_in_dim3A_1523 masked %eq3A_4 : memref<400xf32, #tpu.memory_space<vmem>>[vector<16xi32>], vector<16xf32>, vector<16xi1>
        %mul3A_1524 = arith.constant 40 : i32
        %mul3A_1525 = arith.muli %scan3A_123, %mul3A_1524 : i32
        %add3A_1526 = arith.constant 26 : i32
        %add3A_1527 = arith.addi %mul3A_1525, %add3A_1526 : i32
        %get3A_1528 = arith.index_cast %add3A_1527 : i32 to index
        %get3A_1529 = arith.constant 0 : index
        %get3A_1530 = tpu.vector_load %arg12[%get3A_1528, %get3A_1529] {strides = array<i32>} : memref<200x128xi32, #tpu.memory_space<vmem>>, vector<16xi32>,
        %bitcast3A_1531 = vector.bitcast %get3A_1530 : vector<16xi32> to vector<32xbf16>
        %get3A_1532 = arith.index_cast %add3A_1527 : i32 to index
        %get3A_1533 = arith.constant 64 : index
        %get3A_1534 = tpu.vector_load %arg13[%get3A_1532, %get3A_1533] {strides = array<i32>} : memref<200x128xi32, #tpu.memory_space<vmem>>, vector<16xi32>,
        %bitcast3A_1535 = vector.bitcast %get3A_1534 : vector<16xi32> to vector<32xbf16>
        %mul3A_1536 = arith.mulf %bitcast3A_1531, %bitcast3A_1535 : vector<32xbf16>
        %get3A_1537 = arith.index_cast %add3A_1527 : i32 to index
        %get3A_1538 = arith.constant 16 : index
        %get3A_1539 = tpu.vector_load %arg12[%get3A_1537, %get3A_1538] {strides = array<i32>} : memref<200x128xi32, #tpu.memory_space<vmem>>, vector<16xi32>,
        %bitcast3A_1540 = vector.bitcast %get3A_1539 : vector<16xi32> to vector<32xbf16>
        %get3A_1541 = arith.index_cast %add3A_1527 : i32 to index
        %get3A_1542 = arith.constant 80 : index
        %get3A_1543 = tpu.vector_load %arg13[%get3A_1541, %get3A_1542] {strides = array<i32>} : memref<200x128xi32, #tpu.memory_space<vmem>>, vector<16xi32>,
        %bitcast3A_1544 = vector.bitcast %get3A_1543 : vector<16xi32> to vector<32xbf16>
        %mul3A_1545 = arith.mulf %bitcast3A_1540, %bitcast3A_1544 : vector<32xbf16>
        %add3A_1546 = arith.addf %mul3A_1536, %mul3A_1545 : vector<32xbf16>
        %get3A_1547 = arith.index_cast %add3A_1527 : i32 to index
        %get3A_1548 = arith.constant 32 : index
        %get3A_1549 = tpu.vector_load %arg12[%get3A_1547, %get3A_1548] {strides = array<i32>} : memref<200x128xi32, #tpu.memory_space<vmem>>, vector<16xi32>,
        %bitcast3A_1550 = vector.bitcast %get3A_1549 : vector<16xi32> to vector<32xbf16>
        %get3A_1551 = arith.index_cast %add3A_1527 : i32 to index
        %get3A_1552 = arith.constant 96 : index
        %get3A_1553 = tpu.vector_load %arg13[%get3A_1551, %get3A_1552] {strides = array<i32>} : memref<200x128xi32, #tpu.memory_space<vmem>>, vector<16xi32>,
        %bitcast3A_1554 = vector.bitcast %get3A_1553 : vector<16xi32> to vector<32xbf16>
        %mul3A_1555 = arith.mulf %bitcast3A_1550, %bitcast3A_1554 : vector<32xbf16>
        %add3A_1556 = arith.addf %add3A_1546, %mul3A_1555 : vector<32xbf16>
        %get3A_1557 = arith.index_cast %add3A_1527 : i32 to index
        %get3A_1558 = arith.constant 48 : index
        %get3A_1559 = tpu.vector_load %arg12[%get3A_1557, %get3A_1558] {strides = array<i32>} : memref<200x128xi32, #tpu.memory_space<vmem>>, vector<16xi32>,
        %bitcast3A_1560 = vector.bitcast %get3A_1559 : vector<16xi32> to vector<32xbf16>
        %get3A_1561 = arith.index_cast %add3A_1527 : i32 to index
        %get3A_1562 = arith.constant 112 : index
        %get3A_1563 = tpu.vector_load %arg13[%get3A_1561, %get3A_1562] {strides = array<i32>} : memref<200x128xi32, #tpu.memory_space<vmem>>, vector<16xi32>,
        %bitcast3A_1564 = vector.bitcast %get3A_1563 : vector<16xi32> to vector<32xbf16>
        %mul3A_1565 = arith.mulf %bitcast3A_1560, %bitcast3A_1564 : vector<32xbf16>
        %add3A_1566 = arith.addf %add3A_1556, %mul3A_1565 : vector<32xbf16>
        %unpack3A_1567 = tpu.unpack_subelements %add3A_1566, 0 {pack_format = #tpu.pack_format<interleaved>} : vector<32xbf16> -> vector<16xf32>
        %unpack3A_1568 = tpu.unpack_subelements %add3A_1566, 1 {pack_format = #tpu.pack_format<interleaved>} : vector<32xbf16> -> vector<16xf32>
        %add3A_1569 = arith.addf %unpack3A_1567, %unpack3A_1568 : vector<16xf32>
        %reduce_sum3A_1570 = arith.constant true
        %reduce_sum3A_1571 = vector.broadcast %reduce_sum3A_1570 : i1 to vector<16xi1>
        %reduce_sum3A_1572 = tpu.scan <sum>, %add3A_1569 masked %reduce_sum3A_1571 : vector<16xf32>, vector<16xi1> -> vector<16xf32>
        %reduce_sum3A_1573 = vector.extract %reduce_sum3A_1572[15] : f32 from vector<16xf32>
        %add3A_1574 = arith.constant 200 : i32
        %add3A_1575 = arith.addi %add3A_1574, %add3A_1527 : i32
        %broadcast_in_dim3A_1576 = vector.broadcast %add3A_1575 : i32 to vector<16xi32>
        %broadcast_in_dim3A_1577 = vector.broadcast %reduce_sum3A_1573 : f32 to vector<16xf32>
        tpu.vector_store_idx %arg14[%broadcast_in_dim3A_1576], %broadcast_in_dim3A_1577 masked %eq3A_4 : memref<400xf32, #tpu.memory_space<vmem>>[vector<16xi32>], vector<16xf32>, vector<16xi1>
        %mul3A_1578 = arith.constant 40 : i32
        %mul3A_1579 = arith.muli %scan3A_123, %mul3A_1578 : i32
        %add3A_1580 = arith.constant 27 : i32
        %add3A_1581 = arith.addi %mul3A_1579, %add3A_1580 : i32
        %get3A_1582 = arith.index_cast %add3A_1581 : i32 to index
        %get3A_1583 = arith.constant 0 : index
        %get3A_1584 = tpu.vector_load %arg12[%get3A_1582, %get3A_1583] {strides = array<i32>} : memref<200x128xi32, #tpu.memory_space<vmem>>, vector<16xi32>,
        %bitcast3A_1585 = vector.bitcast %get3A_1584 : vector<16xi32> to vector<32xbf16>
        %get3A_1586 = arith.index_cast %add3A_1581 : i32 to index
        %get3A_1587 = arith.constant 64 : index
        %get3A_1588 = tpu.vector_load %arg13[%get3A_1586, %get3A_1587] {strides = array<i32>} : memref<200x128xi32, #tpu.memory_space<vmem>>, vector<16xi32>,
        %bitcast3A_1589 = vector.bitcast %get3A_1588 : vector<16xi32> to vector<32xbf16>
        %mul3A_1590 = arith.mulf %bitcast3A_1585, %bitcast3A_1589 : vector<32xbf16>
        %get3A_1591 = arith.index_cast %add3A_1581 : i32 to index
        %get3A_1592 = arith.constant 16 : index
        %get3A_1593 = tpu.vector_load %arg12[%get3A_1591, %get3A_1592] {strides = array<i32>} : memref<200x128xi32, #tpu.memory_space<vmem>>, vector<16xi32>,
        %bitcast3A_1594 = vector.bitcast %get3A_1593 : vector<16xi32> to vector<32xbf16>
        %get3A_1595 = arith.index_cast %add3A_1581 : i32 to index
        %get3A_1596 = arith.constant 80 : index
        %get3A_1597 = tpu.vector_load %arg13[%get3A_1595, %get3A_1596] {strides = array<i32>} : memref<200x128xi32, #tpu.memory_space<vmem>>, vector<16xi32>,
        %bitcast3A_1598 = vector.bitcast %get3A_1597 : vector<16xi32> to vector<32xbf16>
        %mul3A_1599 = arith.mulf %bitcast3A_1594, %bitcast3A_1598 : vector<32xbf16>
        %add3A_1600 = arith.addf %mul3A_1590, %mul3A_1599 : vector<32xbf16>
        %get3A_1601 = arith.index_cast %add3A_1581 : i32 to index
        %get3A_1602 = arith.constant 32 : index
        %get3A_1603 = tpu.vector_load %arg12[%get3A_1601, %get3A_1602] {strides = array<i32>} : memref<200x128xi32, #tpu.memory_space<vmem>>, vector<16xi32>,
        %bitcast3A_1604 = vector.bitcast %get3A_1603 : vector<16xi32> to vector<32xbf16>
        %get3A_1605 = arith.index_cast %add3A_1581 : i32 to index
        %get3A_1606 = arith.constant 96 : index
        %get3A_1607 = tpu.vector_load %arg13[%get3A_1605, %get3A_1606] {strides = array<i32>} : memref<200x128xi32, #tpu.memory_space<vmem>>, vector<16xi32>,
        %bitcast3A_1608 = vector.bitcast %get3A_1607 : vector<16xi32> to vector<32xbf16>
        %mul3A_1609 = arith.mulf %bitcast3A_1604, %bitcast3A_1608 : vector<32xbf16>
        %add3A_1610 = arith.addf %add3A_1600, %mul3A_1609 : vector<32xbf16>
        %get3A_1611 = arith.index_cast %add3A_1581 : i32 to index
        %get3A_1612 = arith.constant 48 : index
        %get3A_1613 = tpu.vector_load %arg12[%get3A_1611, %get3A_1612] {strides = array<i32>} : memref<200x128xi32, #tpu.memory_space<vmem>>, vector<16xi32>,
        %bitcast3A_1614 = vector.bitcast %get3A_1613 : vector<16xi32> to vector<32xbf16>
        %get3A_1615 = arith.index_cast %add3A_1581 : i32 to index
        %get3A_1616 = arith.constant 112 : index
        %get3A_1617 = tpu.vector_load %arg13[%get3A_1615, %get3A_1616] {strides = array<i32>} : memref<200x128xi32, #tpu.memory_space<vmem>>, vector<16xi32>,
        %bitcast3A_1618 = vector.bitcast %get3A_1617 : vector<16xi32> to vector<32xbf16>
        %mul3A_1619 = arith.mulf %bitcast3A_1614, %bitcast3A_1618 : vector<32xbf16>
        %add3A_1620 = arith.addf %add3A_1610, %mul3A_1619 : vector<32xbf16>
        %unpack3A_1621 = tpu.unpack_subelements %add3A_1620, 0 {pack_format = #tpu.pack_format<interleaved>} : vector<32xbf16> -> vector<16xf32>
        %unpack3A_1622 = tpu.unpack_subelements %add3A_1620, 1 {pack_format = #tpu.pack_format<interleaved>} : vector<32xbf16> -> vector<16xf32>
        %add3A_1623 = arith.addf %unpack3A_1621, %unpack3A_1622 : vector<16xf32>
        %reduce_sum3A_1624 = arith.constant true
        %reduce_sum3A_1625 = vector.broadcast %reduce_sum3A_1624 : i1 to vector<16xi1>
        %reduce_sum3A_1626 = tpu.scan <sum>, %add3A_1623 masked %reduce_sum3A_1625 : vector<16xf32>, vector<16xi1> -> vector<16xf32>
        %reduce_sum3A_1627 = vector.extract %reduce_sum3A_1626[15] : f32 from vector<16xf32>
        %add3A_1628 = arith.constant 200 : i32
        %add3A_1629 = arith.addi %add3A_1628, %add3A_1581 : i32
        %broadcast_in_dim3A_1630 = vector.broadcast %add3A_1629 : i32 to vector<16xi32>
        %broadcast_in_dim3A_1631 = vector.broadcast %reduce_sum3A_1627 : f32 to vector<16xf32>
        tpu.vector_store_idx %arg14[%broadcast_in_dim3A_1630], %broadcast_in_dim3A_1631 masked %eq3A_4 : memref<400xf32, #tpu.memory_space<vmem>>[vector<16xi32>], vector<16xf32>, vector<16xi1>
        %mul3A_1632 = arith.constant 40 : i32
        %mul3A_1633 = arith.muli %scan3A_123, %mul3A_1632 : i32
        %add3A_1634 = arith.constant 28 : i32
        %add3A_1635 = arith.addi %mul3A_1633, %add3A_1634 : i32
        %get3A_1636 = arith.index_cast %add3A_1635 : i32 to index
        %get3A_1637 = arith.constant 0 : index
        %get3A_1638 = tpu.vector_load %arg12[%get3A_1636, %get3A_1637] {strides = array<i32>} : memref<200x128xi32, #tpu.memory_space<vmem>>, vector<16xi32>,
        %bitcast3A_1639 = vector.bitcast %get3A_1638 : vector<16xi32> to vector<32xbf16>
        %get3A_1640 = arith.index_cast %add3A_1635 : i32 to index
        %get3A_1641 = arith.constant 64 : index
        %get3A_1642 = tpu.vector_load %arg13[%get3A_1640, %get3A_1641] {strides = array<i32>} : memref<200x128xi32, #tpu.memory_space<vmem>>, vector<16xi32>,
        %bitcast3A_1643 = vector.bitcast %get3A_1642 : vector<16xi32> to vector<32xbf16>
        %mul3A_1644 = arith.mulf %bitcast3A_1639, %bitcast3A_1643 : vector<32xbf16>
        %get3A_1645 = arith.index_cast %add3A_1635 : i32 to index
        %get3A_1646 = arith.constant 16 : index
        %get3A_1647 = tpu.vector_load %arg12[%get3A_1645, %get3A_1646] {strides = array<i32>} : memref<200x128xi32, #tpu.memory_space<vmem>>, vector<16xi32>,
        %bitcast3A_1648 = vector.bitcast %get3A_1647 : vector<16xi32> to vector<32xbf16>
        %get3A_1649 = arith.index_cast %add3A_1635 : i32 to index
        %get3A_1650 = arith.constant 80 : index
        %get3A_1651 = tpu.vector_load %arg13[%get3A_1649, %get3A_1650] {strides = array<i32>} : memref<200x128xi32, #tpu.memory_space<vmem>>, vector<16xi32>,
        %bitcast3A_1652 = vector.bitcast %get3A_1651 : vector<16xi32> to vector<32xbf16>
        %mul3A_1653 = arith.mulf %bitcast3A_1648, %bitcast3A_1652 : vector<32xbf16>
        %add3A_1654 = arith.addf %mul3A_1644, %mul3A_1653 : vector<32xbf16>
        %get3A_1655 = arith.index_cast %add3A_1635 : i32 to index
        %get3A_1656 = arith.constant 32 : index
        %get3A_1657 = tpu.vector_load %arg12[%get3A_1655, %get3A_1656] {strides = array<i32>} : memref<200x128xi32, #tpu.memory_space<vmem>>, vector<16xi32>,
        %bitcast3A_1658 = vector.bitcast %get3A_1657 : vector<16xi32> to vector<32xbf16>
        %get3A_1659 = arith.index_cast %add3A_1635 : i32 to index
        %get3A_1660 = arith.constant 96 : index
        %get3A_1661 = tpu.vector_load %arg13[%get3A_1659, %get3A_1660] {strides = array<i32>} : memref<200x128xi32, #tpu.memory_space<vmem>>, vector<16xi32>,
        %bitcast3A_1662 = vector.bitcast %get3A_1661 : vector<16xi32> to vector<32xbf16>
        %mul3A_1663 = arith.mulf %bitcast3A_1658, %bitcast3A_1662 : vector<32xbf16>
        %add3A_1664 = arith.addf %add3A_1654, %mul3A_1663 : vector<32xbf16>
        %get3A_1665 = arith.index_cast %add3A_1635 : i32 to index
        %get3A_1666 = arith.constant 48 : index
        %get3A_1667 = tpu.vector_load %arg12[%get3A_1665, %get3A_1666] {strides = array<i32>} : memref<200x128xi32, #tpu.memory_space<vmem>>, vector<16xi32>,
        %bitcast3A_1668 = vector.bitcast %get3A_1667 : vector<16xi32> to vector<32xbf16>
        %get3A_1669 = arith.index_cast %add3A_1635 : i32 to index
        %get3A_1670 = arith.constant 112 : index
        %get3A_1671 = tpu.vector_load %arg13[%get3A_1669, %get3A_1670] {strides = array<i32>} : memref<200x128xi32, #tpu.memory_space<vmem>>, vector<16xi32>,
        %bitcast3A_1672 = vector.bitcast %get3A_1671 : vector<16xi32> to vector<32xbf16>
        %mul3A_1673 = arith.mulf %bitcast3A_1668, %bitcast3A_1672 : vector<32xbf16>
        %add3A_1674 = arith.addf %add3A_1664, %mul3A_1673 : vector<32xbf16>
        %unpack3A_1675 = tpu.unpack_subelements %add3A_1674, 0 {pack_format = #tpu.pack_format<interleaved>} : vector<32xbf16> -> vector<16xf32>
        %unpack3A_1676 = tpu.unpack_subelements %add3A_1674, 1 {pack_format = #tpu.pack_format<interleaved>} : vector<32xbf16> -> vector<16xf32>
        %add3A_1677 = arith.addf %unpack3A_1675, %unpack3A_1676 : vector<16xf32>
        %reduce_sum3A_1678 = arith.constant true
        %reduce_sum3A_1679 = vector.broadcast %reduce_sum3A_1678 : i1 to vector<16xi1>
        %reduce_sum3A_1680 = tpu.scan <sum>, %add3A_1677 masked %reduce_sum3A_1679 : vector<16xf32>, vector<16xi1> -> vector<16xf32>
        %reduce_sum3A_1681 = vector.extract %reduce_sum3A_1680[15] : f32 from vector<16xf32>
        %add3A_1682 = arith.constant 200 : i32
        %add3A_1683 = arith.addi %add3A_1682, %add3A_1635 : i32
        %broadcast_in_dim3A_1684 = vector.broadcast %add3A_1683 : i32 to vector<16xi32>
        %broadcast_in_dim3A_1685 = vector.broadcast %reduce_sum3A_1681 : f32 to vector<16xf32>
        tpu.vector_store_idx %arg14[%broadcast_in_dim3A_1684], %broadcast_in_dim3A_1685 masked %eq3A_4 : memref<400xf32, #tpu.memory_space<vmem>>[vector<16xi32>], vector<16xf32>, vector<16xi1>
        %mul3A_1686 = arith.constant 40 : i32
        %mul3A_1687 = arith.muli %scan3A_123, %mul3A_1686 : i32
        %add3A_1688 = arith.constant 29 : i32
        %add3A_1689 = arith.addi %mul3A_1687, %add3A_1688 : i32
        %get3A_1690 = arith.index_cast %add3A_1689 : i32 to index
        %get3A_1691 = arith.constant 0 : index
        %get3A_1692 = tpu.vector_load %arg12[%get3A_1690, %get3A_1691] {strides = array<i32>} : memref<200x128xi32, #tpu.memory_space<vmem>>, vector<16xi32>,
        %bitcast3A_1693 = vector.bitcast %get3A_1692 : vector<16xi32> to vector<32xbf16>
        %get3A_1694 = arith.index_cast %add3A_1689 : i32 to index
        %get3A_1695 = arith.constant 64 : index
        %get3A_1696 = tpu.vector_load %arg13[%get3A_1694, %get3A_1695] {strides = array<i32>} : memref<200x128xi32, #tpu.memory_space<vmem>>, vector<16xi32>,
        %bitcast3A_1697 = vector.bitcast %get3A_1696 : vector<16xi32> to vector<32xbf16>
        %mul3A_1698 = arith.mulf %bitcast3A_1693, %bitcast3A_1697 : vector<32xbf16>
        %get3A_1699 = arith.index_cast %add3A_1689 : i32 to index
        %get3A_1700 = arith.constant 16 : index
        %get3A_1701 = tpu.vector_load %arg12[%get3A_1699, %get3A_1700] {strides = array<i32>} : memref<200x128xi32, #tpu.memory_space<vmem>>, vector<16xi32>,
        %bitcast3A_1702 = vector.bitcast %get3A_1701 : vector<16xi32> to vector<32xbf16>
        %get3A_1703 = arith.index_cast %add3A_1689 : i32 to index
        %get3A_1704 = arith.constant 80 : index
        %get3A_1705 = tpu.vector_load %arg13[%get3A_1703, %get3A_1704] {strides = array<i32>} : memref<200x128xi32, #tpu.memory_space<vmem>>, vector<16xi32>,
        %bitcast3A_1706 = vector.bitcast %get3A_1705 : vector<16xi32> to vector<32xbf16>
        %mul3A_1707 = arith.mulf %bitcast3A_1702, %bitcast3A_1706 : vector<32xbf16>
        %add3A_1708 = arith.addf %mul3A_1698, %mul3A_1707 : vector<32xbf16>
        %get3A_1709 = arith.index_cast %add3A_1689 : i32 to index
        %get3A_1710 = arith.constant 32 : index
        %get3A_1711 = tpu.vector_load %arg12[%get3A_1709, %get3A_1710] {strides = array<i32>} : memref<200x128xi32, #tpu.memory_space<vmem>>, vector<16xi32>,
        %bitcast3A_1712 = vector.bitcast %get3A_1711 : vector<16xi32> to vector<32xbf16>
        %get3A_1713 = arith.index_cast %add3A_1689 : i32 to index
        %get3A_1714 = arith.constant 96 : index
        %get3A_1715 = tpu.vector_load %arg13[%get3A_1713, %get3A_1714] {strides = array<i32>} : memref<200x128xi32, #tpu.memory_space<vmem>>, vector<16xi32>,
        %bitcast3A_1716 = vector.bitcast %get3A_1715 : vector<16xi32> to vector<32xbf16>
        %mul3A_1717 = arith.mulf %bitcast3A_1712, %bitcast3A_1716 : vector<32xbf16>
        %add3A_1718 = arith.addf %add3A_1708, %mul3A_1717 : vector<32xbf16>
        %get3A_1719 = arith.index_cast %add3A_1689 : i32 to index
        %get3A_1720 = arith.constant 48 : index
        %get3A_1721 = tpu.vector_load %arg12[%get3A_1719, %get3A_1720] {strides = array<i32>} : memref<200x128xi32, #tpu.memory_space<vmem>>, vector<16xi32>,
        %bitcast3A_1722 = vector.bitcast %get3A_1721 : vector<16xi32> to vector<32xbf16>
        %get3A_1723 = arith.index_cast %add3A_1689 : i32 to index
        %get3A_1724 = arith.constant 112 : index
        %get3A_1725 = tpu.vector_load %arg13[%get3A_1723, %get3A_1724] {strides = array<i32>} : memref<200x128xi32, #tpu.memory_space<vmem>>, vector<16xi32>,
        %bitcast3A_1726 = vector.bitcast %get3A_1725 : vector<16xi32> to vector<32xbf16>
        %mul3A_1727 = arith.mulf %bitcast3A_1722, %bitcast3A_1726 : vector<32xbf16>
        %add3A_1728 = arith.addf %add3A_1718, %mul3A_1727 : vector<32xbf16>
        %unpack3A_1729 = tpu.unpack_subelements %add3A_1728, 0 {pack_format = #tpu.pack_format<interleaved>} : vector<32xbf16> -> vector<16xf32>
        %unpack3A_1730 = tpu.unpack_subelements %add3A_1728, 1 {pack_format = #tpu.pack_format<interleaved>} : vector<32xbf16> -> vector<16xf32>
        %add3A_1731 = arith.addf %unpack3A_1729, %unpack3A_1730 : vector<16xf32>
        %reduce_sum3A_1732 = arith.constant true
        %reduce_sum3A_1733 = vector.broadcast %reduce_sum3A_1732 : i1 to vector<16xi1>
        %reduce_sum3A_1734 = tpu.scan <sum>, %add3A_1731 masked %reduce_sum3A_1733 : vector<16xf32>, vector<16xi1> -> vector<16xf32>
        %reduce_sum3A_1735 = vector.extract %reduce_sum3A_1734[15] : f32 from vector<16xf32>
        %add3A_1736 = arith.constant 200 : i32
        %add3A_1737 = arith.addi %add3A_1736, %add3A_1689 : i32
        %broadcast_in_dim3A_1738 = vector.broadcast %add3A_1737 : i32 to vector<16xi32>
        %broadcast_in_dim3A_1739 = vector.broadcast %reduce_sum3A_1735 : f32 to vector<16xf32>
        tpu.vector_store_idx %arg14[%broadcast_in_dim3A_1738], %broadcast_in_dim3A_1739 masked %eq3A_4 : memref<400xf32, #tpu.memory_space<vmem>>[vector<16xi32>], vector<16xf32>, vector<16xi1>
        %mul3A_1740 = arith.constant 40 : i32
        %mul3A_1741 = arith.muli %scan3A_123, %mul3A_1740 : i32
        %add3A_1742 = arith.constant 30 : i32
        %add3A_1743 = arith.addi %mul3A_1741, %add3A_1742 : i32
        %get3A_1744 = arith.index_cast %add3A_1743 : i32 to index
        %get3A_1745 = arith.constant 0 : index
        %get3A_1746 = tpu.vector_load %arg12[%get3A_1744, %get3A_1745] {strides = array<i32>} : memref<200x128xi32, #tpu.memory_space<vmem>>, vector<16xi32>,
        %bitcast3A_1747 = vector.bitcast %get3A_1746 : vector<16xi32> to vector<32xbf16>
        %get3A_1748 = arith.index_cast %add3A_1743 : i32 to index
        %get3A_1749 = arith.constant 64 : index
        %get3A_1750 = tpu.vector_load %arg13[%get3A_1748, %get3A_1749] {strides = array<i32>} : memref<200x128xi32, #tpu.memory_space<vmem>>, vector<16xi32>,
        %bitcast3A_1751 = vector.bitcast %get3A_1750 : vector<16xi32> to vector<32xbf16>
        %mul3A_1752 = arith.mulf %bitcast3A_1747, %bitcast3A_1751 : vector<32xbf16>
        %get3A_1753 = arith.index_cast %add3A_1743 : i32 to index
        %get3A_1754 = arith.constant 16 : index
        %get3A_1755 = tpu.vector_load %arg12[%get3A_1753, %get3A_1754] {strides = array<i32>} : memref<200x128xi32, #tpu.memory_space<vmem>>, vector<16xi32>,
        %bitcast3A_1756 = vector.bitcast %get3A_1755 : vector<16xi32> to vector<32xbf16>
        %get3A_1757 = arith.index_cast %add3A_1743 : i32 to index
        %get3A_1758 = arith.constant 80 : index
        %get3A_1759 = tpu.vector_load %arg13[%get3A_1757, %get3A_1758] {strides = array<i32>} : memref<200x128xi32, #tpu.memory_space<vmem>>, vector<16xi32>,
        %bitcast3A_1760 = vector.bitcast %get3A_1759 : vector<16xi32> to vector<32xbf16>
        %mul3A_1761 = arith.mulf %bitcast3A_1756, %bitcast3A_1760 : vector<32xbf16>
        %add3A_1762 = arith.addf %mul3A_1752, %mul3A_1761 : vector<32xbf16>
        %get3A_1763 = arith.index_cast %add3A_1743 : i32 to index
        %get3A_1764 = arith.constant 32 : index
        %get3A_1765 = tpu.vector_load %arg12[%get3A_1763, %get3A_1764] {strides = array<i32>} : memref<200x128xi32, #tpu.memory_space<vmem>>, vector<16xi32>,
        %bitcast3A_1766 = vector.bitcast %get3A_1765 : vector<16xi32> to vector<32xbf16>
        %get3A_1767 = arith.index_cast %add3A_1743 : i32 to index
        %get3A_1768 = arith.constant 96 : index
        %get3A_1769 = tpu.vector_load %arg13[%get3A_1767, %get3A_1768] {strides = array<i32>} : memref<200x128xi32, #tpu.memory_space<vmem>>, vector<16xi32>,
        %bitcast3A_1770 = vector.bitcast %get3A_1769 : vector<16xi32> to vector<32xbf16>
        %mul3A_1771 = arith.mulf %bitcast3A_1766, %bitcast3A_1770 : vector<32xbf16>
        %add3A_1772 = arith.addf %add3A_1762, %mul3A_1771 : vector<32xbf16>
        %get3A_1773 = arith.index_cast %add3A_1743 : i32 to index
        %get3A_1774 = arith.constant 48 : index
        %get3A_1775 = tpu.vector_load %arg12[%get3A_1773, %get3A_1774] {strides = array<i32>} : memref<200x128xi32, #tpu.memory_space<vmem>>, vector<16xi32>,
        %bitcast3A_1776 = vector.bitcast %get3A_1775 : vector<16xi32> to vector<32xbf16>
        %get3A_1777 = arith.index_cast %add3A_1743 : i32 to index
        %get3A_1778 = arith.constant 112 : index
        %get3A_1779 = tpu.vector_load %arg13[%get3A_1777, %get3A_1778] {strides = array<i32>} : memref<200x128xi32, #tpu.memory_space<vmem>>, vector<16xi32>,
        %bitcast3A_1780 = vector.bitcast %get3A_1779 : vector<16xi32> to vector<32xbf16>
        %mul3A_1781 = arith.mulf %bitcast3A_1776, %bitcast3A_1780 : vector<32xbf16>
        %add3A_1782 = arith.addf %add3A_1772, %mul3A_1781 : vector<32xbf16>
        %unpack3A_1783 = tpu.unpack_subelements %add3A_1782, 0 {pack_format = #tpu.pack_format<interleaved>} : vector<32xbf16> -> vector<16xf32>
        %unpack3A_1784 = tpu.unpack_subelements %add3A_1782, 1 {pack_format = #tpu.pack_format<interleaved>} : vector<32xbf16> -> vector<16xf32>
        %add3A_1785 = arith.addf %unpack3A_1783, %unpack3A_1784 : vector<16xf32>
        %reduce_sum3A_1786 = arith.constant true
        %reduce_sum3A_1787 = vector.broadcast %reduce_sum3A_1786 : i1 to vector<16xi1>
        %reduce_sum3A_1788 = tpu.scan <sum>, %add3A_1785 masked %reduce_sum3A_1787 : vector<16xf32>, vector<16xi1> -> vector<16xf32>
        %reduce_sum3A_1789 = vector.extract %reduce_sum3A_1788[15] : f32 from vector<16xf32>
        %add3A_1790 = arith.constant 200 : i32
        %add3A_1791 = arith.addi %add3A_1790, %add3A_1743 : i32
        %broadcast_in_dim3A_1792 = vector.broadcast %add3A_1791 : i32 to vector<16xi32>
        %broadcast_in_dim3A_1793 = vector.broadcast %reduce_sum3A_1789 : f32 to vector<16xf32>
        tpu.vector_store_idx %arg14[%broadcast_in_dim3A_1792], %broadcast_in_dim3A_1793 masked %eq3A_4 : memref<400xf32, #tpu.memory_space<vmem>>[vector<16xi32>], vector<16xf32>, vector<16xi1>
        %mul3A_1794 = arith.constant 40 : i32
        %mul3A_1795 = arith.muli %scan3A_123, %mul3A_1794 : i32
        %add3A_1796 = arith.constant 31 : i32
        %add3A_1797 = arith.addi %mul3A_1795, %add3A_1796 : i32
        %get3A_1798 = arith.index_cast %add3A_1797 : i32 to index
        %get3A_1799 = arith.constant 0 : index
        %get3A_1800 = tpu.vector_load %arg12[%get3A_1798, %get3A_1799] {strides = array<i32>} : memref<200x128xi32, #tpu.memory_space<vmem>>, vector<16xi32>,
        %bitcast3A_1801 = vector.bitcast %get3A_1800 : vector<16xi32> to vector<32xbf16>
        %get3A_1802 = arith.index_cast %add3A_1797 : i32 to index
        %get3A_1803 = arith.constant 64 : index
        %get3A_1804 = tpu.vector_load %arg13[%get3A_1802, %get3A_1803] {strides = array<i32>} : memref<200x128xi32, #tpu.memory_space<vmem>>, vector<16xi32>,
        %bitcast3A_1805 = vector.bitcast %get3A_1804 : vector<16xi32> to vector<32xbf16>
        %mul3A_1806 = arith.mulf %bitcast3A_1801, %bitcast3A_1805 : vector<32xbf16>
        %get3A_1807 = arith.index_cast %add3A_1797 : i32 to index
        %get3A_1808 = arith.constant 16 : index
        %get3A_1809 = tpu.vector_load %arg12[%get3A_1807, %get3A_1808] {strides = array<i32>} : memref<200x128xi32, #tpu.memory_space<vmem>>, vector<16xi32>,
        %bitcast3A_1810 = vector.bitcast %get3A_1809 : vector<16xi32> to vector<32xbf16>
        %get3A_1811 = arith.index_cast %add3A_1797 : i32 to index
        %get3A_1812 = arith.constant 80 : index
        %get3A_1813 = tpu.vector_load %arg13[%get3A_1811, %get3A_1812] {strides = array<i32>} : memref<200x128xi32, #tpu.memory_space<vmem>>, vector<16xi32>,
        %bitcast3A_1814 = vector.bitcast %get3A_1813 : vector<16xi32> to vector<32xbf16>
        %mul3A_1815 = arith.mulf %bitcast3A_1810, %bitcast3A_1814 : vector<32xbf16>
        %add3A_1816 = arith.addf %mul3A_1806, %mul3A_1815 : vector<32xbf16>
        %get3A_1817 = arith.index_cast %add3A_1797 : i32 to index
        %get3A_1818 = arith.constant 32 : index
        %get3A_1819 = tpu.vector_load %arg12[%get3A_1817, %get3A_1818] {strides = array<i32>} : memref<200x128xi32, #tpu.memory_space<vmem>>, vector<16xi32>,
        %bitcast3A_1820 = vector.bitcast %get3A_1819 : vector<16xi32> to vector<32xbf16>
        %get3A_1821 = arith.index_cast %add3A_1797 : i32 to index
        %get3A_1822 = arith.constant 96 : index
        %get3A_1823 = tpu.vector_load %arg13[%get3A_1821, %get3A_1822] {strides = array<i32>} : memref<200x128xi32, #tpu.memory_space<vmem>>, vector<16xi32>,
        %bitcast3A_1824 = vector.bitcast %get3A_1823 : vector<16xi32> to vector<32xbf16>
        %mul3A_1825 = arith.mulf %bitcast3A_1820, %bitcast3A_1824 : vector<32xbf16>
        %add3A_1826 = arith.addf %add3A_1816, %mul3A_1825 : vector<32xbf16>
        %get3A_1827 = arith.index_cast %add3A_1797 : i32 to index
        %get3A_1828 = arith.constant 48 : index
        %get3A_1829 = tpu.vector_load %arg12[%get3A_1827, %get3A_1828] {strides = array<i32>} : memref<200x128xi32, #tpu.memory_space<vmem>>, vector<16xi32>,
        %bitcast3A_1830 = vector.bitcast %get3A_1829 : vector<16xi32> to vector<32xbf16>
        %get3A_1831 = arith.index_cast %add3A_1797 : i32 to index
        %get3A_1832 = arith.constant 112 : index
        %get3A_1833 = tpu.vector_load %arg13[%get3A_1831, %get3A_1832] {strides = array<i32>} : memref<200x128xi32, #tpu.memory_space<vmem>>, vector<16xi32>,
        %bitcast3A_1834 = vector.bitcast %get3A_1833 : vector<16xi32> to vector<32xbf16>
        %mul3A_1835 = arith.mulf %bitcast3A_1830, %bitcast3A_1834 : vector<32xbf16>
        %add3A_1836 = arith.addf %add3A_1826, %mul3A_1835 : vector<32xbf16>
        %unpack3A_1837 = tpu.unpack_subelements %add3A_1836, 0 {pack_format = #tpu.pack_format<interleaved>} : vector<32xbf16> -> vector<16xf32>
        %unpack3A_1838 = tpu.unpack_subelements %add3A_1836, 1 {pack_format = #tpu.pack_format<interleaved>} : vector<32xbf16> -> vector<16xf32>
        %add3A_1839 = arith.addf %unpack3A_1837, %unpack3A_1838 : vector<16xf32>
        %reduce_sum3A_1840 = arith.constant true
        %reduce_sum3A_1841 = vector.broadcast %reduce_sum3A_1840 : i1 to vector<16xi1>
        %reduce_sum3A_1842 = tpu.scan <sum>, %add3A_1839 masked %reduce_sum3A_1841 : vector<16xf32>, vector<16xi1> -> vector<16xf32>
        %reduce_sum3A_1843 = vector.extract %reduce_sum3A_1842[15] : f32 from vector<16xf32>
        %add3A_1844 = arith.constant 200 : i32
        %add3A_1845 = arith.addi %add3A_1844, %add3A_1797 : i32
        %broadcast_in_dim3A_1846 = vector.broadcast %add3A_1845 : i32 to vector<16xi32>
        %broadcast_in_dim3A_1847 = vector.broadcast %reduce_sum3A_1843 : f32 to vector<16xf32>
        tpu.vector_store_idx %arg14[%broadcast_in_dim3A_1846], %broadcast_in_dim3A_1847 masked %eq3A_4 : memref<400xf32, #tpu.memory_space<vmem>>[vector<16xi32>], vector<16xf32>, vector<16xi1>
        %mul3A_1848 = arith.constant 40 : i32
        %mul3A_1849 = arith.muli %scan3A_123, %mul3A_1848 : i32
        %add3A_1850 = arith.constant 32 : i32
        %add3A_1851 = arith.addi %mul3A_1849, %add3A_1850 : i32
        %get3A_1852 = arith.index_cast %add3A_1851 : i32 to index
        %get3A_1853 = arith.constant 0 : index
        %get3A_1854 = tpu.vector_load %arg12[%get3A_1852, %get3A_1853] {strides = array<i32>} : memref<200x128xi32, #tpu.memory_space<vmem>>, vector<16xi32>,
        %bitcast3A_1855 = vector.bitcast %get3A_1854 : vector<16xi32> to vector<32xbf16>
        %get3A_1856 = arith.index_cast %add3A_1851 : i32 to index
        %get3A_1857 = arith.constant 64 : index
        %get3A_1858 = tpu.vector_load %arg13[%get3A_1856, %get3A_1857] {strides = array<i32>} : memref<200x128xi32, #tpu.memory_space<vmem>>, vector<16xi32>,
        %bitcast3A_1859 = vector.bitcast %get3A_1858 : vector<16xi32> to vector<32xbf16>
        %mul3A_1860 = arith.mulf %bitcast3A_1855, %bitcast3A_1859 : vector<32xbf16>
        %get3A_1861 = arith.index_cast %add3A_1851 : i32 to index
        %get3A_1862 = arith.constant 16 : index
        %get3A_1863 = tpu.vector_load %arg12[%get3A_1861, %get3A_1862] {strides = array<i32>} : memref<200x128xi32, #tpu.memory_space<vmem>>, vector<16xi32>,
        %bitcast3A_1864 = vector.bitcast %get3A_1863 : vector<16xi32> to vector<32xbf16>
        %get3A_1865 = arith.index_cast %add3A_1851 : i32 to index
        %get3A_1866 = arith.constant 80 : index
        %get3A_1867 = tpu.vector_load %arg13[%get3A_1865, %get3A_1866] {strides = array<i32>} : memref<200x128xi32, #tpu.memory_space<vmem>>, vector<16xi32>,
        %bitcast3A_1868 = vector.bitcast %get3A_1867 : vector<16xi32> to vector<32xbf16>
        %mul3A_1869 = arith.mulf %bitcast3A_1864, %bitcast3A_1868 : vector<32xbf16>
        %add3A_1870 = arith.addf %mul3A_1860, %mul3A_1869 : vector<32xbf16>
        %get3A_1871 = arith.index_cast %add3A_1851 : i32 to index
        %get3A_1872 = arith.constant 32 : index
        %get3A_1873 = tpu.vector_load %arg12[%get3A_1871, %get3A_1872] {strides = array<i32>} : memref<200x128xi32, #tpu.memory_space<vmem>>, vector<16xi32>,
        %bitcast3A_1874 = vector.bitcast %get3A_1873 : vector<16xi32> to vector<32xbf16>
        %get3A_1875 = arith.index_cast %add3A_1851 : i32 to index
        %get3A_1876 = arith.constant 96 : index
        %get3A_1877 = tpu.vector_load %arg13[%get3A_1875, %get3A_1876] {strides = array<i32>} : memref<200x128xi32, #tpu.memory_space<vmem>>, vector<16xi32>,
        %bitcast3A_1878 = vector.bitcast %get3A_1877 : vector<16xi32> to vector<32xbf16>
        %mul3A_1879 = arith.mulf %bitcast3A_1874, %bitcast3A_1878 : vector<32xbf16>
        %add3A_1880 = arith.addf %add3A_1870, %mul3A_1879 : vector<32xbf16>
        %get3A_1881 = arith.index_cast %add3A_1851 : i32 to index
        %get3A_1882 = arith.constant 48 : index
        %get3A_1883 = tpu.vector_load %arg12[%get3A_1881, %get3A_1882] {strides = array<i32>} : memref<200x128xi32, #tpu.memory_space<vmem>>, vector<16xi32>,
        %bitcast3A_1884 = vector.bitcast %get3A_1883 : vector<16xi32> to vector<32xbf16>
        %get3A_1885 = arith.index_cast %add3A_1851 : i32 to index
        %get3A_1886 = arith.constant 112 : index
        %get3A_1887 = tpu.vector_load %arg13[%get3A_1885, %get3A_1886] {strides = array<i32>} : memref<200x128xi32, #tpu.memory_space<vmem>>, vector<16xi32>,
        %bitcast3A_1888 = vector.bitcast %get3A_1887 : vector<16xi32> to vector<32xbf16>
        %mul3A_1889 = arith.mulf %bitcast3A_1884, %bitcast3A_1888 : vector<32xbf16>
        %add3A_1890 = arith.addf %add3A_1880, %mul3A_1889 : vector<32xbf16>
        %unpack3A_1891 = tpu.unpack_subelements %add3A_1890, 0 {pack_format = #tpu.pack_format<interleaved>} : vector<32xbf16> -> vector<16xf32>
        %unpack3A_1892 = tpu.unpack_subelements %add3A_1890, 1 {pack_format = #tpu.pack_format<interleaved>} : vector<32xbf16> -> vector<16xf32>
        %add3A_1893 = arith.addf %unpack3A_1891, %unpack3A_1892 : vector<16xf32>
        %reduce_sum3A_1894 = arith.constant true
        %reduce_sum3A_1895 = vector.broadcast %reduce_sum3A_1894 : i1 to vector<16xi1>
        %reduce_sum3A_1896 = tpu.scan <sum>, %add3A_1893 masked %reduce_sum3A_1895 : vector<16xf32>, vector<16xi1> -> vector<16xf32>
        %reduce_sum3A_1897 = vector.extract %reduce_sum3A_1896[15] : f32 from vector<16xf32>
        %add3A_1898 = arith.constant 200 : i32
        %add3A_1899 = arith.addi %add3A_1898, %add3A_1851 : i32
        %broadcast_in_dim3A_1900 = vector.broadcast %add3A_1899 : i32 to vector<16xi32>
        %broadcast_in_dim3A_1901 = vector.broadcast %reduce_sum3A_1897 : f32 to vector<16xf32>
        tpu.vector_store_idx %arg14[%broadcast_in_dim3A_1900], %broadcast_in_dim3A_1901 masked %eq3A_4 : memref<400xf32, #tpu.memory_space<vmem>>[vector<16xi32>], vector<16xf32>, vector<16xi1>
        %mul3A_1902 = arith.constant 40 : i32
        %mul3A_1903 = arith.muli %scan3A_123, %mul3A_1902 : i32
        %add3A_1904 = arith.constant 33 : i32
        %add3A_1905 = arith.addi %mul3A_1903, %add3A_1904 : i32
        %get3A_1906 = arith.index_cast %add3A_1905 : i32 to index
        %get3A_1907 = arith.constant 0 : index
        %get3A_1908 = tpu.vector_load %arg12[%get3A_1906, %get3A_1907] {strides = array<i32>} : memref<200x128xi32, #tpu.memory_space<vmem>>, vector<16xi32>,
        %bitcast3A_1909 = vector.bitcast %get3A_1908 : vector<16xi32> to vector<32xbf16>
        %get3A_1910 = arith.index_cast %add3A_1905 : i32 to index
        %get3A_1911 = arith.constant 64 : index
        %get3A_1912 = tpu.vector_load %arg13[%get3A_1910, %get3A_1911] {strides = array<i32>} : memref<200x128xi32, #tpu.memory_space<vmem>>, vector<16xi32>,
        %bitcast3A_1913 = vector.bitcast %get3A_1912 : vector<16xi32> to vector<32xbf16>
        %mul3A_1914 = arith.mulf %bitcast3A_1909, %bitcast3A_1913 : vector<32xbf16>
        %get3A_1915 = arith.index_cast %add3A_1905 : i32 to index
        %get3A_1916 = arith.constant 16 : index
        %get3A_1917 = tpu.vector_load %arg12[%get3A_1915, %get3A_1916] {strides = array<i32>} : memref<200x128xi32, #tpu.memory_space<vmem>>, vector<16xi32>,
        %bitcast3A_1918 = vector.bitcast %get3A_1917 : vector<16xi32> to vector<32xbf16>
        %get3A_1919 = arith.index_cast %add3A_1905 : i32 to index
        %get3A_1920 = arith.constant 80 : index
        %get3A_1921 = tpu.vector_load %arg13[%get3A_1919, %get3A_1920] {strides = array<i32>} : memref<200x128xi32, #tpu.memory_space<vmem>>, vector<16xi32>,
        %bitcast3A_1922 = vector.bitcast %get3A_1921 : vector<16xi32> to vector<32xbf16>
        %mul3A_1923 = arith.mulf %bitcast3A_1918, %bitcast3A_1922 : vector<32xbf16>
        %add3A_1924 = arith.addf %mul3A_1914, %mul3A_1923 : vector<32xbf16>
        %get3A_1925 = arith.index_cast %add3A_1905 : i32 to index
        %get3A_1926 = arith.constant 32 : index
        %get3A_1927 = tpu.vector_load %arg12[%get3A_1925, %get3A_1926] {strides = array<i32>} : memref<200x128xi32, #tpu.memory_space<vmem>>, vector<16xi32>,
        %bitcast3A_1928 = vector.bitcast %get3A_1927 : vector<16xi32> to vector<32xbf16>
        %get3A_1929 = arith.index_cast %add3A_1905 : i32 to index
        %get3A_1930 = arith.constant 96 : index
        %get3A_1931 = tpu.vector_load %arg13[%get3A_1929, %get3A_1930] {strides = array<i32>} : memref<200x128xi32, #tpu.memory_space<vmem>>, vector<16xi32>,
        %bitcast3A_1932 = vector.bitcast %get3A_1931 : vector<16xi32> to vector<32xbf16>
        %mul3A_1933 = arith.mulf %bitcast3A_1928, %bitcast3A_1932 : vector<32xbf16>
        %add3A_1934 = arith.addf %add3A_1924, %mul3A_1933 : vector<32xbf16>
        %get3A_1935 = arith.index_cast %add3A_1905 : i32 to index
        %get3A_1936 = arith.constant 48 : index
        %get3A_1937 = tpu.vector_load %arg12[%get3A_1935, %get3A_1936] {strides = array<i32>} : memref<200x128xi32, #tpu.memory_space<vmem>>, vector<16xi32>,
        %bitcast3A_1938 = vector.bitcast %get3A_1937 : vector<16xi32> to vector<32xbf16>
        %get3A_1939 = arith.index_cast %add3A_1905 : i32 to index
        %get3A_1940 = arith.constant 112 : index
        %get3A_1941 = tpu.vector_load %arg13[%get3A_1939, %get3A_1940] {strides = array<i32>} : memref<200x128xi32, #tpu.memory_space<vmem>>, vector<16xi32>,
        %bitcast3A_1942 = vector.bitcast %get3A_1941 : vector<16xi32> to vector<32xbf16>
        %mul3A_1943 = arith.mulf %bitcast3A_1938, %bitcast3A_1942 : vector<32xbf16>
        %add3A_1944 = arith.addf %add3A_1934, %mul3A_1943 : vector<32xbf16>
        %unpack3A_1945 = tpu.unpack_subelements %add3A_1944, 0 {pack_format = #tpu.pack_format<interleaved>} : vector<32xbf16> -> vector<16xf32>
        %unpack3A_1946 = tpu.unpack_subelements %add3A_1944, 1 {pack_format = #tpu.pack_format<interleaved>} : vector<32xbf16> -> vector<16xf32>
        %add3A_1947 = arith.addf %unpack3A_1945, %unpack3A_1946 : vector<16xf32>
        %reduce_sum3A_1948 = arith.constant true
        %reduce_sum3A_1949 = vector.broadcast %reduce_sum3A_1948 : i1 to vector<16xi1>
        %reduce_sum3A_1950 = tpu.scan <sum>, %add3A_1947 masked %reduce_sum3A_1949 : vector<16xf32>, vector<16xi1> -> vector<16xf32>
        %reduce_sum3A_1951 = vector.extract %reduce_sum3A_1950[15] : f32 from vector<16xf32>
        %add3A_1952 = arith.constant 200 : i32
        %add3A_1953 = arith.addi %add3A_1952, %add3A_1905 : i32
        %broadcast_in_dim3A_1954 = vector.broadcast %add3A_1953 : i32 to vector<16xi32>
        %broadcast_in_dim3A_1955 = vector.broadcast %reduce_sum3A_1951 : f32 to vector<16xf32>
        tpu.vector_store_idx %arg14[%broadcast_in_dim3A_1954], %broadcast_in_dim3A_1955 masked %eq3A_4 : memref<400xf32, #tpu.memory_space<vmem>>[vector<16xi32>], vector<16xf32>, vector<16xi1>
        %mul3A_1956 = arith.constant 40 : i32
        %mul3A_1957 = arith.muli %scan3A_123, %mul3A_1956 : i32
        %add3A_1958 = arith.constant 34 : i32
        %add3A_1959 = arith.addi %mul3A_1957, %add3A_1958 : i32
        %get3A_1960 = arith.index_cast %add3A_1959 : i32 to index
        %get3A_1961 = arith.constant 0 : index
        %get3A_1962 = tpu.vector_load %arg12[%get3A_1960, %get3A_1961] {strides = array<i32>} : memref<200x128xi32, #tpu.memory_space<vmem>>, vector<16xi32>,
        %bitcast3A_1963 = vector.bitcast %get3A_1962 : vector<16xi32> to vector<32xbf16>
        %get3A_1964 = arith.index_cast %add3A_1959 : i32 to index
        %get3A_1965 = arith.constant 64 : index
        %get3A_1966 = tpu.vector_load %arg13[%get3A_1964, %get3A_1965] {strides = array<i32>} : memref<200x128xi32, #tpu.memory_space<vmem>>, vector<16xi32>,
        %bitcast3A_1967 = vector.bitcast %get3A_1966 : vector<16xi32> to vector<32xbf16>
        %mul3A_1968 = arith.mulf %bitcast3A_1963, %bitcast3A_1967 : vector<32xbf16>
        %get3A_1969 = arith.index_cast %add3A_1959 : i32 to index
        %get3A_1970 = arith.constant 16 : index
        %get3A_1971 = tpu.vector_load %arg12[%get3A_1969, %get3A_1970] {strides = array<i32>} : memref<200x128xi32, #tpu.memory_space<vmem>>, vector<16xi32>,
        %bitcast3A_1972 = vector.bitcast %get3A_1971 : vector<16xi32> to vector<32xbf16>
        %get3A_1973 = arith.index_cast %add3A_1959 : i32 to index
        %get3A_1974 = arith.constant 80 : index
        %get3A_1975 = tpu.vector_load %arg13[%get3A_1973, %get3A_1974] {strides = array<i32>} : memref<200x128xi32, #tpu.memory_space<vmem>>, vector<16xi32>,
        %bitcast3A_1976 = vector.bitcast %get3A_1975 : vector<16xi32> to vector<32xbf16>
        %mul3A_1977 = arith.mulf %bitcast3A_1972, %bitcast3A_1976 : vector<32xbf16>
        %add3A_1978 = arith.addf %mul3A_1968, %mul3A_1977 : vector<32xbf16>
        %get3A_1979 = arith.index_cast %add3A_1959 : i32 to index
        %get3A_1980 = arith.constant 32 : index
        %get3A_1981 = tpu.vector_load %arg12[%get3A_1979, %get3A_1980] {strides = array<i32>} : memref<200x128xi32, #tpu.memory_space<vmem>>, vector<16xi32>,
        %bitcast3A_1982 = vector.bitcast %get3A_1981 : vector<16xi32> to vector<32xbf16>
        %get3A_1983 = arith.index_cast %add3A_1959 : i32 to index
        %get3A_1984 = arith.constant 96 : index
        %get3A_1985 = tpu.vector_load %arg13[%get3A_1983, %get3A_1984] {strides = array<i32>} : memref<200x128xi32, #tpu.memory_space<vmem>>, vector<16xi32>,
        %bitcast3A_1986 = vector.bitcast %get3A_1985 : vector<16xi32> to vector<32xbf16>
        %mul3A_1987 = arith.mulf %bitcast3A_1982, %bitcast3A_1986 : vector<32xbf16>
        %add3A_1988 = arith.addf %add3A_1978, %mul3A_1987 : vector<32xbf16>
        %get3A_1989 = arith.index_cast %add3A_1959 : i32 to index
        %get3A_1990 = arith.constant 48 : index
        %get3A_1991 = tpu.vector_load %arg12[%get3A_1989, %get3A_1990] {strides = array<i32>} : memref<200x128xi32, #tpu.memory_space<vmem>>, vector<16xi32>,
        %bitcast3A_1992 = vector.bitcast %get3A_1991 : vector<16xi32> to vector<32xbf16>
        %get3A_1993 = arith.index_cast %add3A_1959 : i32 to index
        %get3A_1994 = arith.constant 112 : index
        %get3A_1995 = tpu.vector_load %arg13[%get3A_1993, %get3A_1994] {strides = array<i32>} : memref<200x128xi32, #tpu.memory_space<vmem>>, vector<16xi32>,
        %bitcast3A_1996 = vector.bitcast %get3A_1995 : vector<16xi32> to vector<32xbf16>
        %mul3A_1997 = arith.mulf %bitcast3A_1992, %bitcast3A_1996 : vector<32xbf16>
        %add3A_1998 = arith.addf %add3A_1988, %mul3A_1997 : vector<32xbf16>
        %unpack3A_1999 = tpu.unpack_subelements %add3A_1998, 0 {pack_format = #tpu.pack_format<interleaved>} : vector<32xbf16> -> vector<16xf32>
        %unpack3A_2000 = tpu.unpack_subelements %add3A_1998, 1 {pack_format = #tpu.pack_format<interleaved>} : vector<32xbf16> -> vector<16xf32>
        %add3A_2001 = arith.addf %unpack3A_1999, %unpack3A_2000 : vector<16xf32>
        %reduce_sum3A_2002 = arith.constant true
        %reduce_sum3A_2003 = vector.broadcast %reduce_sum3A_2002 : i1 to vector<16xi1>
        %reduce_sum3A_2004 = tpu.scan <sum>, %add3A_2001 masked %reduce_sum3A_2003 : vector<16xf32>, vector<16xi1> -> vector<16xf32>
        %reduce_sum3A_2005 = vector.extract %reduce_sum3A_2004[15] : f32 from vector<16xf32>
        %add3A_2006 = arith.constant 200 : i32
        %add3A_2007 = arith.addi %add3A_2006, %add3A_1959 : i32
        %broadcast_in_dim3A_2008 = vector.broadcast %add3A_2007 : i32 to vector<16xi32>
        %broadcast_in_dim3A_2009 = vector.broadcast %reduce_sum3A_2005 : f32 to vector<16xf32>
        tpu.vector_store_idx %arg14[%broadcast_in_dim3A_2008], %broadcast_in_dim3A_2009 masked %eq3A_4 : memref<400xf32, #tpu.memory_space<vmem>>[vector<16xi32>], vector<16xf32>, vector<16xi1>
        %mul3A_2010 = arith.constant 40 : i32
        %mul3A_2011 = arith.muli %scan3A_123, %mul3A_2010 : i32
        %add3A_2012 = arith.constant 35 : i32
        %add3A_2013 = arith.addi %mul3A_2011, %add3A_2012 : i32
        %get3A_2014 = arith.index_cast %add3A_2013 : i32 to index
        %get3A_2015 = arith.constant 0 : index
        %get3A_2016 = tpu.vector_load %arg12[%get3A_2014, %get3A_2015] {strides = array<i32>} : memref<200x128xi32, #tpu.memory_space<vmem>>, vector<16xi32>,
        %bitcast3A_2017 = vector.bitcast %get3A_2016 : vector<16xi32> to vector<32xbf16>
        %get3A_2018 = arith.index_cast %add3A_2013 : i32 to index
        %get3A_2019 = arith.constant 64 : index
        %get3A_2020 = tpu.vector_load %arg13[%get3A_2018, %get3A_2019] {strides = array<i32>} : memref<200x128xi32, #tpu.memory_space<vmem>>, vector<16xi32>,
        %bitcast3A_2021 = vector.bitcast %get3A_2020 : vector<16xi32> to vector<32xbf16>
        %mul3A_2022 = arith.mulf %bitcast3A_2017, %bitcast3A_2021 : vector<32xbf16>
        %get3A_2023 = arith.index_cast %add3A_2013 : i32 to index
        %get3A_2024 = arith.constant 16 : index
        %get3A_2025 = tpu.vector_load %arg12[%get3A_2023, %get3A_2024] {strides = array<i32>} : memref<200x128xi32, #tpu.memory_space<vmem>>, vector<16xi32>,
        %bitcast3A_2026 = vector.bitcast %get3A_2025 : vector<16xi32> to vector<32xbf16>
        %get3A_2027 = arith.index_cast %add3A_2013 : i32 to index
        %get3A_2028 = arith.constant 80 : index
        %get3A_2029 = tpu.vector_load %arg13[%get3A_2027, %get3A_2028] {strides = array<i32>} : memref<200x128xi32, #tpu.memory_space<vmem>>, vector<16xi32>,
        %bitcast3A_2030 = vector.bitcast %get3A_2029 : vector<16xi32> to vector<32xbf16>
        %mul3A_2031 = arith.mulf %bitcast3A_2026, %bitcast3A_2030 : vector<32xbf16>
        %add3A_2032 = arith.addf %mul3A_2022, %mul3A_2031 : vector<32xbf16>
        %get3A_2033 = arith.index_cast %add3A_2013 : i32 to index
        %get3A_2034 = arith.constant 32 : index
        %get3A_2035 = tpu.vector_load %arg12[%get3A_2033, %get3A_2034] {strides = array<i32>} : memref<200x128xi32, #tpu.memory_space<vmem>>, vector<16xi32>,
        %bitcast3A_2036 = vector.bitcast %get3A_2035 : vector<16xi32> to vector<32xbf16>
        %get3A_2037 = arith.index_cast %add3A_2013 : i32 to index
        %get3A_2038 = arith.constant 96 : index
        %get3A_2039 = tpu.vector_load %arg13[%get3A_2037, %get3A_2038] {strides = array<i32>} : memref<200x128xi32, #tpu.memory_space<vmem>>, vector<16xi32>,
        %bitcast3A_2040 = vector.bitcast %get3A_2039 : vector<16xi32> to vector<32xbf16>
        %mul3A_2041 = arith.mulf %bitcast3A_2036, %bitcast3A_2040 : vector<32xbf16>
        %add3A_2042 = arith.addf %add3A_2032, %mul3A_2041 : vector<32xbf16>
        %get3A_2043 = arith.index_cast %add3A_2013 : i32 to index
        %get3A_2044 = arith.constant 48 : index
        %get3A_2045 = tpu.vector_load %arg12[%get3A_2043, %get3A_2044] {strides = array<i32>} : memref<200x128xi32, #tpu.memory_space<vmem>>, vector<16xi32>,
        %bitcast3A_2046 = vector.bitcast %get3A_2045 : vector<16xi32> to vector<32xbf16>
        %get3A_2047 = arith.index_cast %add3A_2013 : i32 to index
        %get3A_2048 = arith.constant 112 : index
        %get3A_2049 = tpu.vector_load %arg13[%get3A_2047, %get3A_2048] {strides = array<i32>} : memref<200x128xi32, #tpu.memory_space<vmem>>, vector<16xi32>,
        %bitcast3A_2050 = vector.bitcast %get3A_2049 : vector<16xi32> to vector<32xbf16>
        %mul3A_2051 = arith.mulf %bitcast3A_2046, %bitcast3A_2050 : vector<32xbf16>
        %add3A_2052 = arith.addf %add3A_2042, %mul3A_2051 : vector<32xbf16>
        %unpack3A_2053 = tpu.unpack_subelements %add3A_2052, 0 {pack_format = #tpu.pack_format<interleaved>} : vector<32xbf16> -> vector<16xf32>
        %unpack3A_2054 = tpu.unpack_subelements %add3A_2052, 1 {pack_format = #tpu.pack_format<interleaved>} : vector<32xbf16> -> vector<16xf32>
        %add3A_2055 = arith.addf %unpack3A_2053, %unpack3A_2054 : vector<16xf32>
        %reduce_sum3A_2056 = arith.constant true
        %reduce_sum3A_2057 = vector.broadcast %reduce_sum3A_2056 : i1 to vector<16xi1>
        %reduce_sum3A_2058 = tpu.scan <sum>, %add3A_2055 masked %reduce_sum3A_2057 : vector<16xf32>, vector<16xi1> -> vector<16xf32>
        %reduce_sum3A_2059 = vector.extract %reduce_sum3A_2058[15] : f32 from vector<16xf32>
        %add3A_2060 = arith.constant 200 : i32
        %add3A_2061 = arith.addi %add3A_2060, %add3A_2013 : i32
        %broadcast_in_dim3A_2062 = vector.broadcast %add3A_2061 : i32 to vector<16xi32>
        %broadcast_in_dim3A_2063 = vector.broadcast %reduce_sum3A_2059 : f32 to vector<16xf32>
        tpu.vector_store_idx %arg14[%broadcast_in_dim3A_2062], %broadcast_in_dim3A_2063 masked %eq3A_4 : memref<400xf32, #tpu.memory_space<vmem>>[vector<16xi32>], vector<16xf32>, vector<16xi1>
        %mul3A_2064 = arith.constant 40 : i32
        %mul3A_2065 = arith.muli %scan3A_123, %mul3A_2064 : i32
        %add3A_2066 = arith.constant 36 : i32
        %add3A_2067 = arith.addi %mul3A_2065, %add3A_2066 : i32
        %get3A_2068 = arith.index_cast %add3A_2067 : i32 to index
        %get3A_2069 = arith.constant 0 : index
        %get3A_2070 = tpu.vector_load %arg12[%get3A_2068, %get3A_2069] {strides = array<i32>} : memref<200x128xi32, #tpu.memory_space<vmem>>, vector<16xi32>,
        %bitcast3A_2071 = vector.bitcast %get3A_2070 : vector<16xi32> to vector<32xbf16>
        %get3A_2072 = arith.index_cast %add3A_2067 : i32 to index
        %get3A_2073 = arith.constant 64 : index
        %get3A_2074 = tpu.vector_load %arg13[%get3A_2072, %get3A_2073] {strides = array<i32>} : memref<200x128xi32, #tpu.memory_space<vmem>>, vector<16xi32>,
        %bitcast3A_2075 = vector.bitcast %get3A_2074 : vector<16xi32> to vector<32xbf16>
        %mul3A_2076 = arith.mulf %bitcast3A_2071, %bitcast3A_2075 : vector<32xbf16>
        %get3A_2077 = arith.index_cast %add3A_2067 : i32 to index
        %get3A_2078 = arith.constant 16 : index
        %get3A_2079 = tpu.vector_load %arg12[%get3A_2077, %get3A_2078] {strides = array<i32>} : memref<200x128xi32, #tpu.memory_space<vmem>>, vector<16xi32>,
        %bitcast3A_2080 = vector.bitcast %get3A_2079 : vector<16xi32> to vector<32xbf16>
        %get3A_2081 = arith.index_cast %add3A_2067 : i32 to index
        %get3A_2082 = arith.constant 80 : index
        %get3A_2083 = tpu.vector_load %arg13[%get3A_2081, %get3A_2082] {strides = array<i32>} : memref<200x128xi32, #tpu.memory_space<vmem>>, vector<16xi32>,
        %bitcast3A_2084 = vector.bitcast %get3A_2083 : vector<16xi32> to vector<32xbf16>
        %mul3A_2085 = arith.mulf %bitcast3A_2080, %bitcast3A_2084 : vector<32xbf16>
        %add3A_2086 = arith.addf %mul3A_2076, %mul3A_2085 : vector<32xbf16>
        %get3A_2087 = arith.index_cast %add3A_2067 : i32 to index
        %get3A_2088 = arith.constant 32 : index
        %get3A_2089 = tpu.vector_load %arg12[%get3A_2087, %get3A_2088] {strides = array<i32>} : memref<200x128xi32, #tpu.memory_space<vmem>>, vector<16xi32>,
        %bitcast3A_2090 = vector.bitcast %get3A_2089 : vector<16xi32> to vector<32xbf16>
        %get3A_2091 = arith.index_cast %add3A_2067 : i32 to index
        %get3A_2092 = arith.constant 96 : index
        %get3A_2093 = tpu.vector_load %arg13[%get3A_2091, %get3A_2092] {strides = array<i32>} : memref<200x128xi32, #tpu.memory_space<vmem>>, vector<16xi32>,
        %bitcast3A_2094 = vector.bitcast %get3A_2093 : vector<16xi32> to vector<32xbf16>
        %mul3A_2095 = arith.mulf %bitcast3A_2090, %bitcast3A_2094 : vector<32xbf16>
        %add3A_2096 = arith.addf %add3A_2086, %mul3A_2095 : vector<32xbf16>
        %get3A_2097 = arith.index_cast %add3A_2067 : i32 to index
        %get3A_2098 = arith.constant 48 : index
        %get3A_2099 = tpu.vector_load %arg12[%get3A_2097, %get3A_2098] {strides = array<i32>} : memref<200x128xi32, #tpu.memory_space<vmem>>, vector<16xi32>,
        %bitcast3A_2100 = vector.bitcast %get3A_2099 : vector<16xi32> to vector<32xbf16>
        %get3A_2101 = arith.index_cast %add3A_2067 : i32 to index
        %get3A_2102 = arith.constant 112 : index
        %get3A_2103 = tpu.vector_load %arg13[%get3A_2101, %get3A_2102] {strides = array<i32>} : memref<200x128xi32, #tpu.memory_space<vmem>>, vector<16xi32>,
        %bitcast3A_2104 = vector.bitcast %get3A_2103 : vector<16xi32> to vector<32xbf16>
        %mul3A_2105 = arith.mulf %bitcast3A_2100, %bitcast3A_2104 : vector<32xbf16>
        %add3A_2106 = arith.addf %add3A_2096, %mul3A_2105 : vector<32xbf16>
        %unpack3A_2107 = tpu.unpack_subelements %add3A_2106, 0 {pack_format = #tpu.pack_format<interleaved>} : vector<32xbf16> -> vector<16xf32>
        %unpack3A_2108 = tpu.unpack_subelements %add3A_2106, 1 {pack_format = #tpu.pack_format<interleaved>} : vector<32xbf16> -> vector<16xf32>
        %add3A_2109 = arith.addf %unpack3A_2107, %unpack3A_2108 : vector<16xf32>
        %reduce_sum3A_2110 = arith.constant true
        %reduce_sum3A_2111 = vector.broadcast %reduce_sum3A_2110 : i1 to vector<16xi1>
        %reduce_sum3A_2112 = tpu.scan <sum>, %add3A_2109 masked %reduce_sum3A_2111 : vector<16xf32>, vector<16xi1> -> vector<16xf32>
        %reduce_sum3A_2113 = vector.extract %reduce_sum3A_2112[15] : f32 from vector<16xf32>
        %add3A_2114 = arith.constant 200 : i32
        %add3A_2115 = arith.addi %add3A_2114, %add3A_2067 : i32
        %broadcast_in_dim3A_2116 = vector.broadcast %add3A_2115 : i32 to vector<16xi32>
        %broadcast_in_dim3A_2117 = vector.broadcast %reduce_sum3A_2113 : f32 to vector<16xf32>
        tpu.vector_store_idx %arg14[%broadcast_in_dim3A_2116], %broadcast_in_dim3A_2117 masked %eq3A_4 : memref<400xf32, #tpu.memory_space<vmem>>[vector<16xi32>], vector<16xf32>, vector<16xi1>
        %mul3A_2118 = arith.constant 40 : i32
        %mul3A_2119 = arith.muli %scan3A_123, %mul3A_2118 : i32
        %add3A_2120 = arith.constant 37 : i32
        %add3A_2121 = arith.addi %mul3A_2119, %add3A_2120 : i32
        %get3A_2122 = arith.index_cast %add3A_2121 : i32 to index
        %get3A_2123 = arith.constant 0 : index
        %get3A_2124 = tpu.vector_load %arg12[%get3A_2122, %get3A_2123] {strides = array<i32>} : memref<200x128xi32, #tpu.memory_space<vmem>>, vector<16xi32>,
        %bitcast3A_2125 = vector.bitcast %get3A_2124 : vector<16xi32> to vector<32xbf16>
        %get3A_2126 = arith.index_cast %add3A_2121 : i32 to index
        %get3A_2127 = arith.constant 64 : index
        %get3A_2128 = tpu.vector_load %arg13[%get3A_2126, %get3A_2127] {strides = array<i32>} : memref<200x128xi32, #tpu.memory_space<vmem>>, vector<16xi32>,
        %bitcast3A_2129 = vector.bitcast %get3A_2128 : vector<16xi32> to vector<32xbf16>
        %mul3A_2130 = arith.mulf %bitcast3A_2125, %bitcast3A_2129 : vector<32xbf16>
        %get3A_2131 = arith.index_cast %add3A_2121 : i32 to index
        %get3A_2132 = arith.constant 16 : index
        %get3A_2133 = tpu.vector_load %arg12[%get3A_2131, %get3A_2132] {strides = array<i32>} : memref<200x128xi32, #tpu.memory_space<vmem>>, vector<16xi32>,
        %bitcast3A_2134 = vector.bitcast %get3A_2133 : vector<16xi32> to vector<32xbf16>
        %get3A_2135 = arith.index_cast %add3A_2121 : i32 to index
        %get3A_2136 = arith.constant 80 : index
        %get3A_2137 = tpu.vector_load %arg13[%get3A_2135, %get3A_2136] {strides = array<i32>} : memref<200x128xi32, #tpu.memory_space<vmem>>, vector<16xi32>,
        %bitcast3A_2138 = vector.bitcast %get3A_2137 : vector<16xi32> to vector<32xbf16>
        %mul3A_2139 = arith.mulf %bitcast3A_2134, %bitcast3A_2138 : vector<32xbf16>
        %add3A_2140 = arith.addf %mul3A_2130, %mul3A_2139 : vector<32xbf16>
        %get3A_2141 = arith.index_cast %add3A_2121 : i32 to index
        %get3A_2142 = arith.constant 32 : index
        %get3A_2143 = tpu.vector_load %arg12[%get3A_2141, %get3A_2142] {strides = array<i32>} : memref<200x128xi32, #tpu.memory_space<vmem>>, vector<16xi32>,
        %bitcast3A_2144 = vector.bitcast %get3A_2143 : vector<16xi32> to vector<32xbf16>
        %get3A_2145 = arith.index_cast %add3A_2121 : i32 to index
        %get3A_2146 = arith.constant 96 : index
        %get3A_2147 = tpu.vector_load %arg13[%get3A_2145, %get3A_2146] {strides = array<i32>} : memref<200x128xi32, #tpu.memory_space<vmem>>, vector<16xi32>,
        %bitcast3A_2148 = vector.bitcast %get3A_2147 : vector<16xi32> to vector<32xbf16>
        %mul3A_2149 = arith.mulf %bitcast3A_2144, %bitcast3A_2148 : vector<32xbf16>
        %add3A_2150 = arith.addf %add3A_2140, %mul3A_2149 : vector<32xbf16>
        %get3A_2151 = arith.index_cast %add3A_2121 : i32 to index
        %get3A_2152 = arith.constant 48 : index
        %get3A_2153 = tpu.vector_load %arg12[%get3A_2151, %get3A_2152] {strides = array<i32>} : memref<200x128xi32, #tpu.memory_space<vmem>>, vector<16xi32>,
        %bitcast3A_2154 = vector.bitcast %get3A_2153 : vector<16xi32> to vector<32xbf16>
        %get3A_2155 = arith.index_cast %add3A_2121 : i32 to index
        %get3A_2156 = arith.constant 112 : index
        %get3A_2157 = tpu.vector_load %arg13[%get3A_2155, %get3A_2156] {strides = array<i32>} : memref<200x128xi32, #tpu.memory_space<vmem>>, vector<16xi32>,
        %bitcast3A_2158 = vector.bitcast %get3A_2157 : vector<16xi32> to vector<32xbf16>
        %mul3A_2159 = arith.mulf %bitcast3A_2154, %bitcast3A_2158 : vector<32xbf16>
        %add3A_2160 = arith.addf %add3A_2150, %mul3A_2159 : vector<32xbf16>
        %unpack3A_2161 = tpu.unpack_subelements %add3A_2160, 0 {pack_format = #tpu.pack_format<interleaved>} : vector<32xbf16> -> vector<16xf32>
        %unpack3A_2162 = tpu.unpack_subelements %add3A_2160, 1 {pack_format = #tpu.pack_format<interleaved>} : vector<32xbf16> -> vector<16xf32>
        %add3A_2163 = arith.addf %unpack3A_2161, %unpack3A_2162 : vector<16xf32>
        %reduce_sum3A_2164 = arith.constant true
        %reduce_sum3A_2165 = vector.broadcast %reduce_sum3A_2164 : i1 to vector<16xi1>
        %reduce_sum3A_2166 = tpu.scan <sum>, %add3A_2163 masked %reduce_sum3A_2165 : vector<16xf32>, vector<16xi1> -> vector<16xf32>
        %reduce_sum3A_2167 = vector.extract %reduce_sum3A_2166[15] : f32 from vector<16xf32>
        %add3A_2168 = arith.constant 200 : i32
        %add3A_2169 = arith.addi %add3A_2168, %add3A_2121 : i32
        %broadcast_in_dim3A_2170 = vector.broadcast %add3A_2169 : i32 to vector<16xi32>
        %broadcast_in_dim3A_2171 = vector.broadcast %reduce_sum3A_2167 : f32 to vector<16xf32>
        tpu.vector_store_idx %arg14[%broadcast_in_dim3A_2170], %broadcast_in_dim3A_2171 masked %eq3A_4 : memref<400xf32, #tpu.memory_space<vmem>>[vector<16xi32>], vector<16xf32>, vector<16xi1>
        %mul3A_2172 = arith.constant 40 : i32
        %mul3A_2173 = arith.muli %scan3A_123, %mul3A_2172 : i32
        %add3A_2174 = arith.constant 38 : i32
        %add3A_2175 = arith.addi %mul3A_2173, %add3A_2174 : i32
        %get3A_2176 = arith.index_cast %add3A_2175 : i32 to index
        %get3A_2177 = arith.constant 0 : index
        %get3A_2178 = tpu.vector_load %arg12[%get3A_2176, %get3A_2177] {strides = array<i32>} : memref<200x128xi32, #tpu.memory_space<vmem>>, vector<16xi32>,
        %bitcast3A_2179 = vector.bitcast %get3A_2178 : vector<16xi32> to vector<32xbf16>
        %get3A_2180 = arith.index_cast %add3A_2175 : i32 to index
        %get3A_2181 = arith.constant 64 : index
        %get3A_2182 = tpu.vector_load %arg13[%get3A_2180, %get3A_2181] {strides = array<i32>} : memref<200x128xi32, #tpu.memory_space<vmem>>, vector<16xi32>,
        %bitcast3A_2183 = vector.bitcast %get3A_2182 : vector<16xi32> to vector<32xbf16>
        %mul3A_2184 = arith.mulf %bitcast3A_2179, %bitcast3A_2183 : vector<32xbf16>
        %get3A_2185 = arith.index_cast %add3A_2175 : i32 to index
        %get3A_2186 = arith.constant 16 : index
        %get3A_2187 = tpu.vector_load %arg12[%get3A_2185, %get3A_2186] {strides = array<i32>} : memref<200x128xi32, #tpu.memory_space<vmem>>, vector<16xi32>,
        %bitcast3A_2188 = vector.bitcast %get3A_2187 : vector<16xi32> to vector<32xbf16>
        %get3A_2189 = arith.index_cast %add3A_2175 : i32 to index
        %get3A_2190 = arith.constant 80 : index
        %get3A_2191 = tpu.vector_load %arg13[%get3A_2189, %get3A_2190] {strides = array<i32>} : memref<200x128xi32, #tpu.memory_space<vmem>>, vector<16xi32>,
        %bitcast3A_2192 = vector.bitcast %get3A_2191 : vector<16xi32> to vector<32xbf16>
        %mul3A_2193 = arith.mulf %bitcast3A_2188, %bitcast3A_2192 : vector<32xbf16>
        %add3A_2194 = arith.addf %mul3A_2184, %mul3A_2193 : vector<32xbf16>
        %get3A_2195 = arith.index_cast %add3A_2175 : i32 to index
        %get3A_2196 = arith.constant 32 : index
        %get3A_2197 = tpu.vector_load %arg12[%get3A_2195, %get3A_2196] {strides = array<i32>} : memref<200x128xi32, #tpu.memory_space<vmem>>, vector<16xi32>,
        %bitcast3A_2198 = vector.bitcast %get3A_2197 : vector<16xi32> to vector<32xbf16>
        %get3A_2199 = arith.index_cast %add3A_2175 : i32 to index
        %get3A_2200 = arith.constant 96 : index
        %get3A_2201 = tpu.vector_load %arg13[%get3A_2199, %get3A_2200] {strides = array<i32>} : memref<200x128xi32, #tpu.memory_space<vmem>>, vector<16xi32>,
        %bitcast3A_2202 = vector.bitcast %get3A_2201 : vector<16xi32> to vector<32xbf16>
        %mul3A_2203 = arith.mulf %bitcast3A_2198, %bitcast3A_2202 : vector<32xbf16>
        %add3A_2204 = arith.addf %add3A_2194, %mul3A_2203 : vector<32xbf16>
        %get3A_2205 = arith.index_cast %add3A_2175 : i32 to index
        %get3A_2206 = arith.constant 48 : index
        %get3A_2207 = tpu.vector_load %arg12[%get3A_2205, %get3A_2206] {strides = array<i32>} : memref<200x128xi32, #tpu.memory_space<vmem>>, vector<16xi32>,
        %bitcast3A_2208 = vector.bitcast %get3A_2207 : vector<16xi32> to vector<32xbf16>
        %get3A_2209 = arith.index_cast %add3A_2175 : i32 to index
        %get3A_2210 = arith.constant 112 : index
        %get3A_2211 = tpu.vector_load %arg13[%get3A_2209, %get3A_2210] {strides = array<i32>} : memref<200x128xi32, #tpu.memory_space<vmem>>, vector<16xi32>,
        %bitcast3A_2212 = vector.bitcast %get3A_2211 : vector<16xi32> to vector<32xbf16>
        %mul3A_2213 = arith.mulf %bitcast3A_2208, %bitcast3A_2212 : vector<32xbf16>
        %add3A_2214 = arith.addf %add3A_2204, %mul3A_2213 : vector<32xbf16>
        %unpack3A_2215 = tpu.unpack_subelements %add3A_2214, 0 {pack_format = #tpu.pack_format<interleaved>} : vector<32xbf16> -> vector<16xf32>
        %unpack3A_2216 = tpu.unpack_subelements %add3A_2214, 1 {pack_format = #tpu.pack_format<interleaved>} : vector<32xbf16> -> vector<16xf32>
        %add3A_2217 = arith.addf %unpack3A_2215, %unpack3A_2216 : vector<16xf32>
        %reduce_sum3A_2218 = arith.constant true
        %reduce_sum3A_2219 = vector.broadcast %reduce_sum3A_2218 : i1 to vector<16xi1>
        %reduce_sum3A_2220 = tpu.scan <sum>, %add3A_2217 masked %reduce_sum3A_2219 : vector<16xf32>, vector<16xi1> -> vector<16xf32>
        %reduce_sum3A_2221 = vector.extract %reduce_sum3A_2220[15] : f32 from vector<16xf32>
        %add3A_2222 = arith.constant 200 : i32
        %add3A_2223 = arith.addi %add3A_2222, %add3A_2175 : i32
        %broadcast_in_dim3A_2224 = vector.broadcast %add3A_2223 : i32 to vector<16xi32>
        %broadcast_in_dim3A_2225 = vector.broadcast %reduce_sum3A_2221 : f32 to vector<16xf32>
        tpu.vector_store_idx %arg14[%broadcast_in_dim3A_2224], %broadcast_in_dim3A_2225 masked %eq3A_4 : memref<400xf32, #tpu.memory_space<vmem>>[vector<16xi32>], vector<16xf32>, vector<16xi1>
        %mul3A_2226 = arith.constant 40 : i32
        %mul3A_2227 = arith.muli %scan3A_123, %mul3A_2226 : i32
        %add3A_2228 = arith.constant 39 : i32
        %add3A_2229 = arith.addi %mul3A_2227, %add3A_2228 : i32
        %get3A_2230 = arith.index_cast %add3A_2229 : i32 to index
        %get3A_2231 = arith.constant 0 : index
        %get3A_2232 = tpu.vector_load %arg12[%get3A_2230, %get3A_2231] {strides = array<i32>} : memref<200x128xi32, #tpu.memory_space<vmem>>, vector<16xi32>,
        %bitcast3A_2233 = vector.bitcast %get3A_2232 : vector<16xi32> to vector<32xbf16>
        %get3A_2234 = arith.index_cast %add3A_2229 : i32 to index
        %get3A_2235 = arith.constant 64 : index
        %get3A_2236 = tpu.vector_load %arg13[%get3A_2234, %get3A_2235] {strides = array<i32>} : memref<200x128xi32, #tpu.memory_space<vmem>>, vector<16xi32>,
        %bitcast3A_2237 = vector.bitcast %get3A_2236 : vector<16xi32> to vector<32xbf16>
        %mul3A_2238 = arith.mulf %bitcast3A_2233, %bitcast3A_2237 : vector<32xbf16>
        %get3A_2239 = arith.index_cast %add3A_2229 : i32 to index
        %get3A_2240 = arith.constant 16 : index
        %get3A_2241 = tpu.vector_load %arg12[%get3A_2239, %get3A_2240] {strides = array<i32>} : memref<200x128xi32, #tpu.memory_space<vmem>>, vector<16xi32>,
        %bitcast3A_2242 = vector.bitcast %get3A_2241 : vector<16xi32> to vector<32xbf16>
        %get3A_2243 = arith.index_cast %add3A_2229 : i32 to index
        %get3A_2244 = arith.constant 80 : index
        %get3A_2245 = tpu.vector_load %arg13[%get3A_2243, %get3A_2244] {strides = array<i32>} : memref<200x128xi32, #tpu.memory_space<vmem>>, vector<16xi32>,
        %bitcast3A_2246 = vector.bitcast %get3A_2245 : vector<16xi32> to vector<32xbf16>
        %mul3A_2247 = arith.mulf %bitcast3A_2242, %bitcast3A_2246 : vector<32xbf16>
        %add3A_2248 = arith.addf %mul3A_2238, %mul3A_2247 : vector<32xbf16>
        %get3A_2249 = arith.index_cast %add3A_2229 : i32 to index
        %get3A_2250 = arith.constant 32 : index
        %get3A_2251 = tpu.vector_load %arg12[%get3A_2249, %get3A_2250] {strides = array<i32>} : memref<200x128xi32, #tpu.memory_space<vmem>>, vector<16xi32>,
        %bitcast3A_2252 = vector.bitcast %get3A_2251 : vector<16xi32> to vector<32xbf16>
        %get3A_2253 = arith.index_cast %add3A_2229 : i32 to index
        %get3A_2254 = arith.constant 96 : index
        %get3A_2255 = tpu.vector_load %arg13[%get3A_2253, %get3A_2254] {strides = array<i32>} : memref<200x128xi32, #tpu.memory_space<vmem>>, vector<16xi32>,
        %bitcast3A_2256 = vector.bitcast %get3A_2255 : vector<16xi32> to vector<32xbf16>
        %mul3A_2257 = arith.mulf %bitcast3A_2252, %bitcast3A_2256 : vector<32xbf16>
        %add3A_2258 = arith.addf %add3A_2248, %mul3A_2257 : vector<32xbf16>
        %get3A_2259 = arith.index_cast %add3A_2229 : i32 to index
        %get3A_2260 = arith.constant 48 : index
        %get3A_2261 = tpu.vector_load %arg12[%get3A_2259, %get3A_2260] {strides = array<i32>} : memref<200x128xi32, #tpu.memory_space<vmem>>, vector<16xi32>,
        %bitcast3A_2262 = vector.bitcast %get3A_2261 : vector<16xi32> to vector<32xbf16>
        %get3A_2263 = arith.index_cast %add3A_2229 : i32 to index
        %get3A_2264 = arith.constant 112 : index
        %get3A_2265 = tpu.vector_load %arg13[%get3A_2263, %get3A_2264] {strides = array<i32>} : memref<200x128xi32, #tpu.memory_space<vmem>>, vector<16xi32>,
        %bitcast3A_2266 = vector.bitcast %get3A_2265 : vector<16xi32> to vector<32xbf16>
        %mul3A_2267 = arith.mulf %bitcast3A_2262, %bitcast3A_2266 : vector<32xbf16>
        %add3A_2268 = arith.addf %add3A_2258, %mul3A_2267 : vector<32xbf16>
        %unpack3A_2269 = tpu.unpack_subelements %add3A_2268, 0 {pack_format = #tpu.pack_format<interleaved>} : vector<32xbf16> -> vector<16xf32>
        %unpack3A_2270 = tpu.unpack_subelements %add3A_2268, 1 {pack_format = #tpu.pack_format<interleaved>} : vector<32xbf16> -> vector<16xf32>
        %add3A_2271 = arith.addf %unpack3A_2269, %unpack3A_2270 : vector<16xf32>
        %reduce_sum3A_2272 = arith.constant true
        %reduce_sum3A_2273 = vector.broadcast %reduce_sum3A_2272 : i1 to vector<16xi1>
        %reduce_sum3A_2274 = tpu.scan <sum>, %add3A_2271 masked %reduce_sum3A_2273 : vector<16xf32>, vector<16xi1> -> vector<16xf32>
        %reduce_sum3A_2275 = vector.extract %reduce_sum3A_2274[15] : f32 from vector<16xf32>
        %add3A_2276 = arith.constant 200 : i32
        %add3A_2277 = arith.addi %add3A_2276, %add3A_2229 : i32
        %broadcast_in_dim3A_2278 = vector.broadcast %add3A_2277 : i32 to vector<16xi32>
        %broadcast_in_dim3A_2279 = vector.broadcast %reduce_sum3A_2275 : f32 to vector<16xf32>
        tpu.vector_store_idx %arg14[%broadcast_in_dim3A_2278], %broadcast_in_dim3A_2279 masked %eq3A_4 : memref<400xf32, #tpu.memory_space<vmem>>[vector<16xi32>], vector<16xf32>, vector<16xi1>
        %scan3A_2280 = arith.constant 0 : i32
        scf.yield %scan3A_2280 : i32
      }
      %scan3A_109 = arith.constant 5 : i32
      %add3A_110 = arith.constant 3 : i32
      %add3A_111 = arith.addi %mul3A_60, %add3A_110 : i32
      %lt3A_112 = arith.constant 50 : i32
      %lt3A_113 = arith.cmpi slt, %add3A_111, %lt3A_112 : i32
      %convert_element_type3A_114 = arith.extui %lt3A_113 : i1 to i32
      %cond3A_115 = arith.constant 0 : i32
      %cond3A_116 = arith.cmpi ne, %convert_element_type3A_114, %cond3A_115 : i32
      scf.if %cond3A_116 {
        %add3A_123 = arith.constant 3 : i32
        %add3A_124 = arith.addi %mul3A_60, %add3A_123 : i32
        %mul3A_125 = arith.constant 200 : i32
        %mul3A_126 = arith.muli %add3A_124, %mul3A_125 : i32
        %add3A_127 = arith.addi %mul3A_2, %mul3A_126 : i32
        %dma_wait3A_128 = tpu.memref_slice %arg3[%add3A_127] : memref<320008xi32, #tpu.memory_space<hbm>> -> memref<208xi32, #tpu.memory_space<hbm>>
        %dma_wait3A_129 = tpu.memref_slice %arg3[%add3A_127] : memref<320008xi32, #tpu.memory_space<hbm>> -> memref<208xi32, #tpu.memory_space<hbm>>
        tpu.wait_dma2 semaphore(%arg16 : memref<!tpu.dma_semaphore, #tpu.memory_space<semaphore_mem>>) src(%dma_wait3A_129 : memref<208xi32, #tpu.memory_space<hbm>>) dst(%arg8 : memref<208xi32, #tpu.memory_space<vmem>>)
        %dma_wait3A_130 = tpu.memref_slice %arg4[%add3A_127] : memref<320008xi32, #tpu.memory_space<hbm>> -> memref<208xi32, #tpu.memory_space<hbm>>
        %dma_wait3A_131 = tpu.memref_slice %arg4[%add3A_127] : memref<320008xi32, #tpu.memory_space<hbm>> -> memref<208xi32, #tpu.memory_space<hbm>>
        tpu.wait_dma2 semaphore(%arg16 : memref<!tpu.dma_semaphore, #tpu.memory_space<semaphore_mem>>) src(%dma_wait3A_131 : memref<208xi32, #tpu.memory_space<hbm>>) dst(%arg9 : memref<208xi32, #tpu.memory_space<vmem>>)
        %dma_start3A_132 = arith.constant 0 : i32
        %dma_start3A_133 = tpu.memref_slice %arg8[%dma_start3A_132] : memref<208xi32, #tpu.memory_space<vmem>> -> memref<200xi32, #tpu.memory_space<vmem>>
        %dma_start3A_134 = arith.constant 0 : i32
        %dma_start3A_135 = arith.constant 0 : i32
        %dma_start3A_136 = tpu.memref_slice %arg2[%dma_start3A_134, %dma_start3A_135] : memref<10000x128xi32, #tpu.memory_space<hbm>> -> memref<10000x128xi32, #tpu.memory_space<hbm>>
        tpu.enqueue_indirect_dma source(%dma_start3A_136 : memref<10000x128xi32, #tpu.memory_space<hbm>>) target(%arg12 : memref<200x128xi32, #tpu.memory_space<vmem>>) offsets(%dma_start3A_133 : memref<200xi32, #tpu.memory_space<vmem>>) semaphore(%arg19 : memref<!tpu.dma_semaphore, #tpu.memory_space<semaphore_mem>>)
        %dma_start3A_137 = arith.constant 0 : i32
        %dma_start3A_138 = tpu.memref_slice %arg9[%dma_start3A_137] : memref<208xi32, #tpu.memory_space<vmem>> -> memref<200xi32, #tpu.memory_space<vmem>>
        %dma_start3A_139 = arith.constant 0 : i32
        %dma_start3A_140 = arith.constant 0 : i32
        %dma_start3A_141 = tpu.memref_slice %arg2[%dma_start3A_139, %dma_start3A_140] : memref<10000x128xi32, #tpu.memory_space<hbm>> -> memref<10000x128xi32, #tpu.memory_space<hbm>>
        tpu.enqueue_indirect_dma source(%dma_start3A_141 : memref<10000x128xi32, #tpu.memory_space<hbm>>) target(%arg13 : memref<200x128xi32, #tpu.memory_space<vmem>>) offsets(%dma_start3A_138 : memref<200xi32, #tpu.memory_space<vmem>>) semaphore(%arg20 : memref<!tpu.dma_semaphore, #tpu.memory_space<semaphore_mem>>)
      } else {
      }
      %mul3A_117 = arith.constant 200 : i32
      %mul3A_118 = arith.muli %mul3A_60, %mul3A_117 : i32
      %add3A_119 = arith.addi %mul3A_2, %mul3A_118 : i32
      %dma_start3A_120 = tpu.memref_slice %arg5[%add3A_119] : memref<320000xf32, #tpu.memory_space<hbm>> -> memref<400xf32, #tpu.memory_space<hbm>>
      %dma_start3A_121 = tpu.memref_slice %arg5[%add3A_119] : memref<320000xf32, #tpu.memory_space<hbm>> -> memref<400xf32, #tpu.memory_space<hbm>>
      tpu.enqueue_dma source(%arg14 : memref<400xf32, #tpu.memory_space<vmem>>) target(%dma_start3A_121 : memref<400xf32, #tpu.memory_space<hbm>>) target_semaphore(%arg21 : memref<!tpu.dma_semaphore, #tpu.memory_space<semaphore_mem>>)
      %scan3A_122 = arith.constant 0 : i32
      scf.yield %scan3A_122 : i32
    }
    %scan3A_52 = arith.constant 25 : i32
    %add3A_53 = arith.constant 9600 : i32
    %add3A_54 = arith.addi %mul3A_2, %add3A_53 : i32
    %dma_wait3A_55 = tpu.memref_slice %arg5[%add3A_54] : memref<320000xf32, #tpu.memory_space<hbm>> -> memref<400xf32, #tpu.memory_space<hbm>>
    %dma_wait3A_56 = tpu.memref_slice %arg5[%add3A_54] : memref<320000xf32, #tpu.memory_space<hbm>> -> memref<400xf32, #tpu.memory_space<hbm>>
    tpu.wait_dma2 semaphore(%arg21 : memref<!tpu.dma_semaphore, #tpu.memory_space<semaphore_mem>>) src(%arg14 : memref<400xf32, #tpu.memory_space<vmem>>) dst(%dma_wait3A_56 : memref<400xf32, #tpu.memory_space<hbm>>)
    return
  }
}

</mosaic_0001>

<sc_bundles>
// kernel: kernel.3.cloned.1.call-start
scs
__scs_entry_jumppad:
0x0: {  	(pc) =	sbr.rel $0x88, $3  }
0x1: {  	(tag) =	ssettag $0x0;
	lr =	simm.s32 $0x1  }
0x2: {  	[smem:$0x3F9E] =	sst lr;
	_ =	strace $0xD0000000  }
0x3: {  	_ = 	snop  }
0x4: {  	_ = 	snop  }
0x5: {  	_ = 	snop  }
0x6: {  	_ = 	snop  }
0x7: {  	_ = 	snop  }
__scs_overlays_trampoline_lowered:
0x8: {  	[smem:$0x3FAD] =	sst s0  }
0x9: {  	[smem:$0x3FAE] =	sst s1  }
0xa: {  	[smem:$0x3FAF] =	sst s2  }
0xb: {  	[smem:$0x3FB0] =	sst s3  }
0xc: {  	[smem:$0x3FB1] =	sst s4  }
0xd: {  	[smem:$0x3FB2] =	sst s5  }
0xe: {  	[smem:$0x3FB3] =	sst s6  }
0xf: {  	[smem:$0x3FB4] =	sst s7  }
0x10: {  	[smem:$0x3FB5] =	sst s8  }
0x11: {  	[smem:$0x3FB6] =	sst s9;
	s0 =	simm.s32 @!p0 $0x0  }
0x12: {  	s1 =	sld [smem:$0x3F9C];
	s0 =	simm.s32 @p0 $0x1  }
0x13: {  	[smem:$0x3FB7] =	sst s0;
	s0 =	simm.s32 @!p1 $0x0  }
0x14: {  	s2 =	sld [smem:$0x3F9B];
	s0 =	simm.s32 @p1 $0x1  }
0x15: {  	[smem:$0x3FB8] =	sst s0;
	s0 =	simm.s32 @!p2 $0x0  }
0x16: {  	s3 =	sld [smem:$0x3FDB];
	s0 =	simm.s32 @p2 $0x1  }
0x17: {  	s4 =	simm.s32 $0x1BF5;
	[smem:$0x3FBA] =	sst s0  }
0x18: {  	s0 =	sld [smem:$0x3F9D];
	_ =	swait.ge [sflag:s4], $0x0  }
0x19: {  	s7 =	sld [smem:$0x3F9E]  }
0x1a: {  	s8 =	sadd.s32 $0xFFFFE003, lr  }
0x1b: {  	s9 =	sadd.s32 $0xFFFFFEF7, lr;
	s5 =	simm.s32 $0xFFFFFFFF;
	p2 =	slt.u32 s8, $0xFFFFF086  }
0x1c: {  	p1 =	slt.u32 s9, $0xF7A;
	s5 =	simm.s32 @!p2 $0x0  }
0x1d: {  	s5 =	simm.s32 @p1 $0x1;
	p0 =	seq.s32 s7, s2  }
0x1e: {  	s7 =	smul.u32 @!p0 $0xF7A, s2;
	p2 =	seq.s32 @!p0 s5, $0x0  }
0x1f: {  	s9 =	smul.u32 $0xF7A, s1;
	s8 =	simm.s32 @!p0 $0x1BF5;
	p2 =	por !p2, p0  }
0x20: {  	[sflag:s8] =	ssyncset.s32 @!p0 $0xFFFFF086;
	s6 =	sadd.s32 @!p0 s3, s7;
	s7 =	simm.s32 @!p0 $0x108  }
0x21: {  	s3 =	sadd.s32 s3, s9;
	s6 =	sadd.s32 @!p0 $0x88, s6;
	s7 =	simm.s32 @p2 $0x1082  }
0x22: {  	[simem:s7], [sflag:s8] =	dma.local @!p0 [hbm:s6], $0xF7A  }
0x23: {  	s9 =	sor.u32 $0xD0000000, s2;
	s6 =	simm.s32 $0x108;
	_ =	swait.ge @!p0 [sflag:s8], $0x0  }
0x24: {  	s3 =	sadd.s32 $0x88, s3;
	s6 =	simm.s32 @!p1 $0x1082;
	[sflag:s4] =	ssyncset.s32 $0xFFFFF086  }
0x25: {  	[simem:s6], [sflag:s4] =	dma.local [hbm:s3], $0xF7A  }
0x26: {  	[smem:$0x3F9E] =	sst s1;
	(tag) =	ssettag s2;
	_ =	strace s9  }
0x27: {  	s1 =	sld [smem:$0x3FAE]  }
0x28: {  	s2 =	sld [smem:$0x3FAF]  }
0x29: {  	s4 =	sld [smem:$0x3FB1]  }
0x2a: {  	p0 =	seq.s32 s5, $0x0;
	s5 =	sld [smem:$0x3FB2]  }
0x2b: {  	s6 =	sld [smem:$0x3FB3]  }
0x2c: {  	s7 =	sld [smem:$0x3FB4]  }
0x2d: {  	s3 =	simm.s32 $0x108;
	s8 =	sld [smem:$0x3FB5]  }
0x2e: {  	s3 =	simm.s32 @!p0 $0x1082;
	s9 =	sld [smem:$0x3FB6]  }
0x2f: {  	lr =	sadd.s32 s0, s3;
	s0 =	sld [smem:$0x3FAD]  }
0x30: {  	s3 =	sld [smem:$0x3FB0]  }
0x31: {  	[smem:$0x3FB9] =	sst s10  }
0x32: {  	s10 =	sld [smem:$0x3FB7];
	_ =	sdelay $0x3  }
0x33: {  	p0 =	seq.s32 s10, $0x1;
	s10 =	sld [smem:$0x3FB9];
	_ =	sdelay $0x3  }
0x34: {  	[smem:$0x3FB9] =	sst s10  }
0x35: {  	s10 =	sld [smem:$0x3FB8];
	_ =	sdelay $0x3  }
0x36: {  	p1 =	seq.s32 s10, $0x1;
	s10 =	sld [smem:$0x3FB9];
	_ =	sdelay $0x3  }
0x37: {  	[smem:$0x3FB9] =	sst s10  }
0x38: {  	s10 =	sld [smem:$0x3FBA]  }
0x39: {  	_ = 	snop;
	(pc) =	sbr.ind lr, $3  }
0x3a: {  	_ = 	snop  }
0x3b: {  	_ = 	snop  }
0x3c: {  	p2 =	seq.s32 s10, $0x1;
	s10 =	sld [smem:$0x3FB9]  }
0x3d: {  	_ =	shalt  }
0x3e: {  	_ =	shalt  }
0x3f: {  	_ =	shalt  }
0x40: {  	_ =	shalt  }
0x41: {  	_ =	shalt  }
0x42: {  	_ =	shalt  }
0x43: {  	_ =	shalt  }
0x44: {  	_ =	shalt  }
0x45: {  	_ =	shalt  }
0x46: {  	_ =	shalt  }
0x47: {  	_ =	shalt  }
0x48: {  	_ =	shalt  }
0x49: {  	_ =	shalt  }
0x4a: {  	_ =	shalt  }
0x4b: {  	_ =	shalt  }
0x4c: {  	_ =	shalt  }
0x4d: {  	_ =	shalt  }
0x4e: {  	_ =	shalt  }
0x4f: {  	_ =	shalt  }
0x50: {  	_ =	shalt  }
0x51: {  	_ =	shalt  }
0x52: {  	_ =	shalt  }
0x53: {  	_ =	shalt  }
0x54: {  	_ =	shalt  }
0x55: {  	_ =	shalt  }
0x56: {  	_ =	shalt  }
0x57: {  	_ =	shalt  }
0x58: {  	_ =	shalt  }
0x59: {  	_ =	shalt  }
0x5a: {  	_ =	shalt  }
0x5b: {  	_ =	shalt  }
0x5c: {  	_ =	shalt  }
0x5d: {  	_ =	shalt  }
0x5e: {  	_ =	shalt  }
0x5f: {  	_ =	shalt  }
0x60: {  	_ =	shalt  }
0x61: {  	_ =	shalt  }
0x62: {  	_ =	shalt  }
0x63: {  	_ =	shalt  }
0x64: {  	_ =	shalt  }
0x65: {  	_ =	shalt  }
0x66: {  	_ =	shalt  }
0x67: {  	_ =	shalt  }
0x68: {  	_ =	shalt  }
0x69: {  	_ =	shalt  }
0x6a: {  	_ =	shalt  }
0x6b: {  	_ =	shalt  }
0x6c: {  	_ =	shalt  }
0x6d: {  	_ =	shalt  }
0x6e: {  	_ =	shalt  }
0x6f: {  	_ =	shalt  }
0x70: {  	_ =	shalt  }
0x71: {  	_ =	shalt  }
0x72: {  	_ =	shalt  }
0x73: {  	_ =	shalt  }
0x74: {  	_ =	shalt  }
0x75: {  	_ =	shalt  }
0x76: {  	_ =	shalt  }
0x77: {  	_ =	shalt  }
0x78: {  	_ =	shalt  }
0x79: {  	_ =	shalt  }
0x7a: {  	_ =	shalt  }
0x7b: {  	_ =	shalt  }
0x7c: {  	_ =	shalt  }
0x7d: {  	_ =	shalt  }
0x7e: {  	_ =	shalt  }
0x7f: {  	_ =	shalt  }
0x80: {  	_ =	shalt  }
0x81: {  	_ =	shalt  }
0x82: {  	_ =	shalt  }
0x83: {  	_ =	shalt  }
0x84: {  	_ =	shalt  }
0x85: {  	_ =	shalt  }
0x86: {  	_ =	shalt  }
0x87: {  	_ =	shalt  }
.Lfunc_end0:
.L_simem_size_0:
called_computation_lowered:
.L_overlay_start_0:
0x88: {  	s2 =	sld [smem:$0x3FD9]  }
0x89: {  	s3 =	sld [smem:$0x3FFE];
	_ =	sdelay $0x1  }
0x8a: {  	s1 =	srdreg.scid  }
0x8b: {  	s0 =	sand.u32 $0x1, s1  }
0x8c: {  	s17 =	sshll.u32 s0, $0xA;
	s2 =	sadd.s32 s3, s2  }
0x8d: {  	s2 =	sadd.s32 s2, s17  }
0x8e: {  	[smem:$0x3FC5] =	sst s2  }
0x8f: {  	_ = 	snop  }
0x90: {  	s2 =	sld [smem:$0x3FD0];
	(tm) =	ssettm $0x1  }
0x91: {  	s18 =	sld [smem:$0x3FFB];
	_ =	sdelay $0x3  }
0x92: {  	_ =	strace s18  }
0x93: {  	s3 =	sld [smem:$0x3FFC];
	_ =	sdelay $0x3  }
0x94: {  	_ =	strace s3  }
0x95: {  	s3 =	sld [smem:$0x3FFD];
	_ =	sdelay $0x3  }
0x96: {  	_ =	strace s3  }
0x97: {  	_ =	strace $0x8FFFFFFF  }
0x98: {  	s19 =	sld [smem:$0x3FDB];
	_ =	sdelay $0x1  }
0x99: {  	s4 =	simm.s32 $_scs_section_size  }
0x9a: {  	s5 =	simm.s32 $_size__tile_overlayer_lowered;
	s6 =	simm.s32 $_tile_overlayer_lowered  }
0x9b: {  	s22 =	simm.s32 $0x1BFF;
	s21 =	sshll.u32 s6, $0x1;
	s3 =	sadd.s32 s4, s19  }
0x9c: {  	s7 =	simm.s32 $0x0;
	s20 =	sshll.u32 s5, $0x1;
	s5 =	sadd.s32 s21, s3  }
0x9d: {  	[timem:s7], [sflag:s22] =	dma.local [hbm:s5], s20  }
0x9e: {  	_ =	swait.ge [sflag:s22], s20  }
0x9f: {  	s4 =	ssub.s32 $0x0, s20;
	[sflag:s22] =	ssyncset.done $0x0  }
0xa0: {  	[sflag:s22] =	ssyncadd.s32 s4;
	_ =	sdelay $0x1  }
0xa1: {  	s23 =	simm.s32 $0x1B8B  }
0xa2: {  	_ =	swait.ge [sflag:s23], $0x1  }
0xa3: {  	[sflag:s23] =	ssyncset.done $0x0  }
0xa4: {  	s25 =	simm.s32 $0x1B8E;
	s24 =	sld [smem:$0x3FFE];
	[sflag:s23] =	ssyncadd.s32 $0xFFFFFFFF  }
0xa5: {  	s26 =	simm.s32 $execute0_lowered;
	[smem:$0x3FD2] =	sst s25  }
0xa6: {  	s5 =	sshll.u32 s26, $0x1;
	_ =	strace $0x80000046;
	[dreg:$0x1] =	wrdreg $0xFFFFFFFF  }
0xa7: {  	s28 =	simm.s32 $_size_execute0_lowered;
	s3 =	sadd.s32 s3, s5;
	[dreg:$0x0] =	wrdreg $0x0  }
0xa8: {  	s5 =	sshll.u32 s28, $0x1;
	[dreg:$0x2] =	wrdreg s3  }
0xa9: {  	[dreg:$0x3] =	wrdreg s5  }
0xaa: {  	[dreg:$0x4] =	wrdreg $0xC0  }
0xab: {  	_ =	task [dreg:s7], $0x5FFFF  }
0xac: {  	[dreg:$0x1] =	wrdreg $0xFFFFFFFF  }
0xad: {  	[dreg:$0x0] =	wrdreg $0x60  }
0xae: {  	[dreg:$0x2] =	wrdreg s24  }
0xaf: {  	[dreg:$0x3] =	wrdreg s2  }
0xb0: {  	[dreg:$0x4] =	wrdreg $0x9  }
0xb1: {  	_ =	task.clear_ibuf [dreg:s7], $0x5FFFF;
	_ =	strace $0x90000046  }
0xb2: {  	s29 =	simm.s32 $0x9;
	_ =	strace $0x80000048  }
0xb3: {  	_ =	swait.ge [sflag:s29], $0x1  }
0xb4: {  	[sflag:s29] =	ssyncadd.s32 $0xFFFFFFFF  }
0xb5: {  	_ =	strace $0x90000048  }
0xb6: {  	_ =	sfence  }
0xb7: {  	s30 =	sld [smem:$0x0];
	_ =	sdelay $0x2  }
0xb8: {  	s31 =	sshll.u32 s1, $0xD;
	s1 =	sshrl.u32 s1, $0x2  }
0xb9: {  	s3 =	sand.u32 $0x4000, s31;
	s1 =	sadd.s32 s1, s30  }
0xba: {  	s0 =	sor.u32 s3, s0;
	s1 =	sshll.u32 s1, $0x11  }
0xbb: {  	s0 =	sor.u32 s1, s0  }
0xbc: {  	s0 =	sadd.s32 $0x8F2B, s0  }
0xbd: {  	[sflag:s0] =	ssyncadd.remote.s32 $0x1  }
0xbe: {  	_ =	sfence.sel $0xFFFF  }
0xbf: {  	[dreg:$0x0] =	wrdreg $0xFFFFFFFF;
	(pc) =	sbr.abs _section_cstart, $3  }
0xc0: {  	[dreg:$0x1] =	wrdreg $0xFFFFFFFF  }
0xc1: {  	_ =	task.clear_ibuf [dreg:s7], $0x2FFFF;
	_ =	strace $0x9FFFFFFF  }
0xc2: {  	(tm) =	ssettm $0x7FFFFFFF  }
0xc3: {  	_ =	shalt  }
tec
execute0_lowered:
.L_overlay_start_1:
0x0: {  	(tag) =	ssettag $0x1  }
0x1: {  	s2 =	rddreg [dreg:$0x0];
	s0 =	srdreg.scid  }
0x2: {  	s1 =	stileid.u32;
	s3 =	rddreg [dreg:$0x1];
	s4 =	simm.s32 $0x0  }
0x3: {  	s16 =	simm.s32 $0x200;
	s17 =	simm.s32 $0x300;
	s18 =	simm.s32 $0x1  }
0x4: {  	s19 =	simm.s32 $0xC8;
	s22 =	simm.s32 $0x2;
	s28 =	simm.s32 $0x19400  }
0x5: {  	s29 =	simm.s32 $0x5;
	s30 =	simm.s32 $0x6;
	s31 =	simm.s32 $0x7  }
0x6: {  	s0 =	sand.u32 $0x1, s0;
	s1 =	sshll.u32 s1, $0x1;
	[smem:$0x7FF] =	sst s4  }
0x7: {  	s6 =	sadd.s32 $0x13C00, s2;
	s1 =	sor.u32 s0, s1;
	s0 =	ssub.s32 $0x2, s0  }
0x8: {  	s7 =	sadd.s32 $0x9E00, s2;
	s5 =	smul.u32 $0x2710, s1;
	s25 =	sshrl.u32 s0, $0x1  }
0x9: {  	_ =	strace $0x80000047;
	s1 =	simm.s32 $0x0;
	s0 =	ssub.s32 s0, s25  }
0xa: {  	s25 =	simm.s32 $0x3;
	s8 =	sadd.s32 $0xC8, s5;
	s26 =	sshrl.u32 s5, $0x3  }
0xb: {  	s12 =	sadd.s32 $0x190, s5;
	s13 =	sadd.s32 $0x258, s5;
	s14 =	smax.u32 s0, $0x1  }
0xc: {  	s11 =	sshrl.u32 s8, $0x3;
	s8 =	sadd.s32 s7, s26;
	s9 =	sadd.s32 s2, s26  }
0xd: {  	s26 =	simm.s32 $0x4;
	s10 =	sadd.s32 s7, s11;
	s11 =	sadd.s32 s2, s11  }
.LBB2_1:
0xe: {  	[tilespmem:s4], [sflag:$0x1] =	stream.linear.gather [hbm4b:s8+s4], $0xD0, $0x38;
	[tilespmem:$0x19600] =	vst v63  }
0xf: {  	s0 =	simm.s32 $0x100  }
0x10: {  	[tilespmem:s0], [sflag:$0x1] =	stream.linear.gather [hbm4b:s9+s4], $0xD0, $0x38;
	[tilespmem:$0x19600] =	vst v63  }
0x11: {  	_ = 	snop  }
0x12: {  	[tilespmem:s16], [sflag:$0x2] =	stream.linear.gather [hbm4b:s10+s4], $0xD0, $0x38;
	[tilespmem:$0x19600] =	vst v63  }
0x13: {  	_ = 	snop  }
0x14: {  	[tilespmem:s17], [sflag:$0x2] =	stream.linear.gather [hbm4b:s11+s4], $0xD0, $0x38;
	[tilespmem:$0x19600] =	vst v63  }
0x15: {  	_ =	swait.ge [sflag:s18], $0xD0  }
0x16: {  	[sflag:s18] =	ssyncset.done $0x0  }
0x17: {  	[sflag:s18] =	ssyncadd.s32 $0xFFFFFF30  }
0x18: {  	_ =	swait.ge [sflag:s18], $0xD0  }
0x19: {  	[sflag:s18] =	ssyncset.done $0x0  }
0x1a: {  	s15 =	simm.s32 $0x400;
	[sflag:s18] =	ssyncadd.s32 $0xFFFFFF30  }
0x1b: {  	[tilespmem:s15], [sflag:$0x3] =	stream.indirect.gather [hbm4b:s6+s19], $0x80, s4, s19, $0xb8;
	[tilespmem:$0x19600] =	vst v63  }
0x1c: {  	s21 =	simm.s32 $0x6800  }
0x1d: {  	[tilespmem:s21], [sflag:$0x4] =	stream.indirect.gather [hbm4b:s6+s19], $0x80, s0, s19, $0xb8;
	[tilespmem:$0x19600] =	vst v63  }
0x1e: {  	_ =	swait.ge [sflag:s22], $0xD0  }
0x1f: {  	[sflag:s22] =	ssyncset.done $0x0  }
0x20: {  	[sflag:s22] =	ssyncadd.s32 $0xFFFFFF30  }
0x21: {  	_ =	swait.ge [sflag:s22], $0xD0  }
0x22: {  	[sflag:s22] =	ssyncset.done $0x0  }
0x23: {  	s23 =	simm.s32 $0xCC00;
	[sflag:s22] =	ssyncadd.s32 $0xFFFFFF30  }
0x24: {  	[tilespmem:s23], [sflag:$0x5] =	stream.indirect.gather [hbm4b:s6+s19], $0x80, s16, s19, $0xb8;
	[tilespmem:$0x19600] =	vst v63  }
0x25: {  	s24 =	simm.s32 $0x13000;
	s0 =	simm.s32 $0x0  }
0x26: {  	[tilespmem:s24], [sflag:$0x6] =	stream.indirect.gather [hbm4b:s6+s19], $0x80, s17, s19, $0xb8;
	[tilespmem:$0x19600] =	vst v63  }
.LBB2_2:
0x27: {  	_ =	swait.ge [sflag:s25], $0x6400;
	p0 =	seq.s32 s0, $0x18  }
0x28: {  	[sflag:s25] =	ssyncset.done $0x0;
	s20 =	smul.u32 @!p0 $0x190, s0  }
0x29: {  	[sflag:s25] =	ssyncadd.s32 $0xFFFF9C00  }
0x2a: {  	_ =	swait.ge [sflag:s26], $0x6400;
	s21 =	sadd.s32 @!p0 s20, s12  }
0x2b: {  	s24 =	simm.s32 @!p0 $0x0;
	[sflag:s26] =	ssyncset.done $0x0;
	s21 =	sshrl.u32 @!p0 s21, $0x3  }
0x2c: {  	p1 =	seq.s32 @!p0 s0, $0x0;
	[sflag:s26] =	ssyncadd.s32 $0xFFFF9C00;
	s23 =	sadd.s32 @!p0 s7, s21  }
0x2d: {  	[tilespmem:s24], [sflag:$0x1] =	stream.linear.gather @!p0 [hbm4b:s23+s24], $0xD0, $0x38;
	[tilespmem:$0x19600] =	vst v63  }
0x2e: {  	p1 =	por p0, !p1;
	s21 =	sadd.s32 @!p0 s2, s21;
	s23 =	simm.s32 @!p0 $0x100  }
0x2f: {  	[tilespmem:s23], [sflag:$0x1] =	stream.linear.gather @!p0 [hbm4b:s21+s24], $0xD0, $0x38;
	[tilespmem:$0x19600] =	vst v63  }
0x30: {  	_ =	swait.ge @p1 [sflag:s31], $0x190  }
0x31: {  	[sflag:s31] =	ssyncset.done @p1 $0x0  }
0x32: {  	s21 =	simm.s32 $0x0;
	[sflag:s31] =	ssyncadd.s32 @p1 $0xFFFFFE70  }
.LBB2_3:
0x33: {  	s23 =	smul.u32 $0x1400, s21;
	_ =	sdelay $0x1  }
0x34: {  	v0 =	vld [tilespmem:s23+$0x400]  }
0x35: {  	v1 =	vld [tilespmem:s23+$0x6840]  }
0x36: {  	v2 =	vld [tilespmem:s23+$0x410]  }
0x37: {  	v3 =	vld [tilespmem:s23+$0x6850]  }
0x38: {  	v4 =	vld [tilespmem:s23+$0x420]  }
0x39: {  	v5 =	vld [tilespmem:s23+$0x6860]  }
0x3a: {  	v6 =	vld [tilespmem:s23+$0x430]  }
0x3b: {  	v7 =	vld [tilespmem:s23+$0x6870]  }
0x3c: {  	v0 =	vmul.bf16 v1, v0;
	v20 =	vmul.bf16 v3, v2;
	_ =	sdelay $0x1  }
0x3d: {  	v21 =	vmul.bf16 v5, v4;
	v0 =	vadd.bf16 v20, v0;
	_ =	sdelay $0x1  }
0x3e: {  	v22 =	vmul.bf16 v7, v6;
	v0 =	vadd.bf16 v21, v0;
	_ =	sdelay $0x1  }
0x3f: {  	v0 =	vadd.bf16 v22, v0;
	_ =	sdelay $0x1  }
0x40: {  	v1 =	vunpack.i.u.bf16.f32 v0;
	v0 =	vunpack.i.l.bf16.f32 v0  }
0x41: {  	v0 =	vadd.f32 v0, v1;
	_ =	sdelay $0x1  }
0x42: {  	(xrf2) =	vadd.scan.msk.f32 $0xffff, v0;
	_ =	sdelay $0x3  }
0x43: {  	s23 =	smul.u32 $0x28, s21;
	_ =	sdelay $0x1  }
0x44: {  	v23 =	vmov s23  }
0x45: {  	v0 =	vbroadcast v23, $0x0;
	_ =	sdelay $0x2  }
0x46: {  	v24, _, _ =	vpop (xrf2)  }
0x47: {  	v1 =	vbroadcast v24, $0xF  }
0x48: {  	s24 =	sor.u32 $0x1, s23  }
0x49: {  	s15 =	sshll.u32 s24, $0x7;
	[tilespmem:v0+s28+$0x0] =	vst.idx.msk $0x1, v1  }
0x4a: {  	v0 =	vld [tilespmem:s15+$0x400]  }
0x4b: {  	v1 =	vld [tilespmem:s15+$0x6840]  }
0x4c: {  	v25 =	vld [tilespmem:s15+$0x410]  }
0x4d: {  	v26 =	vld [tilespmem:s15+$0x6850]  }
0x4e: {  	v27 =	vld [tilespmem:s15+$0x420]  }
0x4f: {  	v28 =	vld [tilespmem:s15+$0x6860]  }
0x50: {  	v29 =	vld [tilespmem:s15+$0x430]  }
0x51: {  	v30 =	vld [tilespmem:s15+$0x6870]  }
0x52: {  	v0 =	vmul.bf16 v1, v0;
	v31 =	vmul.bf16 v26, v25;
	_ =	sdelay $0x1  }
0x53: {  	v32 =	vmul.bf16 v28, v27;
	v0 =	vadd.bf16 v31, v0;
	_ =	sdelay $0x1  }
0x54: {  	v33 =	vmul.bf16 v30, v29;
	v0 =	vadd.bf16 v32, v0;
	_ =	sdelay $0x1  }
0x55: {  	v0 =	vadd.bf16 v33, v0;
	_ =	sdelay $0x1  }
0x56: {  	v1 =	vunpack.i.u.bf16.f32 v0;
	v0 =	vunpack.i.l.bf16.f32 v0  }
0x57: {  	v0 =	vadd.f32 v0, v1;
	_ =	sdelay $0x1  }
0x58: {  	(xrf2) =	vadd.scan.msk.f32 $0xffff, v0;
	_ =	sdelay $0x5  }
0x59: {  	v34 =	vmov s24  }
0x5a: {  	v0 =	vbroadcast v34, $0x0;
	_ =	sdelay $0x2  }
0x5b: {  	v35, _, _ =	vpop (xrf2)  }
0x5c: {  	v1 =	vbroadcast v35, $0xF  }
0x5d: {  	s15 =	sor.u32 $0x2, s23  }
0x5e: {  	s24 =	sshll.u32 s15, $0x7;
	[tilespmem:v0+s28+$0x0] =	vst.idx.msk $0x1, v1  }
0x5f: {  	v0 =	vld [tilespmem:s24+$0x400]  }
0x60: {  	v1 =	vld [tilespmem:s24+$0x6840]  }
0x61: {  	v36 =	vld [tilespmem:s24+$0x410]  }
0x62: {  	v37 =	vld [tilespmem:s24+$0x6850]  }
0x63: {  	v38 =	vld [tilespmem:s24+$0x420]  }
0x64: {  	v39 =	vld [tilespmem:s24+$0x6860]  }
0x65: {  	v40 =	vld [tilespmem:s24+$0x430]  }
0x66: {  	v41 =	vld [tilespmem:s24+$0x6870]  }
0x67: {  	v0 =	vmul.bf16 v1, v0;
	v42 =	vmul.bf16 v37, v36;
	_ =	sdelay $0x1  }
0x68: {  	v43 =	vmul.bf16 v39, v38;
	v0 =	vadd.bf16 v42, v0;
	_ =	sdelay $0x1  }
0x69: {  	v44 =	vmul.bf16 v41, v40;
	v0 =	vadd.bf16 v43, v0;
	_ =	sdelay $0x1  }
0x6a: {  	v0 =	vadd.bf16 v44, v0;
	_ =	sdelay $0x1  }
0x6b: {  	v1 =	vunpack.i.u.bf16.f32 v0;
	v0 =	vunpack.i.l.bf16.f32 v0  }
0x6c: {  	v0 =	vadd.f32 v0, v1;
	_ =	sdelay $0x1  }
0x6d: {  	(xrf2) =	vadd.scan.msk.f32 $0xffff, v0;
	_ =	sdelay $0x5  }
0x6e: {  	v45 =	vmov s15  }
0x6f: {  	v0 =	vbroadcast v45, $0x0;
	_ =	sdelay $0x2  }
0x70: {  	v46, _, _ =	vpop (xrf2)  }
0x71: {  	v1 =	vbroadcast v46, $0xF  }
0x72: {  	s15 =	sor.u32 $0x3, s23  }
0x73: {  	s24 =	sshll.u32 s15, $0x7;
	[tilespmem:v0+s28+$0x0] =	vst.idx.msk $0x1, v1  }
0x74: {  	v0 =	vld [tilespmem:s24+$0x400]  }
0x75: {  	v1 =	vld [tilespmem:s24+$0x6840]  }
0x76: {  	v47 =	vld [tilespmem:s24+$0x410]  }
0x77: {  	v48 =	vld [tilespmem:s24+$0x6850]  }
0x78: {  	v49 =	vld [tilespmem:s24+$0x420]  }
0x79: {  	v50 =	vld [tilespmem:s24+$0x6860]  }
0x7a: {  	v51 =	vld [tilespmem:s24+$0x430]  }
0x7b: {  	v52 =	vld [tilespmem:s24+$0x6870]  }
0x7c: {  	v0 =	vmul.bf16 v1, v0;
	v53 =	vmul.bf16 v48, v47;
	_ =	sdelay $0x1  }
0x7d: {  	v54 =	vmul.bf16 v50, v49;
	v0 =	vadd.bf16 v53, v0;
	_ =	sdelay $0x1  }
0x7e: {  	v55 =	vmul.bf16 v52, v51;
	v0 =	vadd.bf16 v54, v0;
	_ =	sdelay $0x1  }
0x7f: {  	v0 =	vadd.bf16 v55, v0;
	_ =	sdelay $0x1  }
0x80: {  	v1 =	vunpack.i.u.bf16.f32 v0;
	v0 =	vunpack.i.l.bf16.f32 v0  }
0x81: {  	v0 =	vadd.f32 v0, v1;
	_ =	sdelay $0x1  }
0x82: {  	(xrf2) =	vadd.scan.msk.f32 $0xffff, v0;
	_ =	sdelay $0x5  }
0x83: {  	v56 =	vmov s15  }
0x84: {  	v0 =	vbroadcast v56, $0x0;
	_ =	sdelay $0x2  }
0x85: {  	v57, _, _ =	vpop (xrf2)  }
0x86: {  	v1 =	vbroadcast v57, $0xF  }
0x87: {  	s15 =	sor.u32 $0x4, s23  }
0x88: {  	s24 =	sshll.u32 s15, $0x7;
	[tilespmem:v0+s28+$0x0] =	vst.idx.msk $0x1, v1  }
0x89: {  	v0 =	vld [tilespmem:s24+$0x400]  }
0x8a: {  	v1 =	vld [tilespmem:s24+$0x6840]  }
0x8b: {  	v58 =	vld [tilespmem:s24+$0x410]  }
0x8c: {  	v59 =	vld [tilespmem:s24+$0x6850]  }
0x8d: {  	v60 =	vld [tilespmem:s24+$0x420]  }
0x8e: {  	v61 =	vld [tilespmem:s24+$0x6860]  }
0x8f: {  	v62 =	vld [tilespmem:s24+$0x430]  }
0x90: {  	v63 =	vld [tilespmem:s24+$0x6870]  }
0x91: {  	v0 =	vmul.bf16 v1, v0;
	v9 =	vmul.bf16 v59, v58;
	_ =	sdelay $0x1  }
0x92: {  	v10 =	vmul.bf16 v61, v60;
	v0 =	vadd.bf16 v9, v0;
	_ =	sdelay $0x1  }
0x93: {  	v11 =	vmul.bf16 v63, v62;
	v0 =	vadd.bf16 v10, v0;
	_ =	sdelay $0x1  }
0x94: {  	v0 =	vadd.bf16 v11, v0;
	_ =	sdelay $0x1  }
0x95: {  	v1 =	vunpack.i.u.bf16.f32 v0;
	v0 =	vunpack.i.l.bf16.f32 v0  }
0x96: {  	v0 =	vadd.f32 v0, v1;
	_ =	sdelay $0x1  }
0x97: {  	(xrf2) =	vadd.scan.msk.f32 $0xffff, v0;
	_ =	sdelay $0x5  }
0x98: {  	v12 =	vmov s15  }
0x99: {  	v0 =	vbroadcast v12, $0x0;
	_ =	sdelay $0x2  }
0x9a: {  	v13, _, _ =	vpop (xrf2)  }
0x9b: {  	v1 =	vbroadcast v13, $0xF  }
0x9c: {  	s15 =	sor.u32 $0x5, s23  }
0x9d: {  	s24 =	sshll.u32 s15, $0x7;
	[tilespmem:v0+s28+$0x0] =	vst.idx.msk $0x1, v1  }
0x9e: {  	v0 =	vld [tilespmem:s24+$0x400]  }
0x9f: {  	v1 =	vld [tilespmem:s24+$0x6840]  }
0xa0: {  	v14 =	vld [tilespmem:s24+$0x410]  }
0xa1: {  	v15 =	vld [tilespmem:s24+$0x6850]  }
0xa2: {  	v16 =	vld [tilespmem:s24+$0x420]  }
0xa3: {  	v17 =	vld [tilespmem:s24+$0x6860]  }
0xa4: {  	v18 =	vld [tilespmem:s24+$0x430]  }
0xa5: {  	v19 =	vld [tilespmem:s24+$0x6870]  }
0xa6: {  	v0 =	vmul.bf16 v1, v0;
	v20 =	vmul.bf16 v15, v14;
	_ =	sdelay $0x1  }
0xa7: {  	v21 =	vmul.bf16 v17, v16;
	v0 =	vadd.bf16 v20, v0;
	_ =	sdelay $0x1  }
0xa8: {  	v22 =	vmul.bf16 v19, v18;
	v0 =	vadd.bf16 v21, v0;
	_ =	sdelay $0x1  }
0xa9: {  	v0 =	vadd.bf16 v22, v0;
	_ =	sdelay $0x1  }
0xaa: {  	v1 =	vunpack.i.u.bf16.f32 v0;
	v0 =	vunpack.i.l.bf16.f32 v0  }
0xab: {  	v0 =	vadd.f32 v0, v1;
	_ =	sdelay $0x1  }
0xac: {  	(xrf2) =	vadd.scan.msk.f32 $0xffff, v0;
	_ =	sdelay $0x5  }
0xad: {  	v23 =	vmov s15  }
0xae: {  	v0 =	vbroadcast v23, $0x0;
	_ =	sdelay $0x2  }
0xaf: {  	v24, _, _ =	vpop (xrf2)  }
0xb0: {  	v1 =	vbroadcast v24, $0xF  }
0xb1: {  	s15 =	sor.u32 $0x6, s23  }
0xb2: {  	s24 =	sshll.u32 s15, $0x7;
	[tilespmem:v0+s28+$0x0] =	vst.idx.msk $0x1, v1  }
0xb3: {  	v0 =	vld [tilespmem:s24+$0x400]  }
0xb4: {  	v1 =	vld [tilespmem:s24+$0x6840]  }
0xb5: {  	v25 =	vld [tilespmem:s24+$0x410]  }
0xb6: {  	v26 =	vld [tilespmem:s24+$0x6850]  }
0xb7: {  	v27 =	vld [tilespmem:s24+$0x420]  }
0xb8: {  	v28 =	vld [tilespmem:s24+$0x6860]  }
0xb9: {  	v29 =	vld [tilespmem:s24+$0x430]  }
0xba: {  	v30 =	vld [tilespmem:s24+$0x6870]  }
0xbb: {  	v0 =	vmul.bf16 v1, v0;
	v31 =	vmul.bf16 v26, v25;
	_ =	sdelay $0x1  }
0xbc: {  	v32 =	vmul.bf16 v28, v27;
	v0 =	vadd.bf16 v31, v0;
	_ =	sdelay $0x1  }
0xbd: {  	v33 =	vmul.bf16 v30, v29;
	v0 =	vadd.bf16 v32, v0;
	_ =	sdelay $0x1  }
0xbe: {  	v0 =	vadd.bf16 v33, v0;
	_ =	sdelay $0x1  }
0xbf: {  	v1 =	vunpack.i.u.bf16.f32 v0;
	v0 =	vunpack.i.l.bf16.f32 v0  }
0xc0: {  	v0 =	vadd.f32 v0, v1;
	_ =	sdelay $0x1  }
0xc1: {  	(xrf2) =	vadd.scan.msk.f32 $0xffff, v0;
	_ =	sdelay $0x5  }
0xc2: {  	v34 =	vmov s15  }
0xc3: {  	v0 =	vbroadcast v34, $0x0;
	_ =	sdelay $0x2  }
0xc4: {  	v35, _, _ =	vpop (xrf2)  }
0xc5: {  	v1 =	vbroadcast v35, $0xF  }
0xc6: {  	s15 =	sor.u32 $0x7, s23  }
0xc7: {  	s24 =	sshll.u32 s15, $0x7;
	[tilespmem:v0+s28+$0x0] =	vst.idx.msk $0x1, v1  }
0xc8: {  	v0 =	vld [tilespmem:s24+$0x400]  }
0xc9: {  	v1 =	vld [tilespmem:s24+$0x6840]  }
0xca: {  	v36 =	vld [tilespmem:s24+$0x410]  }
0xcb: {  	v37 =	vld [tilespmem:s24+$0x6850]  }
0xcc: {  	v38 =	vld [tilespmem:s24+$0x420]  }
0xcd: {  	v39 =	vld [tilespmem:s24+$0x6860]  }
0xce: {  	v40 =	vld [tilespmem:s24+$0x430]  }
0xcf: {  	v41 =	vld [tilespmem:s24+$0x6870]  }
0xd0: {  	v0 =	vmul.bf16 v1, v0;
	v42 =	vmul.bf16 v37, v36;
	_ =	sdelay $0x1  }
0xd1: {  	v43 =	vmul.bf16 v39, v38;
	v0 =	vadd.bf16 v42, v0;
	_ =	sdelay $0x1  }
0xd2: {  	v44 =	vmul.bf16 v41, v40;
	v0 =	vadd.bf16 v43, v0;
	_ =	sdelay $0x1  }
0xd3: {  	v0 =	vadd.bf16 v44, v0;
	_ =	sdelay $0x1  }
0xd4: {  	v1 =	vunpack.i.u.bf16.f32 v0;
	v0 =	vunpack.i.l.bf16.f32 v0  }
0xd5: {  	v0 =	vadd.f32 v0, v1;
	_ =	sdelay $0x1  }
0xd6: {  	(xrf2) =	vadd.scan.msk.f32 $0xffff, v0;
	_ =	sdelay $0x7  }
0xd7: {  	v45 =	vmov s15;
	_ =	sdelay $0x1  }
0xd8: {  	v46, _, _ =	vpop (xrf2)  }
0xd9: {  	v1 =	vbroadcast v46, $0xF  }
0xda: {  	s15 =	sadd.s32 $0x8, s23  }
0xdb: {  	s24 =	sshll.u32 s15, $0x7;
	[tilespmem:v45+s28+$0x0] =	vst.idx.msk $0x1, v1  }
0xdc: {  	v0 =	vld [tilespmem:s24+$0x400]  }
0xdd: {  	v1 =	vld [tilespmem:s24+$0x6840]  }
0xde: {  	v47 =	vld [tilespmem:s24+$0x410]  }
0xdf: {  	v48 =	vld [tilespmem:s24+$0x6850]  }
0xe0: {  	v49 =	vld [tilespmem:s24+$0x420]  }
0xe1: {  	v50 =	vld [tilespmem:s24+$0x6860]  }
0xe2: {  	v51 =	vld [tilespmem:s24+$0x430]  }
0xe3: {  	v52 =	vld [tilespmem:s24+$0x6870]  }
0xe4: {  	v0 =	vmul.bf16 v1, v0;
	v53 =	vmul.bf16 v48, v47;
	_ =	sdelay $0x1  }
0xe5: {  	v54 =	vmul.bf16 v50, v49;
	v0 =	vadd.bf16 v53, v0;
	_ =	sdelay $0x1  }
0xe6: {  	v55 =	vmul.bf16 v52, v51;
	v0 =	vadd.bf16 v54, v0;
	_ =	sdelay $0x1  }
0xe7: {  	v0 =	vadd.bf16 v55, v0;
	_ =	sdelay $0x1  }
0xe8: {  	v1 =	vunpack.i.u.bf16.f32 v0;
	v0 =	vunpack.i.l.bf16.f32 v0  }
0xe9: {  	v0 =	vadd.f32 v0, v1;
	_ =	sdelay $0x1  }
0xea: {  	(xrf2) =	vadd.scan.msk.f32 $0xffff, v0;
	_ =	sdelay $0x5  }
0xeb: {  	v56 =	vmov s15  }
0xec: {  	v0 =	vbroadcast v56, $0x0;
	_ =	sdelay $0x2  }
0xed: {  	v57, _, _ =	vpop (xrf2)  }
0xee: {  	v1 =	vbroadcast v57, $0xF  }
0xef: {  	s15 =	sadd.s32 $0x9, s23  }
0xf0: {  	s24 =	sshll.u32 s15, $0x7;
	[tilespmem:v0+s28+$0x0] =	vst.idx.msk $0x1, v1  }
0xf1: {  	v0 =	vld [tilespmem:s24+$0x400]  }
0xf2: {  	v1 =	vld [tilespmem:s24+$0x6840]  }
0xf3: {  	v58 =	vld [tilespmem:s24+$0x410]  }
0xf4: {  	v59 =	vld [tilespmem:s24+$0x6850]  }
0xf5: {  	v60 =	vld [tilespmem:s24+$0x420]  }
0xf6: {  	v61 =	vld [tilespmem:s24+$0x6860]  }
0xf7: {  	v62 =	vld [tilespmem:s24+$0x430]  }
0xf8: {  	v63 =	vld [tilespmem:s24+$0x6870]  }
0xf9: {  	v0 =	vmul.bf16 v1, v0;
	v9 =	vmul.bf16 v59, v58;
	_ =	sdelay $0x1  }
0xfa: {  	v10 =	vmul.bf16 v61, v60;
	v0 =	vadd.bf16 v9, v0;
	_ =	sdelay $0x1  }
0xfb: {  	v11 =	vmul.bf16 v63, v62;
	v0 =	vadd.bf16 v10, v0;
	_ =	sdelay $0x1  }
0xfc: {  	v0 =	vadd.bf16 v11, v0;
	_ =	sdelay $0x1  }
0xfd: {  	v1 =	vunpack.i.u.bf16.f32 v0;
	v0 =	vunpack.i.l.bf16.f32 v0  }
0xfe: {  	v0 =	vadd.f32 v0, v1;
	_ =	sdelay $0x1  }
0xff: {  	(xrf2) =	vadd.scan.msk.f32 $0xffff, v0;
	_ =	sdelay $0x5  }
0x100: {  	v12 =	vmov s15  }
0x101: {  	v0 =	vbroadcast v12, $0x0;
	_ =	sdelay $0x2  }
0x102: {  	v13, _, _ =	vpop (xrf2)  }
0x103: {  	v1 =	vbroadcast v13, $0xF  }
0x104: {  	s15 =	sadd.s32 $0xA, s23  }
0x105: {  	s24 =	sshll.u32 s15, $0x7;
	[tilespmem:v0+s28+$0x0] =	vst.idx.msk $0x1, v1  }
0x106: {  	v0 =	vld [tilespmem:s24+$0x400]  }
0x107: {  	v1 =	vld [tilespmem:s24+$0x6840]  }
0x108: {  	v14 =	vld [tilespmem:s24+$0x410]  }
0x109: {  	v15 =	vld [tilespmem:s24+$0x6850]  }
0x10a: {  	v16 =	vld [tilespmem:s24+$0x420]  }
0x10b: {  	v17 =	vld [tilespmem:s24+$0x6860]  }
0x10c: {  	v18 =	vld [tilespmem:s24+$0x430]  }
0x10d: {  	v19 =	vld [tilespmem:s24+$0x6870]  }
0x10e: {  	v0 =	vmul.bf16 v1, v0;
	v20 =	vmul.bf16 v15, v14;
	_ =	sdelay $0x1  }
0x10f: {  	v21 =	vmul.bf16 v17, v16;
	v0 =	vadd.bf16 v20, v0;
	_ =	sdelay $0x1  }
0x110: {  	v22 =	vmul.bf16 v19, v18;
	v0 =	vadd.bf16 v21, v0;
	_ =	sdelay $0x1  }
0x111: {  	v0 =	vadd.bf16 v22, v0;
	_ =	sdelay $0x1  }
0x112: {  	v1 =	vunpack.i.u.bf16.f32 v0;
	v0 =	vunpack.i.l.bf16.f32 v0  }
0x113: {  	v0 =	vadd.f32 v0, v1;
	_ =	sdelay $0x1  }
0x114: {  	(xrf2) =	vadd.scan.msk.f32 $0xffff, v0;
	_ =	sdelay $0x5  }
0x115: {  	v23 =	vmov s15  }
0x116: {  	v0 =	vbroadcast v23, $0x0;
	_ =	sdelay $0x2  }
0x117: {  	v24, _, _ =	vpop (xrf2)  }
0x118: {  	v1 =	vbroadcast v24, $0xF  }
0x119: {  	s15 =	sadd.s32 $0xB, s23  }
0x11a: {  	s24 =	sshll.u32 s15, $0x7;
	[tilespmem:v0+s28+$0x0] =	vst.idx.msk $0x1, v1  }
0x11b: {  	v0 =	vld [tilespmem:s24+$0x400]  }
0x11c: {  	v1 =	vld [tilespmem:s24+$0x6840]  }
0x11d: {  	v25 =	vld [tilespmem:s24+$0x410]  }
0x11e: {  	v26 =	vld [tilespmem:s24+$0x6850]  }
0x11f: {  	v27 =	vld [tilespmem:s24+$0x420]  }
0x120: {  	v28 =	vld [tilespmem:s24+$0x6860]  }
0x121: {  	v29 =	vld [tilespmem:s24+$0x430]  }
0x122: {  	v30 =	vld [tilespmem:s24+$0x6870]  }
0x123: {  	v0 =	vmul.bf16 v1, v0;
	v31 =	vmul.bf16 v26, v25;
	_ =	sdelay $0x1  }
0x124: {  	v32 =	vmul.bf16 v28, v27;
	v0 =	vadd.bf16 v31, v0;
	_ =	sdelay $0x1  }
0x125: {  	v33 =	vmul.bf16 v30, v29;
	v0 =	vadd.bf16 v32, v0;
	_ =	sdelay $0x1  }
0x126: {  	v0 =	vadd.bf16 v33, v0;
	_ =	sdelay $0x1  }
0x127: {  	v1 =	vunpack.i.u.bf16.f32 v0;
	v0 =	vunpack.i.l.bf16.f32 v0  }
0x128: {  	v0 =	vadd.f32 v0, v1;
	_ =	sdelay $0x1  }
0x129: {  	(xrf2) =	vadd.scan.msk.f32 $0xffff, v0;
	_ =	sdelay $0x5  }
0x12a: {  	v34 =	vmov s15  }
0x12b: {  	v0 =	vbroadcast v34, $0x0;
	_ =	sdelay $0x2  }
0x12c: {  	v35, _, _ =	vpop (xrf2)  }
0x12d: {  	v1 =	vbroadcast v35, $0xF  }
0x12e: {  	s15 =	sadd.s32 $0xC, s23  }
0x12f: {  	s24 =	sshll.u32 s15, $0x7;
	[tilespmem:v0+s28+$0x0] =	vst.idx.msk $0x1, v1  }
0x130: {  	v0 =	vld [tilespmem:s24+$0x400]  }
0x131: {  	v1 =	vld [tilespmem:s24+$0x6840]  }
0x132: {  	v36 =	vld [tilespmem:s24+$0x410]  }
0x133: {  	v37 =	vld [tilespmem:s24+$0x6850]  }
0x134: {  	v38 =	vld [tilespmem:s24+$0x420]  }
0x135: {  	v39 =	vld [tilespmem:s24+$0x6860]  }
0x136: {  	v40 =	vld [tilespmem:s24+$0x430]  }
0x137: {  	v41 =	vld [tilespmem:s24+$0x6870]  }
0x138: {  	v0 =	vmul.bf16 v1, v0;
	v42 =	vmul.bf16 v37, v36;
	_ =	sdelay $0x1  }
0x139: {  	v43 =	vmul.bf16 v39, v38;
	v0 =	vadd.bf16 v42, v0;
	_ =	sdelay $0x1  }
0x13a: {  	v44 =	vmul.bf16 v41, v40;
	v0 =	vadd.bf16 v43, v0;
	_ =	sdelay $0x1  }
0x13b: {  	v0 =	vadd.bf16 v44, v0;
	_ =	sdelay $0x1  }
0x13c: {  	v1 =	vunpack.i.u.bf16.f32 v0;
	v0 =	vunpack.i.l.bf16.f32 v0  }
0x13d: {  	v0 =	vadd.f32 v0, v1;
	_ =	sdelay $0x1  }
0x13e: {  	(xrf2) =	vadd.scan.msk.f32 $0xffff, v0;
	_ =	sdelay $0x5  }
0x13f: {  	v45 =	vmov s15  }
0x140: {  	v0 =	vbroadcast v45, $0x0;
	_ =	sdelay $0x2  }
0x141: {  	v46, _, _ =	vpop (xrf2)  }
0x142: {  	v1 =	vbroadcast v46, $0xF  }
0x143: {  	s15 =	sadd.s32 $0xD, s23  }
0x144: {  	s24 =	sshll.u32 s15, $0x7;
	[tilespmem:v0+s28+$0x0] =	vst.idx.msk $0x1, v1  }
0x145: {  	v0 =	vld [tilespmem:s24+$0x400]  }
0x146: {  	v1 =	vld [tilespmem:s24+$0x6840]  }
0x147: {  	v47 =	vld [tilespmem:s24+$0x410]  }
0x148: {  	v48 =	vld [tilespmem:s24+$0x6850]  }
0x149: {  	v49 =	vld [tilespmem:s24+$0x420]  }
0x14a: {  	v50 =	vld [tilespmem:s24+$0x6860]  }
0x14b: {  	v51 =	vld [tilespmem:s24+$0x430]  }
0x14c: {  	v52 =	vld [tilespmem:s24+$0x6870]  }
0x14d: {  	v0 =	vmul.bf16 v1, v0;
	v53 =	vmul.bf16 v48, v47;
	_ =	sdelay $0x1  }
0x14e: {  	v54 =	vmul.bf16 v50, v49;
	v0 =	vadd.bf16 v53, v0;
	_ =	sdelay $0x1  }
0x14f: {  	v55 =	vmul.bf16 v52, v51;
	v0 =	vadd.bf16 v54, v0;
	_ =	sdelay $0x1  }
0x150: {  	v0 =	vadd.bf16 v55, v0;
	_ =	sdelay $0x1  }
0x151: {  	v1 =	vunpack.i.u.bf16.f32 v0;
	v0 =	vunpack.i.l.bf16.f32 v0  }
0x152: {  	v0 =	vadd.f32 v0, v1;
	_ =	sdelay $0x1  }
0x153: {  	(xrf2) =	vadd.scan.msk.f32 $0xffff, v0;
	_ =	sdelay $0x5  }
0x154: {  	v56 =	vmov s15  }
0x155: {  	v0 =	vbroadcast v56, $0x0;
	_ =	sdelay $0x2  }
0x156: {  	v57, _, _ =	vpop (xrf2)  }
0x157: {  	v1 =	vbroadcast v57, $0xF  }
0x158: {  	s15 =	sadd.s32 $0xE, s23  }
0x159: {  	s24 =	sshll.u32 s15, $0x7;
	[tilespmem:v0+s28+$0x0] =	vst.idx.msk $0x1, v1  }
0x15a: {  	v0 =	vld [tilespmem:s24+$0x400]  }
0x15b: {  	v1 =	vld [tilespmem:s24+$0x6840]  }
0x15c: {  	v58 =	vld [tilespmem:s24+$0x410]  }
0x15d: {  	v59 =	vld [tilespmem:s24+$0x6850]  }
0x15e: {  	v60 =	vld [tilespmem:s24+$0x420]  }
0x15f: {  	v61 =	vld [tilespmem:s24+$0x6860]  }
0x160: {  	v62 =	vld [tilespmem:s24+$0x430]  }
0x161: {  	v63 =	vld [tilespmem:s24+$0x6870]  }
0x162: {  	v0 =	vmul.bf16 v1, v0;
	v9 =	vmul.bf16 v59, v58;
	_ =	sdelay $0x1  }
0x163: {  	v10 =	vmul.bf16 v61, v60;
	v0 =	vadd.bf16 v9, v0;
	_ =	sdelay $0x1  }
0x164: {  	v11 =	vmul.bf16 v63, v62;
	v0 =	vadd.bf16 v10, v0;
	_ =	sdelay $0x1  }
0x165: {  	v0 =	vadd.bf16 v11, v0;
	_ =	sdelay $0x1  }
0x166: {  	v1 =	vunpack.i.u.bf16.f32 v0;
	v0 =	vunpack.i.l.bf16.f32 v0  }
0x167: {  	v0 =	vadd.f32 v0, v1;
	_ =	sdelay $0x1  }
0x168: {  	(xrf2) =	vadd.scan.msk.f32 $0xffff, v0;
	_ =	sdelay $0x5  }
0x169: {  	v12 =	vmov s15  }
0x16a: {  	v0 =	vbroadcast v12, $0x0;
	_ =	sdelay $0x2  }
0x16b: {  	v13, _, _ =	vpop (xrf2)  }
0x16c: {  	v1 =	vbroadcast v13, $0xF  }
0x16d: {  	s15 =	sadd.s32 $0xF, s23  }
0x16e: {  	s24 =	sshll.u32 s15, $0x7;
	[tilespmem:v0+s28+$0x0] =	vst.idx.msk $0x1, v1  }
0x16f: {  	v0 =	vld [tilespmem:s24+$0x400]  }
0x170: {  	v1 =	vld [tilespmem:s24+$0x6840]  }
0x171: {  	v14 =	vld [tilespmem:s24+$0x410]  }
0x172: {  	v15 =	vld [tilespmem:s24+$0x6850]  }
0x173: {  	v16 =	vld [tilespmem:s24+$0x420]  }
0x174: {  	v17 =	vld [tilespmem:s24+$0x6860]  }
0x175: {  	v18 =	vld [tilespmem:s24+$0x430]  }
0x176: {  	v19 =	vld [tilespmem:s24+$0x6870]  }
0x177: {  	v0 =	vmul.bf16 v1, v0;
	v20 =	vmul.bf16 v15, v14;
	_ =	sdelay $0x1  }
0x178: {  	v21 =	vmul.bf16 v17, v16;
	v0 =	vadd.bf16 v20, v0;
	_ =	sdelay $0x1  }
0x179: {  	v22 =	vmul.bf16 v19, v18;
	v0 =	vadd.bf16 v21, v0;
	_ =	sdelay $0x1  }
0x17a: {  	v0 =	vadd.bf16 v22, v0;
	_ =	sdelay $0x1  }
0x17b: {  	v1 =	vunpack.i.u.bf16.f32 v0;
	v0 =	vunpack.i.l.bf16.f32 v0  }
0x17c: {  	v0 =	vadd.f32 v0, v1;
	_ =	sdelay $0x1  }
0x17d: {  	(xrf2) =	vadd.scan.msk.f32 $0xffff, v0;
	_ =	sdelay $0x7  }
0x17e: {  	v23 =	vmov s15;
	_ =	sdelay $0x1  }
0x17f: {  	v24, _, _ =	vpop (xrf2)  }
0x180: {  	v1 =	vbroadcast v24, $0xF  }
0x181: {  	s15 =	sadd.s32 $0x10, s23  }
0x182: {  	s24 =	sshll.u32 s15, $0x7;
	[tilespmem:v23+s28+$0x0] =	vst.idx.msk $0x1, v1  }
0x183: {  	v0 =	vld [tilespmem:s24+$0x400]  }
0x184: {  	v1 =	vld [tilespmem:s24+$0x6840]  }
0x185: {  	v25 =	vld [tilespmem:s24+$0x410]  }
0x186: {  	v26 =	vld [tilespmem:s24+$0x6850]  }
0x187: {  	v27 =	vld [tilespmem:s24+$0x420]  }
0x188: {  	v28 =	vld [tilespmem:s24+$0x6860]  }
0x189: {  	v29 =	vld [tilespmem:s24+$0x430]  }
0x18a: {  	v30 =	vld [tilespmem:s24+$0x6870]  }
0x18b: {  	v0 =	vmul.bf16 v1, v0;
	v31 =	vmul.bf16 v26, v25;
	_ =	sdelay $0x1  }
0x18c: {  	v32 =	vmul.bf16 v28, v27;
	v0 =	vadd.bf16 v31, v0;
	_ =	sdelay $0x1  }
0x18d: {  	v33 =	vmul.bf16 v30, v29;
	v0 =	vadd.bf16 v32, v0;
	_ =	sdelay $0x1  }
0x18e: {  	v0 =	vadd.bf16 v33, v0;
	_ =	sdelay $0x1  }
0x18f: {  	v1 =	vunpack.i.u.bf16.f32 v0;
	v0 =	vunpack.i.l.bf16.f32 v0  }
0x190: {  	v0 =	vadd.f32 v0, v1;
	_ =	sdelay $0x1  }
0x191: {  	(xrf2) =	vadd.scan.msk.f32 $0xffff, v0;
	_ =	sdelay $0x5  }
0x192: {  	v34 =	vmov s15  }
0x193: {  	v0 =	vbroadcast v34, $0x0;
	_ =	sdelay $0x2  }
0x194: {  	v35, _, _ =	vpop (xrf2)  }
0x195: {  	v1 =	vbroadcast v35, $0xF  }
0x196: {  	s15 =	sadd.s32 $0x11, s23  }
0x197: {  	s24 =	sshll.u32 s15, $0x7;
	[tilespmem:v0+s28+$0x0] =	vst.idx.msk $0x1, v1  }
0x198: {  	v0 =	vld [tilespmem:s24+$0x400]  }
0x199: {  	v1 =	vld [tilespmem:s24+$0x6840]  }
0x19a: {  	v36 =	vld [tilespmem:s24+$0x410]  }
0x19b: {  	v37 =	vld [tilespmem:s24+$0x6850]  }
0x19c: {  	v38 =	vld [tilespmem:s24+$0x420]  }
0x19d: {  	v39 =	vld [tilespmem:s24+$0x6860]  }
0x19e: {  	v40 =	vld [tilespmem:s24+$0x430]  }
0x19f: {  	v41 =	vld [tilespmem:s24+$0x6870]  }
0x1a0: {  	v0 =	vmul.bf16 v1, v0;
	v42 =	vmul.bf16 v37, v36;
	_ =	sdelay $0x1  }
0x1a1: {  	v43 =	vmul.bf16 v39, v38;
	v0 =	vadd.bf16 v42, v0;
	_ =	sdelay $0x1  }
0x1a2: {  	v44 =	vmul.bf16 v41, v40;
	v0 =	vadd.bf16 v43, v0;
	_ =	sdelay $0x1  }
0x1a3: {  	v0 =	vadd.bf16 v44, v0;
	_ =	sdelay $0x1  }
0x1a4: {  	v1 =	vunpack.i.u.bf16.f32 v0;
	v0 =	vunpack.i.l.bf16.f32 v0  }
0x1a5: {  	v0 =	vadd.f32 v0, v1;
	_ =	sdelay $0x1  }
0x1a6: {  	(xrf2) =	vadd.scan.msk.f32 $0xffff, v0;
	_ =	sdelay $0x5  }
0x1a7: {  	v45 =	vmov s15  }
0x1a8: {  	v0 =	vbroadcast v45, $0x0;
	_ =	sdelay $0x2  }
0x1a9: {  	v46, _, _ =	vpop (xrf2)  }
0x1aa: {  	v1 =	vbroadcast v46, $0xF  }
0x1ab: {  	s15 =	sadd.s32 $0x12, s23  }
0x1ac: {  	s24 =	sshll.u32 s15, $0x7;
	[tilespmem:v0+s28+$0x0] =	vst.idx.msk $0x1, v1  }
0x1ad: {  	v0 =	vld [tilespmem:s24+$0x400]  }
0x1ae: {  	v1 =	vld [tilespmem:s24+$0x6840]  }
0x1af: {  	v47 =	vld [tilespmem:s24+$0x410]  }
0x1b0: {  	v48 =	vld [tilespmem:s24+$0x6850]  }
0x1b1: {  	v49 =	vld [tilespmem:s24+$0x420]  }
0x1b2: {  	v50 =	vld [tilespmem:s24+$0x6860]  }
0x1b3: {  	v51 =	vld [tilespmem:s24+$0x430]  }
0x1b4: {  	v52 =	vld [tilespmem:s24+$0x6870]  }
0x1b5: {  	v0 =	vmul.bf16 v1, v0;
	v53 =	vmul.bf16 v48, v47;
	_ =	sdelay $0x1  }
0x1b6: {  	v54 =	vmul.bf16 v50, v49;
	v0 =	vadd.bf16 v53, v0;
	_ =	sdelay $0x1  }
0x1b7: {  	v55 =	vmul.bf16 v52, v51;
	v0 =	vadd.bf16 v54, v0;
	_ =	sdelay $0x1  }
0x1b8: {  	v0 =	vadd.bf16 v55, v0;
	_ =	sdelay $0x1  }
0x1b9: {  	v1 =	vunpack.i.u.bf16.f32 v0;
	v0 =	vunpack.i.l.bf16.f32 v0  }
0x1ba: {  	v0 =	vadd.f32 v0, v1;
	_ =	sdelay $0x1  }
0x1bb: {  	(xrf2) =	vadd.scan.msk.f32 $0xffff, v0;
	_ =	sdelay $0x5  }
0x1bc: {  	v56 =	vmov s15  }
0x1bd: {  	v0 =	vbroadcast v56, $0x0;
	_ =	sdelay $0x2  }
0x1be: {  	v57, _, _ =	vpop (xrf2)  }
0x1bf: {  	v1 =	vbroadcast v57, $0xF  }
0x1c0: {  	s15 =	sadd.s32 $0x13, s23  }
0x1c1: {  	s24 =	sshll.u32 s15, $0x7;
	[tilespmem:v0+s28+$0x0] =	vst.idx.msk $0x1, v1  }
0x1c2: {  	v0 =	vld [tilespmem:s24+$0x400]  }
0x1c3: {  	v1 =	vld [tilespmem:s24+$0x6840]  }
0x1c4: {  	v58 =	vld [tilespmem:s24+$0x410]  }
0x1c5: {  	v59 =	vld [tilespmem:s24+$0x6850]  }
0x1c6: {  	v60 =	vld [tilespmem:s24+$0x420]  }
0x1c7: {  	v61 =	vld [tilespmem:s24+$0x6860]  }
0x1c8: {  	v62 =	vld [tilespmem:s24+$0x430]  }
0x1c9: {  	v63 =	vld [tilespmem:s24+$0x6870]  }
0x1ca: {  	v0 =	vmul.bf16 v1, v0;
	v9 =	vmul.bf16 v59, v58;
	_ =	sdelay $0x1  }
0x1cb: {  	v10 =	vmul.bf16 v61, v60;
	v0 =	vadd.bf16 v9, v0;
	_ =	sdelay $0x1  }
0x1cc: {  	v11 =	vmul.bf16 v63, v62;
	v0 =	vadd.bf16 v10, v0;
	_ =	sdelay $0x1  }
0x1cd: {  	v0 =	vadd.bf16 v11, v0;
	_ =	sdelay $0x1  }
0x1ce: {  	v1 =	vunpack.i.u.bf16.f32 v0;
	v0 =	vunpack.i.l.bf16.f32 v0  }
0x1cf: {  	v0 =	vadd.f32 v0, v1;
	_ =	sdelay $0x1  }
0x1d0: {  	(xrf2) =	vadd.scan.msk.f32 $0xffff, v0;
	_ =	sdelay $0x5  }
0x1d1: {  	v12 =	vmov s15  }
0x1d2: {  	v0 =	vbroadcast v12, $0x0;
	_ =	sdelay $0x2  }
0x1d3: {  	v13, _, _ =	vpop (xrf2)  }
0x1d4: {  	v1 =	vbroadcast v13, $0xF  }
0x1d5: {  	s15 =	sadd.s32 $0x14, s23  }
0x1d6: {  	s24 =	sshll.u32 s15, $0x7;
	[tilespmem:v0+s28+$0x0] =	vst.idx.msk $0x1, v1  }
0x1d7: {  	v0 =	vld [tilespmem:s24+$0x400]  }
0x1d8: {  	v1 =	vld [tilespmem:s24+$0x6840]  }
0x1d9: {  	v14 =	vld [tilespmem:s24+$0x410]  }
0x1da: {  	v15 =	vld [tilespmem:s24+$0x6850]  }
0x1db: {  	v16 =	vld [tilespmem:s24+$0x420]  }
0x1dc: {  	v17 =	vld [tilespmem:s24+$0x6860]  }
0x1dd: {  	v18 =	vld [tilespmem:s24+$0x430]  }
0x1de: {  	v19 =	vld [tilespmem:s24+$0x6870]  }
0x1df: {  	v0 =	vmul.bf16 v1, v0;
	v20 =	vmul.bf16 v15, v14;
	_ =	sdelay $0x1  }
0x1e0: {  	v21 =	vmul.bf16 v17, v16;
	v0 =	vadd.bf16 v20, v0;
	_ =	sdelay $0x1  }
0x1e1: {  	v22 =	vmul.bf16 v19, v18;
	v0 =	vadd.bf16 v21, v0;
	_ =	sdelay $0x1  }
0x1e2: {  	v0 =	vadd.bf16 v22, v0;
	_ =	sdelay $0x1  }
0x1e3: {  	v1 =	vunpack.i.u.bf16.f32 v0;
	v0 =	vunpack.i.l.bf16.f32 v0  }
0x1e4: {  	v0 =	vadd.f32 v0, v1;
	_ =	sdelay $0x1  }
0x1e5: {  	(xrf2) =	vadd.scan.msk.f32 $0xffff, v0;
	_ =	sdelay $0x5  }
0x1e6: {  	v23 =	vmov s15  }
0x1e7: {  	v0 =	vbroadcast v23, $0x0;
	_ =	sdelay $0x2  }
0x1e8: {  	v24, _, _ =	vpop (xrf2)  }
0x1e9: {  	v1 =	vbroadcast v24, $0xF  }
0x1ea: {  	s15 =	sadd.s32 $0x15, s23  }
0x1eb: {  	s24 =	sshll.u32 s15, $0x7;
	[tilespmem:v0+s28+$0x0] =	vst.idx.msk $0x1, v1  }
0x1ec: {  	v0 =	vld [tilespmem:s24+$0x400]  }
0x1ed: {  	v1 =	vld [tilespmem:s24+$0x6840]  }
0x1ee: {  	v25 =	vld [tilespmem:s24+$0x410]  }
0x1ef: {  	v26 =	vld [tilespmem:s24+$0x6850]  }
0x1f0: {  	v27 =	vld [tilespmem:s24+$0x420]  }
0x1f1: {  	v28 =	vld [tilespmem:s24+$0x6860]  }
0x1f2: {  	v29 =	vld [tilespmem:s24+$0x430]  }
0x1f3: {  	v30 =	vld [tilespmem:s24+$0x6870]  }
0x1f4: {  	v0 =	vmul.bf16 v1, v0;
	v31 =	vmul.bf16 v26, v25;
	_ =	sdelay $0x1  }
0x1f5: {  	v32 =	vmul.bf16 v28, v27;
	v0 =	vadd.bf16 v31, v0;
	_ =	sdelay $0x1  }
0x1f6: {  	v33 =	vmul.bf16 v30, v29;
	v0 =	vadd.bf16 v32, v0;
	_ =	sdelay $0x1  }
0x1f7: {  	v0 =	vadd.bf16 v33, v0;
	_ =	sdelay $0x1  }
0x1f8: {  	v1 =	vunpack.i.u.bf16.f32 v0;
	v0 =	vunpack.i.l.bf16.f32 v0  }
0x1f9: {  	v0 =	vadd.f32 v0, v1;
	_ =	sdelay $0x1  }
0x1fa: {  	(xrf2) =	vadd.scan.msk.f32 $0xffff, v0;
	_ =	sdelay $0x5  }
0x1fb: {  	v34 =	vmov s15  }
0x1fc: {  	v0 =	vbroadcast v34, $0x0;
	_ =	sdelay $0x2  }
0x1fd: {  	v35, _, _ =	vpop (xrf2)  }
0x1fe: {  	v1 =	vbroadcast v35, $0xF  }
0x1ff: {  	s15 =	sadd.s32 $0x16, s23  }
0x200: {  	s24 =	sshll.u32 s15, $0x7;
	[tilespmem:v0+s28+$0x0] =	vst.idx.msk $0x1, v1  }
0x201: {  	v0 =	vld [tilespmem:s24+$0x400]  }
0x202: {  	v1 =	vld [tilespmem:s24+$0x6840]  }
0x203: {  	v36 =	vld [tilespmem:s24+$0x410]  }
0x204: {  	v37 =	vld [tilespmem:s24+$0x6850]  }
0x205: {  	v38 =	vld [tilespmem:s24+$0x420]  }
0x206: {  	v39 =	vld [tilespmem:s24+$0x6860]  }
0x207: {  	v40 =	vld [tilespmem:s24+$0x430]  }
0x208: {  	v41 =	vld [tilespmem:s24+$0x6870]  }
0x209: {  	v0 =	vmul.bf16 v1, v0;
	v42 =	vmul.bf16 v37, v36;
	_ =	sdelay $0x1  }
0x20a: {  	v43 =	vmul.bf16 v39, v38;
	v0 =	vadd.bf16 v42, v0;
	_ =	sdelay $0x1  }
0x20b: {  	v44 =	vmul.bf16 v41, v40;
	v0 =	vadd.bf16 v43, v0;
	_ =	sdelay $0x1  }
0x20c: {  	v0 =	vadd.bf16 v44, v0;
	_ =	sdelay $0x1  }
0x20d: {  	v1 =	vunpack.i.u.bf16.f32 v0;
	v0 =	vunpack.i.l.bf16.f32 v0  }
0x20e: {  	v0 =	vadd.f32 v0, v1;
	_ =	sdelay $0x1  }
0x20f: {  	(xrf2) =	vadd.scan.msk.f32 $0xffff, v0;
	_ =	sdelay $0x5  }
0x210: {  	v45 =	vmov s15  }
0x211: {  	v0 =	vbroadcast v45, $0x0;
	_ =	sdelay $0x2  }
0x212: {  	v46, _, _ =	vpop (xrf2)  }
0x213: {  	v1 =	vbroadcast v46, $0xF  }
0x214: {  	s15 =	sadd.s32 $0x17, s23  }
0x215: {  	s24 =	sshll.u32 s15, $0x7;
	[tilespmem:v0+s28+$0x0] =	vst.idx.msk $0x1, v1  }
0x216: {  	v0 =	vld [tilespmem:s24+$0x400]  }
0x217: {  	v1 =	vld [tilespmem:s24+$0x6840]  }
0x218: {  	v47 =	vld [tilespmem:s24+$0x410]  }
0x219: {  	v48 =	vld [tilespmem:s24+$0x6850]  }
0x21a: {  	v49 =	vld [tilespmem:s24+$0x420]  }
0x21b: {  	v50 =	vld [tilespmem:s24+$0x6860]  }
0x21c: {  	v51 =	vld [tilespmem:s24+$0x430]  }
0x21d: {  	v52 =	vld [tilespmem:s24+$0x6870]  }
0x21e: {  	v0 =	vmul.bf16 v1, v0;
	v53 =	vmul.bf16 v48, v47;
	_ =	sdelay $0x1  }
0x21f: {  	v54 =	vmul.bf16 v50, v49;
	v0 =	vadd.bf16 v53, v0;
	_ =	sdelay $0x1  }
0x220: {  	v55 =	vmul.bf16 v52, v51;
	v0 =	vadd.bf16 v54, v0;
	_ =	sdelay $0x1  }
0x221: {  	v0 =	vadd.bf16 v55, v0;
	_ =	sdelay $0x1  }
0x222: {  	v1 =	vunpack.i.u.bf16.f32 v0;
	v0 =	vunpack.i.l.bf16.f32 v0  }
0x223: {  	v0 =	vadd.f32 v0, v1;
	_ =	sdelay $0x1  }
0x224: {  	(xrf2) =	vadd.scan.msk.f32 $0xffff, v0;
	_ =	sdelay $0x7  }
0x225: {  	v56 =	vmov s15;
	_ =	sdelay $0x1  }
0x226: {  	v57, _, _ =	vpop (xrf2)  }
0x227: {  	v1 =	vbroadcast v57, $0xF  }
0x228: {  	s15 =	sadd.s32 $0x18, s23  }
0x229: {  	s24 =	sshll.u32 s15, $0x7;
	[tilespmem:v56+s28+$0x0] =	vst.idx.msk $0x1, v1  }
0x22a: {  	v0 =	vld [tilespmem:s24+$0x400]  }
0x22b: {  	v1 =	vld [tilespmem:s24+$0x6840]  }
0x22c: {  	v58 =	vld [tilespmem:s24+$0x410]  }
0x22d: {  	v59 =	vld [tilespmem:s24+$0x6850]  }
0x22e: {  	v60 =	vld [tilespmem:s24+$0x420]  }
0x22f: {  	v61 =	vld [tilespmem:s24+$0x6860]  }
0x230: {  	v62 =	vld [tilespmem:s24+$0x430]  }
0x231: {  	v63 =	vld [tilespmem:s24+$0x6870]  }
0x232: {  	v0 =	vmul.bf16 v1, v0;
	v9 =	vmul.bf16 v59, v58;
	_ =	sdelay $0x1  }
0x233: {  	v10 =	vmul.bf16 v61, v60;
	v0 =	vadd.bf16 v9, v0;
	_ =	sdelay $0x1  }
0x234: {  	v11 =	vmul.bf16 v63, v62;
	v0 =	vadd.bf16 v10, v0;
	_ =	sdelay $0x1  }
0x235: {  	v0 =	vadd.bf16 v11, v0;
	_ =	sdelay $0x1  }
0x236: {  	v1 =	vunpack.i.u.bf16.f32 v0;
	v0 =	vunpack.i.l.bf16.f32 v0  }
0x237: {  	v0 =	vadd.f32 v0, v1;
	_ =	sdelay $0x1  }
0x238: {  	(xrf2) =	vadd.scan.msk.f32 $0xffff, v0;
	_ =	sdelay $0x5  }
0x239: {  	v12 =	vmov s15  }
0x23a: {  	v0 =	vbroadcast v12, $0x0;
	_ =	sdelay $0x2  }
0x23b: {  	v13, _, _ =	vpop (xrf2)  }
0x23c: {  	v1 =	vbroadcast v13, $0xF  }
0x23d: {  	s15 =	sadd.s32 $0x19, s23  }
0x23e: {  	s24 =	sshll.u32 s15, $0x7;
	[tilespmem:v0+s28+$0x0] =	vst.idx.msk $0x1, v1  }
0x23f: {  	v0 =	vld [tilespmem:s24+$0x400]  }
0x240: {  	v1 =	vld [tilespmem:s24+$0x6840]  }
0x241: {  	v14 =	vld [tilespmem:s24+$0x410]  }
0x242: {  	v15 =	vld [tilespmem:s24+$0x6850]  }
0x243: {  	v16 =	vld [tilespmem:s24+$0x420]  }
0x244: {  	v17 =	vld [tilespmem:s24+$0x6860]  }
0x245: {  	v18 =	vld [tilespmem:s24+$0x430]  }
0x246: {  	v19 =	vld [tilespmem:s24+$0x6870]  }
0x247: {  	v0 =	vmul.bf16 v1, v0;
	v20 =	vmul.bf16 v15, v14;
	_ =	sdelay $0x1  }
0x248: {  	v21 =	vmul.bf16 v17, v16;
	v0 =	vadd.bf16 v20, v0;
	_ =	sdelay $0x1  }
0x249: {  	v22 =	vmul.bf16 v19, v18;
	v0 =	vadd.bf16 v21, v0;
	_ =	sdelay $0x1  }
0x24a: {  	v0 =	vadd.bf16 v22, v0;
	_ =	sdelay $0x1  }
0x24b: {  	v1 =	vunpack.i.u.bf16.f32 v0;
	v0 =	vunpack.i.l.bf16.f32 v0  }
0x24c: {  	v0 =	vadd.f32 v0, v1;
	_ =	sdelay $0x1  }
0x24d: {  	(xrf2) =	vadd.scan.msk.f32 $0xffff, v0;
	_ =	sdelay $0x5  }
0x24e: {  	v23 =	vmov s15  }
0x24f: {  	v0 =	vbroadcast v23, $0x0;
	_ =	sdelay $0x2  }
0x250: {  	v24, _, _ =	vpop (xrf2)  }
0x251: {  	v1 =	vbroadcast v24, $0xF  }
0x252: {  	s15 =	sadd.s32 $0x1A, s23  }
0x253: {  	s24 =	sshll.u32 s15, $0x7;
	[tilespmem:v0+s28+$0x0] =	vst.idx.msk $0x1, v1  }
0x254: {  	v0 =	vld [tilespmem:s24+$0x400]  }
0x255: {  	v1 =	vld [tilespmem:s24+$0x6840]  }
0x256: {  	v25 =	vld [tilespmem:s24+$0x410]  }
0x257: {  	v26 =	vld [tilespmem:s24+$0x6850]  }
0x258: {  	v27 =	vld [tilespmem:s24+$0x420]  }
0x259: {  	v28 =	vld [tilespmem:s24+$0x6860]  }
0x25a: {  	v29 =	vld [tilespmem:s24+$0x430]  }
0x25b: {  	v30 =	vld [tilespmem:s24+$0x6870]  }
0x25c: {  	v0 =	vmul.bf16 v1, v0;
	v31 =	vmul.bf16 v26, v25;
	_ =	sdelay $0x1  }
0x25d: {  	v32 =	vmul.bf16 v28, v27;
	v0 =	vadd.bf16 v31, v0;
	_ =	sdelay $0x1  }
0x25e: {  	v33 =	vmul.bf16 v30, v29;
	v0 =	vadd.bf16 v32, v0;
	_ =	sdelay $0x1  }
0x25f: {  	v0 =	vadd.bf16 v33, v0;
	_ =	sdelay $0x1  }
0x260: {  	v1 =	vunpack.i.u.bf16.f32 v0;
	v0 =	vunpack.i.l.bf16.f32 v0  }
0x261: {  	v0 =	vadd.f32 v0, v1;
	_ =	sdelay $0x1  }
0x262: {  	(xrf2) =	vadd.scan.msk.f32 $0xffff, v0;
	_ =	sdelay $0x5  }
0x263: {  	v34 =	vmov s15  }
0x264: {  	v0 =	vbroadcast v34, $0x0;
	_ =	sdelay $0x2  }
0x265: {  	v35, _, _ =	vpop (xrf2)  }
0x266: {  	v1 =	vbroadcast v35, $0xF  }
0x267: {  	s15 =	sadd.s32 $0x1B, s23  }
0x268: {  	s24 =	sshll.u32 s15, $0x7;
	[tilespmem:v0+s28+$0x0] =	vst.idx.msk $0x1, v1  }
0x269: {  	v0 =	vld [tilespmem:s24+$0x400]  }
0x26a: {  	v1 =	vld [tilespmem:s24+$0x6840]  }
0x26b: {  	v36 =	vld [tilespmem:s24+$0x410]  }
0x26c: {  	v37 =	vld [tilespmem:s24+$0x6850]  }
0x26d: {  	v38 =	vld [tilespmem:s24+$0x420]  }
0x26e: {  	v39 =	vld [tilespmem:s24+$0x6860]  }
0x26f: {  	v40 =	vld [tilespmem:s24+$0x430]  }
0x270: {  	v41 =	vld [tilespmem:s24+$0x6870]  }
0x271: {  	v0 =	vmul.bf16 v1, v0;
	v42 =	vmul.bf16 v37, v36;
	_ =	sdelay $0x1  }
0x272: {  	v43 =	vmul.bf16 v39, v38;
	v0 =	vadd.bf16 v42, v0;
	_ =	sdelay $0x1  }
0x273: {  	v44 =	vmul.bf16 v41, v40;
	v0 =	vadd.bf16 v43, v0;
	_ =	sdelay $0x1  }
0x274: {  	v0 =	vadd.bf16 v44, v0;
	_ =	sdelay $0x1  }
0x275: {  	v1 =	vunpack.i.u.bf16.f32 v0;
	v0 =	vunpack.i.l.bf16.f32 v0  }
0x276: {  	v0 =	vadd.f32 v0, v1;
	_ =	sdelay $0x1  }
0x277: {  	(xrf2) =	vadd.scan.msk.f32 $0xffff, v0;
	_ =	sdelay $0x5  }
0x278: {  	v45 =	vmov s15  }
0x279: {  	v0 =	vbroadcast v45, $0x0;
	_ =	sdelay $0x2  }
0x27a: {  	v46, _, _ =	vpop (xrf2)  }
0x27b: {  	v1 =	vbroadcast v46, $0xF  }
0x27c: {  	s15 =	sadd.s32 $0x1C, s23  }
0x27d: {  	s24 =	sshll.u32 s15, $0x7;
	[tilespmem:v0+s28+$0x0] =	vst.idx.msk $0x1, v1  }
0x27e: {  	v0 =	vld [tilespmem:s24+$0x400]  }
0x27f: {  	v1 =	vld [tilespmem:s24+$0x6840]  }
0x280: {  	v47 =	vld [tilespmem:s24+$0x410]  }
0x281: {  	v48 =	vld [tilespmem:s24+$0x6850]  }
0x282: {  	v49 =	vld [tilespmem:s24+$0x420]  }
0x283: {  	v50 =	vld [tilespmem:s24+$0x6860]  }
0x284: {  	v51 =	vld [tilespmem:s24+$0x430]  }
0x285: {  	v52 =	vld [tilespmem:s24+$0x6870]  }
0x286: {  	v0 =	vmul.bf16 v1, v0;
	v53 =	vmul.bf16 v48, v47;
	_ =	sdelay $0x1  }
0x287: {  	v54 =	vmul.bf16 v50, v49;
	v0 =	vadd.bf16 v53, v0;
	_ =	sdelay $0x1  }
0x288: {  	v55 =	vmul.bf16 v52, v51;
	v0 =	vadd.bf16 v54, v0;
	_ =	sdelay $0x1  }
0x289: {  	v0 =	vadd.bf16 v55, v0;
	_ =	sdelay $0x1  }
0x28a: {  	v1 =	vunpack.i.u.bf16.f32 v0;
	v0 =	vunpack.i.l.bf16.f32 v0  }
0x28b: {  	v0 =	vadd.f32 v0, v1;
	_ =	sdelay $0x1  }
0x28c: {  	(xrf2) =	vadd.scan.msk.f32 $0xffff, v0;
	_ =	sdelay $0x5  }
0x28d: {  	v56 =	vmov s15  }
0x28e: {  	v0 =	vbroadcast v56, $0x0;
	_ =	sdelay $0x2  }
0x28f: {  	v57, _, _ =	vpop (xrf2)  }
0x290: {  	v1 =	vbroadcast v57, $0xF  }
0x291: {  	s15 =	sadd.s32 $0x1D, s23  }
0x292: {  	s24 =	sshll.u32 s15, $0x7;
	[tilespmem:v0+s28+$0x0] =	vst.idx.msk $0x1, v1  }
0x293: {  	v0 =	vld [tilespmem:s24+$0x400]  }
0x294: {  	v1 =	vld [tilespmem:s24+$0x6840]  }
0x295: {  	v58 =	vld [tilespmem:s24+$0x410]  }
0x296: {  	v59 =	vld [tilespmem:s24+$0x6850]  }
0x297: {  	v60 =	vld [tilespmem:s24+$0x420]  }
0x298: {  	v61 =	vld [tilespmem:s24+$0x6860]  }
0x299: {  	v62 =	vld [tilespmem:s24+$0x430]  }
0x29a: {  	v63 =	vld [tilespmem:s24+$0x6870]  }
0x29b: {  	v0 =	vmul.bf16 v1, v0;
	v8 =	vmul.bf16 v59, v58;
	_ =	sdelay $0x1  }
0x29c: {  	v9 =	vmul.bf16 v61, v60;
	v0 =	vadd.bf16 v8, v0;
	_ =	sdelay $0x1  }
0x29d: {  	v10 =	vmul.bf16 v63, v62;
	v0 =	vadd.bf16 v9, v0;
	_ =	sdelay $0x1  }
0x29e: {  	v0 =	vadd.bf16 v10, v0;
	_ =	sdelay $0x1  }
0x29f: {  	v1 =	vunpack.i.u.bf16.f32 v0;
	v0 =	vunpack.i.l.bf16.f32 v0  }
0x2a0: {  	v0 =	vadd.f32 v0, v1;
	_ =	sdelay $0x1  }
0x2a1: {  	(xrf2) =	vadd.scan.msk.f32 $0xffff, v0;
	_ =	sdelay $0x5  }
0x2a2: {  	v11 =	vmov s15  }
0x2a3: {  	v0 =	vbroadcast v11, $0x0;
	_ =	sdelay $0x2  }
0x2a4: {  	v12, _, _ =	vpop (xrf2)  }
0x2a5: {  	v1 =	vbroadcast v12, $0xF  }
0x2a6: {  	s15 =	sadd.s32 $0x1E, s23  }
0x2a7: {  	s24 =	sshll.u32 s15, $0x7;
	[tilespmem:v0+s28+$0x0] =	vst.idx.msk $0x1, v1  }
0x2a8: {  	v0 =	vld [tilespmem:s24+$0x400]  }
0x2a9: {  	v1 =	vld [tilespmem:s24+$0x6840]  }
0x2aa: {  	v13 =	vld [tilespmem:s24+$0x410]  }
0x2ab: {  	v14 =	vld [tilespmem:s24+$0x6850]  }
0x2ac: {  	v15 =	vld [tilespmem:s24+$0x420]  }
0x2ad: {  	v16 =	vld [tilespmem:s24+$0x6860]  }
0x2ae: {  	v17 =	vld [tilespmem:s24+$0x430]  }
0x2af: {  	v18 =	vld [tilespmem:s24+$0x6870]  }
0x2b0: {  	v0 =	vmul.bf16 v1, v0;
	v19 =	vmul.bf16 v14, v13;
	_ =	sdelay $0x1  }
0x2b1: {  	v20 =	vmul.bf16 v16, v15;
	v0 =	vadd.bf16 v19, v0;
	_ =	sdelay $0x1  }
0x2b2: {  	v21 =	vmul.bf16 v18, v17;
	v0 =	vadd.bf16 v20, v0;
	_ =	sdelay $0x1  }
0x2b3: {  	v0 =	vadd.bf16 v21, v0;
	_ =	sdelay $0x1  }
0x2b4: {  	v1 =	vunpack.i.u.bf16.f32 v0;
	v0 =	vunpack.i.l.bf16.f32 v0  }
0x2b5: {  	v0 =	vadd.f32 v0, v1;
	_ =	sdelay $0x1  }
0x2b6: {  	(xrf2) =	vadd.scan.msk.f32 $0xffff, v0;
	_ =	sdelay $0x5  }
0x2b7: {  	v22 =	vmov s15  }
0x2b8: {  	v0 =	vbroadcast v22, $0x0;
	_ =	sdelay $0x2  }
0x2b9: {  	v23, _, _ =	vpop (xrf2)  }
0x2ba: {  	v1 =	vbroadcast v23, $0xF  }
0x2bb: {  	s15 =	sadd.s32 $0x1F, s23  }
0x2bc: {  	s24 =	sshll.u32 s15, $0x7;
	[tilespmem:v0+s28+$0x0] =	vst.idx.msk $0x1, v1  }
0x2bd: {  	v0 =	vld [tilespmem:s24+$0x400]  }
0x2be: {  	v1 =	vld [tilespmem:s24+$0x6840]  }
0x2bf: {  	v24 =	vld [tilespmem:s24+$0x410]  }
0x2c0: {  	v25 =	vld [tilespmem:s24+$0x6850]  }
0x2c1: {  	v26 =	vld [tilespmem:s24+$0x420]  }
0x2c2: {  	v27 =	vld [tilespmem:s24+$0x6860]  }
0x2c3: {  	v28 =	vld [tilespmem:s24+$0x430]  }
0x2c4: {  	v29 =	vld [tilespmem:s24+$0x6870]  }
0x2c5: {  	v0 =	vmul.bf16 v1, v0;
	v30 =	vmul.bf16 v25, v24;
	_ =	sdelay $0x1  }
0x2c6: {  	v31 =	vmul.bf16 v27, v26;
	v0 =	vadd.bf16 v30, v0;
	_ =	sdelay $0x1  }
0x2c7: {  	v32 =	vmul.bf16 v29, v28;
	v0 =	vadd.bf16 v31, v0;
	_ =	sdelay $0x1  }
0x2c8: {  	v0 =	vadd.bf16 v32, v0;
	_ =	sdelay $0x1  }
0x2c9: {  	v1 =	vunpack.i.u.bf16.f32 v0;
	v0 =	vunpack.i.l.bf16.f32 v0  }
0x2ca: {  	v0 =	vadd.f32 v0, v1;
	_ =	sdelay $0x1  }
0x2cb: {  	(xrf2) =	vadd.scan.msk.f32 $0xffff, v0;
	_ =	sdelay $0x7  }
0x2cc: {  	v33 =	vmov s15;
	_ =	sdelay $0x1  }
0x2cd: {  	v34, _, _ =	vpop (xrf2)  }
0x2ce: {  	v1 =	vbroadcast v34, $0xF  }
0x2cf: {  	s15 =	sadd.s32 $0x20, s23  }
0x2d0: {  	s24 =	sshll.u32 s15, $0x7;
	[tilespmem:v33+s28+$0x0] =	vst.idx.msk $0x1, v1  }
0x2d1: {  	v0 =	vld [tilespmem:s24+$0x400]  }
0x2d2: {  	v1 =	vld [tilespmem:s24+$0x6840]  }
0x2d3: {  	v35 =	vld [tilespmem:s24+$0x410]  }
0x2d4: {  	v36 =	vld [tilespmem:s24+$0x6850]  }
0x2d5: {  	v37 =	vld [tilespmem:s24+$0x420]  }
0x2d6: {  	v38 =	vld [tilespmem:s24+$0x6860]  }
0x2d7: {  	v39 =	vld [tilespmem:s24+$0x430]  }
0x2d8: {  	v40 =	vld [tilespmem:s24+$0x6870]  }
0x2d9: {  	v0 =	vmul.bf16 v1, v0;
	v41 =	vmul.bf16 v36, v35;
	_ =	sdelay $0x1  }
0x2da: {  	v42 =	vmul.bf16 v38, v37;
	v0 =	vadd.bf16 v41, v0;
	_ =	sdelay $0x1  }
0x2db: {  	v43 =	vmul.bf16 v40, v39;
	v0 =	vadd.bf16 v42, v0;
	_ =	sdelay $0x1  }
0x2dc: {  	v0 =	vadd.bf16 v43, v0;
	_ =	sdelay $0x1  }
0x2dd: {  	v1 =	vunpack.i.u.bf16.f32 v0;
	v0 =	vunpack.i.l.bf16.f32 v0  }
0x2de: {  	v0 =	vadd.f32 v0, v1;
	_ =	sdelay $0x1  }
0x2df: {  	(xrf2) =	vadd.scan.msk.f32 $0xffff, v0;
	_ =	sdelay $0x5  }
0x2e0: {  	v44 =	vmov s15  }
0x2e1: {  	v0 =	vbroadcast v44, $0x0;
	_ =	sdelay $0x2  }
0x2e2: {  	v45, _, _ =	vpop (xrf2)  }
0x2e3: {  	v1 =	vbroadcast v45, $0xF  }
0x2e4: {  	s15 =	sadd.s32 $0x21, s23  }
0x2e5: {  	s24 =	sshll.u32 s15, $0x7;
	[tilespmem:v0+s28+$0x0] =	vst.idx.msk $0x1, v1  }
0x2e6: {  	v0 =	vld [tilespmem:s24+$0x400]  }
0x2e7: {  	v1 =	vld [tilespmem:s24+$0x6840]  }
0x2e8: {  	v46 =	vld [tilespmem:s24+$0x410]  }
0x2e9: {  	v47 =	vld [tilespmem:s24+$0x6850]  }
0x2ea: {  	v48 =	vld [tilespmem:s24+$0x420]  }
0x2eb: {  	v49 =	vld [tilespmem:s24+$0x6860]  }
0x2ec: {  	v50 =	vld [tilespmem:s24+$0x430]  }
0x2ed: {  	v51 =	vld [tilespmem:s24+$0x6870]  }
0x2ee: {  	v0 =	vmul.bf16 v1, v0;
	v52 =	vmul.bf16 v47, v46;
	_ =	sdelay $0x1  }
0x2ef: {  	v53 =	vmul.bf16 v49, v48;
	v0 =	vadd.bf16 v52, v0;
	_ =	sdelay $0x1  }
0x2f0: {  	v54 =	vmul.bf16 v51, v50;
	v0 =	vadd.bf16 v53, v0;
	_ =	sdelay $0x1  }
0x2f1: {  	v0 =	vadd.bf16 v54, v0;
	_ =	sdelay $0x1  }
0x2f2: {  	v1 =	vunpack.i.u.bf16.f32 v0;
	v0 =	vunpack.i.l.bf16.f32 v0  }
0x2f3: {  	v0 =	vadd.f32 v0, v1;
	_ =	sdelay $0x1  }
0x2f4: {  	(xrf2) =	vadd.scan.msk.f32 $0xffff, v0;
	_ =	sdelay $0x5  }
0x2f5: {  	v55 =	vmov s15  }
0x2f6: {  	v0 =	vbroadcast v55, $0x0;
	_ =	sdelay $0x2  }
0x2f7: {  	v56, _, _ =	vpop (xrf2)  }
0x2f8: {  	v1 =	vbroadcast v56, $0xF  }
0x2f9: {  	s15 =	sadd.s32 $0x22, s23  }
0x2fa: {  	s24 =	sshll.u32 s15, $0x7;
	[tilespmem:v0+s28+$0x0] =	vst.idx.msk $0x1, v1  }
0x2fb: {  	v0 =	vld [tilespmem:s24+$0x400]  }
0x2fc: {  	v1 =	vld [tilespmem:s24+$0x6840]  }
0x2fd: {  	v57 =	vld [tilespmem:s24+$0x410]  }
0x2fe: {  	v58 =	vld [tilespmem:s24+$0x6850]  }
0x2ff: {  	v59 =	vld [tilespmem:s24+$0x420]  }
0x300: {  	v60 =	vld [tilespmem:s24+$0x6860]  }
0x301: {  	v61 =	vld [tilespmem:s24+$0x430]  }
0x302: {  	v62 =	vld [tilespmem:s24+$0x6870]  }
0x303: {  	v0 =	vmul.bf16 v1, v0;
	v63 =	vmul.bf16 v58, v57;
	_ =	sdelay $0x1  }
0x304: {  	v5 =	vmul.bf16 v60, v59;
	v0 =	vadd.bf16 v63, v0;
	_ =	sdelay $0x1  }
0x305: {  	v6 =	vmul.bf16 v62, v61;
	v0 =	vadd.bf16 v5, v0;
	_ =	sdelay $0x1  }
0x306: {  	v0 =	vadd.bf16 v6, v0;
	_ =	sdelay $0x1  }
0x307: {  	v1 =	vunpack.i.u.bf16.f32 v0;
	v0 =	vunpack.i.l.bf16.f32 v0  }
0x308: {  	v0 =	vadd.f32 v0, v1;
	_ =	sdelay $0x1  }
0x309: {  	(xrf2) =	vadd.scan.msk.f32 $0xffff, v0;
	_ =	sdelay $0x5  }
0x30a: {  	v7 =	vmov s15  }
0x30b: {  	v0 =	vbroadcast v7, $0x0;
	_ =	sdelay $0x2  }
0x30c: {  	v8, _, _ =	vpop (xrf2)  }
0x30d: {  	v1 =	vbroadcast v8, $0xF  }
0x30e: {  	s15 =	sadd.s32 $0x23, s23  }
0x30f: {  	s24 =	sshll.u32 s15, $0x7;
	[tilespmem:v0+s28+$0x0] =	vst.idx.msk $0x1, v1  }
0x310: {  	v0 =	vld [tilespmem:s24+$0x400]  }
0x311: {  	v1 =	vld [tilespmem:s24+$0x6840]  }
0x312: {  	v9 =	vld [tilespmem:s24+$0x410]  }
0x313: {  	v10 =	vld [tilespmem:s24+$0x6850]  }
0x314: {  	v11 =	vld [tilespmem:s24+$0x420]  }
0x315: {  	v12 =	vld [tilespmem:s24+$0x6860]  }
0x316: {  	v13 =	vld [tilespmem:s24+$0x430]  }
0x317: {  	v14 =	vld [tilespmem:s24+$0x6870]  }
0x318: {  	v0 =	vmul.bf16 v1, v0;
	v15 =	vmul.bf16 v10, v9;
	_ =	sdelay $0x1  }
0x319: {  	v16 =	vmul.bf16 v12, v11;
	v0 =	vadd.bf16 v15, v0;
	_ =	sdelay $0x1  }
0x31a: {  	v17 =	vmul.bf16 v14, v13;
	v0 =	vadd.bf16 v16, v0;
	_ =	sdelay $0x1  }
0x31b: {  	v0 =	vadd.bf16 v17, v0;
	_ =	sdelay $0x1  }
0x31c: {  	v1 =	vunpack.i.u.bf16.f32 v0;
	v0 =	vunpack.i.l.bf16.f32 v0  }
0x31d: {  	v0 =	vadd.f32 v0, v1;
	_ =	sdelay $0x1  }
0x31e: {  	(xrf2) =	vadd.scan.msk.f32 $0xffff, v0;
	_ =	sdelay $0x5  }
0x31f: {  	v18 =	vmov s15  }
0x320: {  	v0 =	vbroadcast v18, $0x0;
	_ =	sdelay $0x2  }
0x321: {  	v19, _, _ =	vpop (xrf2)  }
0x322: {  	v1 =	vbroadcast v19, $0xF  }
0x323: {  	s15 =	sadd.s32 $0x24, s23  }
0x324: {  	s24 =	sshll.u32 s15, $0x7;
	[tilespmem:v0+s28+$0x0] =	vst.idx.msk $0x1, v1  }
0x325: {  	v0 =	vld [tilespmem:s24+$0x400]  }
0x326: {  	v1 =	vld [tilespmem:s24+$0x6840]  }
0x327: {  	v20 =	vld [tilespmem:s24+$0x410]  }
0x328: {  	v21 =	vld [tilespmem:s24+$0x6850]  }
0x329: {  	v22 =	vld [tilespmem:s24+$0x420]  }
0x32a: {  	v23 =	vld [tilespmem:s24+$0x6860]  }
0x32b: {  	v24 =	vld [tilespmem:s24+$0x430]  }
0x32c: {  	v25 =	vld [tilespmem:s24+$0x6870]  }
0x32d: {  	v0 =	vmul.bf16 v1, v0;
	v26 =	vmul.bf16 v21, v20;
	_ =	sdelay $0x1  }
0x32e: {  	v27 =	vmul.bf16 v23, v22;
	v0 =	vadd.bf16 v26, v0;
	_ =	sdelay $0x1  }
0x32f: {  	v28 =	vmul.bf16 v25, v24;
	v0 =	vadd.bf16 v27, v0;
	_ =	sdelay $0x1  }
0x330: {  	v0 =	vadd.bf16 v28, v0;
	_ =	sdelay $0x1  }
0x331: {  	v1 =	vunpack.i.u.bf16.f32 v0;
	v0 =	vunpack.i.l.bf16.f32 v0  }
0x332: {  	v0 =	vadd.f32 v0, v1;
	_ =	sdelay $0x1  }
0x333: {  	(xrf2) =	vadd.scan.msk.f32 $0xffff, v0;
	_ =	sdelay $0x5  }
0x334: {  	v29 =	vmov s15  }
0x335: {  	v0 =	vbroadcast v29, $0x0;
	_ =	sdelay $0x2  }
0x336: {  	v30, _, _ =	vpop (xrf2)  }
0x337: {  	v1 =	vbroadcast v30, $0xF  }
0x338: {  	s15 =	sadd.s32 $0x25, s23  }
0x339: {  	s24 =	sshll.u32 s15, $0x7;
	[tilespmem:v0+s28+$0x0] =	vst.idx.msk $0x1, v1  }
0x33a: {  	v0 =	vld [tilespmem:s24+$0x400]  }
0x33b: {  	v1 =	vld [tilespmem:s24+$0x6840]  }
0x33c: {  	v31 =	vld [tilespmem:s24+$0x410]  }
0x33d: {  	v32 =	vld [tilespmem:s24+$0x6850]  }
0x33e: {  	v33 =	vld [tilespmem:s24+$0x420]  }
0x33f: {  	v34 =	vld [tilespmem:s24+$0x6860]  }
0x340: {  	v35 =	vld [tilespmem:s24+$0x430]  }
0x341: {  	v36 =	vld [tilespmem:s24+$0x6870]  }
0x342: {  	v0 =	vmul.bf16 v1, v0;
	v37 =	vmul.bf16 v32, v31;
	_ =	sdelay $0x1  }
0x343: {  	v38 =	vmul.bf16 v34, v33;
	v0 =	vadd.bf16 v37, v0;
	_ =	sdelay $0x1  }
0x344: {  	v39 =	vmul.bf16 v36, v35;
	v0 =	vadd.bf16 v38, v0;
	_ =	sdelay $0x1  }
0x345: {  	v0 =	vadd.bf16 v39, v0;
	_ =	sdelay $0x1  }
0x346: {  	v1 =	vunpack.i.u.bf16.f32 v0;
	v0 =	vunpack.i.l.bf16.f32 v0  }
0x347: {  	v0 =	vadd.f32 v0, v1;
	_ =	sdelay $0x1  }
0x348: {  	(xrf2) =	vadd.scan.msk.f32 $0xffff, v0;
	_ =	sdelay $0x5  }
0x349: {  	v40 =	vmov s15  }
0x34a: {  	v0 =	vbroadcast v40, $0x0;
	_ =	sdelay $0x2  }
0x34b: {  	v41, _, _ =	vpop (xrf2)  }
0x34c: {  	v1 =	vbroadcast v41, $0xF  }
0x34d: {  	s15 =	sadd.s32 $0x26, s23  }
0x34e: {  	s24 =	sshll.u32 s15, $0x7;
	[tilespmem:v0+s28+$0x0] =	vst.idx.msk $0x1, v1  }
0x34f: {  	v0 =	vld [tilespmem:s24+$0x400]  }
0x350: {  	v1 =	vld [tilespmem:s24+$0x6840]  }
0x351: {  	v42 =	vld [tilespmem:s24+$0x410]  }
0x352: {  	v43 =	vld [tilespmem:s24+$0x6850]  }
0x353: {  	v44 =	vld [tilespmem:s24+$0x420]  }
0x354: {  	v45 =	vld [tilespmem:s24+$0x6860]  }
0x355: {  	v46 =	vld [tilespmem:s24+$0x430]  }
0x356: {  	v47 =	vld [tilespmem:s24+$0x6870]  }
0x357: {  	v0 =	vmul.bf16 v1, v0;
	v48 =	vmul.bf16 v43, v42;
	_ =	sdelay $0x1  }
0x358: {  	v49 =	vmul.bf16 v45, v44;
	v0 =	vadd.bf16 v48, v0;
	_ =	sdelay $0x1  }
0x359: {  	v50 =	vmul.bf16 v47, v46;
	v0 =	vadd.bf16 v49, v0;
	_ =	sdelay $0x1  }
0x35a: {  	v0 =	vadd.bf16 v50, v0;
	_ =	sdelay $0x1  }
0x35b: {  	v1 =	vunpack.i.u.bf16.f32 v0;
	v0 =	vunpack.i.l.bf16.f32 v0  }
0x35c: {  	v0 =	vadd.f32 v0, v1;
	_ =	sdelay $0x1  }
0x35d: {  	(xrf2) =	vadd.scan.msk.f32 $0xffff, v0;
	_ =	sdelay $0x5  }
0x35e: {  	v51 =	vmov s15  }
0x35f: {  	v0 =	vbroadcast v51, $0x0;
	_ =	sdelay $0x2  }
0x360: {  	v52, _, _ =	vpop (xrf2)  }
0x361: {  	v1 =	vbroadcast v52, $0xF  }
0x362: {  	s24 =	sadd.s32 $0x27, s23  }
0x363: {  	s23 =	sshll.u32 s24, $0x7;
	[tilespmem:v0+s28+$0x0] =	vst.idx.msk $0x1, v1  }
0x364: {  	v0 =	vld [tilespmem:s23+$0x400]  }
0x365: {  	v1 =	vld [tilespmem:s23+$0x6840]  }
0x366: {  	v53 =	vld [tilespmem:s23+$0x410]  }
0x367: {  	v54 =	vld [tilespmem:s23+$0x6850]  }
0x368: {  	v55 =	vld [tilespmem:s23+$0x420]  }
0x369: {  	v56 =	vld [tilespmem:s23+$0x6860]  }
0x36a: {  	v57 =	vld [tilespmem:s23+$0x430]  }
0x36b: {  	v58 =	vld [tilespmem:s23+$0x6870]  }
0x36c: {  	v0 =	vmul.bf16 v1, v0;
	v59 =	vmul.bf16 v54, v53;
	_ =	sdelay $0x1  }
0x36d: {  	v60 =	vmul.bf16 v56, v55;
	v0 =	vadd.bf16 v59, v0;
	_ =	sdelay $0x1  }
0x36e: {  	v61 =	vmul.bf16 v58, v57;
	v0 =	vadd.bf16 v60, v0;
	_ =	sdelay $0x1  }
0x36f: {  	v0 =	vadd.bf16 v61, v0;
	_ =	sdelay $0x1  }
0x370: {  	v1 =	vunpack.i.u.bf16.f32 v0;
	v0 =	vunpack.i.l.bf16.f32 v0  }
0x371: {  	v0 =	vadd.f32 v0, v1;
	_ =	sdelay $0x1  }
0x372: {  	(xrf2) =	vadd.scan.msk.f32 $0xffff, v0;
	_ =	sdelay $0x7  }
0x373: {  	p1 =	sne.s32 s21, $0x4;
	v62 =	vmov s24  }
.Ltmp0:
0x374: {  	_ = 	snop;
	(pc) =	sbr.rel @p1 .LBB2_3-.Ltmp0, $3  }
0x375: {  	v63, _, _ =	vpop (xrf2)  }
0x376: {  	v1 =	vbroadcast v63, $0xF;
	_ =	sdelay $0x1  }
0x377: {  	s21 =	sadd.s32 $0x1, s21;
	[tilespmem:v62+s28+$0x0] =	vst.idx.msk $0x1, v1  }
0x378: {  	_ =	swait.ge [sflag:s29], $0x6400  }
0x379: {  	[sflag:s29] =	ssyncset.done $0x0  }
0x37a: {  	[sflag:s29] =	ssyncadd.s32 $0xFFFF9C00  }
0x37b: {  	_ =	swait.ge [sflag:s30], $0x6400  }
0x37c: {  	[sflag:s30] =	ssyncset.done $0x0  }
0x37d: {  	s15 =	simm.s32 @!p0 $0x1;
	[sflag:s30] =	ssyncadd.s32 $0xFFFF9C00  }
0x37e: {  	_ =	swait.ge @!p0 [sflag:s15], $0xD0  }
0x37f: {  	[sflag:s15] =	ssyncset.done @!p0 $0x0  }
0x380: {  	[sflag:s15] =	ssyncadd.s32 @!p0 $0xFFFFFF30  }
0x381: {  	_ =	swait.ge @!p0 [sflag:s15], $0xD0  }
0x382: {  	s21 =	simm.s32 @!p0 $0x0;
	[sflag:s15] =	ssyncset.done @!p0 $0x0  }
0x383: {  	s23 =	simm.s32 @!p0 $0x400;
	[sflag:s15] =	ssyncadd.s32 @!p0 $0xFFFFFF30;
	s15 =	simm.s32 @!p0 $0xC8  }
0x384: {  	[tilespmem:s23], [sflag:$0x3] =	stream.indirect.gather @!p0 [hbm4b:s6+s15], $0x80, s21, s15, $0xb8;
	[tilespmem:$0x19600] =	vst v63  }
0x385: {  	s24 =	simm.s32 @!p0 $0x6800;
	s23 =	simm.s32 @!p0 $0x100  }
0x386: {  	[tilespmem:s24], [sflag:$0x4] =	stream.indirect.gather @!p0 [hbm4b:s6+s15], $0x80, s23, s15, $0xb8;
	[tilespmem:$0x19600] =	vst v63  }
0x387: {  	s15 =	sadd.s32 @!p0 s20, s13  }
0x388: {  	s15 =	sshrl.u32 @!p0 s15, $0x3  }
0x389: {  	s23 =	simm.s32 @!p0 $0x200;
	s20 =	sadd.s32 @!p0 s7, s15  }
0x38a: {  	[tilespmem:s23], [sflag:$0x2] =	stream.linear.gather @!p0 [hbm4b:s20+s21], $0xD0, $0x38;
	[tilespmem:$0x19600] =	vst v63  }
0x38b: {  	s15 =	sadd.s32 @!p0 s2, s15;
	s20 =	simm.s32 @!p0 $0x300  }
0x38c: {  	[tilespmem:s20], [sflag:$0x2] =	stream.linear.gather @!p0 [hbm4b:s15+s21], $0xD0, $0x38;
	[tilespmem:$0x19600] =	vst v63  }
0x38d: {  	s20 =	simm.s32 $0x0  }
.LBB2_5:
0x38e: {  	s21 =	smul.u32 $0x1400, s20;
	_ =	sdelay $0x1  }
0x38f: {  	v0 =	vld [tilespmem:s21+$0xCC00]  }
0x390: {  	v1 =	vld [tilespmem:s21+$0x13040]  }
0x391: {  	v2 =	vld [tilespmem:s21+$0xCC10]  }
0x392: {  	v3 =	vld [tilespmem:s21+$0x13050]  }
0x393: {  	v4 =	vld [tilespmem:s21+$0xCC20]  }
0x394: {  	v5 =	vld [tilespmem:s21+$0x13060]  }
0x395: {  	v6 =	vld [tilespmem:s21+$0xCC30]  }
0x396: {  	v7 =	vld [tilespmem:s21+$0x13070]  }
0x397: {  	v0 =	vmul.bf16 v1, v0;
	v20 =	vmul.bf16 v3, v2;
	_ =	sdelay $0x1  }
0x398: {  	v21 =	vmul.bf16 v5, v4;
	v0 =	vadd.bf16 v20, v0;
	_ =	sdelay $0x1  }
0x399: {  	v22 =	vmul.bf16 v7, v6;
	v0 =	vadd.bf16 v21, v0;
	_ =	sdelay $0x1  }
0x39a: {  	v0 =	vadd.bf16 v22, v0;
	_ =	sdelay $0x1  }
0x39b: {  	v1 =	vunpack.i.u.bf16.f32 v0;
	v0 =	vunpack.i.l.bf16.f32 v0  }
0x39c: {  	v0 =	vadd.f32 v0, v1;
	_ =	sdelay $0x1  }
0x39d: {  	(xrf2) =	vadd.scan.msk.f32 $0xffff, v0;
	_ =	sdelay $0x2  }
0x39e: {  	s23 =	smul.u32 $0x28, s20;
	_ =	sdelay $0x1  }
0x39f: {  	s15 =	sadd.s32 $0xC8, s23  }
0x3a0: {  	v23 =	vmov s15  }
0x3a1: {  	v0 =	vbroadcast v23, $0x0;
	_ =	sdelay $0x2  }
0x3a2: {  	v24, _, _ =	vpop (xrf2)  }
0x3a3: {  	v1 =	vbroadcast v24, $0xF;
	_ =	sdelay $0x1  }
0x3a4: {  	[tilespmem:v0+s28+$0x0] =	vst.idx.msk $0x1, v1  }
0x3a5: {  	v0 =	vld [tilespmem:s21+$0xCC80]  }
0x3a6: {  	v1 =	vld [tilespmem:s21+$0x130C0]  }
0x3a7: {  	v25 =	vld [tilespmem:s21+$0xCC90]  }
0x3a8: {  	v26 =	vld [tilespmem:s21+$0x130D0]  }
0x3a9: {  	v27 =	vld [tilespmem:s21+$0xCCA0]  }
0x3aa: {  	v28 =	vld [tilespmem:s21+$0x130E0]  }
0x3ab: {  	v29 =	vld [tilespmem:s21+$0xCCB0]  }
0x3ac: {  	v30 =	vld [tilespmem:s21+$0x130F0]  }
0x3ad: {  	v0 =	vmul.bf16 v1, v0;
	v31 =	vmul.bf16 v26, v25;
	_ =	sdelay $0x1  }
0x3ae: {  	v32 =	vmul.bf16 v28, v27;
	v0 =	vadd.bf16 v31, v0;
	_ =	sdelay $0x1  }
0x3af: {  	v33 =	vmul.bf16 v30, v29;
	v0 =	vadd.bf16 v32, v0;
	_ =	sdelay $0x1  }
0x3b0: {  	v0 =	vadd.bf16 v33, v0;
	_ =	sdelay $0x1  }
0x3b1: {  	v1 =	vunpack.i.u.bf16.f32 v0;
	v0 =	vunpack.i.l.bf16.f32 v0  }
0x3b2: {  	v0 =	vadd.f32 v0, v1;
	_ =	sdelay $0x1  }
0x3b3: {  	(xrf2) =	vadd.scan.msk.f32 $0xffff, v0;
	_ =	sdelay $0x4  }
0x3b4: {  	s24 =	sadd.s32 $0xC9, s23  }
0x3b5: {  	v34 =	vmov s24  }
0x3b6: {  	v0 =	vbroadcast v34, $0x0;
	_ =	sdelay $0x2  }
0x3b7: {  	v35, _, _ =	vpop (xrf2)  }
0x3b8: {  	v1 =	vbroadcast v35, $0xF;
	_ =	sdelay $0x1  }
0x3b9: {  	[tilespmem:v0+s28+$0x0] =	vst.idx.msk $0x1, v1  }
0x3ba: {  	v0 =	vld [tilespmem:s21+$0xCD00]  }
0x3bb: {  	v1 =	vld [tilespmem:s21+$0x13140]  }
0x3bc: {  	v36 =	vld [tilespmem:s21+$0xCD10]  }
0x3bd: {  	v37 =	vld [tilespmem:s21+$0x13150]  }
0x3be: {  	v38 =	vld [tilespmem:s21+$0xCD20]  }
0x3bf: {  	v39 =	vld [tilespmem:s21+$0x13160]  }
0x3c0: {  	v40 =	vld [tilespmem:s21+$0xCD30]  }
0x3c1: {  	v41 =	vld [tilespmem:s21+$0x13170]  }
0x3c2: {  	v0 =	vmul.bf16 v1, v0;
	v42 =	vmul.bf16 v37, v36;
	_ =	sdelay $0x1  }
0x3c3: {  	v43 =	vmul.bf16 v39, v38;
	v0 =	vadd.bf16 v42, v0;
	_ =	sdelay $0x1  }
0x3c4: {  	v44 =	vmul.bf16 v41, v40;
	v0 =	vadd.bf16 v43, v0;
	_ =	sdelay $0x1  }
0x3c5: {  	v0 =	vadd.bf16 v44, v0;
	_ =	sdelay $0x1  }
0x3c6: {  	v1 =	vunpack.i.u.bf16.f32 v0;
	v0 =	vunpack.i.l.bf16.f32 v0  }
0x3c7: {  	v0 =	vadd.f32 v0, v1;
	_ =	sdelay $0x1  }
0x3c8: {  	(xrf2) =	vadd.scan.msk.f32 $0xffff, v0;
	_ =	sdelay $0x4  }
0x3c9: {  	s24 =	sadd.s32 $0xCA, s23  }
0x3ca: {  	v45 =	vmov s24  }
0x3cb: {  	v0 =	vbroadcast v45, $0x0;
	_ =	sdelay $0x2  }
0x3cc: {  	v46, _, _ =	vpop (xrf2)  }
0x3cd: {  	v1 =	vbroadcast v46, $0xF;
	_ =	sdelay $0x1  }
0x3ce: {  	[tilespmem:v0+s28+$0x0] =	vst.idx.msk $0x1, v1  }
0x3cf: {  	v0 =	vld [tilespmem:s21+$0xCD80]  }
0x3d0: {  	v1 =	vld [tilespmem:s21+$0x131C0]  }
0x3d1: {  	v47 =	vld [tilespmem:s21+$0xCD90]  }
0x3d2: {  	v48 =	vld [tilespmem:s21+$0x131D0]  }
0x3d3: {  	v49 =	vld [tilespmem:s21+$0xCDA0]  }
0x3d4: {  	v50 =	vld [tilespmem:s21+$0x131E0]  }
0x3d5: {  	v51 =	vld [tilespmem:s21+$0xCDB0]  }
0x3d6: {  	v52 =	vld [tilespmem:s21+$0x131F0]  }
0x3d7: {  	v0 =	vmul.bf16 v1, v0;
	v53 =	vmul.bf16 v48, v47;
	_ =	sdelay $0x1  }
0x3d8: {  	v54 =	vmul.bf16 v50, v49;
	v0 =	vadd.bf16 v53, v0;
	_ =	sdelay $0x1  }
0x3d9: {  	v55 =	vmul.bf16 v52, v51;
	v0 =	vadd.bf16 v54, v0;
	_ =	sdelay $0x1  }
0x3da: {  	v0 =	vadd.bf16 v55, v0;
	_ =	sdelay $0x1  }
0x3db: {  	v1 =	vunpack.i.u.bf16.f32 v0;
	v0 =	vunpack.i.l.bf16.f32 v0  }
0x3dc: {  	v0 =	vadd.f32 v0, v1;
	_ =	sdelay $0x1  }
0x3dd: {  	(xrf2) =	vadd.scan.msk.f32 $0xffff, v0;
	_ =	sdelay $0x4  }
0x3de: {  	s24 =	sadd.s32 $0xCB, s23  }
0x3df: {  	v56 =	vmov s24  }
0x3e0: {  	v0 =	vbroadcast v56, $0x0;
	_ =	sdelay $0x2  }
0x3e1: {  	v57, _, _ =	vpop (xrf2)  }
0x3e2: {  	v1 =	vbroadcast v57, $0xF;
	_ =	sdelay $0x1  }
0x3e3: {  	[tilespmem:v0+s28+$0x0] =	vst.idx.msk $0x1, v1  }
0x3e4: {  	v0 =	vld [tilespmem:s21+$0xCE00]  }
0x3e5: {  	v1 =	vld [tilespmem:s21+$0x13240]  }
0x3e6: {  	v58 =	vld [tilespmem:s21+$0xCE10]  }
0x3e7: {  	v59 =	vld [tilespmem:s21+$0x13250]  }
0x3e8: {  	v60 =	vld [tilespmem:s21+$0xCE20]  }
0x3e9: {  	v61 =	vld [tilespmem:s21+$0x13260]  }
0x3ea: {  	v62 =	vld [tilespmem:s21+$0xCE30]  }
0x3eb: {  	v63 =	vld [tilespmem:s21+$0x13270]  }
0x3ec: {  	v0 =	vmul.bf16 v1, v0;
	v9 =	vmul.bf16 v59, v58;
	_ =	sdelay $0x1  }
0x3ed: {  	v10 =	vmul.bf16 v61, v60;
	v0 =	vadd.bf16 v9, v0;
	_ =	sdelay $0x1  }
0x3ee: {  	v11 =	vmul.bf16 v63, v62;
	v0 =	vadd.bf16 v10, v0;
	_ =	sdelay $0x1  }
0x3ef: {  	v0 =	vadd.bf16 v11, v0;
	_ =	sdelay $0x1  }
0x3f0: {  	v1 =	vunpack.i.u.bf16.f32 v0;
	v0 =	vunpack.i.l.bf16.f32 v0  }
0x3f1: {  	v0 =	vadd.f32 v0, v1;
	_ =	sdelay $0x1  }
0x3f2: {  	(xrf2) =	vadd.scan.msk.f32 $0xffff, v0;
	_ =	sdelay $0x4  }
0x3f3: {  	s24 =	sadd.s32 $0xCC, s23  }
0x3f4: {  	v12 =	vmov s24  }
0x3f5: {  	v0 =	vbroadcast v12, $0x0;
	_ =	sdelay $0x2  }
0x3f6: {  	v13, _, _ =	vpop (xrf2)  }
0x3f7: {  	v1 =	vbroadcast v13, $0xF;
	_ =	sdelay $0x1  }
0x3f8: {  	[tilespmem:v0+s28+$0x0] =	vst.idx.msk $0x1, v1  }
0x3f9: {  	v0 =	vld [tilespmem:s21+$0xCE80]  }
0x3fa: {  	v1 =	vld [tilespmem:s21+$0x132C0]  }
0x3fb: {  	v14 =	vld [tilespmem:s21+$0xCE90]  }
0x3fc: {  	v15 =	vld [tilespmem:s21+$0x132D0]  }
0x3fd: {  	v16 =	vld [tilespmem:s21+$0xCEA0]  }
0x3fe: {  	v17 =	vld [tilespmem:s21+$0x132E0]  }
0x3ff: {  	v18 =	vld [tilespmem:s21+$0xCEB0]  }
0x400: {  	v19 =	vld [tilespmem:s21+$0x132F0]  }
0x401: {  	v0 =	vmul.bf16 v1, v0;
	v20 =	vmul.bf16 v15, v14;
	_ =	sdelay $0x1  }
0x402: {  	v21 =	vmul.bf16 v17, v16;
	v0 =	vadd.bf16 v20, v0;
	_ =	sdelay $0x1  }
0x403: {  	v22 =	vmul.bf16 v19, v18;
	v0 =	vadd.bf16 v21, v0;
	_ =	sdelay $0x1  }
0x404: {  	v0 =	vadd.bf16 v22, v0;
	_ =	sdelay $0x1  }
0x405: {  	v1 =	vunpack.i.u.bf16.f32 v0;
	v0 =	vunpack.i.l.bf16.f32 v0  }
0x406: {  	v0 =	vadd.f32 v0, v1;
	_ =	sdelay $0x1  }
0x407: {  	(xrf2) =	vadd.scan.msk.f32 $0xffff, v0;
	_ =	sdelay $0x4  }
0x408: {  	s24 =	sadd.s32 $0xCD, s23  }
0x409: {  	v23 =	vmov s24  }
0x40a: {  	v0 =	vbroadcast v23, $0x0;
	_ =	sdelay $0x2  }
0x40b: {  	v24, _, _ =	vpop (xrf2)  }
0x40c: {  	v1 =	vbroadcast v24, $0xF;
	_ =	sdelay $0x1  }
0x40d: {  	[tilespmem:v0+s28+$0x0] =	vst.idx.msk $0x1, v1  }
0x40e: {  	v0 =	vld [tilespmem:s21+$0xCF00]  }
0x40f: {  	v1 =	vld [tilespmem:s21+$0x13340]  }
0x410: {  	v25 =	vld [tilespmem:s21+$0xCF10]  }
0x411: {  	v26 =	vld [tilespmem:s21+$0x13350]  }
0x412: {  	v27 =	vld [tilespmem:s21+$0xCF20]  }
0x413: {  	v28 =	vld [tilespmem:s21+$0x13360]  }
0x414: {  	v29 =	vld [tilespmem:s21+$0xCF30]  }
0x415: {  	v30 =	vld [tilespmem:s21+$0x13370]  }
0x416: {  	v0 =	vmul.bf16 v1, v0;
	v31 =	vmul.bf16 v26, v25;
	_ =	sdelay $0x1  }
0x417: {  	v32 =	vmul.bf16 v28, v27;
	v0 =	vadd.bf16 v31, v0;
	_ =	sdelay $0x1  }
0x418: {  	v33 =	vmul.bf16 v30, v29;
	v0 =	vadd.bf16 v32, v0;
	_ =	sdelay $0x1  }
0x419: {  	v0 =	vadd.bf16 v33, v0;
	_ =	sdelay $0x1  }
0x41a: {  	v1 =	vunpack.i.u.bf16.f32 v0;
	v0 =	vunpack.i.l.bf16.f32 v0  }
0x41b: {  	v0 =	vadd.f32 v0, v1;
	_ =	sdelay $0x1  }
0x41c: {  	(xrf2) =	vadd.scan.msk.f32 $0xffff, v0;
	_ =	sdelay $0x4  }
0x41d: {  	s24 =	sadd.s32 $0xCE, s23  }
0x41e: {  	v34 =	vmov s24  }
0x41f: {  	v0 =	vbroadcast v34, $0x0;
	_ =	sdelay $0x2  }
0x420: {  	v35, _, _ =	vpop (xrf2)  }
0x421: {  	v1 =	vbroadcast v35, $0xF;
	_ =	sdelay $0x1  }
0x422: {  	[tilespmem:v0+s28+$0x0] =	vst.idx.msk $0x1, v1  }
0x423: {  	v0 =	vld [tilespmem:s21+$0xCF80]  }
0x424: {  	v1 =	vld [tilespmem:s21+$0x133C0]  }
0x425: {  	v36 =	vld [tilespmem:s21+$0xCF90]  }
0x426: {  	v37 =	vld [tilespmem:s21+$0x133D0]  }
0x427: {  	v38 =	vld [tilespmem:s21+$0xCFA0]  }
0x428: {  	v39 =	vld [tilespmem:s21+$0x133E0]  }
0x429: {  	v40 =	vld [tilespmem:s21+$0xCFB0]  }
0x42a: {  	v41 =	vld [tilespmem:s21+$0x133F0]  }
0x42b: {  	v0 =	vmul.bf16 v1, v0;
	v42 =	vmul.bf16 v37, v36;
	_ =	sdelay $0x1  }
0x42c: {  	v43 =	vmul.bf16 v39, v38;
	v0 =	vadd.bf16 v42, v0;
	_ =	sdelay $0x1  }
0x42d: {  	v44 =	vmul.bf16 v41, v40;
	v0 =	vadd.bf16 v43, v0;
	_ =	sdelay $0x1  }
0x42e: {  	v0 =	vadd.bf16 v44, v0;
	_ =	sdelay $0x1  }
0x42f: {  	v1 =	vunpack.i.u.bf16.f32 v0;
	v0 =	vunpack.i.l.bf16.f32 v0  }
0x430: {  	v0 =	vadd.f32 v0, v1;
	_ =	sdelay $0x1  }
0x431: {  	(xrf2) =	vadd.scan.msk.f32 $0xffff, v0;
	_ =	sdelay $0x6  }
0x432: {  	s24 =	sadd.s32 $0xCF, s23  }
0x433: {  	v45 =	vmov s24;
	_ =	sdelay $0x1  }
0x434: {  	v46, _, _ =	vpop (xrf2)  }
0x435: {  	v1 =	vbroadcast v46, $0xF;
	_ =	sdelay $0x1  }
0x436: {  	[tilespmem:v45+s28+$0x0] =	vst.idx.msk $0x1, v1  }
0x437: {  	v0 =	vld [tilespmem:s21+$0xD000]  }
0x438: {  	v1 =	vld [tilespmem:s21+$0x13440]  }
0x439: {  	v47 =	vld [tilespmem:s21+$0xD010]  }
0x43a: {  	v48 =	vld [tilespmem:s21+$0x13450]  }
0x43b: {  	v49 =	vld [tilespmem:s21+$0xD020]  }
0x43c: {  	v50 =	vld [tilespmem:s21+$0x13460]  }
0x43d: {  	v51 =	vld [tilespmem:s21+$0xD030]  }
0x43e: {  	v52 =	vld [tilespmem:s21+$0x13470]  }
0x43f: {  	v0 =	vmul.bf16 v1, v0;
	v53 =	vmul.bf16 v48, v47;
	_ =	sdelay $0x1  }
0x440: {  	v54 =	vmul.bf16 v50, v49;
	v0 =	vadd.bf16 v53, v0;
	_ =	sdelay $0x1  }
0x441: {  	v55 =	vmul.bf16 v52, v51;
	v0 =	vadd.bf16 v54, v0;
	_ =	sdelay $0x1  }
0x442: {  	v0 =	vadd.bf16 v55, v0;
	_ =	sdelay $0x1  }
0x443: {  	v1 =	vunpack.i.u.bf16.f32 v0;
	v0 =	vunpack.i.l.bf16.f32 v0  }
0x444: {  	v0 =	vadd.f32 v0, v1;
	_ =	sdelay $0x1  }
0x445: {  	(xrf2) =	vadd.scan.msk.f32 $0xffff, v0;
	_ =	sdelay $0x4  }
0x446: {  	s24 =	sadd.s32 $0xD0, s23  }
0x447: {  	v56 =	vmov s24  }
0x448: {  	v0 =	vbroadcast v56, $0x0;
	_ =	sdelay $0x2  }
0x449: {  	v57, _, _ =	vpop (xrf2)  }
0x44a: {  	v1 =	vbroadcast v57, $0xF;
	_ =	sdelay $0x1  }
0x44b: {  	[tilespmem:v0+s28+$0x0] =	vst.idx.msk $0x1, v1  }
0x44c: {  	v0 =	vld [tilespmem:s21+$0xD080]  }
0x44d: {  	v1 =	vld [tilespmem:s21+$0x134C0]  }
0x44e: {  	v58 =	vld [tilespmem:s21+$0xD090]  }
0x44f: {  	v59 =	vld [tilespmem:s21+$0x134D0]  }
0x450: {  	v60 =	vld [tilespmem:s21+$0xD0A0]  }
0x451: {  	v61 =	vld [tilespmem:s21+$0x134E0]  }
0x452: {  	v62 =	vld [tilespmem:s21+$0xD0B0]  }
0x453: {  	v63 =	vld [tilespmem:s21+$0x134F0]  }
0x454: {  	v0 =	vmul.bf16 v1, v0;
	v9 =	vmul.bf16 v59, v58;
	_ =	sdelay $0x1  }
0x455: {  	v10 =	vmul.bf16 v61, v60;
	v0 =	vadd.bf16 v9, v0;
	_ =	sdelay $0x1  }
0x456: {  	v11 =	vmul.bf16 v63, v62;
	v0 =	vadd.bf16 v10, v0;
	_ =	sdelay $0x1  }
0x457: {  	v0 =	vadd.bf16 v11, v0;
	_ =	sdelay $0x1  }
0x458: {  	v1 =	vunpack.i.u.bf16.f32 v0;
	v0 =	vunpack.i.l.bf16.f32 v0  }
0x459: {  	v0 =	vadd.f32 v0, v1;
	_ =	sdelay $0x1  }
0x45a: {  	(xrf2) =	vadd.scan.msk.f32 $0xffff, v0;
	_ =	sdelay $0x4  }
0x45b: {  	s24 =	sadd.s32 $0xD1, s23  }
0x45c: {  	v12 =	vmov s24  }
0x45d: {  	v0 =	vbroadcast v12, $0x0;
	_ =	sdelay $0x2  }
0x45e: {  	v13, _, _ =	vpop (xrf2)  }
0x45f: {  	v1 =	vbroadcast v13, $0xF;
	_ =	sdelay $0x1  }
0x460: {  	[tilespmem:v0+s28+$0x0] =	vst.idx.msk $0x1, v1  }
0x461: {  	v0 =	vld [tilespmem:s21+$0xD100]  }
0x462: {  	v1 =	vld [tilespmem:s21+$0x13540]  }
0x463: {  	v14 =	vld [tilespmem:s21+$0xD110]  }
0x464: {  	v15 =	vld [tilespmem:s21+$0x13550]  }
0x465: {  	v16 =	vld [tilespmem:s21+$0xD120]  }
0x466: {  	v17 =	vld [tilespmem:s21+$0x13560]  }
0x467: {  	v18 =	vld [tilespmem:s21+$0xD130]  }
0x468: {  	v19 =	vld [tilespmem:s21+$0x13570]  }
0x469: {  	v0 =	vmul.bf16 v1, v0;
	v20 =	vmul.bf16 v15, v14;
	_ =	sdelay $0x1  }
0x46a: {  	v21 =	vmul.bf16 v17, v16;
	v0 =	vadd.bf16 v20, v0;
	_ =	sdelay $0x1  }
0x46b: {  	v22 =	vmul.bf16 v19, v18;
	v0 =	vadd.bf16 v21, v0;
	_ =	sdelay $0x1  }
0x46c: {  	v0 =	vadd.bf16 v22, v0;
	_ =	sdelay $0x1  }
0x46d: {  	v1 =	vunpack.i.u.bf16.f32 v0;
	v0 =	vunpack.i.l.bf16.f32 v0  }
0x46e: {  	v0 =	vadd.f32 v0, v1;
	_ =	sdelay $0x1  }
0x46f: {  	(xrf2) =	vadd.scan.msk.f32 $0xffff, v0;
	_ =	sdelay $0x4  }
0x470: {  	s24 =	sadd.s32 $0xD2, s23  }
0x471: {  	v23 =	vmov s24  }
0x472: {  	v0 =	vbroadcast v23, $0x0;
	_ =	sdelay $0x2  }
0x473: {  	v24, _, _ =	vpop (xrf2)  }
0x474: {  	v1 =	vbroadcast v24, $0xF;
	_ =	sdelay $0x1  }
0x475: {  	[tilespmem:v0+s28+$0x0] =	vst.idx.msk $0x1, v1  }
0x476: {  	v0 =	vld [tilespmem:s21+$0xD180]  }
0x477: {  	v1 =	vld [tilespmem:s21+$0x135C0]  }
0x478: {  	v25 =	vld [tilespmem:s21+$0xD190]  }
0x479: {  	v26 =	vld [tilespmem:s21+$0x135D0]  }
0x47a: {  	v27 =	vld [tilespmem:s21+$0xD1A0]  }
0x47b: {  	v28 =	vld [tilespmem:s21+$0x135E0]  }
0x47c: {  	v29 =	vld [tilespmem:s21+$0xD1B0]  }
0x47d: {  	v30 =	vld [tilespmem:s21+$0x135F0]  }
0x47e: {  	v0 =	vmul.bf16 v1, v0;
	v31 =	vmul.bf16 v26, v25;
	_ =	sdelay $0x1  }
0x47f: {  	v32 =	vmul.bf16 v28, v27;
	v0 =	vadd.bf16 v31, v0;
	_ =	sdelay $0x1  }
0x480: {  	v33 =	vmul.bf16 v30, v29;
	v0 =	vadd.bf16 v32, v0;
	_ =	sdelay $0x1  }
0x481: {  	v0 =	vadd.bf16 v33, v0;
	_ =	sdelay $0x1  }
0x482: {  	v1 =	vunpack.i.u.bf16.f32 v0;
	v0 =	vunpack.i.l.bf16.f32 v0  }
0x483: {  	v0 =	vadd.f32 v0, v1;
	_ =	sdelay $0x1  }
0x484: {  	(xrf2) =	vadd.scan.msk.f32 $0xffff, v0;
	_ =	sdelay $0x4  }
0x485: {  	s24 =	sadd.s32 $0xD3, s23  }
0x486: {  	v34 =	vmov s24  }
0x487: {  	v0 =	vbroadcast v34, $0x0;
	_ =	sdelay $0x2  }
0x488: {  	v35, _, _ =	vpop (xrf2)  }
0x489: {  	v1 =	vbroadcast v35, $0xF;
	_ =	sdelay $0x1  }
0x48a: {  	[tilespmem:v0+s28+$0x0] =	vst.idx.msk $0x1, v1  }
0x48b: {  	v0 =	vld [tilespmem:s21+$0xD200]  }
0x48c: {  	v1 =	vld [tilespmem:s21+$0x13640]  }
0x48d: {  	v36 =	vld [tilespmem:s21+$0xD210]  }
0x48e: {  	v37 =	vld [tilespmem:s21+$0x13650]  }
0x48f: {  	v38 =	vld [tilespmem:s21+$0xD220]  }
0x490: {  	v39 =	vld [tilespmem:s21+$0x13660]  }
0x491: {  	v40 =	vld [tilespmem:s21+$0xD230]  }
0x492: {  	v41 =	vld [tilespmem:s21+$0x13670]  }
0x493: {  	v0 =	vmul.bf16 v1, v0;
	v42 =	vmul.bf16 v37, v36;
	_ =	sdelay $0x1  }
0x494: {  	v43 =	vmul.bf16 v39, v38;
	v0 =	vadd.bf16 v42, v0;
	_ =	sdelay $0x1  }
0x495: {  	v44 =	vmul.bf16 v41, v40;
	v0 =	vadd.bf16 v43, v0;
	_ =	sdelay $0x1  }
0x496: {  	v0 =	vadd.bf16 v44, v0;
	_ =	sdelay $0x1  }
0x497: {  	v1 =	vunpack.i.u.bf16.f32 v0;
	v0 =	vunpack.i.l.bf16.f32 v0  }
0x498: {  	v0 =	vadd.f32 v0, v1;
	_ =	sdelay $0x1  }
0x499: {  	(xrf2) =	vadd.scan.msk.f32 $0xffff, v0;
	_ =	sdelay $0x4  }
0x49a: {  	s24 =	sadd.s32 $0xD4, s23  }
0x49b: {  	v45 =	vmov s24  }
0x49c: {  	v0 =	vbroadcast v45, $0x0;
	_ =	sdelay $0x2  }
0x49d: {  	v46, _, _ =	vpop (xrf2)  }
0x49e: {  	v1 =	vbroadcast v46, $0xF;
	_ =	sdelay $0x1  }
0x49f: {  	[tilespmem:v0+s28+$0x0] =	vst.idx.msk $0x1, v1  }
0x4a0: {  	v0 =	vld [tilespmem:s21+$0xD280]  }
0x4a1: {  	v1 =	vld [tilespmem:s21+$0x136C0]  }
0x4a2: {  	v47 =	vld [tilespmem:s21+$0xD290]  }
0x4a3: {  	v48 =	vld [tilespmem:s21+$0x136D0]  }
0x4a4: {  	v49 =	vld [tilespmem:s21+$0xD2A0]  }
0x4a5: {  	v50 =	vld [tilespmem:s21+$0x136E0]  }
0x4a6: {  	v51 =	vld [tilespmem:s21+$0xD2B0]  }
0x4a7: {  	v52 =	vld [tilespmem:s21+$0x136F0]  }
0x4a8: {  	v0 =	vmul.bf16 v1, v0;
	v53 =	vmul.bf16 v48, v47;
	_ =	sdelay $0x1  }
0x4a9: {  	v54 =	vmul.bf16 v50, v49;
	v0 =	vadd.bf16 v53, v0;
	_ =	sdelay $0x1  }
0x4aa: {  	v55 =	vmul.bf16 v52, v51;
	v0 =	vadd.bf16 v54, v0;
	_ =	sdelay $0x1  }
0x4ab: {  	v0 =	vadd.bf16 v55, v0;
	_ =	sdelay $0x1  }
0x4ac: {  	v1 =	vunpack.i.u.bf16.f32 v0;
	v0 =	vunpack.i.l.bf16.f32 v0  }
0x4ad: {  	v0 =	vadd.f32 v0, v1;
	_ =	sdelay $0x1  }
0x4ae: {  	(xrf2) =	vadd.scan.msk.f32 $0xffff, v0;
	_ =	sdelay $0x4  }
0x4af: {  	s24 =	sadd.s32 $0xD5, s23  }
0x4b0: {  	v56 =	vmov s24  }
0x4b1: {  	v0 =	vbroadcast v56, $0x0;
	_ =	sdelay $0x2  }
0x4b2: {  	v57, _, _ =	vpop (xrf2)  }
0x4b3: {  	v1 =	vbroadcast v57, $0xF;
	_ =	sdelay $0x1  }
0x4b4: {  	[tilespmem:v0+s28+$0x0] =	vst.idx.msk $0x1, v1  }
0x4b5: {  	v0 =	vld [tilespmem:s21+$0xD300]  }
0x4b6: {  	v1 =	vld [tilespmem:s21+$0x13740]  }
0x4b7: {  	v58 =	vld [tilespmem:s21+$0xD310]  }
0x4b8: {  	v59 =	vld [tilespmem:s21+$0x13750]  }
0x4b9: {  	v60 =	vld [tilespmem:s21+$0xD320]  }
0x4ba: {  	v61 =	vld [tilespmem:s21+$0x13760]  }
0x4bb: {  	v62 =	vld [tilespmem:s21+$0xD330]  }
0x4bc: {  	v63 =	vld [tilespmem:s21+$0x13770]  }
0x4bd: {  	v0 =	vmul.bf16 v1, v0;
	v9 =	vmul.bf16 v59, v58;
	_ =	sdelay $0x1  }
0x4be: {  	v10 =	vmul.bf16 v61, v60;
	v0 =	vadd.bf16 v9, v0;
	_ =	sdelay $0x1  }
0x4bf: {  	v11 =	vmul.bf16 v63, v62;
	v0 =	vadd.bf16 v10, v0;
	_ =	sdelay $0x1  }
0x4c0: {  	v0 =	vadd.bf16 v11, v0;
	_ =	sdelay $0x1  }
0x4c1: {  	v1 =	vunpack.i.u.bf16.f32 v0;
	v0 =	vunpack.i.l.bf16.f32 v0  }
0x4c2: {  	v0 =	vadd.f32 v0, v1;
	_ =	sdelay $0x1  }
0x4c3: {  	(xrf2) =	vadd.scan.msk.f32 $0xffff, v0;
	_ =	sdelay $0x4  }
0x4c4: {  	s24 =	sadd.s32 $0xD6, s23  }
0x4c5: {  	v12 =	vmov s24  }
0x4c6: {  	v0 =	vbroadcast v12, $0x0;
	_ =	sdelay $0x2  }
0x4c7: {  	v13, _, _ =	vpop (xrf2)  }
0x4c8: {  	v1 =	vbroadcast v13, $0xF;
	_ =	sdelay $0x1  }
0x4c9: {  	[tilespmem:v0+s28+$0x0] =	vst.idx.msk $0x1, v1  }
0x4ca: {  	v0 =	vld [tilespmem:s21+$0xD380]  }
0x4cb: {  	v1 =	vld [tilespmem:s21+$0x137C0]  }
0x4cc: {  	v14 =	vld [tilespmem:s21+$0xD390]  }
0x4cd: {  	v15 =	vld [tilespmem:s21+$0x137D0]  }
0x4ce: {  	v16 =	vld [tilespmem:s21+$0xD3A0]  }
0x4cf: {  	v17 =	vld [tilespmem:s21+$0x137E0]  }
0x4d0: {  	v18 =	vld [tilespmem:s21+$0xD3B0]  }
0x4d1: {  	v19 =	vld [tilespmem:s21+$0x137F0]  }
0x4d2: {  	v0 =	vmul.bf16 v1, v0;
	v20 =	vmul.bf16 v15, v14;
	_ =	sdelay $0x1  }
0x4d3: {  	v21 =	vmul.bf16 v17, v16;
	v0 =	vadd.bf16 v20, v0;
	_ =	sdelay $0x1  }
0x4d4: {  	v22 =	vmul.bf16 v19, v18;
	v0 =	vadd.bf16 v21, v0;
	_ =	sdelay $0x1  }
0x4d5: {  	v0 =	vadd.bf16 v22, v0;
	_ =	sdelay $0x1  }
0x4d6: {  	v1 =	vunpack.i.u.bf16.f32 v0;
	v0 =	vunpack.i.l.bf16.f32 v0  }
0x4d7: {  	v0 =	vadd.f32 v0, v1;
	_ =	sdelay $0x1  }
0x4d8: {  	(xrf2) =	vadd.scan.msk.f32 $0xffff, v0;
	_ =	sdelay $0x6  }
0x4d9: {  	s24 =	sadd.s32 $0xD7, s23  }
0x4da: {  	v23 =	vmov s24;
	_ =	sdelay $0x1  }
0x4db: {  	v24, _, _ =	vpop (xrf2)  }
0x4dc: {  	v1 =	vbroadcast v24, $0xF;
	_ =	sdelay $0x1  }
0x4dd: {  	[tilespmem:v23+s28+$0x0] =	vst.idx.msk $0x1, v1  }
0x4de: {  	v0 =	vld [tilespmem:s21+$0xD400]  }
0x4df: {  	v1 =	vld [tilespmem:s21+$0x13840]  }
0x4e0: {  	v25 =	vld [tilespmem:s21+$0xD410]  }
0x4e1: {  	v26 =	vld [tilespmem:s21+$0x13850]  }
0x4e2: {  	v27 =	vld [tilespmem:s21+$0xD420]  }
0x4e3: {  	v28 =	vld [tilespmem:s21+$0x13860]  }
0x4e4: {  	v29 =	vld [tilespmem:s21+$0xD430]  }
0x4e5: {  	v30 =	vld [tilespmem:s21+$0x13870]  }
0x4e6: {  	v0 =	vmul.bf16 v1, v0;
	v31 =	vmul.bf16 v26, v25;
	_ =	sdelay $0x1  }
0x4e7: {  	v32 =	vmul.bf16 v28, v27;
	v0 =	vadd.bf16 v31, v0;
	_ =	sdelay $0x1  }
0x4e8: {  	v33 =	vmul.bf16 v30, v29;
	v0 =	vadd.bf16 v32, v0;
	_ =	sdelay $0x1  }
0x4e9: {  	v0 =	vadd.bf16 v33, v0;
	_ =	sdelay $0x1  }
0x4ea: {  	v1 =	vunpack.i.u.bf16.f32 v0;
	v0 =	vunpack.i.l.bf16.f32 v0  }
0x4eb: {  	v0 =	vadd.f32 v0, v1;
	_ =	sdelay $0x1  }
0x4ec: {  	(xrf2) =	vadd.scan.msk.f32 $0xffff, v0;
	_ =	sdelay $0x4  }
0x4ed: {  	s24 =	sadd.s32 $0xD8, s23  }
0x4ee: {  	v34 =	vmov s24  }
0x4ef: {  	v0 =	vbroadcast v34, $0x0;
	_ =	sdelay $0x2  }
0x4f0: {  	v35, _, _ =	vpop (xrf2)  }
0x4f1: {  	v1 =	vbroadcast v35, $0xF;
	_ =	sdelay $0x1  }
0x4f2: {  	[tilespmem:v0+s28+$0x0] =	vst.idx.msk $0x1, v1  }
0x4f3: {  	v0 =	vld [tilespmem:s21+$0xD480]  }
0x4f4: {  	v1 =	vld [tilespmem:s21+$0x138C0]  }
0x4f5: {  	v36 =	vld [tilespmem:s21+$0xD490]  }
0x4f6: {  	v37 =	vld [tilespmem:s21+$0x138D0]  }
0x4f7: {  	v38 =	vld [tilespmem:s21+$0xD4A0]  }
0x4f8: {  	v39 =	vld [tilespmem:s21+$0x138E0]  }
0x4f9: {  	v40 =	vld [tilespmem:s21+$0xD4B0]  }
0x4fa: {  	v41 =	vld [tilespmem:s21+$0x138F0]  }
0x4fb: {  	v0 =	vmul.bf16 v1, v0;
	v42 =	vmul.bf16 v37, v36;
	_ =	sdelay $0x1  }
0x4fc: {  	v43 =	vmul.bf16 v39, v38;
	v0 =	vadd.bf16 v42, v0;
	_ =	sdelay $0x1  }
0x4fd: {  	v44 =	vmul.bf16 v41, v40;
	v0 =	vadd.bf16 v43, v0;
	_ =	sdelay $0x1  }
0x4fe: {  	v0 =	vadd.bf16 v44, v0;
	_ =	sdelay $0x1  }
0x4ff: {  	v1 =	vunpack.i.u.bf16.f32 v0;
	v0 =	vunpack.i.l.bf16.f32 v0  }
0x500: {  	v0 =	vadd.f32 v0, v1;
	_ =	sdelay $0x1  }
0x501: {  	(xrf2) =	vadd.scan.msk.f32 $0xffff, v0;
	_ =	sdelay $0x4  }
0x502: {  	s24 =	sadd.s32 $0xD9, s23  }
0x503: {  	v45 =	vmov s24  }
0x504: {  	v0 =	vbroadcast v45, $0x0;
	_ =	sdelay $0x2  }
0x505: {  	v46, _, _ =	vpop (xrf2)  }
0x506: {  	v1 =	vbroadcast v46, $0xF;
	_ =	sdelay $0x1  }
0x507: {  	[tilespmem:v0+s28+$0x0] =	vst.idx.msk $0x1, v1  }
0x508: {  	v0 =	vld [tilespmem:s21+$0xD500]  }
0x509: {  	v1 =	vld [tilespmem:s21+$0x13940]  }
0x50a: {  	v47 =	vld [tilespmem:s21+$0xD510]  }
0x50b: {  	v48 =	vld [tilespmem:s21+$0x13950]  }
0x50c: {  	v49 =	vld [tilespmem:s21+$0xD520]  }
0x50d: {  	v50 =	vld [tilespmem:s21+$0x13960]  }
0x50e: {  	v51 =	vld [tilespmem:s21+$0xD530]  }
0x50f: {  	v52 =	vld [tilespmem:s21+$0x13970]  }
0x510: {  	v0 =	vmul.bf16 v1, v0;
	v53 =	vmul.bf16 v48, v47;
	_ =	sdelay $0x1  }
0x511: {  	v54 =	vmul.bf16 v50, v49;
	v0 =	vadd.bf16 v53, v0;
	_ =	sdelay $0x1  }
0x512: {  	v55 =	vmul.bf16 v52, v51;
	v0 =	vadd.bf16 v54, v0;
	_ =	sdelay $0x1  }
0x513: {  	v0 =	vadd.bf16 v55, v0;
	_ =	sdelay $0x1  }
0x514: {  	v1 =	vunpack.i.u.bf16.f32 v0;
	v0 =	vunpack.i.l.bf16.f32 v0  }
0x515: {  	v0 =	vadd.f32 v0, v1;
	_ =	sdelay $0x1  }
0x516: {  	(xrf2) =	vadd.scan.msk.f32 $0xffff, v0;
	_ =	sdelay $0x4  }
0x517: {  	s24 =	sadd.s32 $0xDA, s23  }
0x518: {  	v56 =	vmov s24  }
0x519: {  	v0 =	vbroadcast v56, $0x0;
	_ =	sdelay $0x2  }
0x51a: {  	v57, _, _ =	vpop (xrf2)  }
0x51b: {  	v1 =	vbroadcast v57, $0xF;
	_ =	sdelay $0x1  }
0x51c: {  	[tilespmem:v0+s28+$0x0] =	vst.idx.msk $0x1, v1  }
0x51d: {  	v0 =	vld [tilespmem:s21+$0xD580]  }
0x51e: {  	v1 =	vld [tilespmem:s21+$0x139C0]  }
0x51f: {  	v58 =	vld [tilespmem:s21+$0xD590]  }
0x520: {  	v59 =	vld [tilespmem:s21+$0x139D0]  }
0x521: {  	v60 =	vld [tilespmem:s21+$0xD5A0]  }
0x522: {  	v61 =	vld [tilespmem:s21+$0x139E0]  }
0x523: {  	v62 =	vld [tilespmem:s21+$0xD5B0]  }
0x524: {  	v63 =	vld [tilespmem:s21+$0x139F0]  }
0x525: {  	v0 =	vmul.bf16 v1, v0;
	v9 =	vmul.bf16 v59, v58;
	_ =	sdelay $0x1  }
0x526: {  	v10 =	vmul.bf16 v61, v60;
	v0 =	vadd.bf16 v9, v0;
	_ =	sdelay $0x1  }
0x527: {  	v11 =	vmul.bf16 v63, v62;
	v0 =	vadd.bf16 v10, v0;
	_ =	sdelay $0x1  }
0x528: {  	v0 =	vadd.bf16 v11, v0;
	_ =	sdelay $0x1  }
0x529: {  	v1 =	vunpack.i.u.bf16.f32 v0;
	v0 =	vunpack.i.l.bf16.f32 v0  }
0x52a: {  	v0 =	vadd.f32 v0, v1;
	_ =	sdelay $0x1  }
0x52b: {  	(xrf2) =	vadd.scan.msk.f32 $0xffff, v0;
	_ =	sdelay $0x4  }
0x52c: {  	s24 =	sadd.s32 $0xDB, s23  }
0x52d: {  	v12 =	vmov s24  }
0x52e: {  	v0 =	vbroadcast v12, $0x0;
	_ =	sdelay $0x2  }
0x52f: {  	v13, _, _ =	vpop (xrf2)  }
0x530: {  	v1 =	vbroadcast v13, $0xF;
	_ =	sdelay $0x1  }
0x531: {  	[tilespmem:v0+s28+$0x0] =	vst.idx.msk $0x1, v1  }
0x532: {  	v0 =	vld [tilespmem:s21+$0xD600]  }
0x533: {  	v1 =	vld [tilespmem:s21+$0x13A40]  }
0x534: {  	v14 =	vld [tilespmem:s21+$0xD610]  }
0x535: {  	v15 =	vld [tilespmem:s21+$0x13A50]  }
0x536: {  	v16 =	vld [tilespmem:s21+$0xD620]  }
0x537: {  	v17 =	vld [tilespmem:s21+$0x13A60]  }
0x538: {  	v18 =	vld [tilespmem:s21+$0xD630]  }
0x539: {  	v19 =	vld [tilespmem:s21+$0x13A70]  }
0x53a: {  	v0 =	vmul.bf16 v1, v0;
	v20 =	vmul.bf16 v15, v14;
	_ =	sdelay $0x1  }
0x53b: {  	v21 =	vmul.bf16 v17, v16;
	v0 =	vadd.bf16 v20, v0;
	_ =	sdelay $0x1  }
0x53c: {  	v22 =	vmul.bf16 v19, v18;
	v0 =	vadd.bf16 v21, v0;
	_ =	sdelay $0x1  }
0x53d: {  	v0 =	vadd.bf16 v22, v0;
	_ =	sdelay $0x1  }
0x53e: {  	v1 =	vunpack.i.u.bf16.f32 v0;
	v0 =	vunpack.i.l.bf16.f32 v0  }
0x53f: {  	v0 =	vadd.f32 v0, v1;
	_ =	sdelay $0x1  }
0x540: {  	(xrf2) =	vadd.scan.msk.f32 $0xffff, v0;
	_ =	sdelay $0x4  }
0x541: {  	s24 =	sadd.s32 $0xDC, s23  }
0x542: {  	v23 =	vmov s24  }
0x543: {  	v0 =	vbroadcast v23, $0x0;
	_ =	sdelay $0x2  }
0x544: {  	v24, _, _ =	vpop (xrf2)  }
0x545: {  	v1 =	vbroadcast v24, $0xF;
	_ =	sdelay $0x1  }
0x546: {  	[tilespmem:v0+s28+$0x0] =	vst.idx.msk $0x1, v1  }
0x547: {  	v0 =	vld [tilespmem:s21+$0xD680]  }
0x548: {  	v1 =	vld [tilespmem:s21+$0x13AC0]  }
0x549: {  	v25 =	vld [tilespmem:s21+$0xD690]  }
0x54a: {  	v26 =	vld [tilespmem:s21+$0x13AD0]  }
0x54b: {  	v27 =	vld [tilespmem:s21+$0xD6A0]  }
0x54c: {  	v28 =	vld [tilespmem:s21+$0x13AE0]  }
0x54d: {  	v29 =	vld [tilespmem:s21+$0xD6B0]  }
0x54e: {  	v30 =	vld [tilespmem:s21+$0x13AF0]  }
0x54f: {  	v0 =	vmul.bf16 v1, v0;
	v31 =	vmul.bf16 v26, v25;
	_ =	sdelay $0x1  }
0x550: {  	v32 =	vmul.bf16 v28, v27;
	v0 =	vadd.bf16 v31, v0;
	_ =	sdelay $0x1  }
0x551: {  	v33 =	vmul.bf16 v30, v29;
	v0 =	vadd.bf16 v32, v0;
	_ =	sdelay $0x1  }
0x552: {  	v0 =	vadd.bf16 v33, v0;
	_ =	sdelay $0x1  }
0x553: {  	v1 =	vunpack.i.u.bf16.f32 v0;
	v0 =	vunpack.i.l.bf16.f32 v0  }
0x554: {  	v0 =	vadd.f32 v0, v1;
	_ =	sdelay $0x1  }
0x555: {  	(xrf2) =	vadd.scan.msk.f32 $0xffff, v0;
	_ =	sdelay $0x4  }
0x556: {  	s24 =	sadd.s32 $0xDD, s23  }
0x557: {  	v34 =	vmov s24  }
0x558: {  	v0 =	vbroadcast v34, $0x0;
	_ =	sdelay $0x2  }
0x559: {  	v35, _, _ =	vpop (xrf2)  }
0x55a: {  	v1 =	vbroadcast v35, $0xF;
	_ =	sdelay $0x1  }
0x55b: {  	[tilespmem:v0+s28+$0x0] =	vst.idx.msk $0x1, v1  }
0x55c: {  	v0 =	vld [tilespmem:s21+$0xD700]  }
0x55d: {  	v1 =	vld [tilespmem:s21+$0x13B40]  }
0x55e: {  	v36 =	vld [tilespmem:s21+$0xD710]  }
0x55f: {  	v37 =	vld [tilespmem:s21+$0x13B50]  }
0x560: {  	v38 =	vld [tilespmem:s21+$0xD720]  }
0x561: {  	v39 =	vld [tilespmem:s21+$0x13B60]  }
0x562: {  	v40 =	vld [tilespmem:s21+$0xD730]  }
0x563: {  	v41 =	vld [tilespmem:s21+$0x13B70]  }
0x564: {  	v0 =	vmul.bf16 v1, v0;
	v42 =	vmul.bf16 v37, v36;
	_ =	sdelay $0x1  }
0x565: {  	v43 =	vmul.bf16 v39, v38;
	v0 =	vadd.bf16 v42, v0;
	_ =	sdelay $0x1  }
0x566: {  	v44 =	vmul.bf16 v41, v40;
	v0 =	vadd.bf16 v43, v0;
	_ =	sdelay $0x1  }
0x567: {  	v0 =	vadd.bf16 v44, v0;
	_ =	sdelay $0x1  }
0x568: {  	v1 =	vunpack.i.u.bf16.f32 v0;
	v0 =	vunpack.i.l.bf16.f32 v0  }
0x569: {  	v0 =	vadd.f32 v0, v1;
	_ =	sdelay $0x1  }
0x56a: {  	(xrf2) =	vadd.scan.msk.f32 $0xffff, v0;
	_ =	sdelay $0x4  }
0x56b: {  	s24 =	sadd.s32 $0xDE, s23  }
0x56c: {  	v45 =	vmov s24  }
0x56d: {  	v0 =	vbroadcast v45, $0x0;
	_ =	sdelay $0x2  }
0x56e: {  	v46, _, _ =	vpop (xrf2)  }
0x56f: {  	v1 =	vbroadcast v46, $0xF;
	_ =	sdelay $0x1  }
0x570: {  	[tilespmem:v0+s28+$0x0] =	vst.idx.msk $0x1, v1  }
0x571: {  	v0 =	vld [tilespmem:s21+$0xD780]  }
0x572: {  	v1 =	vld [tilespmem:s21+$0x13BC0]  }
0x573: {  	v47 =	vld [tilespmem:s21+$0xD790]  }
0x574: {  	v48 =	vld [tilespmem:s21+$0x13BD0]  }
0x575: {  	v49 =	vld [tilespmem:s21+$0xD7A0]  }
0x576: {  	v50 =	vld [tilespmem:s21+$0x13BE0]  }
0x577: {  	v51 =	vld [tilespmem:s21+$0xD7B0]  }
0x578: {  	v52 =	vld [tilespmem:s21+$0x13BF0]  }
0x579: {  	v0 =	vmul.bf16 v1, v0;
	v53 =	vmul.bf16 v48, v47;
	_ =	sdelay $0x1  }
0x57a: {  	v54 =	vmul.bf16 v50, v49;
	v0 =	vadd.bf16 v53, v0;
	_ =	sdelay $0x1  }
0x57b: {  	v55 =	vmul.bf16 v52, v51;
	v0 =	vadd.bf16 v54, v0;
	_ =	sdelay $0x1  }
0x57c: {  	v0 =	vadd.bf16 v55, v0;
	_ =	sdelay $0x1  }
0x57d: {  	v1 =	vunpack.i.u.bf16.f32 v0;
	v0 =	vunpack.i.l.bf16.f32 v0  }
0x57e: {  	v0 =	vadd.f32 v0, v1;
	_ =	sdelay $0x1  }
0x57f: {  	(xrf2) =	vadd.scan.msk.f32 $0xffff, v0;
	_ =	sdelay $0x6  }
0x580: {  	s24 =	sadd.s32 $0xDF, s23  }
0x581: {  	v56 =	vmov s24;
	_ =	sdelay $0x1  }
0x582: {  	v57, _, _ =	vpop (xrf2)  }
0x583: {  	v1 =	vbroadcast v57, $0xF;
	_ =	sdelay $0x1  }
0x584: {  	[tilespmem:v56+s28+$0x0] =	vst.idx.msk $0x1, v1  }
0x585: {  	v0 =	vld [tilespmem:s21+$0xD800]  }
0x586: {  	v1 =	vld [tilespmem:s21+$0x13C40]  }
0x587: {  	v58 =	vld [tilespmem:s21+$0xD810]  }
0x588: {  	v59 =	vld [tilespmem:s21+$0x13C50]  }
0x589: {  	v60 =	vld [tilespmem:s21+$0xD820]  }
0x58a: {  	v61 =	vld [tilespmem:s21+$0x13C60]  }
0x58b: {  	v62 =	vld [tilespmem:s21+$0xD830]  }
0x58c: {  	v63 =	vld [tilespmem:s21+$0x13C70]  }
0x58d: {  	v0 =	vmul.bf16 v1, v0;
	v9 =	vmul.bf16 v59, v58;
	_ =	sdelay $0x1  }
0x58e: {  	v10 =	vmul.bf16 v61, v60;
	v0 =	vadd.bf16 v9, v0;
	_ =	sdelay $0x1  }
0x58f: {  	v11 =	vmul.bf16 v63, v62;
	v0 =	vadd.bf16 v10, v0;
	_ =	sdelay $0x1  }
0x590: {  	v0 =	vadd.bf16 v11, v0;
	_ =	sdelay $0x1  }
0x591: {  	v1 =	vunpack.i.u.bf16.f32 v0;
	v0 =	vunpack.i.l.bf16.f32 v0  }
0x592: {  	v0 =	vadd.f32 v0, v1;
	_ =	sdelay $0x1  }
0x593: {  	(xrf2) =	vadd.scan.msk.f32 $0xffff, v0;
	_ =	sdelay $0x4  }
0x594: {  	s24 =	sadd.s32 $0xE0, s23  }
0x595: {  	v12 =	vmov s24  }
0x596: {  	v0 =	vbroadcast v12, $0x0;
	_ =	sdelay $0x2  }
0x597: {  	v13, _, _ =	vpop (xrf2)  }
0x598: {  	v1 =	vbroadcast v13, $0xF;
	_ =	sdelay $0x1  }
0x599: {  	[tilespmem:v0+s28+$0x0] =	vst.idx.msk $0x1, v1  }
0x59a: {  	v0 =	vld [tilespmem:s21+$0xD880]  }
0x59b: {  	v1 =	vld [tilespmem:s21+$0x13CC0]  }
0x59c: {  	v14 =	vld [tilespmem:s21+$0xD890]  }
0x59d: {  	v15 =	vld [tilespmem:s21+$0x13CD0]  }
0x59e: {  	v16 =	vld [tilespmem:s21+$0xD8A0]  }
0x59f: {  	v17 =	vld [tilespmem:s21+$0x13CE0]  }
0x5a0: {  	v18 =	vld [tilespmem:s21+$0xD8B0]  }
0x5a1: {  	v19 =	vld [tilespmem:s21+$0x13CF0]  }
0x5a2: {  	v0 =	vmul.bf16 v1, v0;
	v20 =	vmul.bf16 v15, v14;
	_ =	sdelay $0x1  }
0x5a3: {  	v21 =	vmul.bf16 v17, v16;
	v0 =	vadd.bf16 v20, v0;
	_ =	sdelay $0x1  }
0x5a4: {  	v22 =	vmul.bf16 v19, v18;
	v0 =	vadd.bf16 v21, v0;
	_ =	sdelay $0x1  }
0x5a5: {  	v0 =	vadd.bf16 v22, v0;
	_ =	sdelay $0x1  }
0x5a6: {  	v1 =	vunpack.i.u.bf16.f32 v0;
	v0 =	vunpack.i.l.bf16.f32 v0  }
0x5a7: {  	v0 =	vadd.f32 v0, v1;
	_ =	sdelay $0x1  }
0x5a8: {  	(xrf2) =	vadd.scan.msk.f32 $0xffff, v0;
	_ =	sdelay $0x4  }
0x5a9: {  	s24 =	sadd.s32 $0xE1, s23  }
0x5aa: {  	v23 =	vmov s24  }
0x5ab: {  	v0 =	vbroadcast v23, $0x0;
	_ =	sdelay $0x2  }
0x5ac: {  	v24, _, _ =	vpop (xrf2)  }
0x5ad: {  	v1 =	vbroadcast v24, $0xF;
	_ =	sdelay $0x1  }
0x5ae: {  	[tilespmem:v0+s28+$0x0] =	vst.idx.msk $0x1, v1  }
0x5af: {  	v0 =	vld [tilespmem:s21+$0xD900]  }
0x5b0: {  	v1 =	vld [tilespmem:s21+$0x13D40]  }
0x5b1: {  	v25 =	vld [tilespmem:s21+$0xD910]  }
0x5b2: {  	v26 =	vld [tilespmem:s21+$0x13D50]  }
0x5b3: {  	v27 =	vld [tilespmem:s21+$0xD920]  }
0x5b4: {  	v28 =	vld [tilespmem:s21+$0x13D60]  }
0x5b5: {  	v29 =	vld [tilespmem:s21+$0xD930]  }
0x5b6: {  	v30 =	vld [tilespmem:s21+$0x13D70]  }
0x5b7: {  	v0 =	vmul.bf16 v1, v0;
	v31 =	vmul.bf16 v26, v25;
	_ =	sdelay $0x1  }
0x5b8: {  	v32 =	vmul.bf16 v28, v27;
	v0 =	vadd.bf16 v31, v0;
	_ =	sdelay $0x1  }
0x5b9: {  	v33 =	vmul.bf16 v30, v29;
	v0 =	vadd.bf16 v32, v0;
	_ =	sdelay $0x1  }
0x5ba: {  	v0 =	vadd.bf16 v33, v0;
	_ =	sdelay $0x1  }
0x5bb: {  	v1 =	vunpack.i.u.bf16.f32 v0;
	v0 =	vunpack.i.l.bf16.f32 v0  }
0x5bc: {  	v0 =	vadd.f32 v0, v1;
	_ =	sdelay $0x1  }
0x5bd: {  	(xrf2) =	vadd.scan.msk.f32 $0xffff, v0;
	_ =	sdelay $0x4  }
0x5be: {  	s24 =	sadd.s32 $0xE2, s23  }
0x5bf: {  	v34 =	vmov s24  }
0x5c0: {  	v0 =	vbroadcast v34, $0x0;
	_ =	sdelay $0x2  }
0x5c1: {  	v35, _, _ =	vpop (xrf2)  }
0x5c2: {  	v1 =	vbroadcast v35, $0xF;
	_ =	sdelay $0x1  }
0x5c3: {  	[tilespmem:v0+s28+$0x0] =	vst.idx.msk $0x1, v1  }
0x5c4: {  	v0 =	vld [tilespmem:s21+$0xD980]  }
0x5c5: {  	v1 =	vld [tilespmem:s21+$0x13DC0]  }
0x5c6: {  	v36 =	vld [tilespmem:s21+$0xD990]  }
0x5c7: {  	v37 =	vld [tilespmem:s21+$0x13DD0]  }
0x5c8: {  	v38 =	vld [tilespmem:s21+$0xD9A0]  }
0x5c9: {  	v39 =	vld [tilespmem:s21+$0x13DE0]  }
0x5ca: {  	v40 =	vld [tilespmem:s21+$0xD9B0]  }
0x5cb: {  	v41 =	vld [tilespmem:s21+$0x13DF0]  }
0x5cc: {  	v0 =	vmul.bf16 v1, v0;
	v42 =	vmul.bf16 v37, v36;
	_ =	sdelay $0x1  }
0x5cd: {  	v43 =	vmul.bf16 v39, v38;
	v0 =	vadd.bf16 v42, v0;
	_ =	sdelay $0x1  }
0x5ce: {  	v44 =	vmul.bf16 v41, v40;
	v0 =	vadd.bf16 v43, v0;
	_ =	sdelay $0x1  }
0x5cf: {  	v0 =	vadd.bf16 v44, v0;
	_ =	sdelay $0x1  }
0x5d0: {  	v1 =	vunpack.i.u.bf16.f32 v0;
	v0 =	vunpack.i.l.bf16.f32 v0  }
0x5d1: {  	v0 =	vadd.f32 v0, v1;
	_ =	sdelay $0x1  }
0x5d2: {  	(xrf2) =	vadd.scan.msk.f32 $0xffff, v0;
	_ =	sdelay $0x4  }
0x5d3: {  	s24 =	sadd.s32 $0xE3, s23  }
0x5d4: {  	v45 =	vmov s24  }
0x5d5: {  	v0 =	vbroadcast v45, $0x0;
	_ =	sdelay $0x2  }
0x5d6: {  	v46, _, _ =	vpop (xrf2)  }
0x5d7: {  	v1 =	vbroadcast v46, $0xF;
	_ =	sdelay $0x1  }
0x5d8: {  	[tilespmem:v0+s28+$0x0] =	vst.idx.msk $0x1, v1  }
0x5d9: {  	v0 =	vld [tilespmem:s21+$0xDA00]  }
0x5da: {  	v1 =	vld [tilespmem:s21+$0x13E40]  }
0x5db: {  	v47 =	vld [tilespmem:s21+$0xDA10]  }
0x5dc: {  	v48 =	vld [tilespmem:s21+$0x13E50]  }
0x5dd: {  	v49 =	vld [tilespmem:s21+$0xDA20]  }
0x5de: {  	v50 =	vld [tilespmem:s21+$0x13E60]  }
0x5df: {  	v51 =	vld [tilespmem:s21+$0xDA30]  }
0x5e0: {  	v52 =	vld [tilespmem:s21+$0x13E70]  }
0x5e1: {  	v0 =	vmul.bf16 v1, v0;
	v53 =	vmul.bf16 v48, v47;
	_ =	sdelay $0x1  }
0x5e2: {  	v54 =	vmul.bf16 v50, v49;
	v0 =	vadd.bf16 v53, v0;
	_ =	sdelay $0x1  }
0x5e3: {  	v55 =	vmul.bf16 v52, v51;
	v0 =	vadd.bf16 v54, v0;
	_ =	sdelay $0x1  }
0x5e4: {  	v0 =	vadd.bf16 v55, v0;
	_ =	sdelay $0x1  }
0x5e5: {  	v1 =	vunpack.i.u.bf16.f32 v0;
	v0 =	vunpack.i.l.bf16.f32 v0  }
0x5e6: {  	v0 =	vadd.f32 v0, v1;
	_ =	sdelay $0x1  }
0x5e7: {  	(xrf2) =	vadd.scan.msk.f32 $0xffff, v0;
	_ =	sdelay $0x4  }
0x5e8: {  	s24 =	sadd.s32 $0xE4, s23  }
0x5e9: {  	v56 =	vmov s24  }
0x5ea: {  	v0 =	vbroadcast v56, $0x0;
	_ =	sdelay $0x2  }
0x5eb: {  	v57, _, _ =	vpop (xrf2)  }
0x5ec: {  	v1 =	vbroadcast v57, $0xF;
	_ =	sdelay $0x1  }
0x5ed: {  	[tilespmem:v0+s28+$0x0] =	vst.idx.msk $0x1, v1  }
0x5ee: {  	v0 =	vld [tilespmem:s21+$0xDA80]  }
0x5ef: {  	v1 =	vld [tilespmem:s21+$0x13EC0]  }
0x5f0: {  	v58 =	vld [tilespmem:s21+$0xDA90]  }
0x5f1: {  	v59 =	vld [tilespmem:s21+$0x13ED0]  }
0x5f2: {  	v60 =	vld [tilespmem:s21+$0xDAA0]  }
0x5f3: {  	v61 =	vld [tilespmem:s21+$0x13EE0]  }
0x5f4: {  	v62 =	vld [tilespmem:s21+$0xDAB0]  }
0x5f5: {  	v63 =	vld [tilespmem:s21+$0x13EF0]  }
0x5f6: {  	v0 =	vmul.bf16 v1, v0;
	v8 =	vmul.bf16 v59, v58;
	_ =	sdelay $0x1  }
0x5f7: {  	v9 =	vmul.bf16 v61, v60;
	v0 =	vadd.bf16 v8, v0;
	_ =	sdelay $0x1  }
0x5f8: {  	v10 =	vmul.bf16 v63, v62;
	v0 =	vadd.bf16 v9, v0;
	_ =	sdelay $0x1  }
0x5f9: {  	v0 =	vadd.bf16 v10, v0;
	_ =	sdelay $0x1  }
0x5fa: {  	v1 =	vunpack.i.u.bf16.f32 v0;
	v0 =	vunpack.i.l.bf16.f32 v0  }
0x5fb: {  	v0 =	vadd.f32 v0, v1;
	_ =	sdelay $0x1  }
0x5fc: {  	(xrf2) =	vadd.scan.msk.f32 $0xffff, v0;
	_ =	sdelay $0x4  }
0x5fd: {  	s24 =	sadd.s32 $0xE5, s23  }
0x5fe: {  	v11 =	vmov s24  }
0x5ff: {  	v0 =	vbroadcast v11, $0x0;
	_ =	sdelay $0x2  }
0x600: {  	v12, _, _ =	vpop (xrf2)  }
0x601: {  	v1 =	vbroadcast v12, $0xF;
	_ =	sdelay $0x1  }
0x602: {  	[tilespmem:v0+s28+$0x0] =	vst.idx.msk $0x1, v1  }
0x603: {  	v0 =	vld [tilespmem:s21+$0xDB00]  }
0x604: {  	v1 =	vld [tilespmem:s21+$0x13F40]  }
0x605: {  	v13 =	vld [tilespmem:s21+$0xDB10]  }
0x606: {  	v14 =	vld [tilespmem:s21+$0x13F50]  }
0x607: {  	v15 =	vld [tilespmem:s21+$0xDB20]  }
0x608: {  	v16 =	vld [tilespmem:s21+$0x13F60]  }
0x609: {  	v17 =	vld [tilespmem:s21+$0xDB30]  }
0x60a: {  	v18 =	vld [tilespmem:s21+$0x13F70]  }
0x60b: {  	v0 =	vmul.bf16 v1, v0;
	v19 =	vmul.bf16 v14, v13;
	_ =	sdelay $0x1  }
0x60c: {  	v20 =	vmul.bf16 v16, v15;
	v0 =	vadd.bf16 v19, v0;
	_ =	sdelay $0x1  }
0x60d: {  	v21 =	vmul.bf16 v18, v17;
	v0 =	vadd.bf16 v20, v0;
	_ =	sdelay $0x1  }
0x60e: {  	v0 =	vadd.bf16 v21, v0;
	_ =	sdelay $0x1  }
0x60f: {  	v1 =	vunpack.i.u.bf16.f32 v0;
	v0 =	vunpack.i.l.bf16.f32 v0  }
0x610: {  	v0 =	vadd.f32 v0, v1;
	_ =	sdelay $0x1  }
0x611: {  	(xrf2) =	vadd.scan.msk.f32 $0xffff, v0;
	_ =	sdelay $0x4  }
0x612: {  	s24 =	sadd.s32 $0xE6, s23  }
0x613: {  	v22 =	vmov s24  }
0x614: {  	v0 =	vbroadcast v22, $0x0;
	_ =	sdelay $0x2  }
0x615: {  	v23, _, _ =	vpop (xrf2)  }
0x616: {  	v1 =	vbroadcast v23, $0xF;
	_ =	sdelay $0x1  }
0x617: {  	[tilespmem:v0+s28+$0x0] =	vst.idx.msk $0x1, v1  }
0x618: {  	v0 =	vld [tilespmem:s21+$0xDB80]  }
0x619: {  	v1 =	vld [tilespmem:s21+$0x13FC0]  }
0x61a: {  	v24 =	vld [tilespmem:s21+$0xDB90]  }
0x61b: {  	v25 =	vld [tilespmem:s21+$0x13FD0]  }
0x61c: {  	v26 =	vld [tilespmem:s21+$0xDBA0]  }
0x61d: {  	v27 =	vld [tilespmem:s21+$0x13FE0]  }
0x61e: {  	v28 =	vld [tilespmem:s21+$0xDBB0]  }
0x61f: {  	v29 =	vld [tilespmem:s21+$0x13FF0]  }
0x620: {  	v0 =	vmul.bf16 v1, v0;
	v30 =	vmul.bf16 v25, v24;
	_ =	sdelay $0x1  }
0x621: {  	v31 =	vmul.bf16 v27, v26;
	v0 =	vadd.bf16 v30, v0;
	_ =	sdelay $0x1  }
0x622: {  	v32 =	vmul.bf16 v29, v28;
	v0 =	vadd.bf16 v31, v0;
	_ =	sdelay $0x1  }
0x623: {  	v0 =	vadd.bf16 v32, v0;
	_ =	sdelay $0x1  }
0x624: {  	v1 =	vunpack.i.u.bf16.f32 v0;
	v0 =	vunpack.i.l.bf16.f32 v0  }
0x625: {  	v0 =	vadd.f32 v0, v1;
	_ =	sdelay $0x1  }
0x626: {  	(xrf2) =	vadd.scan.msk.f32 $0xffff, v0;
	_ =	sdelay $0x6  }
0x627: {  	s24 =	sadd.s32 $0xE7, s23  }
0x628: {  	v33 =	vmov s24;
	_ =	sdelay $0x1  }
0x629: {  	v34, _, _ =	vpop (xrf2)  }
0x62a: {  	v1 =	vbroadcast v34, $0xF;
	_ =	sdelay $0x1  }
0x62b: {  	[tilespmem:v33+s28+$0x0] =	vst.idx.msk $0x1, v1  }
0x62c: {  	v0 =	vld [tilespmem:s21+$0xDC00]  }
0x62d: {  	v1 =	vld [tilespmem:s21+$0x14040]  }
0x62e: {  	v35 =	vld [tilespmem:s21+$0xDC10]  }
0x62f: {  	v36 =	vld [tilespmem:s21+$0x14050]  }
0x630: {  	v37 =	vld [tilespmem:s21+$0xDC20]  }
0x631: {  	v38 =	vld [tilespmem:s21+$0x14060]  }
0x632: {  	v39 =	vld [tilespmem:s21+$0xDC30]  }
0x633: {  	v40 =	vld [tilespmem:s21+$0x14070]  }
0x634: {  	v0 =	vmul.bf16 v1, v0;
	v41 =	vmul.bf16 v36, v35;
	_ =	sdelay $0x1  }
0x635: {  	v42 =	vmul.bf16 v38, v37;
	v0 =	vadd.bf16 v41, v0;
	_ =	sdelay $0x1  }
0x636: {  	v43 =	vmul.bf16 v40, v39;
	v0 =	vadd.bf16 v42, v0;
	_ =	sdelay $0x1  }
0x637: {  	v0 =	vadd.bf16 v43, v0;
	_ =	sdelay $0x1  }
0x638: {  	v1 =	vunpack.i.u.bf16.f32 v0;
	v0 =	vunpack.i.l.bf16.f32 v0  }
0x639: {  	v0 =	vadd.f32 v0, v1;
	_ =	sdelay $0x1  }
0x63a: {  	(xrf2) =	vadd.scan.msk.f32 $0xffff, v0;
	_ =	sdelay $0x4  }
0x63b: {  	s24 =	sadd.s32 $0xE8, s23  }
0x63c: {  	v44 =	vmov s24  }
0x63d: {  	v0 =	vbroadcast v44, $0x0;
	_ =	sdelay $0x2  }
0x63e: {  	v45, _, _ =	vpop (xrf2)  }
0x63f: {  	v1 =	vbroadcast v45, $0xF;
	_ =	sdelay $0x1  }
0x640: {  	[tilespmem:v0+s28+$0x0] =	vst.idx.msk $0x1, v1  }
0x641: {  	v0 =	vld [tilespmem:s21+$0xDC80]  }
0x642: {  	v1 =	vld [tilespmem:s21+$0x140C0]  }
0x643: {  	v46 =	vld [tilespmem:s21+$0xDC90]  }
0x644: {  	v47 =	vld [tilespmem:s21+$0x140D0]  }
0x645: {  	v48 =	vld [tilespmem:s21+$0xDCA0]  }
0x646: {  	v49 =	vld [tilespmem:s21+$0x140E0]  }
0x647: {  	v50 =	vld [tilespmem:s21+$0xDCB0]  }
0x648: {  	v51 =	vld [tilespmem:s21+$0x140F0]  }
0x649: {  	v0 =	vmul.bf16 v1, v0;
	v52 =	vmul.bf16 v47, v46;
	_ =	sdelay $0x1  }
0x64a: {  	v53 =	vmul.bf16 v49, v48;
	v0 =	vadd.bf16 v52, v0;
	_ =	sdelay $0x1  }
0x64b: {  	v54 =	vmul.bf16 v51, v50;
	v0 =	vadd.bf16 v53, v0;
	_ =	sdelay $0x1  }
0x64c: {  	v0 =	vadd.bf16 v54, v0;
	_ =	sdelay $0x1  }
0x64d: {  	v1 =	vunpack.i.u.bf16.f32 v0;
	v0 =	vunpack.i.l.bf16.f32 v0  }
0x64e: {  	v0 =	vadd.f32 v0, v1;
	_ =	sdelay $0x1  }
0x64f: {  	(xrf2) =	vadd.scan.msk.f32 $0xffff, v0;
	_ =	sdelay $0x4  }
0x650: {  	s24 =	sadd.s32 $0xE9, s23  }
0x651: {  	v55 =	vmov s24  }
0x652: {  	v0 =	vbroadcast v55, $0x0;
	_ =	sdelay $0x2  }
0x653: {  	v56, _, _ =	vpop (xrf2)  }
0x654: {  	v1 =	vbroadcast v56, $0xF;
	_ =	sdelay $0x1  }
0x655: {  	[tilespmem:v0+s28+$0x0] =	vst.idx.msk $0x1, v1  }
0x656: {  	v0 =	vld [tilespmem:s21+$0xDD00]  }
0x657: {  	v1 =	vld [tilespmem:s21+$0x14140]  }
0x658: {  	v57 =	vld [tilespmem:s21+$0xDD10]  }
0x659: {  	v58 =	vld [tilespmem:s21+$0x14150]  }
0x65a: {  	v59 =	vld [tilespmem:s21+$0xDD20]  }
0x65b: {  	v60 =	vld [tilespmem:s21+$0x14160]  }
0x65c: {  	v61 =	vld [tilespmem:s21+$0xDD30]  }
0x65d: {  	v62 =	vld [tilespmem:s21+$0x14170]  }
0x65e: {  	v0 =	vmul.bf16 v1, v0;
	v63 =	vmul.bf16 v58, v57;
	_ =	sdelay $0x1  }
0x65f: {  	v5 =	vmul.bf16 v60, v59;
	v0 =	vadd.bf16 v63, v0;
	_ =	sdelay $0x1  }
0x660: {  	v6 =	vmul.bf16 v62, v61;
	v0 =	vadd.bf16 v5, v0;
	_ =	sdelay $0x1  }
0x661: {  	v0 =	vadd.bf16 v6, v0;
	_ =	sdelay $0x1  }
0x662: {  	v1 =	vunpack.i.u.bf16.f32 v0;
	v0 =	vunpack.i.l.bf16.f32 v0  }
0x663: {  	v0 =	vadd.f32 v0, v1;
	_ =	sdelay $0x1  }
0x664: {  	(xrf2) =	vadd.scan.msk.f32 $0xffff, v0;
	_ =	sdelay $0x4  }
0x665: {  	s24 =	sadd.s32 $0xEA, s23  }
0x666: {  	v7 =	vmov s24  }
0x667: {  	v0 =	vbroadcast v7, $0x0;
	_ =	sdelay $0x2  }
0x668: {  	v8, _, _ =	vpop (xrf2)  }
0x669: {  	v1 =	vbroadcast v8, $0xF;
	_ =	sdelay $0x1  }
0x66a: {  	[tilespmem:v0+s28+$0x0] =	vst.idx.msk $0x1, v1  }
0x66b: {  	v0 =	vld [tilespmem:s21+$0xDD80]  }
0x66c: {  	v1 =	vld [tilespmem:s21+$0x141C0]  }
0x66d: {  	v9 =	vld [tilespmem:s21+$0xDD90]  }
0x66e: {  	v10 =	vld [tilespmem:s21+$0x141D0]  }
0x66f: {  	v11 =	vld [tilespmem:s21+$0xDDA0]  }
0x670: {  	v12 =	vld [tilespmem:s21+$0x141E0]  }
0x671: {  	v13 =	vld [tilespmem:s21+$0xDDB0]  }
0x672: {  	v14 =	vld [tilespmem:s21+$0x141F0]  }
0x673: {  	v0 =	vmul.bf16 v1, v0;
	v15 =	vmul.bf16 v10, v9;
	_ =	sdelay $0x1  }
0x674: {  	v16 =	vmul.bf16 v12, v11;
	v0 =	vadd.bf16 v15, v0;
	_ =	sdelay $0x1  }
0x675: {  	v17 =	vmul.bf16 v14, v13;
	v0 =	vadd.bf16 v16, v0;
	_ =	sdelay $0x1  }
0x676: {  	v0 =	vadd.bf16 v17, v0;
	_ =	sdelay $0x1  }
0x677: {  	v1 =	vunpack.i.u.bf16.f32 v0;
	v0 =	vunpack.i.l.bf16.f32 v0  }
0x678: {  	v0 =	vadd.f32 v0, v1;
	_ =	sdelay $0x1  }
0x679: {  	(xrf2) =	vadd.scan.msk.f32 $0xffff, v0;
	_ =	sdelay $0x4  }
0x67a: {  	s24 =	sadd.s32 $0xEB, s23  }
0x67b: {  	v18 =	vmov s24  }
0x67c: {  	v0 =	vbroadcast v18, $0x0;
	_ =	sdelay $0x2  }
0x67d: {  	v19, _, _ =	vpop (xrf2)  }
0x67e: {  	v1 =	vbroadcast v19, $0xF;
	_ =	sdelay $0x1  }
0x67f: {  	[tilespmem:v0+s28+$0x0] =	vst.idx.msk $0x1, v1  }
0x680: {  	v0 =	vld [tilespmem:s21+$0xDE00]  }
0x681: {  	v1 =	vld [tilespmem:s21+$0x14240]  }
0x682: {  	v20 =	vld [tilespmem:s21+$0xDE10]  }
0x683: {  	v21 =	vld [tilespmem:s21+$0x14250]  }
0x684: {  	v22 =	vld [tilespmem:s21+$0xDE20]  }
0x685: {  	v23 =	vld [tilespmem:s21+$0x14260]  }
0x686: {  	v24 =	vld [tilespmem:s21+$0xDE30]  }
0x687: {  	v25 =	vld [tilespmem:s21+$0x14270]  }
0x688: {  	v0 =	vmul.bf16 v1, v0;
	v26 =	vmul.bf16 v21, v20;
	_ =	sdelay $0x1  }
0x689: {  	v27 =	vmul.bf16 v23, v22;
	v0 =	vadd.bf16 v26, v0;
	_ =	sdelay $0x1  }
0x68a: {  	v28 =	vmul.bf16 v25, v24;
	v0 =	vadd.bf16 v27, v0;
	_ =	sdelay $0x1  }
0x68b: {  	v0 =	vadd.bf16 v28, v0;
	_ =	sdelay $0x1  }
0x68c: {  	v1 =	vunpack.i.u.bf16.f32 v0;
	v0 =	vunpack.i.l.bf16.f32 v0  }
0x68d: {  	v0 =	vadd.f32 v0, v1;
	_ =	sdelay $0x1  }
0x68e: {  	(xrf2) =	vadd.scan.msk.f32 $0xffff, v0;
	_ =	sdelay $0x4  }
0x68f: {  	s24 =	sadd.s32 $0xEC, s23  }
0x690: {  	v29 =	vmov s24  }
0x691: {  	v0 =	vbroadcast v29, $0x0;
	_ =	sdelay $0x2  }
0x692: {  	v30, _, _ =	vpop (xrf2)  }
0x693: {  	v1 =	vbroadcast v30, $0xF;
	_ =	sdelay $0x1  }
0x694: {  	[tilespmem:v0+s28+$0x0] =	vst.idx.msk $0x1, v1  }
0x695: {  	v0 =	vld [tilespmem:s21+$0xDE80]  }
0x696: {  	v1 =	vld [tilespmem:s21+$0x142C0]  }
0x697: {  	v31 =	vld [tilespmem:s21+$0xDE90]  }
0x698: {  	v32 =	vld [tilespmem:s21+$0x142D0]  }
0x699: {  	v33 =	vld [tilespmem:s21+$0xDEA0]  }
0x69a: {  	v34 =	vld [tilespmem:s21+$0x142E0]  }
0x69b: {  	v35 =	vld [tilespmem:s21+$0xDEB0]  }
0x69c: {  	v36 =	vld [tilespmem:s21+$0x142F0]  }
0x69d: {  	v0 =	vmul.bf16 v1, v0;
	v37 =	vmul.bf16 v32, v31;
	_ =	sdelay $0x1  }
0x69e: {  	v38 =	vmul.bf16 v34, v33;
	v0 =	vadd.bf16 v37, v0;
	_ =	sdelay $0x1  }
0x69f: {  	v39 =	vmul.bf16 v36, v35;
	v0 =	vadd.bf16 v38, v0;
	_ =	sdelay $0x1  }
0x6a0: {  	v0 =	vadd.bf16 v39, v0;
	_ =	sdelay $0x1  }
0x6a1: {  	v1 =	vunpack.i.u.bf16.f32 v0;
	v0 =	vunpack.i.l.bf16.f32 v0  }
0x6a2: {  	v0 =	vadd.f32 v0, v1;
	_ =	sdelay $0x1  }
0x6a3: {  	(xrf2) =	vadd.scan.msk.f32 $0xffff, v0;
	_ =	sdelay $0x4  }
0x6a4: {  	s24 =	sadd.s32 $0xED, s23  }
0x6a5: {  	v40 =	vmov s24  }
0x6a6: {  	v0 =	vbroadcast v40, $0x0;
	_ =	sdelay $0x2  }
0x6a7: {  	v41, _, _ =	vpop (xrf2)  }
0x6a8: {  	v1 =	vbroadcast v41, $0xF;
	_ =	sdelay $0x1  }
0x6a9: {  	[tilespmem:v0+s28+$0x0] =	vst.idx.msk $0x1, v1  }
0x6aa: {  	v0 =	vld [tilespmem:s21+$0xDF00]  }
0x6ab: {  	v1 =	vld [tilespmem:s21+$0x14340]  }
0x6ac: {  	v42 =	vld [tilespmem:s21+$0xDF10]  }
0x6ad: {  	v43 =	vld [tilespmem:s21+$0x14350]  }
0x6ae: {  	v44 =	vld [tilespmem:s21+$0xDF20]  }
0x6af: {  	v45 =	vld [tilespmem:s21+$0x14360]  }
0x6b0: {  	v46 =	vld [tilespmem:s21+$0xDF30]  }
0x6b1: {  	v47 =	vld [tilespmem:s21+$0x14370]  }
0x6b2: {  	v0 =	vmul.bf16 v1, v0;
	v48 =	vmul.bf16 v43, v42;
	_ =	sdelay $0x1  }
0x6b3: {  	v49 =	vmul.bf16 v45, v44;
	v0 =	vadd.bf16 v48, v0;
	_ =	sdelay $0x1  }
0x6b4: {  	v50 =	vmul.bf16 v47, v46;
	v0 =	vadd.bf16 v49, v0;
	_ =	sdelay $0x1  }
0x6b5: {  	v0 =	vadd.bf16 v50, v0;
	_ =	sdelay $0x1  }
0x6b6: {  	v1 =	vunpack.i.u.bf16.f32 v0;
	v0 =	vunpack.i.l.bf16.f32 v0  }
0x6b7: {  	v0 =	vadd.f32 v0, v1;
	_ =	sdelay $0x1  }
0x6b8: {  	(xrf2) =	vadd.scan.msk.f32 $0xffff, v0;
	_ =	sdelay $0x4  }
0x6b9: {  	s24 =	sadd.s32 $0xEE, s23  }
0x6ba: {  	v51 =	vmov s24  }
0x6bb: {  	v0 =	vbroadcast v51, $0x0;
	_ =	sdelay $0x2  }
0x6bc: {  	v52, _, _ =	vpop (xrf2)  }
0x6bd: {  	v1 =	vbroadcast v52, $0xF;
	_ =	sdelay $0x1  }
0x6be: {  	[tilespmem:v0+s28+$0x0] =	vst.idx.msk $0x1, v1  }
0x6bf: {  	v0 =	vld [tilespmem:s21+$0xDF80]  }
0x6c0: {  	v1 =	vld [tilespmem:s21+$0x143C0]  }
0x6c1: {  	v53 =	vld [tilespmem:s21+$0xDF90]  }
0x6c2: {  	v54 =	vld [tilespmem:s21+$0x143D0]  }
0x6c3: {  	v55 =	vld [tilespmem:s21+$0xDFA0]  }
0x6c4: {  	v56 =	vld [tilespmem:s21+$0x143E0]  }
0x6c5: {  	v57 =	vld [tilespmem:s21+$0xDFB0]  }
0x6c6: {  	v58 =	vld [tilespmem:s21+$0x143F0]  }
0x6c7: {  	v0 =	vmul.bf16 v1, v0;
	v59 =	vmul.bf16 v54, v53;
	_ =	sdelay $0x1  }
0x6c8: {  	v60 =	vmul.bf16 v56, v55;
	v0 =	vadd.bf16 v59, v0;
	_ =	sdelay $0x1  }
0x6c9: {  	v61 =	vmul.bf16 v58, v57;
	v0 =	vadd.bf16 v60, v0;
	_ =	sdelay $0x1  }
0x6ca: {  	v0 =	vadd.bf16 v61, v0;
	_ =	sdelay $0x1  }
0x6cb: {  	v1 =	vunpack.i.u.bf16.f32 v0;
	v0 =	vunpack.i.l.bf16.f32 v0  }
0x6cc: {  	v0 =	vadd.f32 v0, v1;
	_ =	sdelay $0x1  }
0x6cd: {  	(xrf2) =	vadd.scan.msk.f32 $0xffff, v0;
	_ =	sdelay $0x6  }
0x6ce: {  	s24 =	sadd.s32 $0xEF, s23  }
0x6cf: {  	p1 =	sne.s32 s20, $0x4;
	v62 =	vmov s24  }
.Ltmp1:
0x6d0: {  	_ = 	snop;
	(pc) =	sbr.rel @p1 .LBB2_5-.Ltmp1, $3  }
0x6d1: {  	v63, _, _ =	vpop (xrf2)  }
0x6d2: {  	v1 =	vbroadcast v63, $0xF;
	_ =	sdelay $0x1  }
0x6d3: {  	s20 =	sadd.s32 $0x1, s20;
	[tilespmem:v62+s28+$0x0] =	vst.idx.msk $0x1, v1  }
0x6d4: {  	s15 =	simm.s32 @!p0 $0x2  }
0x6d5: {  	_ =	swait.ge @!p0 [sflag:s15], $0xD0  }
0x6d6: {  	[sflag:s15] =	ssyncset.done @!p0 $0x0  }
0x6d7: {  	[sflag:s15] =	ssyncadd.s32 @!p0 $0xFFFFFF30  }
0x6d8: {  	_ =	swait.ge @!p0 [sflag:s15], $0xD0  }
0x6d9: {  	s20 =	simm.s32 @!p0 $0x200;
	s21 =	simm.s32 @!p0 $0xCC00;
	[sflag:s15] =	ssyncset.done @!p0 $0x0  }
0x6da: {  	s23 =	smul.u32 $0x190, s0;
	[sflag:s15] =	ssyncadd.s32 @!p0 $0xFFFFFF30;
	s15 =	simm.s32 @!p0 $0xC8  }
0x6db: {  	[tilespmem:s21], [sflag:$0x5] =	stream.indirect.gather @!p0 [hbm4b:s6+s15], $0x80, s20, s15, $0xb8;
	[tilespmem:$0x19600] =	vst v63  }
0x6dc: {  	s0 =	sadd.s32 $0x1, s0;
	s20 =	simm.s32 @!p0 $0x300;
	s21 =	simm.s32 @!p0 $0x13000  }
0x6dd: {  	[tilespmem:s21], [sflag:$0x6] =	stream.indirect.gather @!p0 [hbm4b:s6+s15], $0x80, s20, s15, $0xb8;
	[tilespmem:$0x19600] =	vst v63  }
0x6de: {  	p0 =	sne.s32 s0, $0x19  }
.Ltmp2:
0x6df: {  	_ = 	snop;
	(pc) =	sbr.rel @p0 .LBB2_2-.Ltmp2, $4  }
0x6e0: {  	s24 =	sadd.s32 s5, s23  }
0x6e1: {  	s15 =	sshrl.u32 s24, $0x3  }
0x6e2: {  	s15 =	sadd.s32 s3, s15  }
0x6e3: {  	[hbm4b:s15+s4] =	stream.linear.scatter [tilespmem:s28], [sflag:$0x7], $0x190, $0x38;
	[tilespmem:$0x19600] =	vst v63  }
0x6e4: {  	s1 =	sadd.s32 $0x1, s1  }
0x6e5: {  	p0 =	sne.s32 s1, s14  }
.Ltmp3:
0x6e6: {  	_ = 	snop;
	(pc) =	sbr.rel @p0 .LBB2_1-.Ltmp3, $4  }
0x6e7: {  	_ = 	snop  }
0x6e8: {  	_ =	swait.ge [sflag:s31], $0x190  }
0x6e9: {  	[sflag:s31] =	ssyncset.done $0x0  }
0x6ea: {  	[sflag:s31] =	ssyncadd.s32 $0xFFFFFE70  }
0x6eb: {  	_ =	sfence.sel $0x180000  }
0x6ec: {  	[bflag:$0x0] =	sbarrier.arrive $0xFFFF  }
0x6ed: {  	_ =	strace $0x90000047  }
0x6ee: {  	s0 =	stileid.u32;
	[bflag:$0x2] =	sbarrier.arrive $0xFFFF  }
0x6ef: {  	p0 =	sne.s32 s0, $0x0;
	s0 =	rddreg [dreg:$0x2]  }
0x6f0: {  	s0 =	sadd.s32 @!p0 $0x100000, s0  }
0x6f1: {  	[sflag:s0] =	ssyncadd.tile.s32 @!p0 $0x1;
	_ =	shalt  }
.Lfunc_end2:
_tile_overlayer_lowered:
.L_overlay_start_2:
0x6f2: {  	(tag) =	ssettag $0x2  }
0x6f3: {  	s0 =	rddreg [dreg:$0x0];
	s2 =	stileid.u32  }
0x6f4: {  	s1 =	rddreg [dreg:$0x1];
	p0 =	sne.s32 s2, $0x0  }
0x6f5: {  	s3 =	rddreg [dreg:$0x2];
	[bflag:$0x3] =	sbarrier.arrive $0xFFFF;
	s2 =	simm.s32 @!p0 $0x1C08  }
0x6f6: {  	[timem:s3], [sflag:s2] =	dma.local @!p0 [hbm:s0], s1  }
0x6f7: {  	s0 =	simm.s32 @!p0 $0x8  }
0x6f8: {  	_ =	swait.ge @!p0 [sflag:s0], s1  }
0x6f9: {  	s1 =	ssub.s32 @!p0 $0x0, s1;
	[sflag:s0] =	ssyncset.done @!p0 $0x0  }
0x6fa: {  	[sflag:s0] =	ssyncadd.s32 @!p0 s1  }
0x6fb: {  	[bflag:$0x3] =	sbarrier.arrive $0xFFFF  }
0x6fc: {  	_ =	shalt  }

</sc_bundles>
